<compile_context>
chip_gen: v7x
topology: tpu7x:2x2x1
jax: 0.10.2.dev20260603
libtpu: 0.0.44.dev20260713+nightly
codegen_flags: <defaults>
</compile_context>

<pallas_src>
import functools

import jax
import jax.numpy as jnp
from jax import lax
from jax.experimental import pallas as pl
from jax.experimental.pallas import tpu as pltpu
from jax.experimental.pallas import tpu_sc as plsc

_NC = 2
_NS = 16
_NW = _NC * _NS

_CHUNK = 120
_NBUF = 3
_DEGW = 128
_BLK = 1000


def _chunk_sizes(total, step):
    sizes = [step] * (total // step)
    if total % step:
        sizes.append(total % step)
    return sizes


def _n_pad(n):
    return -(-n // (_NS * 8)) * (_NS * 8)



def _sc_deg_call(dst, zeros128, n):
    e = dst.shape[0]
    epw = e // _NW
    nchunks = epw // _CHUNK
    assert epw * _NW == e and nchunks * _CHUNK == epw
    np_ = _n_pad(n)
    rows_per_tile = np_ // _NS

    mesh = plsc.VectorSubcoreMesh(core_axis_name="c", subcore_axis_name="s")

    @functools.partial(
        pl.kernel,
        out_type=jax.ShapeDtypeStruct((_NC, np_, _DEGW), jnp.float32),
        mesh=mesh,
        scratch_types=(
            pltpu.VMEM_SHARED((np_, _DEGW), jnp.float32),
            tuple(pltpu.VMEM((_CHUNK,), jnp.int32) for _ in range(2)),
            pltpu.VMEM((_CHUNK, _DEGW), jnp.float32),
            tuple(pltpu.SemaphoreType.DMA for _ in range(2)),
            tuple(pltpu.SemaphoreType.DMA for _ in range(2)),
        ))
    def deg_kernel(dst_hbm, zeros_hbm, degp_hbm, deg_sp, didx, ones_v,
                   isems, ssems):
        cid = lax.axis_index("c")
        sid = lax.axis_index("s")

        o16 = jnp.ones((16,), jnp.float32)
        lanes = _DEGW // 16

        def fill_ones(i, _):
            ones_v[i // lanes, pl.ds((i % lanes) * 16, 16)] = o16
            return 0
        lax.fori_loop(0, _CHUNK * lanes, fill_ones, 0)

        row0 = sid * rows_per_tile
        off = 0
        for sz in _chunk_sizes(rows_per_tile, zeros128.shape[0]):
            pltpu.sync_copy(zeros_hbm.at[pl.ds(0, sz)],
                            deg_sp.at[pl.ds(row0 + off, sz)])
            off += sz
        plsc.subcore_barrier()

        base = (cid * _NS + sid) * epw

        def load_idx(i, b):
            pltpu.async_copy(dst_hbm.at[pl.ds(base + i * _CHUNK, _CHUNK)],
                             didx[b], isems[b])

        def wait_idx(b):
            pltpu.make_async_copy(dst_hbm.at[pl.ds(base, _CHUNK)],
                                  didx[b], isems[b]).wait()

        def wait_scatter(b):
            pltpu.make_async_copy(ones_v, deg_sp.at[didx[b]],
                                  ssems[b]).wait()

        load_idx(0, 0)

        def group(g, _):
            for b in range(2):
                i = g * 2 + b
                wait_idx(b)

                @pl.when(i >= 1)
                def _(b=b):
                    wait_scatter(1 - b)

                @pl.when(i + 1 < nchunks)
                def _(i=i, b=b):
                    load_idx(i + 1, 1 - b)
                pltpu.async_copy(ones_v, deg_sp.at[didx[b]],
                                 ssems[b], add=True)
            return 0
        lax.fori_loop(0, nchunks // 2, group, 0)
        wait_scatter((nchunks - 1) % 2)
        plsc.subcore_barrier()

        pltpu.sync_copy(deg_sp.at[pl.ds(row0, rows_per_tile)],
                        degp_hbm.at[cid, pl.ds(row0, rows_per_tile)])

    return deg_kernel(dst, zeros128)


def _sc_agg_call(z, eidx):
    n, h = z.shape
    ncht = eidx.shape[0]
    nchunks = ncht // _NW
    assert nchunks * _NW == ncht
    assert nchunks % _NBUF == 0
    np_ = _n_pad(n)
    rows_per_tile = np_ // _NS

    mesh = plsc.VectorSubcoreMesh(core_axis_name="c", subcore_axis_name="s")

    scratch = (
        pltpu.VMEM_SHARED((np_, h), jnp.float32),
        tuple(pltpu.VMEM((2, _CHUNK), jnp.int32) for _ in range(_NBUF)),
        tuple(pltpu.VMEM((_CHUNK, h), jnp.float32) for _ in range(_NBUF)),
        tuple(pltpu.SemaphoreType.DMA for _ in range(_NBUF)),
        tuple(pltpu.SemaphoreType.DMA for _ in range(_NBUF)),
    )

    @functools.partial(
        pl.kernel,
        out_type=jax.ShapeDtypeStruct((_NC, np_, h), jnp.float32),
        mesh=mesh, scratch_types=scratch)
    def agg_kernel(z_hbm, eidx_hbm, out_hbm,
                   agg_sp, idxb, rows, gsems, ssems):
        cid = lax.axis_index("c")
        sid = lax.axis_index("s")

        z16 = jnp.zeros((16,), jnp.float32)
        lanes = h // 16

        def fill_zeros(i, _):
            rows[0][i // lanes, pl.ds((i % lanes) * 16, 16)] = z16
            return 0
        lax.fori_loop(0, _CHUNK * lanes, fill_zeros, 0)

        row0 = sid * rows_per_tile
        off = 0
        for sz in _chunk_sizes(rows_per_tile, _CHUNK):
            pltpu.sync_copy(rows[0].at[pl.ds(0, sz)],
                            agg_sp.at[pl.ds(row0 + off, sz)])
            off += sz
        plsc.subcore_barrier()

        base = (cid * _NS + sid) * nchunks

        def load_and_gather(i, b):
            pltpu.sync_copy(eidx_hbm.at[base + i], idxb[b])
            pltpu.async_copy(z_hbm.at[idxb[b].at[0]], rows[b], gsems[b])

        def wait_gather(b):
            pltpu.make_async_copy(z_hbm.at[idxb[b].at[0]], rows[b],
                                  gsems[b]).wait()

        def wait_scatter(b):
            pltpu.make_async_copy(z_hbm.at[idxb[b].at[0]], rows[b],
                                  ssems[b]).wait()

        for b in range(_NBUF - 1):
            load_and_gather(b, b)

        def group(g, _):
            for b in range(_NBUF):
                i = g * _NBUF + b
                bp = (b - 1) % _NBUF
                wait_gather(b)
                pltpu.async_copy(rows[b], agg_sp.at[idxb[b].at[1]],
                                 ssems[b], add=True)

                @pl.when(i >= 1)
                def _(bp=bp):
                    wait_scatter(bp)

                @pl.when(i + _NBUF - 1 < nchunks)
                def _(i=i, bp=bp):
                    load_and_gather(i + _NBUF - 1, bp)
            return 0
        lax.fori_loop(0, nchunks // _NBUF, group, 0)
        wait_scatter((nchunks - 1) % _NBUF)
        plsc.subcore_barrier()

        pltpu.sync_copy(agg_sp.at[pl.ds(row0, rows_per_tile)],
                        out_hbm.at[cid, pl.ds(row0, rows_per_tile)])

    return agg_kernel(z, eidx)



def _proj_body(x_ref, wl_ref, wr_ref, bl_ref, z_ref, r_ref):
    xb = x_ref[...]
    z_ref[...] = jnp.dot(xb, wl_ref[...], preferred_element_type=jnp.float32)
    r_ref[...] = (jnp.dot(xb, wr_ref[...], preferred_element_type=jnp.float32)
                  + bl_ref[...])


def _tc_proj(x, wl, wr, bl):
    n, d = x.shape
    h = wl.shape[1]
    return pl.pallas_call(
        _proj_body,
        grid=(n // _BLK,),
        in_specs=[
            pl.BlockSpec((_BLK, d), lambda i: (i, 0)),
            pl.BlockSpec((d, h), lambda i: (0, 0)),
            pl.BlockSpec((d, h), lambda i: (0, 0)),
            pl.BlockSpec((1, h), lambda i: (0, 0)),
        ],
        out_specs=[pl.BlockSpec((_BLK, h), lambda i: (i, 0))] * 2,
        out_shape=[jax.ShapeDtypeStruct((n, h), jnp.float32)] * 2,
    )(x, wl, wr, bl)


def _make_combine_body(emit_out, project):
    def body(s_ref, dp_ref, r_ref, *rest):
        if project:
            wl_ref, wr_ref, bl_ref = rest[:3]
            rest = rest[3:]
        s = s_ref[0] + s_ref[1]
        deg = dp_ref[0] + dp_ref[1]
        inv = 1.0 / jnp.maximum(deg, 1.0)
        out = s * inv + r_ref[...]
        if project:
            hid = jnp.maximum(out, 0.0)
            if emit_out:
                out_ref, g_ref, z_ref, rn_ref = rest
                out_ref[...] = out
                g_ref[...] = hid
            else:
                z_ref, rn_ref = rest
            z_ref[...] = jnp.dot(hid, wl_ref[...],
                                 preferred_element_type=jnp.float32)
            rn_ref[...] = (jnp.dot(hid, wr_ref[...],
                                   preferred_element_type=jnp.float32)
                           + bl_ref[...])
        else:
            (xf_ref,) = rest
            xf_ref[...] = out
    return body


def _tc_combine(s, degp, r, wl=None, wr=None, bl=None, emit_out=False):
    n, h = r.shape
    project = wl is not None
    in_specs = [
        pl.BlockSpec((_NC, _BLK, h), lambda i: (0, i, 0)),
        pl.BlockSpec((_NC, _BLK, _DEGW), lambda i: (0, i, 0)),
        pl.BlockSpec((_BLK, h), lambda i: (i, 0)),
    ]
    args = [s, degp, r]
    n_out = 1
    if project:
        hn = wl.shape[1]
        in_specs += [
            pl.BlockSpec((h, hn), lambda i: (0, 0)),
            pl.BlockSpec((h, hn), lambda i: (0, 0)),
            pl.BlockSpec((1, hn), lambda i: (0, 0)),
        ]
        args += [wl, wr, bl]
        n_out = 4 if emit_out else 2
    outs = pl.pallas_call(
        _make_combine_body(emit_out, project),
        grid=(n // _BLK,),
        in_specs=in_specs,
        out_specs=[pl.BlockSpec((_BLK, h), lambda i: (i, 0))] * n_out,
        out_shape=[jax.ShapeDtypeStruct((n, h), jnp.float32)] * n_out,
    )(*args)
    return outs if n_out > 1 else outs[0]



def kernel(x, edge_index, Wl0, bl0, Wr0, Wl1, bl1, Wr1, Wl2, bl2, Wr2):
    n, d = x.shape
    h = Wl0.shape[1]
    c = Wl2.shape[1]
    e = edge_index.shape[1]

    epw = e // _NW
    assert epw * _NW == e
    step = _NBUF * _CHUNK
    epw_p = -(-epw // step) * step
    assert n < _n_pad(n)
    src = jnp.pad(edge_index[0].reshape(_NW, epw),
                  ((0, 0), (0, epw_p - epw))).reshape(-1)
    dst = jnp.pad(edge_index[1].reshape(_NW, epw),
                  ((0, 0), (0, epw_p - epw)),
                  constant_values=n).reshape(-1)

    nchw = epw_p // _CHUNK
    eidx = jnp.stack([src.reshape(_NW * nchw, _CHUNK),
                      dst.reshape(_NW * nchw, _CHUNK)], axis=1)

    bl0r = bl0.reshape(1, h)
    bl1r = bl1.reshape(1, h)
    Wl2p = jnp.pad(Wl2, ((0, 0), (0, h - c)))
    Wr2p = jnp.pad(Wr2, ((0, 0), (0, h - c)))
    bl2p = jnp.pad(bl2, (0, h - c)).reshape(1, h)

    degp = _sc_deg_call(dst, jnp.zeros((128, _DEGW), jnp.float32), n)
    z0, r0 = _tc_proj(x, Wl0, Wr0, bl0r)
    s0 = _sc_agg_call(z0, eidx)
    z1, r1 = _tc_combine(s0, degp, r0, Wl1, Wr1, bl1r)
    s1 = _sc_agg_call(z1, eidx)
    out1, g, z2, r2 = _tc_combine(s1, degp, r1, Wl2p, Wr2p, bl2p,
                                  emit_out=True)
    s2 = _sc_agg_call(z2, eidx)
    xf_pad = _tc_combine(s2, degp, r2)
    return (xf_pad[:, :c], out1, g)

# --- scband reference (transcript-rebuilt; emitter-appended) ---
"""Pipeline reference for scband-sage-16209206575324 (READ-ONLY COPY).

The authoritative reference and input builder live on the scoring server;
editing this copy changes nothing except your own understanding.
"""

import jax, jax.numpy as jnp
import numpy as np

N = 10000
E = 320000
D = 128
H = 128
C = 100


def _init_w(key, fan_in, fan_out):
    return jax.random.normal(key, (fan_in, fan_out), dtype=jnp.float32) * (1.0 / np.sqrt(fan_in))


def setup_inputs(seed: int = 0) -> dict:
    key = jax.random.key(seed)
    ks = jax.random.split(key, 12)
    x = jax.random.normal(ks[0], (N, D), dtype=jnp.float32)
    edge_index = jax.random.randint(ks[1], (2, E), 0, N, dtype=jnp.int32)
    # SAGEConv params: lin_l (neighbor aggr, with bias), lin_r (root, no bias)
    Wl0 = _init_w(ks[2], D, H); bl0 = jnp.zeros((H,), jnp.float32); Wr0 = _init_w(ks[3], D, H)
    Wl1 = _init_w(ks[4], H, H); bl1 = jnp.zeros((H,), jnp.float32); Wr1 = _init_w(ks[5], H, H)
    Wl2 = _init_w(ks[6], H, C); bl2 = jnp.zeros((C,), jnp.float32); Wr2 = _init_w(ks[7], H, C)
    return {"x": x, "edge_index": edge_index,
            "Wl0": Wl0, "bl0": bl0, "Wr0": Wr0,
            "Wl1": Wl1, "bl1": bl1, "Wr1": Wr1,
            "Wl2": Wl2, "bl2": bl2, "Wr2": Wr2}


def _sage_conv(x, edge_index, Wl, bl, Wr):
    src = edge_index[0]
    dst = edge_index[1]
    msgs = jnp.take(x, src, axis=0)
    agg = jax.ops.segment_sum(msgs, dst, num_segments=x.shape[0])
    deg = jax.ops.segment_sum(jnp.ones((edge_index.shape[1],), x.dtype), dst, num_segments=x.shape[0])
    mean = agg / jnp.clip(deg, 1.0)[:, None]
    return mean @ Wl + bl + x @ Wr


def reference(x, edge_index, Wl0, bl0, Wr0, Wl1, bl1, Wr1, Wl2, bl2, Wr2):
    # eval mode: dropout is identity
    h = x
    out = _sage_conv(h, edge_index, Wl0, bl0, Wr0)
    h = jax.nn.relu(out)
    out = _sage_conv(h, edge_index, Wl1, bl1, Wr1)
    h = jax.nn.relu(out)
    g = h
    xf = _sage_conv(h, edge_index, Wl2, bl2, Wr2)
    return (xf, out, g)

if __name__ == "__main__":
    import jax
    _d = setup_inputs()
    print(jax.jit(kernel)(*tuple(_d.values())))

</pallas_src>

<mosaic_0001>
#map = affine_map<(d0, d1) -> (0, 0)>
#map1 = affine_map<(d0, d1) -> (0, 0, 0)>
module attributes {stable_mosaic.version = 14 : i64} {
  func.func @agg_kernel(%arg0: i32, %arg1: i32, %arg2: memref<10000x128xf32, #tpu.memory_space<hbm>>, %arg3: memref<2688x2x120xi32, #tpu.memory_space<hbm>>, %arg4: memref<2x10112x128xf32, #tpu.memory_space<hbm>>, %arg5: memref<10112x128xf32, #tpu.memory_space<vmem_shared>>, %arg6: memref<2x120xi32, #tpu.memory_space<vmem>>, %arg7: memref<2x120xi32, #tpu.memory_space<vmem>>, %arg8: memref<2x120xi32, #tpu.memory_space<vmem>>, %arg9: memref<120x128xf32, #tpu.memory_space<vmem>>, %arg10: memref<120x128xf32, #tpu.memory_space<vmem>>, %arg11: memref<120x128xf32, #tpu.memory_space<vmem>>, %arg12: memref<!tpu.dma_semaphore, #tpu.memory_space<semaphore_mem>>, %arg13: memref<!tpu.dma_semaphore, #tpu.memory_space<semaphore_mem>>, %arg14: memref<!tpu.dma_semaphore, #tpu.memory_space<semaphore_mem>>, %arg15: memref<!tpu.dma_semaphore, #tpu.memory_space<semaphore_mem>>, %arg16: memref<!tpu.dma_semaphore, #tpu.memory_space<semaphore_mem>>, %arg17: memref<!tpu.dma_semaphore, #tpu.memory_space<semaphore_mem>>) attributes {dimension_semantics = [#tpu.dimension_semantics<core_parallel>, #tpu.dimension_semantics<subcore_parallel>], iteration_bounds = array<i64: 2, 16>, scalar_prefetch = 0 : i64, scratch_operands = 13 : i64, tpu.core_type = #tpu.core_type<sc_vector_subcore>, window_params = [{transform_indices = #map}, {transform_indices = #map1}, {transform_indices = #map1}]} {
    %broadcast_in_dim3A = arith.constant 0.000000e+00 : f32
    %broadcast_in_dim3A_0 = vector.broadcast %broadcast_in_dim3A : f32 to vector<16xf32>
    %scan3A = arith.constant 0 : i32
    %scan3A_1 = arith.constant 0 : i32
    %scan3A_2 = arith.constant 960 : i32
    %scan3A_3 = arith.addi %scan3A_1, %scan3A_2 : i32
    %scan3A_4 = arith.constant 1 : i32
    %scan3A_5 = scf.for %scan3A_55 = %scan3A_1 to %scan3A_3 step %scan3A_4 iter_args(%scan3A_56 = %scan3A) -> (i32)  : i32 {
      %jit3A = arith.constant 8 : i32
      %div3A = arith.divsi %scan3A_55, %jit3A : i32
      %sign3A = arith.constant 0 : i32
      %sign3A_57 = arith.cmpi sgt, %scan3A_55, %sign3A : i32
      %sign3A_58 = arith.extui %sign3A_57 : i1 to i32
      %sign3A_59 = arith.constant 0 : i32
      %sign3A_60 = arith.cmpi slt, %scan3A_55, %sign3A_59 : i32
      %sign3A_61 = arith.extui %sign3A_60 : i1 to i32
      %sign3A_62 = arith.subi %sign3A_58, %sign3A_61 : i32
      %sign3A_63 = arith.constant 0 : i32
      %sign3A_64 = arith.cmpi sgt, %jit3A, %sign3A_63 : i32
      %sign3A_65 = arith.extui %sign3A_64 : i1 to i32
      %sign3A_66 = arith.constant 0 : i32
      %sign3A_67 = arith.cmpi slt, %jit3A, %sign3A_66 : i32
      %sign3A_68 = arith.extui %sign3A_67 : i1 to i32
      %sign3A_69 = arith.subi %sign3A_65, %sign3A_68 : i32
      %ne3A = arith.cmpi ne, %sign3A_62, %sign3A_69 : i32
      %rem3A = arith.remsi %scan3A_55, %jit3A : i32
      %ne3A_70 = arith.constant 0 : i32
      %ne3A_71 = arith.cmpi ne, %rem3A, %ne3A_70 : i32
      %and3A = arith.andi %ne3A, %ne3A_71 : i1
      %sub3A = arith.constant 1 : i32
      %sub3A_72 = arith.subi %div3A, %sub3A : i32
      %select_n3A = arith.select %and3A, %sub3A_72, %div3A : i32
      %jit3A_73 = arith.constant 8 : i32
      %eq3A = arith.constant 0 : i32
      %eq3A_74 = arith.cmpi eq, %jit3A_73, %eq3A : i32
      %jit3A_75 = arith.constant 1 : i32
      %select_n3A_76 = arith.select %eq3A_74, %jit3A_75, %jit3A_73 : i32
      %rem3A_77 = arith.remsi %scan3A_55, %select_n3A_76 : i32
      %ne3A_78 = arith.constant 0 : i32
      %ne3A_79 = arith.cmpi ne, %rem3A_77, %ne3A_78 : i32
      %lt3A = arith.constant 0 : i32
      %lt3A_80 = arith.cmpi slt, %rem3A_77, %lt3A : i32
      %lt3A_81 = arith.constant 0 : i32
      %lt3A_82 = arith.cmpi slt, %select_n3A_76, %lt3A_81 : i32
      %ne3A_83 = arith.xori %lt3A_80, %lt3A_82 : i1
      %and3A_84 = arith.andi %ne3A_83, %ne3A_79 : i1
      %add3A_85 = arith.addi %rem3A_77, %select_n3A_76 : i32
      %select_n3A_86 = arith.select %and3A_84, %add3A_85, %rem3A_77 : i32
      %mul3A_87 = arith.constant 16 : i32
      %mul3A_88 = arith.muli %select_n3A_86, %mul3A_87 : i32
      %swap3A = arith.index_cast %select_n3A : i32 to index
      %swap3A_89 = arith.index_cast %mul3A_88 : i32 to index
      %swap3A_90 = tpu.vector_load %arg9[%swap3A, %swap3A_89] {strides = array<i32>} : memref<120x128xf32, #tpu.memory_space<vmem>>, vector<1x16xf32>,
      %swap3A_91 = vector.shape_cast %swap3A_90 : vector<1x16xf32> to vector<16xf32>
      %swap3A_92 = vector.shape_cast %broadcast_in_dim3A_0 : vector<16xf32> to vector<1x16xf32>
      tpu.vector_store %arg9[%swap3A, %swap3A_89], %swap3A_92 {strides = array<i32>} : memref<120x128xf32, #tpu.memory_space<vmem>>, vector<1x16xf32>,
      %scan3A_93 = arith.constant 0 : i32
      scf.yield %scan3A_93 : i32
    }
    %scan3A_6 = arith.constant 960 : i32
    %mul3A = arith.constant 632 : i32
    %mul3A_7 = arith.muli %arg1, %mul3A : i32
    %add3A = arith.constant 0 : i32
    %add3A_8 = arith.addi %mul3A_7, %add3A : i32
    "tpu.region"() ({
      %run_scoped3A = tpu.sem_alloc : memref<!tpu.dma_semaphore, #tpu.memory_space<semaphore_mem>>
      %dma_start3A_55 = arith.constant 0 : i32
      %dma_start3A_56 = arith.constant 0 : i32
      %dma_start3A_57 = tpu.memref_slice %arg9[%dma_start3A_55, %dma_start3A_56] : memref<120x128xf32, #tpu.memory_space<vmem>> -> memref<120x128xf32, #tpu.memory_space<vmem>>
      %dma_start3A_58 = arith.constant 0 : i32
      %dma_start3A_59 = tpu.memref_slice %arg5[%add3A_8, %dma_start3A_58] : memref<10112x128xf32, #tpu.memory_space<vmem_shared>> -> memref<120x128xf32, #tpu.memory_space<vmem_shared>>
      %dma_start3A_60 = arith.constant 0 : i32
      %dma_start3A_61 = tpu.memref_slice %arg5[%add3A_8, %dma_start3A_60] : memref<10112x128xf32, #tpu.memory_space<vmem_shared>> -> memref<120x128xf32, #tpu.memory_space<vmem_shared>>
      %dma_start3A_62 = arith.constant 0 : i32
      %dma_start3A_63 = arith.constant 0 : i32
      %dma_start3A_64 = tpu.memref_slice %arg9[%dma_start3A_62, %dma_start3A_63] : memref<120x128xf32, #tpu.memory_space<vmem>> -> memref<120x128xf32, #tpu.memory_space<vmem>>
      tpu.enqueue_dma source(%dma_start3A_64 : memref<120x128xf32, #tpu.memory_space<vmem>>) target(%dma_start3A_61 : memref<120x128xf32, #tpu.memory_space<vmem_shared>>) target_semaphore(%run_scoped3A : memref<!tpu.dma_semaphore, #tpu.memory_space<semaphore_mem>>)
      %dma_wait3A_65 = arith.constant 0 : i32
      %dma_wait3A_66 = arith.constant 0 : i32
      %dma_wait3A_67 = tpu.memref_slice %arg9[%dma_wait3A_65, %dma_wait3A_66] : memref<120x128xf32, #tpu.memory_space<vmem>> -> memref<120x128xf32, #tpu.memory_space<vmem>>
      %dma_wait3A_68 = arith.constant 0 : i32
      %dma_wait3A_69 = tpu.memref_slice %arg5[%add3A_8, %dma_wait3A_68] : memref<10112x128xf32, #tpu.memory_space<vmem_shared>> -> memref<120x128xf32, #tpu.memory_space<vmem_shared>>
      %dma_wait3A_70 = arith.constant 0 : i32
      %dma_wait3A_71 = tpu.memref_slice %arg5[%add3A_8, %dma_wait3A_70] : memref<10112x128xf32, #tpu.memory_space<vmem_shared>> -> memref<120x128xf32, #tpu.memory_space<vmem_shared>>
      %dma_wait3A_72 = arith.constant 0 : i32
      %dma_wait3A_73 = arith.constant 0 : i32
      %dma_wait3A_74 = tpu.memref_slice %arg9[%dma_wait3A_72, %dma_wait3A_73] : memref<120x128xf32, #tpu.memory_space<vmem>> -> memref<120x128xf32, #tpu.memory_space<vmem>>
      tpu.wait_dma2 semaphore(%run_scoped3A : memref<!tpu.dma_semaphore, #tpu.memory_space<semaphore_mem>>) src(%dma_wait3A_74 : memref<120x128xf32, #tpu.memory_space<vmem>>) dst(%dma_wait3A_71 : memref<120x128xf32, #tpu.memory_space<vmem_shared>>)
      tpu.yield
    }) : () -> ()
    %add3A_9 = arith.constant 120 : i32
    %add3A_10 = arith.addi %mul3A_7, %add3A_9 : i32
    "tpu.region"() ({
      %run_scoped3A = tpu.sem_alloc : memref<!tpu.dma_semaphore, #tpu.memory_space<semaphore_mem>>
      %dma_start3A_55 = arith.constant 0 : i32
      %dma_start3A_56 = arith.constant 0 : i32
      %dma_start3A_57 = tpu.memref_slice %arg9[%dma_start3A_55, %dma_start3A_56] : memref<120x128xf32, #tpu.memory_space<vmem>> -> memref<120x128xf32, #tpu.memory_space<vmem>>
      %dma_start3A_58 = arith.constant 0 : i32
      %dma_start3A_59 = tpu.memref_slice %arg5[%add3A_10, %dma_start3A_58] : memref<10112x128xf32, #tpu.memory_space<vmem_shared>> -> memref<120x128xf32, #tpu.memory_space<vmem_shared>>
      %dma_start3A_60 = arith.constant 0 : i32
      %dma_start3A_61 = tpu.memref_slice %arg5[%add3A_10, %dma_start3A_60] : memref<10112x128xf32, #tpu.memory_space<vmem_shared>> -> memref<120x128xf32, #tpu.memory_space<vmem_shared>>
      %dma_start3A_62 = arith.constant 0 : i32
      %dma_start3A_63 = arith.constant 0 : i32
      %dma_start3A_64 = tpu.memref_slice %arg9[%dma_start3A_62, %dma_start3A_63] : memref<120x128xf32, #tpu.memory_space<vmem>> -> memref<120x128xf32, #tpu.memory_space<vmem>>
      tpu.enqueue_dma source(%dma_start3A_64 : memref<120x128xf32, #tpu.memory_space<vmem>>) target(%dma_start3A_61 : memref<120x128xf32, #tpu.memory_space<vmem_shared>>) target_semaphore(%run_scoped3A : memref<!tpu.dma_semaphore, #tpu.memory_space<semaphore_mem>>)
      %dma_wait3A_65 = arith.constant 0 : i32
      %dma_wait3A_66 = arith.constant 0 : i32
      %dma_wait3A_67 = tpu.memref_slice %arg9[%dma_wait3A_65, %dma_wait3A_66] : memref<120x128xf32, #tpu.memory_space<vmem>> -> memref<120x128xf32, #tpu.memory_space<vmem>>
      %dma_wait3A_68 = arith.constant 0 : i32
      %dma_wait3A_69 = tpu.memref_slice %arg5[%add3A_10, %dma_wait3A_68] : memref<10112x128xf32, #tpu.memory_space<vmem_shared>> -> memref<120x128xf32, #tpu.memory_space<vmem_shared>>
      %dma_wait3A_70 = arith.constant 0 : i32
      %dma_wait3A_71 = tpu.memref_slice %arg5[%add3A_10, %dma_wait3A_70] : memref<10112x128xf32, #tpu.memory_space<vmem_shared>> -> memref<120x128xf32, #tpu.memory_space<vmem_shared>>
      %dma_wait3A_72 = arith.constant 0 : i32
      %dma_wait3A_73 = arith.constant 0 : i32
      %dma_wait3A_74 = tpu.memref_slice %arg9[%dma_wait3A_72, %dma_wait3A_73] : memref<120x128xf32, #tpu.memory_space<vmem>> -> memref<120x128xf32, #tpu.memory_space<vmem>>
      tpu.wait_dma2 semaphore(%run_scoped3A : memref<!tpu.dma_semaphore, #tpu.memory_space<semaphore_mem>>) src(%dma_wait3A_74 : memref<120x128xf32, #tpu.memory_space<vmem>>) dst(%dma_wait3A_71 : memref<120x128xf32, #tpu.memory_space<vmem_shared>>)
      tpu.yield
    }) : () -> ()
    %add3A_11 = arith.constant 240 : i32
    %add3A_12 = arith.addi %mul3A_7, %add3A_11 : i32
    "tpu.region"() ({
      %run_scoped3A = tpu.sem_alloc : memref<!tpu.dma_semaphore, #tpu.memory_space<semaphore_mem>>
      %dma_start3A_55 = arith.constant 0 : i32
      %dma_start3A_56 = arith.constant 0 : i32
      %dma_start3A_57 = tpu.memref_slice %arg9[%dma_start3A_55, %dma_start3A_56] : memref<120x128xf32, #tpu.memory_space<vmem>> -> memref<120x128xf32, #tpu.memory_space<vmem>>
      %dma_start3A_58 = arith.constant 0 : i32
      %dma_start3A_59 = tpu.memref_slice %arg5[%add3A_12, %dma_start3A_58] : memref<10112x128xf32, #tpu.memory_space<vmem_shared>> -> memref<120x128xf32, #tpu.memory_space<vmem_shared>>
      %dma_start3A_60 = arith.constant 0 : i32
      %dma_start3A_61 = tpu.memref_slice %arg5[%add3A_12, %dma_start3A_60] : memref<10112x128xf32, #tpu.memory_space<vmem_shared>> -> memref<120x128xf32, #tpu.memory_space<vmem_shared>>
      %dma_start3A_62 = arith.constant 0 : i32
      %dma_start3A_63 = arith.constant 0 : i32
      %dma_start3A_64 = tpu.memref_slice %arg9[%dma_start3A_62, %dma_start3A_63] : memref<120x128xf32, #tpu.memory_space<vmem>> -> memref<120x128xf32, #tpu.memory_space<vmem>>
      tpu.enqueue_dma source(%dma_start3A_64 : memref<120x128xf32, #tpu.memory_space<vmem>>) target(%dma_start3A_61 : memref<120x128xf32, #tpu.memory_space<vmem_shared>>) target_semaphore(%run_scoped3A : memref<!tpu.dma_semaphore, #tpu.memory_space<semaphore_mem>>)
      %dma_wait3A_65 = arith.constant 0 : i32
      %dma_wait3A_66 = arith.constant 0 : i32
      %dma_wait3A_67 = tpu.memref_slice %arg9[%dma_wait3A_65, %dma_wait3A_66] : memref<120x128xf32, #tpu.memory_space<vmem>> -> memref<120x128xf32, #tpu.memory_space<vmem>>
      %dma_wait3A_68 = arith.constant 0 : i32
      %dma_wait3A_69 = tpu.memref_slice %arg5[%add3A_12, %dma_wait3A_68] : memref<10112x128xf32, #tpu.memory_space<vmem_shared>> -> memref<120x128xf32, #tpu.memory_space<vmem_shared>>
      %dma_wait3A_70 = arith.constant 0 : i32
      %dma_wait3A_71 = tpu.memref_slice %arg5[%add3A_12, %dma_wait3A_70] : memref<10112x128xf32, #tpu.memory_space<vmem_shared>> -> memref<120x128xf32, #tpu.memory_space<vmem_shared>>
      %dma_wait3A_72 = arith.constant 0 : i32
      %dma_wait3A_73 = arith.constant 0 : i32
      %dma_wait3A_74 = tpu.memref_slice %arg9[%dma_wait3A_72, %dma_wait3A_73] : memref<120x128xf32, #tpu.memory_space<vmem>> -> memref<120x128xf32, #tpu.memory_space<vmem>>
      tpu.wait_dma2 semaphore(%run_scoped3A : memref<!tpu.dma_semaphore, #tpu.memory_space<semaphore_mem>>) src(%dma_wait3A_74 : memref<120x128xf32, #tpu.memory_space<vmem>>) dst(%dma_wait3A_71 : memref<120x128xf32, #tpu.memory_space<vmem_shared>>)
      tpu.yield
    }) : () -> ()
    %add3A_13 = arith.constant 360 : i32
    %add3A_14 = arith.addi %mul3A_7, %add3A_13 : i32
    "tpu.region"() ({
      %run_scoped3A = tpu.sem_alloc : memref<!tpu.dma_semaphore, #tpu.memory_space<semaphore_mem>>
      %dma_start3A_55 = arith.constant 0 : i32
      %dma_start3A_56 = arith.constant 0 : i32
      %dma_start3A_57 = tpu.memref_slice %arg9[%dma_start3A_55, %dma_start3A_56] : memref<120x128xf32, #tpu.memory_space<vmem>> -> memref<120x128xf32, #tpu.memory_space<vmem>>
      %dma_start3A_58 = arith.constant 0 : i32
      %dma_start3A_59 = tpu.memref_slice %arg5[%add3A_14, %dma_start3A_58] : memref<10112x128xf32, #tpu.memory_space<vmem_shared>> -> memref<120x128xf32, #tpu.memory_space<vmem_shared>>
      %dma_start3A_60 = arith.constant 0 : i32
      %dma_start3A_61 = tpu.memref_slice %arg5[%add3A_14, %dma_start3A_60] : memref<10112x128xf32, #tpu.memory_space<vmem_shared>> -> memref<120x128xf32, #tpu.memory_space<vmem_shared>>
      %dma_start3A_62 = arith.constant 0 : i32
      %dma_start3A_63 = arith.constant 0 : i32
      %dma_start3A_64 = tpu.memref_slice %arg9[%dma_start3A_62, %dma_start3A_63] : memref<120x128xf32, #tpu.memory_space<vmem>> -> memref<120x128xf32, #tpu.memory_space<vmem>>
      tpu.enqueue_dma source(%dma_start3A_64 : memref<120x128xf32, #tpu.memory_space<vmem>>) target(%dma_start3A_61 : memref<120x128xf32, #tpu.memory_space<vmem_shared>>) target_semaphore(%run_scoped3A : memref<!tpu.dma_semaphore, #tpu.memory_space<semaphore_mem>>)
      %dma_wait3A_65 = arith.constant 0 : i32
      %dma_wait3A_66 = arith.constant 0 : i32
      %dma_wait3A_67 = tpu.memref_slice %arg9[%dma_wait3A_65, %dma_wait3A_66] : memref<120x128xf32, #tpu.memory_space<vmem>> -> memref<120x128xf32, #tpu.memory_space<vmem>>
      %dma_wait3A_68 = arith.constant 0 : i32
      %dma_wait3A_69 = tpu.memref_slice %arg5[%add3A_14, %dma_wait3A_68] : memref<10112x128xf32, #tpu.memory_space<vmem_shared>> -> memref<120x128xf32, #tpu.memory_space<vmem_shared>>
      %dma_wait3A_70 = arith.constant 0 : i32
      %dma_wait3A_71 = tpu.memref_slice %arg5[%add3A_14, %dma_wait3A_70] : memref<10112x128xf32, #tpu.memory_space<vmem_shared>> -> memref<120x128xf32, #tpu.memory_space<vmem_shared>>
      %dma_wait3A_72 = arith.constant 0 : i32
      %dma_wait3A_73 = arith.constant 0 : i32
      %dma_wait3A_74 = tpu.memref_slice %arg9[%dma_wait3A_72, %dma_wait3A_73] : memref<120x128xf32, #tpu.memory_space<vmem>> -> memref<120x128xf32, #tpu.memory_space<vmem>>
      tpu.wait_dma2 semaphore(%run_scoped3A : memref<!tpu.dma_semaphore, #tpu.memory_space<semaphore_mem>>) src(%dma_wait3A_74 : memref<120x128xf32, #tpu.memory_space<vmem>>) dst(%dma_wait3A_71 : memref<120x128xf32, #tpu.memory_space<vmem_shared>>)
      tpu.yield
    }) : () -> ()
    %add3A_15 = arith.constant 480 : i32
    %add3A_16 = arith.addi %mul3A_7, %add3A_15 : i32
    "tpu.region"() ({
      %run_scoped3A = tpu.sem_alloc : memref<!tpu.dma_semaphore, #tpu.memory_space<semaphore_mem>>
      %dma_start3A_55 = arith.constant 0 : i32
      %dma_start3A_56 = arith.constant 0 : i32
      %dma_start3A_57 = tpu.memref_slice %arg9[%dma_start3A_55, %dma_start3A_56] : memref<120x128xf32, #tpu.memory_space<vmem>> -> memref<120x128xf32, #tpu.memory_space<vmem>>
      %dma_start3A_58 = arith.constant 0 : i32
      %dma_start3A_59 = tpu.memref_slice %arg5[%add3A_16, %dma_start3A_58] : memref<10112x128xf32, #tpu.memory_space<vmem_shared>> -> memref<120x128xf32, #tpu.memory_space<vmem_shared>>
      %dma_start3A_60 = arith.constant 0 : i32
      %dma_start3A_61 = tpu.memref_slice %arg5[%add3A_16, %dma_start3A_60] : memref<10112x128xf32, #tpu.memory_space<vmem_shared>> -> memref<120x128xf32, #tpu.memory_space<vmem_shared>>
      %dma_start3A_62 = arith.constant 0 : i32
      %dma_start3A_63 = arith.constant 0 : i32
      %dma_start3A_64 = tpu.memref_slice %arg9[%dma_start3A_62, %dma_start3A_63] : memref<120x128xf32, #tpu.memory_space<vmem>> -> memref<120x128xf32, #tpu.memory_space<vmem>>
      tpu.enqueue_dma source(%dma_start3A_64 : memref<120x128xf32, #tpu.memory_space<vmem>>) target(%dma_start3A_61 : memref<120x128xf32, #tpu.memory_space<vmem_shared>>) target_semaphore(%run_scoped3A : memref<!tpu.dma_semaphore, #tpu.memory_space<semaphore_mem>>)
      %dma_wait3A_65 = arith.constant 0 : i32
      %dma_wait3A_66 = arith.constant 0 : i32
      %dma_wait3A_67 = tpu.memref_slice %arg9[%dma_wait3A_65, %dma_wait3A_66] : memref<120x128xf32, #tpu.memory_space<vmem>> -> memref<120x128xf32, #tpu.memory_space<vmem>>
      %dma_wait3A_68 = arith.constant 0 : i32
      %dma_wait3A_69 = tpu.memref_slice %arg5[%add3A_16, %dma_wait3A_68] : memref<10112x128xf32, #tpu.memory_space<vmem_shared>> -> memref<120x128xf32, #tpu.memory_space<vmem_shared>>
      %dma_wait3A_70 = arith.constant 0 : i32
      %dma_wait3A_71 = tpu.memref_slice %arg5[%add3A_16, %dma_wait3A_70] : memref<10112x128xf32, #tpu.memory_space<vmem_shared>> -> memref<120x128xf32, #tpu.memory_space<vmem_shared>>
      %dma_wait3A_72 = arith.constant 0 : i32
      %dma_wait3A_73 = arith.constant 0 : i32
      %dma_wait3A_74 = tpu.memref_slice %arg9[%dma_wait3A_72, %dma_wait3A_73] : memref<120x128xf32, #tpu.memory_space<vmem>> -> memref<120x128xf32, #tpu.memory_space<vmem>>
      tpu.wait_dma2 semaphore(%run_scoped3A : memref<!tpu.dma_semaphore, #tpu.memory_space<semaphore_mem>>) src(%dma_wait3A_74 : memref<120x128xf32, #tpu.memory_space<vmem>>) dst(%dma_wait3A_71 : memref<120x128xf32, #tpu.memory_space<vmem_shared>>)
      tpu.yield
    }) : () -> ()
    %add3A_17 = arith.constant 600 : i32
    %add3A_18 = arith.addi %mul3A_7, %add3A_17 : i32
    "tpu.region"() ({
      %run_scoped3A = tpu.sem_alloc : memref<!tpu.dma_semaphore, #tpu.memory_space<semaphore_mem>>
      %dma_start3A_55 = arith.constant 0 : i32
      %dma_start3A_56 = arith.constant 0 : i32
      %dma_start3A_57 = tpu.memref_slice %arg9[%dma_start3A_55, %dma_start3A_56] : memref<120x128xf32, #tpu.memory_space<vmem>> -> memref<32x128xf32, #tpu.memory_space<vmem>>
      %dma_start3A_58 = arith.constant 0 : i32
      %dma_start3A_59 = tpu.memref_slice %arg5[%add3A_18, %dma_start3A_58] : memref<10112x128xf32, #tpu.memory_space<vmem_shared>> -> memref<32x128xf32, #tpu.memory_space<vmem_shared>>
      %dma_start3A_60 = arith.constant 0 : i32
      %dma_start3A_61 = tpu.memref_slice %arg5[%add3A_18, %dma_start3A_60] : memref<10112x128xf32, #tpu.memory_space<vmem_shared>> -> memref<32x128xf32, #tpu.memory_space<vmem_shared>>
      %dma_start3A_62 = arith.constant 0 : i32
      %dma_start3A_63 = arith.constant 0 : i32
      %dma_start3A_64 = tpu.memref_slice %arg9[%dma_start3A_62, %dma_start3A_63] : memref<120x128xf32, #tpu.memory_space<vmem>> -> memref<32x128xf32, #tpu.memory_space<vmem>>
      tpu.enqueue_dma source(%dma_start3A_64 : memref<32x128xf32, #tpu.memory_space<vmem>>) target(%dma_start3A_61 : memref<32x128xf32, #tpu.memory_space<vmem_shared>>) target_semaphore(%run_scoped3A : memref<!tpu.dma_semaphore, #tpu.memory_space<semaphore_mem>>)
      %dma_wait3A_65 = arith.constant 0 : i32
      %dma_wait3A_66 = arith.constant 0 : i32
      %dma_wait3A_67 = tpu.memref_slice %arg9[%dma_wait3A_65, %dma_wait3A_66] : memref<120x128xf32, #tpu.memory_space<vmem>> -> memref<32x128xf32, #tpu.memory_space<vmem>>
      %dma_wait3A_68 = arith.constant 0 : i32
      %dma_wait3A_69 = tpu.memref_slice %arg5[%add3A_18, %dma_wait3A_68] : memref<10112x128xf32, #tpu.memory_space<vmem_shared>> -> memref<32x128xf32, #tpu.memory_space<vmem_shared>>
      %dma_wait3A_70 = arith.constant 0 : i32
      %dma_wait3A_71 = tpu.memref_slice %arg5[%add3A_18, %dma_wait3A_70] : memref<10112x128xf32, #tpu.memory_space<vmem_shared>> -> memref<32x128xf32, #tpu.memory_space<vmem_shared>>
      %dma_wait3A_72 = arith.constant 0 : i32
      %dma_wait3A_73 = arith.constant 0 : i32
      %dma_wait3A_74 = tpu.memref_slice %arg9[%dma_wait3A_72, %dma_wait3A_73] : memref<120x128xf32, #tpu.memory_space<vmem>> -> memref<32x128xf32, #tpu.memory_space<vmem>>
      tpu.wait_dma2 semaphore(%run_scoped3A : memref<!tpu.dma_semaphore, #tpu.memory_space<semaphore_mem>>) src(%dma_wait3A_74 : memref<32x128xf32, #tpu.memory_space<vmem>>) dst(%dma_wait3A_71 : memref<32x128xf32, #tpu.memory_space<vmem_shared>>)
      tpu.yield
    }) : () -> ()
    %barrier3A = arith.constant 0 : index
    tpu.barrier barrier_id(%barrier3A)
    %mul3A_19 = arith.constant 16 : i32
    %mul3A_20 = arith.muli %arg0, %mul3A_19 : i32
    %add3A_21 = arith.addi %mul3A_20, %arg1 : i32
    %mul3A_22 = arith.constant 84 : i32
    %mul3A_23 = arith.muli %add3A_21, %mul3A_22 : i32
    %add3A_24 = arith.constant 0 : i32
    %add3A_25 = arith.addi %mul3A_23, %add3A_24 : i32
    "tpu.region"() ({
      %run_scoped3A = tpu.sem_alloc : memref<!tpu.dma_semaphore, #tpu.memory_space<semaphore_mem>>
      %dma_start3A_55 = arith.constant 0 : i32
      %dma_start3A_56 = arith.constant 0 : i32
      %dma_start3A_57 = tpu.memref_slice %arg3[%add3A_25, %dma_start3A_55, %dma_start3A_56] : memref<2688x2x120xi32, #tpu.memory_space<hbm>> -> memref<1x2x120xi32, #tpu.memory_space<hbm>>
      %dma_start3A_58 = tpu.memref_squeeze %dma_start3A_57 : memref<1x2x120xi32, #tpu.memory_space<hbm>> -> memref<2x120xi32, #tpu.memory_space<hbm>>
      %dma_start3A_59 = arith.constant 0 : i32
      %dma_start3A_60 = arith.constant 0 : i32
      %dma_start3A_61 = tpu.memref_slice %arg3[%add3A_25, %dma_start3A_59, %dma_start3A_60] : memref<2688x2x120xi32, #tpu.memory_space<hbm>> -> memref<1x2x120xi32, #tpu.memory_space<hbm>>
      %dma_start3A_62 = tpu.memref_squeeze %dma_start3A_61 : memref<1x2x120xi32, #tpu.memory_space<hbm>> -> memref<2x120xi32, #tpu.memory_space<hbm>>
      tpu.enqueue_dma source(%dma_start3A_62 : memref<2x120xi32, #tpu.memory_space<hbm>>) target(%arg6 : memref<2x120xi32, #tpu.memory_space<vmem>>) target_semaphore(%run_scoped3A : memref<!tpu.dma_semaphore, #tpu.memory_space<semaphore_mem>>)
      %dma_wait3A_63 = arith.constant 0 : i32
      %dma_wait3A_64 = arith.constant 0 : i32
      %dma_wait3A_65 = tpu.memref_slice %arg3[%add3A_25, %dma_wait3A_63, %dma_wait3A_64] : memref<2688x2x120xi32, #tpu.memory_space<hbm>> -> memref<1x2x120xi32, #tpu.memory_space<hbm>>
      %dma_wait3A_66 = tpu.memref_squeeze %dma_wait3A_65 : memref<1x2x120xi32, #tpu.memory_space<hbm>> -> memref<2x120xi32, #tpu.memory_space<hbm>>
      %dma_wait3A_67 = arith.constant 0 : i32
      %dma_wait3A_68 = arith.constant 0 : i32
      %dma_wait3A_69 = tpu.memref_slice %arg3[%add3A_25, %dma_wait3A_67, %dma_wait3A_68] : memref<2688x2x120xi32, #tpu.memory_space<hbm>> -> memref<1x2x120xi32, #tpu.memory_space<hbm>>
      %dma_wait3A_70 = tpu.memref_squeeze %dma_wait3A_69 : memref<1x2x120xi32, #tpu.memory_space<hbm>> -> memref<2x120xi32, #tpu.memory_space<hbm>>
      tpu.wait_dma2 semaphore(%run_scoped3A : memref<!tpu.dma_semaphore, #tpu.memory_space<semaphore_mem>>) src(%dma_wait3A_70 : memref<2x120xi32, #tpu.memory_space<hbm>>) dst(%arg6 : memref<2x120xi32, #tpu.memory_space<vmem>>)
      tpu.yield
    }) : () -> ()
    %dma_start3A = arith.constant 0 : i32
    %dma_start3A_26 = arith.constant 0 : i32
    %dma_start3A_27 = tpu.memref_slice %arg6[%dma_start3A, %dma_start3A_26] : memref<2x120xi32, #tpu.memory_space<vmem>> -> memref<1x120xi32, #tpu.memory_space<vmem>>
    %dma_start3A_28 = tpu.memref_squeeze %dma_start3A_27 : memref<1x120xi32, #tpu.memory_space<vmem>> -> memref<120xi32, #tpu.memory_space<vmem>>
    %dma_start3A_29 = arith.constant 0 : i32
    %dma_start3A_30 = arith.constant 0 : i32
    %dma_start3A_31 = tpu.memref_slice %arg2[%dma_start3A_29, %dma_start3A_30] : memref<10000x128xf32, #tpu.memory_space<hbm>> -> memref<10000x128xf32, #tpu.memory_space<hbm>>
    tpu.enqueue_indirect_dma source(%dma_start3A_31 : memref<10000x128xf32, #tpu.memory_space<hbm>>) target(%arg9 : memref<120x128xf32, #tpu.memory_space<vmem>>) offsets(%dma_start3A_28 : memref<120xi32, #tpu.memory_space<vmem>>) semaphore(%arg12 : memref<!tpu.dma_semaphore, #tpu.memory_space<semaphore_mem>>)
    %add3A_32 = arith.constant 1 : i32
    %add3A_33 = arith.addi %mul3A_23, %add3A_32 : i32
    "tpu.region"() ({
      %run_scoped3A = tpu.sem_alloc : memref<!tpu.dma_semaphore, #tpu.memory_space<semaphore_mem>>
      %dma_start3A_55 = arith.constant 0 : i32
      %dma_start3A_56 = arith.constant 0 : i32
      %dma_start3A_57 = tpu.memref_slice %arg3[%add3A_33, %dma_start3A_55, %dma_start3A_56] : memref<2688x2x120xi32, #tpu.memory_space<hbm>> -> memref<1x2x120xi32, #tpu.memory_space<hbm>>
      %dma_start3A_58 = tpu.memref_squeeze %dma_start3A_57 : memref<1x2x120xi32, #tpu.memory_space<hbm>> -> memref<2x120xi32, #tpu.memory_space<hbm>>
      %dma_start3A_59 = arith.constant 0 : i32
      %dma_start3A_60 = arith.constant 0 : i32
      %dma_start3A_61 = tpu.memref_slice %arg3[%add3A_33, %dma_start3A_59, %dma_start3A_60] : memref<2688x2x120xi32, #tpu.memory_space<hbm>> -> memref<1x2x120xi32, #tpu.memory_space<hbm>>
      %dma_start3A_62 = tpu.memref_squeeze %dma_start3A_61 : memref<1x2x120xi32, #tpu.memory_space<hbm>> -> memref<2x120xi32, #tpu.memory_space<hbm>>
      tpu.enqueue_dma source(%dma_start3A_62 : memref<2x120xi32, #tpu.memory_space<hbm>>) target(%arg7 : memref<2x120xi32, #tpu.memory_space<vmem>>) target_semaphore(%run_scoped3A : memref<!tpu.dma_semaphore, #tpu.memory_space<semaphore_mem>>)
      %dma_wait3A_63 = arith.constant 0 : i32
      %dma_wait3A_64 = arith.constant 0 : i32
      %dma_wait3A_65 = tpu.memref_slice %arg3[%add3A_33, %dma_wait3A_63, %dma_wait3A_64] : memref<2688x2x120xi32, #tpu.memory_space<hbm>> -> memref<1x2x120xi32, #tpu.memory_space<hbm>>
      %dma_wait3A_66 = tpu.memref_squeeze %dma_wait3A_65 : memref<1x2x120xi32, #tpu.memory_space<hbm>> -> memref<2x120xi32, #tpu.memory_space<hbm>>
      %dma_wait3A_67 = arith.constant 0 : i32
      %dma_wait3A_68 = arith.constant 0 : i32
      %dma_wait3A_69 = tpu.memref_slice %arg3[%add3A_33, %dma_wait3A_67, %dma_wait3A_68] : memref<2688x2x120xi32, #tpu.memory_space<hbm>> -> memref<1x2x120xi32, #tpu.memory_space<hbm>>
      %dma_wait3A_70 = tpu.memref_squeeze %dma_wait3A_69 : memref<1x2x120xi32, #tpu.memory_space<hbm>> -> memref<2x120xi32, #tpu.memory_space<hbm>>
      tpu.wait_dma2 semaphore(%run_scoped3A : memref<!tpu.dma_semaphore, #tpu.memory_space<semaphore_mem>>) src(%dma_wait3A_70 : memref<2x120xi32, #tpu.memory_space<hbm>>) dst(%arg7 : memref<2x120xi32, #tpu.memory_space<vmem>>)
      tpu.yield
    }) : () -> ()
    %dma_start3A_34 = arith.constant 0 : i32
    %dma_start3A_35 = arith.constant 0 : i32
    %dma_start3A_36 = tpu.memref_slice %arg7[%dma_start3A_34, %dma_start3A_35] : memref<2x120xi32, #tpu.memory_space<vmem>> -> memref<1x120xi32, #tpu.memory_space<vmem>>
    %dma_start3A_37 = tpu.memref_squeeze %dma_start3A_36 : memref<1x120xi32, #tpu.memory_space<vmem>> -> memref<120xi32, #tpu.memory_space<vmem>>
    %dma_start3A_38 = arith.constant 0 : i32
    %dma_start3A_39 = arith.constant 0 : i32
    %dma_start3A_40 = tpu.memref_slice %arg2[%dma_start3A_38, %dma_start3A_39] : memref<10000x128xf32, #tpu.memory_space<hbm>> -> memref<10000x128xf32, #tpu.memory_space<hbm>>
    tpu.enqueue_indirect_dma source(%dma_start3A_40 : memref<10000x128xf32, #tpu.memory_space<hbm>>) target(%arg10 : memref<120x128xf32, #tpu.memory_space<vmem>>) offsets(%dma_start3A_37 : memref<120xi32, #tpu.memory_space<vmem>>) semaphore(%arg13 : memref<!tpu.dma_semaphore, #tpu.memory_space<semaphore_mem>>)
    %scan3A_41 = arith.constant 0 : i32
    %scan3A_42 = arith.constant 0 : i32
    %scan3A_43 = arith.constant 28 : i32
    %scan3A_44 = arith.addi %scan3A_42, %scan3A_43 : i32
    %scan3A_45 = arith.constant 1 : i32
    %scan3A_46 = scf.for %scan3A_55 = %scan3A_42 to %scan3A_44 step %scan3A_45 iter_args(%scan3A_56 = %scan3A_41) -> (i32)  : i32 {
      %mul3A_57 = arith.constant 3 : i32
      %mul3A_58 = arith.muli %scan3A_55, %mul3A_57 : i32
      %add3A_59 = arith.constant 0 : i32
      %add3A_60 = arith.addi %mul3A_58, %add3A_59 : i32
      %dma_wait3A_61 = arith.constant 0 : i32
      %dma_wait3A_62 = arith.constant 0 : i32
      %dma_wait3A_63 = tpu.memref_slice %arg6[%dma_wait3A_61, %dma_wait3A_62] : memref<2x120xi32, #tpu.memory_space<vmem>> -> memref<1x120xi32, #tpu.memory_space<vmem>>
      %dma_wait3A_64 = tpu.memref_squeeze %dma_wait3A_63 : memref<1x120xi32, #tpu.memory_space<vmem>> -> memref<120xi32, #tpu.memory_space<vmem>>
      %dma_wait3A_65 = arith.constant 0 : i32
      %dma_wait3A_66 = arith.constant 0 : i32
      %dma_wait3A_67 = tpu.memref_slice %arg2[%dma_wait3A_65, %dma_wait3A_66] : memref<10000x128xf32, #tpu.memory_space<hbm>> -> memref<10000x128xf32, #tpu.memory_space<hbm>>
      tpu.wait_indirect_dma semaphore(%arg12 : memref<!tpu.dma_semaphore, #tpu.memory_space<semaphore_mem>>) src(%dma_wait3A_67 : memref<10000x128xf32, #tpu.memory_space<hbm>>) dst(%arg9 : memref<120x128xf32, #tpu.memory_space<vmem>>)
      %dma_start3A_68 = arith.constant 1 : i32
      %dma_start3A_69 = arith.constant 0 : i32
      %dma_start3A_70 = tpu.memref_slice %arg6[%dma_start3A_68, %dma_start3A_69] : memref<2x120xi32, #tpu.memory_space<vmem>> -> memref<1x120xi32, #tpu.memory_space<vmem>>
      %dma_start3A_71 = tpu.memref_squeeze %dma_start3A_70 : memref<1x120xi32, #tpu.memory_space<vmem>> -> memref<120xi32, #tpu.memory_space<vmem>>
      %dma_start3A_72 = arith.constant 0 : i32
      %dma_start3A_73 = arith.constant 0 : i32
      %dma_start3A_74 = tpu.memref_slice %arg5[%dma_start3A_72, %dma_start3A_73] : memref<10112x128xf32, #tpu.memory_space<vmem_shared>> -> memref<10112x128xf32, #tpu.memory_space<vmem_shared>>
      tpu.enqueue_indirect_dma source(%arg9 : memref<120x128xf32, #tpu.memory_space<vmem>>) target(%dma_start3A_74 : memref<10112x128xf32, #tpu.memory_space<vmem_shared>>) offsets(%dma_start3A_71 : memref<120xi32, #tpu.memory_space<vmem>>) semaphore(%arg15 : memref<!tpu.dma_semaphore, #tpu.memory_space<semaphore_mem>>) {add = true}
      %ge3A = arith.constant 1 : i32
      %ge3A_75 = arith.cmpi sge, %add3A_60, %ge3A : i32
      %convert_element_type3A = arith.extui %ge3A_75 : i1 to i32
      %cond3A = arith.constant 0 : i32
      %cond3A_76 = arith.cmpi ne, %convert_element_type3A, %cond3A : i32
      scf.if %cond3A_76 {
        %dma_wait3A_149 = arith.constant 0 : i32
        %dma_wait3A_150 = arith.constant 0 : i32
        %dma_wait3A_151 = tpu.memref_slice %arg8[%dma_wait3A_149, %dma_wait3A_150] : memref<2x120xi32, #tpu.memory_space<vmem>> -> memref<1x120xi32, #tpu.memory_space<vmem>>
        %dma_wait3A_152 = tpu.memref_squeeze %dma_wait3A_151 : memref<1x120xi32, #tpu.memory_space<vmem>> -> memref<120xi32, #tpu.memory_space<vmem>>
        %dma_wait3A_153 = arith.constant 0 : i32
        %dma_wait3A_154 = arith.constant 0 : i32
        %dma_wait3A_155 = tpu.memref_slice %arg2[%dma_wait3A_153, %dma_wait3A_154] : memref<10000x128xf32, #tpu.memory_space<hbm>> -> memref<10000x128xf32, #tpu.memory_space<hbm>>
        tpu.wait_indirect_dma semaphore(%arg17 : memref<!tpu.dma_semaphore, #tpu.memory_space<semaphore_mem>>) src(%dma_wait3A_155 : memref<10000x128xf32, #tpu.memory_space<hbm>>) dst(%arg11 : memref<120x128xf32, #tpu.memory_space<vmem>>)
      } else {
      }
      %add3A_77 = arith.constant 3 : i32
      %add3A_78 = arith.addi %add3A_60, %add3A_77 : i32
      %sub3A = arith.constant 1 : i32
      %sub3A_79 = arith.subi %add3A_78, %sub3A : i32
      %lt3A = arith.constant 84 : i32
      %lt3A_80 = arith.cmpi slt, %sub3A_79, %lt3A : i32
      %convert_element_type3A_81 = arith.extui %lt3A_80 : i1 to i32
      %cond3A_82 = arith.constant 0 : i32
      %cond3A_83 = arith.cmpi ne, %convert_element_type3A_81, %cond3A_82 : i32
      scf.if %cond3A_83 {
        %add3A_149 = arith.constant 3 : i32
        %add3A_150 = arith.addi %add3A_60, %add3A_149 : i32
        %sub3A_151 = arith.constant 1 : i32
        %sub3A_152 = arith.subi %add3A_150, %sub3A_151 : i32
        %add3A_153 = arith.addi %mul3A_23, %sub3A_152 : i32
        "tpu.region"() ({
          %run_scoped3A = tpu.sem_alloc : memref<!tpu.dma_semaphore, #tpu.memory_space<semaphore_mem>>
          %dma_start3A_161 = arith.constant 0 : i32
          %dma_start3A_162 = arith.constant 0 : i32
          %dma_start3A_163 = tpu.memref_slice %arg3[%add3A_153, %dma_start3A_161, %dma_start3A_162] : memref<2688x2x120xi32, #tpu.memory_space<hbm>> -> memref<1x2x120xi32, #tpu.memory_space<hbm>>
          %dma_start3A_164 = tpu.memref_squeeze %dma_start3A_163 : memref<1x2x120xi32, #tpu.memory_space<hbm>> -> memref<2x120xi32, #tpu.memory_space<hbm>>
          %dma_start3A_165 = arith.constant 0 : i32
          %dma_start3A_166 = arith.constant 0 : i32
          %dma_start3A_167 = tpu.memref_slice %arg3[%add3A_153, %dma_start3A_165, %dma_start3A_166] : memref<2688x2x120xi32, #tpu.memory_space<hbm>> -> memref<1x2x120xi32, #tpu.memory_space<hbm>>
          %dma_start3A_168 = tpu.memref_squeeze %dma_start3A_167 : memref<1x2x120xi32, #tpu.memory_space<hbm>> -> memref<2x120xi32, #tpu.memory_space<hbm>>
          tpu.enqueue_dma source(%dma_start3A_168 : memref<2x120xi32, #tpu.memory_space<hbm>>) target(%arg8 : memref<2x120xi32, #tpu.memory_space<vmem>>) target_semaphore(%run_scoped3A : memref<!tpu.dma_semaphore, #tpu.memory_space<semaphore_mem>>)
          %dma_wait3A_169 = arith.constant 0 : i32
          %dma_wait3A_170 = arith.constant 0 : i32
          %dma_wait3A_171 = tpu.memref_slice %arg3[%add3A_153, %dma_wait3A_169, %dma_wait3A_170] : memref<2688x2x120xi32, #tpu.memory_space<hbm>> -> memref<1x2x120xi32, #tpu.memory_space<hbm>>
          %dma_wait3A_172 = tpu.memref_squeeze %dma_wait3A_171 : memref<1x2x120xi32, #tpu.memory_space<hbm>> -> memref<2x120xi32, #tpu.memory_space<hbm>>
          %dma_wait3A_173 = arith.constant 0 : i32
          %dma_wait3A_174 = arith.constant 0 : i32
          %dma_wait3A_175 = tpu.memref_slice %arg3[%add3A_153, %dma_wait3A_173, %dma_wait3A_174] : memref<2688x2x120xi32, #tpu.memory_space<hbm>> -> memref<1x2x120xi32, #tpu.memory_space<hbm>>
          %dma_wait3A_176 = tpu.memref_squeeze %dma_wait3A_175 : memref<1x2x120xi32, #tpu.memory_space<hbm>> -> memref<2x120xi32, #tpu.memory_space<hbm>>
          tpu.wait_dma2 semaphore(%run_scoped3A : memref<!tpu.dma_semaphore, #tpu.memory_space<semaphore_mem>>) src(%dma_wait3A_176 : memref<2x120xi32, #tpu.memory_space<hbm>>) dst(%arg8 : memref<2x120xi32, #tpu.memory_space<vmem>>)
          tpu.yield
        }) : () -> ()
        %dma_start3A_154 = arith.constant 0 : i32
        %dma_start3A_155 = arith.constant 0 : i32
        %dma_start3A_156 = tpu.memref_slice %arg8[%dma_start3A_154, %dma_start3A_155] : memref<2x120xi32, #tpu.memory_space<vmem>> -> memref<1x120xi32, #tpu.memory_space<vmem>>
        %dma_start3A_157 = tpu.memref_squeeze %dma_start3A_156 : memref<1x120xi32, #tpu.memory_space<vmem>> -> memref<120xi32, #tpu.memory_space<vmem>>
        %dma_start3A_158 = arith.constant 0 : i32
        %dma_start3A_159 = arith.constant 0 : i32
        %dma_start3A_160 = tpu.memref_slice %arg2[%dma_start3A_158, %dma_start3A_159] : memref<10000x128xf32, #tpu.memory_space<hbm>> -> memref<10000x128xf32, #tpu.memory_space<hbm>>
        tpu.enqueue_indirect_dma source(%dma_start3A_160 : memref<10000x128xf32, #tpu.memory_space<hbm>>) target(%arg11 : memref<120x128xf32, #tpu.memory_space<vmem>>) offsets(%dma_start3A_157 : memref<120xi32, #tpu.memory_space<vmem>>) semaphore(%arg14 : memref<!tpu.dma_semaphore, #tpu.memory_space<semaphore_mem>>)
      } else {
      }
      %mul3A_84 = arith.constant 3 : i32
      %mul3A_85 = arith.muli %scan3A_55, %mul3A_84 : i32
      %add3A_86 = arith.constant 1 : i32
      %add3A_87 = arith.addi %mul3A_85, %add3A_86 : i32
      %dma_wait3A_88 = arith.constant 0 : i32
      %dma_wait3A_89 = arith.constant 0 : i32
      %dma_wait3A_90 = tpu.memref_slice %arg7[%dma_wait3A_88, %dma_wait3A_89] : memref<2x120xi32, #tpu.memory_space<vmem>> -> memref<1x120xi32, #tpu.memory_space<vmem>>
      %dma_wait3A_91 = tpu.memref_squeeze %dma_wait3A_90 : memref<1x120xi32, #tpu.memory_space<vmem>> -> memref<120xi32, #tpu.memory_space<vmem>>
      %dma_wait3A_92 = arith.constant 0 : i32
      %dma_wait3A_93 = arith.constant 0 : i32
      %dma_wait3A_94 = tpu.memref_slice %arg2[%dma_wait3A_92, %dma_wait3A_93] : memref<10000x128xf32, #tpu.memory_space<hbm>> -> memref<10000x128xf32, #tpu.memory_space<hbm>>
      tpu.wait_indirect_dma semaphore(%arg13 : memref<!tpu.dma_semaphore, #tpu.memory_space<semaphore_mem>>) src(%dma_wait3A_94 : memref<10000x128xf32, #tpu.memory_space<hbm>>) dst(%arg10 : memref<120x128xf32, #tpu.memory_space<vmem>>)
      %dma_start3A_95 = arith.constant 1 : i32
      %dma_start3A_96 = arith.constant 0 : i32
      %dma_start3A_97 = tpu.memref_slice %arg7[%dma_start3A_95, %dma_start3A_96] : memref<2x120xi32, #tpu.memory_space<vmem>> -> memref<1x120xi32, #tpu.memory_space<vmem>>
      %dma_start3A_98 = tpu.memref_squeeze %dma_start3A_97 : memref<1x120xi32, #tpu.memory_space<vmem>> -> memref<120xi32, #tpu.memory_space<vmem>>
      %dma_start3A_99 = arith.constant 0 : i32
      %dma_start3A_100 = arith.constant 0 : i32
      %dma_start3A_101 = tpu.memref_slice %arg5[%dma_start3A_99, %dma_start3A_100] : memref<10112x128xf32, #tpu.memory_space<vmem_shared>> -> memref<10112x128xf32, #tpu.memory_space<vmem_shared>>
      tpu.enqueue_indirect_dma source(%arg10 : memref<120x128xf32, #tpu.memory_space<vmem>>) target(%dma_start3A_101 : memref<10112x128xf32, #tpu.memory_space<vmem_shared>>) offsets(%dma_start3A_98 : memref<120xi32, #tpu.memory_space<vmem>>) semaphore(%arg16 : memref<!tpu.dma_semaphore, #tpu.memory_space<semaphore_mem>>) {add = true}
      %ge3A_102 = arith.constant 1 : i32
      %ge3A_103 = arith.cmpi sge, %add3A_87, %ge3A_102 : i32
      %convert_element_type3A_104 = arith.extui %ge3A_103 : i1 to i32
      %cond3A_105 = arith.constant 0 : i32
      %cond3A_106 = arith.cmpi ne, %convert_element_type3A_104, %cond3A_105 : i32
      scf.if %cond3A_106 {
        %dma_wait3A_149 = arith.constant 0 : i32
        %dma_wait3A_150 = arith.constant 0 : i32
        %dma_wait3A_151 = tpu.memref_slice %arg6[%dma_wait3A_149, %dma_wait3A_150] : memref<2x120xi32, #tpu.memory_space<vmem>> -> memref<1x120xi32, #tpu.memory_space<vmem>>
        %dma_wait3A_152 = tpu.memref_squeeze %dma_wait3A_151 : memref<1x120xi32, #tpu.memory_space<vmem>> -> memref<120xi32, #tpu.memory_space<vmem>>
        %dma_wait3A_153 = arith.constant 0 : i32
        %dma_wait3A_154 = arith.constant 0 : i32
        %dma_wait3A_155 = tpu.memref_slice %arg2[%dma_wait3A_153, %dma_wait3A_154] : memref<10000x128xf32, #tpu.memory_space<hbm>> -> memref<10000x128xf32, #tpu.memory_space<hbm>>
        tpu.wait_indirect_dma semaphore(%arg15 : memref<!tpu.dma_semaphore, #tpu.memory_space<semaphore_mem>>) src(%dma_wait3A_155 : memref<10000x128xf32, #tpu.memory_space<hbm>>) dst(%arg9 : memref<120x128xf32, #tpu.memory_space<vmem>>)
      } else {
      }
      %add3A_107 = arith.constant 3 : i32
      %add3A_108 = arith.addi %add3A_87, %add3A_107 : i32
      %sub3A_109 = arith.constant 1 : i32
      %sub3A_110 = arith.subi %add3A_108, %sub3A_109 : i32
      %lt3A_111 = arith.constant 84 : i32
      %lt3A_112 = arith.cmpi slt, %sub3A_110, %lt3A_111 : i32
      %convert_element_type3A_113 = arith.extui %lt3A_112 : i1 to i32
      %cond3A_114 = arith.constant 0 : i32
      %cond3A_115 = arith.cmpi ne, %convert_element_type3A_113, %cond3A_114 : i32
      scf.if %cond3A_115 {
        %add3A_149 = arith.constant 3 : i32
        %add3A_150 = arith.addi %add3A_87, %add3A_149 : i32
        %sub3A_151 = arith.constant 1 : i32
        %sub3A_152 = arith.subi %add3A_150, %sub3A_151 : i32
        %add3A_153 = arith.addi %mul3A_23, %sub3A_152 : i32
        "tpu.region"() ({
          %run_scoped3A = tpu.sem_alloc : memref<!tpu.dma_semaphore, #tpu.memory_space<semaphore_mem>>
          %dma_start3A_161 = arith.constant 0 : i32
          %dma_start3A_162 = arith.constant 0 : i32
          %dma_start3A_163 = tpu.memref_slice %arg3[%add3A_153, %dma_start3A_161, %dma_start3A_162] : memref<2688x2x120xi32, #tpu.memory_space<hbm>> -> memref<1x2x120xi32, #tpu.memory_space<hbm>>
          %dma_start3A_164 = tpu.memref_squeeze %dma_start3A_163 : memref<1x2x120xi32, #tpu.memory_space<hbm>> -> memref<2x120xi32, #tpu.memory_space<hbm>>
          %dma_start3A_165 = arith.constant 0 : i32
          %dma_start3A_166 = arith.constant 0 : i32
          %dma_start3A_167 = tpu.memref_slice %arg3[%add3A_153, %dma_start3A_165, %dma_start3A_166] : memref<2688x2x120xi32, #tpu.memory_space<hbm>> -> memref<1x2x120xi32, #tpu.memory_space<hbm>>
          %dma_start3A_168 = tpu.memref_squeeze %dma_start3A_167 : memref<1x2x120xi32, #tpu.memory_space<hbm>> -> memref<2x120xi32, #tpu.memory_space<hbm>>
          tpu.enqueue_dma source(%dma_start3A_168 : memref<2x120xi32, #tpu.memory_space<hbm>>) target(%arg6 : memref<2x120xi32, #tpu.memory_space<vmem>>) target_semaphore(%run_scoped3A : memref<!tpu.dma_semaphore, #tpu.memory_space<semaphore_mem>>)
          %dma_wait3A_169 = arith.constant 0 : i32
          %dma_wait3A_170 = arith.constant 0 : i32
          %dma_wait3A_171 = tpu.memref_slice %arg3[%add3A_153, %dma_wait3A_169, %dma_wait3A_170] : memref<2688x2x120xi32, #tpu.memory_space<hbm>> -> memref<1x2x120xi32, #tpu.memory_space<hbm>>
          %dma_wait3A_172 = tpu.memref_squeeze %dma_wait3A_171 : memref<1x2x120xi32, #tpu.memory_space<hbm>> -> memref<2x120xi32, #tpu.memory_space<hbm>>
          %dma_wait3A_173 = arith.constant 0 : i32
          %dma_wait3A_174 = arith.constant 0 : i32
          %dma_wait3A_175 = tpu.memref_slice %arg3[%add3A_153, %dma_wait3A_173, %dma_wait3A_174] : memref<2688x2x120xi32, #tpu.memory_space<hbm>> -> memref<1x2x120xi32, #tpu.memory_space<hbm>>
          %dma_wait3A_176 = tpu.memref_squeeze %dma_wait3A_175 : memref<1x2x120xi32, #tpu.memory_space<hbm>> -> memref<2x120xi32, #tpu.memory_space<hbm>>
          tpu.wait_dma2 semaphore(%run_scoped3A : memref<!tpu.dma_semaphore, #tpu.memory_space<semaphore_mem>>) src(%dma_wait3A_176 : memref<2x120xi32, #tpu.memory_space<hbm>>) dst(%arg6 : memref<2x120xi32, #tpu.memory_space<vmem>>)
          tpu.yield
        }) : () -> ()
        %dma_start3A_154 = arith.constant 0 : i32
        %dma_start3A_155 = arith.constant 0 : i32
        %dma_start3A_156 = tpu.memref_slice %arg6[%dma_start3A_154, %dma_start3A_155] : memref<2x120xi32, #tpu.memory_space<vmem>> -> memref<1x120xi32, #tpu.memory_space<vmem>>
        %dma_start3A_157 = tpu.memref_squeeze %dma_start3A_156 : memref<1x120xi32, #tpu.memory_space<vmem>> -> memref<120xi32, #tpu.memory_space<vmem>>
        %dma_start3A_158 = arith.constant 0 : i32
        %dma_start3A_159 = arith.constant 0 : i32
        %dma_start3A_160 = tpu.memref_slice %arg2[%dma_start3A_158, %dma_start3A_159] : memref<10000x128xf32, #tpu.memory_space<hbm>> -> memref<10000x128xf32, #tpu.memory_space<hbm>>
        tpu.enqueue_indirect_dma source(%dma_start3A_160 : memref<10000x128xf32, #tpu.memory_space<hbm>>) target(%arg9 : memref<120x128xf32, #tpu.memory_space<vmem>>) offsets(%dma_start3A_157 : memref<120xi32, #tpu.memory_space<vmem>>) semaphore(%arg12 : memref<!tpu.dma_semaphore, #tpu.memory_space<semaphore_mem>>)
      } else {
      }
      %mul3A_116 = arith.constant 3 : i32
      %mul3A_117 = arith.muli %scan3A_55, %mul3A_116 : i32
      %add3A_118 = arith.constant 2 : i32
      %add3A_119 = arith.addi %mul3A_117, %add3A_118 : i32
      %dma_wait3A_120 = arith.constant 0 : i32
      %dma_wait3A_121 = arith.constant 0 : i32
      %dma_wait3A_122 = tpu.memref_slice %arg8[%dma_wait3A_120, %dma_wait3A_121] : memref<2x120xi32, #tpu.memory_space<vmem>> -> memref<1x120xi32, #tpu.memory_space<vmem>>
      %dma_wait3A_123 = tpu.memref_squeeze %dma_wait3A_122 : memref<1x120xi32, #tpu.memory_space<vmem>> -> memref<120xi32, #tpu.memory_space<vmem>>
      %dma_wait3A_124 = arith.constant 0 : i32
      %dma_wait3A_125 = arith.constant 0 : i32
      %dma_wait3A_126 = tpu.memref_slice %arg2[%dma_wait3A_124, %dma_wait3A_125] : memref<10000x128xf32, #tpu.memory_space<hbm>> -> memref<10000x128xf32, #tpu.memory_space<hbm>>
      tpu.wait_indirect_dma semaphore(%arg14 : memref<!tpu.dma_semaphore, #tpu.memory_space<semaphore_mem>>) src(%dma_wait3A_126 : memref<10000x128xf32, #tpu.memory_space<hbm>>) dst(%arg11 : memref<120x128xf32, #tpu.memory_space<vmem>>)
      %dma_start3A_127 = arith.constant 1 : i32
      %dma_start3A_128 = arith.constant 0 : i32
      %dma_start3A_129 = tpu.memref_slice %arg8[%dma_start3A_127, %dma_start3A_128] : memref<2x120xi32, #tpu.memory_space<vmem>> -> memref<1x120xi32, #tpu.memory_space<vmem>>
      %dma_start3A_130 = tpu.memref_squeeze %dma_start3A_129 : memref<1x120xi32, #tpu.memory_space<vmem>> -> memref<120xi32, #tpu.memory_space<vmem>>
      %dma_start3A_131 = arith.constant 0 : i32
      %dma_start3A_132 = arith.constant 0 : i32
      %dma_start3A_133 = tpu.memref_slice %arg5[%dma_start3A_131, %dma_start3A_132] : memref<10112x128xf32, #tpu.memory_space<vmem_shared>> -> memref<10112x128xf32, #tpu.memory_space<vmem_shared>>
      tpu.enqueue_indirect_dma source(%arg11 : memref<120x128xf32, #tpu.memory_space<vmem>>) target(%dma_start3A_133 : memref<10112x128xf32, #tpu.memory_space<vmem_shared>>) offsets(%dma_start3A_130 : memref<120xi32, #tpu.memory_space<vmem>>) semaphore(%arg17 : memref<!tpu.dma_semaphore, #tpu.memory_space<semaphore_mem>>) {add = true}
      %ge3A_134 = arith.constant 1 : i32
      %ge3A_135 = arith.cmpi sge, %add3A_119, %ge3A_134 : i32
      %convert_element_type3A_136 = arith.extui %ge3A_135 : i1 to i32
      %cond3A_137 = arith.constant 0 : i32
      %cond3A_138 = arith.cmpi ne, %convert_element_type3A_136, %cond3A_137 : i32
      scf.if %cond3A_138 {
        %dma_wait3A_149 = arith.constant 0 : i32
        %dma_wait3A_150 = arith.constant 0 : i32
        %dma_wait3A_151 = tpu.memref_slice %arg7[%dma_wait3A_149, %dma_wait3A_150] : memref<2x120xi32, #tpu.memory_space<vmem>> -> memref<1x120xi32, #tpu.memory_space<vmem>>
        %dma_wait3A_152 = tpu.memref_squeeze %dma_wait3A_151 : memref<1x120xi32, #tpu.memory_space<vmem>> -> memref<120xi32, #tpu.memory_space<vmem>>
        %dma_wait3A_153 = arith.constant 0 : i32
        %dma_wait3A_154 = arith.constant 0 : i32
        %dma_wait3A_155 = tpu.memref_slice %arg2[%dma_wait3A_153, %dma_wait3A_154] : memref<10000x128xf32, #tpu.memory_space<hbm>> -> memref<10000x128xf32, #tpu.memory_space<hbm>>
        tpu.wait_indirect_dma semaphore(%arg16 : memref<!tpu.dma_semaphore, #tpu.memory_space<semaphore_mem>>) src(%dma_wait3A_155 : memref<10000x128xf32, #tpu.memory_space<hbm>>) dst(%arg10 : memref<120x128xf32, #tpu.memory_space<vmem>>)
      } else {
      }
      %add3A_139 = arith.constant 3 : i32
      %add3A_140 = arith.addi %add3A_119, %add3A_139 : i32
      %sub3A_141 = arith.constant 1 : i32
      %sub3A_142 = arith.subi %add3A_140, %sub3A_141 : i32
      %lt3A_143 = arith.constant 84 : i32
      %lt3A_144 = arith.cmpi slt, %sub3A_142, %lt3A_143 : i32
      %convert_element_type3A_145 = arith.extui %lt3A_144 : i1 to i32
      %cond3A_146 = arith.constant 0 : i32
      %cond3A_147 = arith.cmpi ne, %convert_element_type3A_145, %cond3A_146 : i32
      scf.if %cond3A_147 {
        %add3A_149 = arith.constant 3 : i32
        %add3A_150 = arith.addi %add3A_119, %add3A_149 : i32
        %sub3A_151 = arith.constant 1 : i32
        %sub3A_152 = arith.subi %add3A_150, %sub3A_151 : i32
        %add3A_153 = arith.addi %mul3A_23, %sub3A_152 : i32
        "tpu.region"() ({
          %run_scoped3A = tpu.sem_alloc : memref<!tpu.dma_semaphore, #tpu.memory_space<semaphore_mem>>
          %dma_start3A_161 = arith.constant 0 : i32
          %dma_start3A_162 = arith.constant 0 : i32
          %dma_start3A_163 = tpu.memref_slice %arg3[%add3A_153, %dma_start3A_161, %dma_start3A_162] : memref<2688x2x120xi32, #tpu.memory_space<hbm>> -> memref<1x2x120xi32, #tpu.memory_space<hbm>>
          %dma_start3A_164 = tpu.memref_squeeze %dma_start3A_163 : memref<1x2x120xi32, #tpu.memory_space<hbm>> -> memref<2x120xi32, #tpu.memory_space<hbm>>
          %dma_start3A_165 = arith.constant 0 : i32
          %dma_start3A_166 = arith.constant 0 : i32
          %dma_start3A_167 = tpu.memref_slice %arg3[%add3A_153, %dma_start3A_165, %dma_start3A_166] : memref<2688x2x120xi32, #tpu.memory_space<hbm>> -> memref<1x2x120xi32, #tpu.memory_space<hbm>>
          %dma_start3A_168 = tpu.memref_squeeze %dma_start3A_167 : memref<1x2x120xi32, #tpu.memory_space<hbm>> -> memref<2x120xi32, #tpu.memory_space<hbm>>
          tpu.enqueue_dma source(%dma_start3A_168 : memref<2x120xi32, #tpu.memory_space<hbm>>) target(%arg7 : memref<2x120xi32, #tpu.memory_space<vmem>>) target_semaphore(%run_scoped3A : memref<!tpu.dma_semaphore, #tpu.memory_space<semaphore_mem>>)
          %dma_wait3A_169 = arith.constant 0 : i32
          %dma_wait3A_170 = arith.constant 0 : i32
          %dma_wait3A_171 = tpu.memref_slice %arg3[%add3A_153, %dma_wait3A_169, %dma_wait3A_170] : memref<2688x2x120xi32, #tpu.memory_space<hbm>> -> memref<1x2x120xi32, #tpu.memory_space<hbm>>
          %dma_wait3A_172 = tpu.memref_squeeze %dma_wait3A_171 : memref<1x2x120xi32, #tpu.memory_space<hbm>> -> memref<2x120xi32, #tpu.memory_space<hbm>>
          %dma_wait3A_173 = arith.constant 0 : i32
          %dma_wait3A_174 = arith.constant 0 : i32
          %dma_wait3A_175 = tpu.memref_slice %arg3[%add3A_153, %dma_wait3A_173, %dma_wait3A_174] : memref<2688x2x120xi32, #tpu.memory_space<hbm>> -> memref<1x2x120xi32, #tpu.memory_space<hbm>>
          %dma_wait3A_176 = tpu.memref_squeeze %dma_wait3A_175 : memref<1x2x120xi32, #tpu.memory_space<hbm>> -> memref<2x120xi32, #tpu.memory_space<hbm>>
          tpu.wait_dma2 semaphore(%run_scoped3A : memref<!tpu.dma_semaphore, #tpu.memory_space<semaphore_mem>>) src(%dma_wait3A_176 : memref<2x120xi32, #tpu.memory_space<hbm>>) dst(%arg7 : memref<2x120xi32, #tpu.memory_space<vmem>>)
          tpu.yield
        }) : () -> ()
        %dma_start3A_154 = arith.constant 0 : i32
        %dma_start3A_155 = arith.constant 0 : i32
        %dma_start3A_156 = tpu.memref_slice %arg7[%dma_start3A_154, %dma_start3A_155] : memref<2x120xi32, #tpu.memory_space<vmem>> -> memref<1x120xi32, #tpu.memory_space<vmem>>
        %dma_start3A_157 = tpu.memref_squeeze %dma_start3A_156 : memref<1x120xi32, #tpu.memory_space<vmem>> -> memref<120xi32, #tpu.memory_space<vmem>>
        %dma_start3A_158 = arith.constant 0 : i32
        %dma_start3A_159 = arith.constant 0 : i32
        %dma_start3A_160 = tpu.memref_slice %arg2[%dma_start3A_158, %dma_start3A_159] : memref<10000x128xf32, #tpu.memory_space<hbm>> -> memref<10000x128xf32, #tpu.memory_space<hbm>>
        tpu.enqueue_indirect_dma source(%dma_start3A_160 : memref<10000x128xf32, #tpu.memory_space<hbm>>) target(%arg10 : memref<120x128xf32, #tpu.memory_space<vmem>>) offsets(%dma_start3A_157 : memref<120xi32, #tpu.memory_space<vmem>>) semaphore(%arg13 : memref<!tpu.dma_semaphore, #tpu.memory_space<semaphore_mem>>)
      } else {
      }
      %scan3A_148 = arith.constant 0 : i32
      scf.yield %scan3A_148 : i32
    }
    %scan3A_47 = arith.constant 28 : i32
    %dma_wait3A = arith.constant 0 : i32
    %dma_wait3A_48 = arith.constant 0 : i32
    %dma_wait3A_49 = tpu.memref_slice %arg8[%dma_wait3A, %dma_wait3A_48] : memref<2x120xi32, #tpu.memory_space<vmem>> -> memref<1x120xi32, #tpu.memory_space<vmem>>
    %dma_wait3A_50 = tpu.memref_squeeze %dma_wait3A_49 : memref<1x120xi32, #tpu.memory_space<vmem>> -> memref<120xi32, #tpu.memory_space<vmem>>
    %dma_wait3A_51 = arith.constant 0 : i32
    %dma_wait3A_52 = arith.constant 0 : i32
    %dma_wait3A_53 = tpu.memref_slice %arg2[%dma_wait3A_51, %dma_wait3A_52] : memref<10000x128xf32, #tpu.memory_space<hbm>> -> memref<10000x128xf32, #tpu.memory_space<hbm>>
    tpu.wait_indirect_dma semaphore(%arg17 : memref<!tpu.dma_semaphore, #tpu.memory_space<semaphore_mem>>) src(%dma_wait3A_53 : memref<10000x128xf32, #tpu.memory_space<hbm>>) dst(%arg11 : memref<120x128xf32, #tpu.memory_space<vmem>>)
    %barrier3A_54 = arith.constant 0 : index
    tpu.barrier barrier_id(%barrier3A_54)
    "tpu.region"() ({
      %run_scoped3A = tpu.sem_alloc : memref<!tpu.dma_semaphore, #tpu.memory_space<semaphore_mem>>
      %dma_start3A_55 = arith.constant 0 : i32
      %dma_start3A_56 = tpu.memref_slice %arg4[%arg0, %mul3A_7, %dma_start3A_55] : memref<2x10112x128xf32, #tpu.memory_space<hbm>> -> memref<1x632x128xf32, #tpu.memory_space<hbm>>
      %dma_start3A_57 = tpu.memref_squeeze %dma_start3A_56 : memref<1x632x128xf32, #tpu.memory_space<hbm>> -> memref<632x128xf32, #tpu.memory_space<hbm>>
      %dma_start3A_58 = arith.constant 0 : i32
      %dma_start3A_59 = tpu.memref_slice %arg5[%mul3A_7, %dma_start3A_58] : memref<10112x128xf32, #tpu.memory_space<vmem_shared>> -> memref<632x128xf32, #tpu.memory_space<vmem_shared>>
      tpu.enqueue_dma source(%dma_start3A_59 : memref<632x128xf32, #tpu.memory_space<vmem_shared>>) target(%dma_start3A_57 : memref<632x128xf32, #tpu.memory_space<hbm>>) target_semaphore(%run_scoped3A : memref<!tpu.dma_semaphore, #tpu.memory_space<semaphore_mem>>)
      %dma_wait3A_60 = arith.constant 0 : i32
      %dma_wait3A_61 = tpu.memref_slice %arg4[%arg0, %mul3A_7, %dma_wait3A_60] : memref<2x10112x128xf32, #tpu.memory_space<hbm>> -> memref<1x632x128xf32, #tpu.memory_space<hbm>>
      %dma_wait3A_62 = tpu.memref_squeeze %dma_wait3A_61 : memref<1x632x128xf32, #tpu.memory_space<hbm>> -> memref<632x128xf32, #tpu.memory_space<hbm>>
      %dma_wait3A_63 = arith.constant 0 : i32
      %dma_wait3A_64 = tpu.memref_slice %arg5[%mul3A_7, %dma_wait3A_63] : memref<10112x128xf32, #tpu.memory_space<vmem_shared>> -> memref<632x128xf32, #tpu.memory_space<vmem_shared>>
      tpu.wait_dma2 semaphore(%run_scoped3A : memref<!tpu.dma_semaphore, #tpu.memory_space<semaphore_mem>>) src(%dma_wait3A_64 : memref<632x128xf32, #tpu.memory_space<vmem_shared>>) dst(%dma_wait3A_62 : memref<632x128xf32, #tpu.memory_space<hbm>>)
      tpu.yield
    }) : () -> ()
    return
  }
}

#map = affine_map<(d0, d1) -> (0, 0)>
#map1 = affine_map<(d0, d1) -> (0, 0, 0)>
module attributes {stable_mosaic.version = 14 : i64} {
  func.func @agg_kernel(%arg0: i32, %arg1: i32, %arg2: memref<10000x128xf32, #tpu.memory_space<hbm>>, %arg3: memref<2688x2x120xi32, #tpu.memory_space<hbm>>, %arg4: memref<2x10112x128xf32, #tpu.memory_space<hbm>>, %arg5: memref<10112x128xf32, #tpu.memory_space<vmem_shared>>, %arg6: memref<2x120xi32, #tpu.memory_space<vmem>>, %arg7: memref<2x120xi32, #tpu.memory_space<vmem>>, %arg8: memref<2x120xi32, #tpu.memory_space<vmem>>, %arg9: memref<120x128xf32, #tpu.memory_space<vmem>>, %arg10: memref<120x128xf32, #tpu.memory_space<vmem>>, %arg11: memref<120x128xf32, #tpu.memory_space<vmem>>, %arg12: memref<!tpu.dma_semaphore, #tpu.memory_space<semaphore_mem>>, %arg13: memref<!tpu.dma_semaphore, #tpu.memory_space<semaphore_mem>>, %arg14: memref<!tpu.dma_semaphore, #tpu.memory_space<semaphore_mem>>, %arg15: memref<!tpu.dma_semaphore, #tpu.memory_space<semaphore_mem>>, %arg16: memref<!tpu.dma_semaphore, #tpu.memory_space<semaphore_mem>>, %arg17: memref<!tpu.dma_semaphore, #tpu.memory_space<semaphore_mem>>) attributes {dimension_semantics = [#tpu.dimension_semantics<core_parallel>, #tpu.dimension_semantics<subcore_parallel>], iteration_bounds = array<i64: 2, 16>, scalar_prefetch = 0 : i64, scratch_operands = 13 : i64, tpu.core_type = #tpu.core_type<sc_vector_subcore>, window_params = [{transform_indices = #map}, {transform_indices = #map1}, {transform_indices = #map1}]} {
    %broadcast_in_dim3A = arith.constant 0.000000e+00 : f32
    %broadcast_in_dim3A_0 = vector.broadcast %broadcast_in_dim3A : f32 to vector<16xf32>
    %scan3A = arith.constant 0 : i32
    %scan3A_1 = arith.constant 0 : i32
    %scan3A_2 = arith.constant 960 : i32
    %scan3A_3 = arith.addi %scan3A_1, %scan3A_2 : i32
    %scan3A_4 = arith.constant 1 : i32
    %scan3A_5 = scf.for %scan3A_55 = %scan3A_1 to %scan3A_3 step %scan3A_4 iter_args(%scan3A_56 = %scan3A) -> (i32)  : i32 {
      %jit3A = arith.constant 8 : i32
      %div3A = arith.divsi %scan3A_55, %jit3A : i32
      %sign3A = arith.constant 0 : i32
      %sign3A_57 = arith.cmpi sgt, %scan3A_55, %sign3A : i32
      %sign3A_58 = arith.extui %sign3A_57 : i1 to i32
      %sign3A_59 = arith.constant 0 : i32
      %sign3A_60 = arith.cmpi slt, %scan3A_55, %sign3A_59 : i32
      %sign3A_61 = arith.extui %sign3A_60 : i1 to i32
      %sign3A_62 = arith.subi %sign3A_58, %sign3A_61 : i32
      %sign3A_63 = arith.constant 0 : i32
      %sign3A_64 = arith.cmpi sgt, %jit3A, %sign3A_63 : i32
      %sign3A_65 = arith.extui %sign3A_64 : i1 to i32
      %sign3A_66 = arith.constant 0 : i32
      %sign3A_67 = arith.cmpi slt, %jit3A, %sign3A_66 : i32
      %sign3A_68 = arith.extui %sign3A_67 : i1 to i32
      %sign3A_69 = arith.subi %sign3A_65, %sign3A_68 : i32
      %ne3A = arith.cmpi ne, %sign3A_62, %sign3A_69 : i32
      %rem3A = arith.remsi %scan3A_55, %jit3A : i32
      %ne3A_70 = arith.constant 0 : i32
      %ne3A_71 = arith.cmpi ne, %rem3A, %ne3A_70 : i32
      %and3A = arith.andi %ne3A, %ne3A_71 : i1
      %sub3A = arith.constant 1 : i32
      %sub3A_72 = arith.subi %div3A, %sub3A : i32
      %select_n3A = arith.select %and3A, %sub3A_72, %div3A : i32
      %jit3A_73 = arith.constant 8 : i32
      %eq3A = arith.constant 0 : i32
      %eq3A_74 = arith.cmpi eq, %jit3A_73, %eq3A : i32
      %jit3A_75 = arith.constant 1 : i32
      %select_n3A_76 = arith.select %eq3A_74, %jit3A_75, %jit3A_73 : i32
      %rem3A_77 = arith.remsi %scan3A_55, %select_n3A_76 : i32
      %ne3A_78 = arith.constant 0 : i32
      %ne3A_79 = arith.cmpi ne, %rem3A_77, %ne3A_78 : i32
      %lt3A = arith.constant 0 : i32
      %lt3A_80 = arith.cmpi slt, %rem3A_77, %lt3A : i32
      %lt3A_81 = arith.constant 0 : i32
      %lt3A_82 = arith.cmpi slt, %select_n3A_76, %lt3A_81 : i32
      %ne3A_83 = arith.xori %lt3A_80, %lt3A_82 : i1
      %and3A_84 = arith.andi %ne3A_83, %ne3A_79 : i1
      %add3A_85 = arith.addi %rem3A_77, %select_n3A_76 : i32
      %select_n3A_86 = arith.select %and3A_84, %add3A_85, %rem3A_77 : i32
      %mul3A_87 = arith.constant 16 : i32
      %mul3A_88 = arith.muli %select_n3A_86, %mul3A_87 : i32
      %swap3A = arith.index_cast %select_n3A : i32 to index
      %swap3A_89 = arith.index_cast %mul3A_88 : i32 to index
      %swap3A_90 = tpu.vector_load %arg9[%swap3A, %swap3A_89] {strides = array<i32>} : memref<120x128xf32, #tpu.memory_space<vmem>>, vector<1x16xf32>,
      %swap3A_91 = vector.shape_cast %swap3A_90 : vector<1x16xf32> to vector<16xf32>
      %swap3A_92 = vector.shape_cast %broadcast_in_dim3A_0 : vector<16xf32> to vector<1x16xf32>
      tpu.vector_store %arg9[%swap3A, %swap3A_89], %swap3A_92 {strides = array<i32>} : memref<120x128xf32, #tpu.memory_space<vmem>>, vector<1x16xf32>,
      %scan3A_93 = arith.constant 0 : i32
      scf.yield %scan3A_93 : i32
    }
    %scan3A_6 = arith.constant 960 : i32
    %mul3A = arith.constant 632 : i32
    %mul3A_7 = arith.muli %arg1, %mul3A : i32
    %add3A = arith.constant 0 : i32
    %add3A_8 = arith.addi %mul3A_7, %add3A : i32
    "tpu.region"() ({
      %run_scoped3A = tpu.sem_alloc : memref<!tpu.dma_semaphore, #tpu.memory_space<semaphore_mem>>
      %dma_start3A_55 = arith.constant 0 : i32
      %dma_start3A_56 = arith.constant 0 : i32
      %dma_start3A_57 = tpu.memref_slice %arg9[%dma_start3A_55, %dma_start3A_56] : memref<120x128xf32, #tpu.memory_space<vmem>> -> memref<120x128xf32, #tpu.memory_space<vmem>>
      %dma_start3A_58 = arith.constant 0 : i32
      %dma_start3A_59 = tpu.memref_slice %arg5[%add3A_8, %dma_start3A_58] : memref<10112x128xf32, #tpu.memory_space<vmem_shared>> -> memref<120x128xf32, #tpu.memory_space<vmem_shared>>
      %dma_start3A_60 = arith.constant 0 : i32
      %dma_start3A_61 = tpu.memref_slice %arg5[%add3A_8, %dma_start3A_60] : memref<10112x128xf32, #tpu.memory_space<vmem_shared>> -> memref<120x128xf32, #tpu.memory_space<vmem_shared>>
      %dma_start3A_62 = arith.constant 0 : i32
      %dma_start3A_63 = arith.constant 0 : i32
      %dma_start3A_64 = tpu.memref_slice %arg9[%dma_start3A_62, %dma_start3A_63] : memref<120x128xf32, #tpu.memory_space<vmem>> -> memref<120x128xf32, #tpu.memory_space<vmem>>
      tpu.enqueue_dma source(%dma_start3A_64 : memref<120x128xf32, #tpu.memory_space<vmem>>) target(%dma_start3A_61 : memref<120x128xf32, #tpu.memory_space<vmem_shared>>) target_semaphore(%run_scoped3A : memref<!tpu.dma_semaphore, #tpu.memory_space<semaphore_mem>>)
      %dma_wait3A_65 = arith.constant 0 : i32
      %dma_wait3A_66 = arith.constant 0 : i32
      %dma_wait3A_67 = tpu.memref_slice %arg9[%dma_wait3A_65, %dma_wait3A_66] : memref<120x128xf32, #tpu.memory_space<vmem>> -> memref<120x128xf32, #tpu.memory_space<vmem>>
      %dma_wait3A_68 = arith.constant 0 : i32
      %dma_wait3A_69 = tpu.memref_slice %arg5[%add3A_8, %dma_wait3A_68] : memref<10112x128xf32, #tpu.memory_space<vmem_shared>> -> memref<120x128xf32, #tpu.memory_space<vmem_shared>>
      %dma_wait3A_70 = arith.constant 0 : i32
      %dma_wait3A_71 = tpu.memref_slice %arg5[%add3A_8, %dma_wait3A_70] : memref<10112x128xf32, #tpu.memory_space<vmem_shared>> -> memref<120x128xf32, #tpu.memory_space<vmem_shared>>
      %dma_wait3A_72 = arith.constant 0 : i32
      %dma_wait3A_73 = arith.constant 0 : i32
      %dma_wait3A_74 = tpu.memref_slice %arg9[%dma_wait3A_72, %dma_wait3A_73] : memref<120x128xf32, #tpu.memory_space<vmem>> -> memref<120x128xf32, #tpu.memory_space<vmem>>
      tpu.wait_dma2 semaphore(%run_scoped3A : memref<!tpu.dma_semaphore, #tpu.memory_space<semaphore_mem>>) src(%dma_wait3A_74 : memref<120x128xf32, #tpu.memory_space<vmem>>) dst(%dma_wait3A_71 : memref<120x128xf32, #tpu.memory_space<vmem_shared>>)
      tpu.yield
    }) : () -> ()
    %add3A_9 = arith.constant 120 : i32
    %add3A_10 = arith.addi %mul3A_7, %add3A_9 : i32
    "tpu.region"() ({
      %run_scoped3A = tpu.sem_alloc : memref<!tpu.dma_semaphore, #tpu.memory_space<semaphore_mem>>
      %dma_start3A_55 = arith.constant 0 : i32
      %dma_start3A_56 = arith.constant 0 : i32
      %dma_start3A_57 = tpu.memref_slice %arg9[%dma_start3A_55, %dma_start3A_56] : memref<120x128xf32, #tpu.memory_space<vmem>> -> memref<120x128xf32, #tpu.memory_space<vmem>>
      %dma_start3A_58 = arith.constant 0 : i32
      %dma_start3A_59 = tpu.memref_slice %arg5[%add3A_10, %dma_start3A_58] : memref<10112x128xf32, #tpu.memory_space<vmem_shared>> -> memref<120x128xf32, #tpu.memory_space<vmem_shared>>
      %dma_start3A_60 = arith.constant 0 : i32
      %dma_start3A_61 = tpu.memref_slice %arg5[%add3A_10, %dma_start3A_60] : memref<10112x128xf32, #tpu.memory_space<vmem_shared>> -> memref<120x128xf32, #tpu.memory_space<vmem_shared>>
      %dma_start3A_62 = arith.constant 0 : i32
      %dma_start3A_63 = arith.constant 0 : i32
      %dma_start3A_64 = tpu.memref_slice %arg9[%dma_start3A_62, %dma_start3A_63] : memref<120x128xf32, #tpu.memory_space<vmem>> -> memref<120x128xf32, #tpu.memory_space<vmem>>
      tpu.enqueue_dma source(%dma_start3A_64 : memref<120x128xf32, #tpu.memory_space<vmem>>) target(%dma_start3A_61 : memref<120x128xf32, #tpu.memory_space<vmem_shared>>) target_semaphore(%run_scoped3A : memref<!tpu.dma_semaphore, #tpu.memory_space<semaphore_mem>>)
      %dma_wait3A_65 = arith.constant 0 : i32
      %dma_wait3A_66 = arith.constant 0 : i32
      %dma_wait3A_67 = tpu.memref_slice %arg9[%dma_wait3A_65, %dma_wait3A_66] : memref<120x128xf32, #tpu.memory_space<vmem>> -> memref<120x128xf32, #tpu.memory_space<vmem>>
      %dma_wait3A_68 = arith.constant 0 : i32
      %dma_wait3A_69 = tpu.memref_slice %arg5[%add3A_10, %dma_wait3A_68] : memref<10112x128xf32, #tpu.memory_space<vmem_shared>> -> memref<120x128xf32, #tpu.memory_space<vmem_shared>>
      %dma_wait3A_70 = arith.constant 0 : i32
      %dma_wait3A_71 = tpu.memref_slice %arg5[%add3A_10, %dma_wait3A_70] : memref<10112x128xf32, #tpu.memory_space<vmem_shared>> -> memref<120x128xf32, #tpu.memory_space<vmem_shared>>
      %dma_wait3A_72 = arith.constant 0 : i32
      %dma_wait3A_73 = arith.constant 0 : i32
      %dma_wait3A_74 = tpu.memref_slice %arg9[%dma_wait3A_72, %dma_wait3A_73] : memref<120x128xf32, #tpu.memory_space<vmem>> -> memref<120x128xf32, #tpu.memory_space<vmem>>
      tpu.wait_dma2 semaphore(%run_scoped3A : memref<!tpu.dma_semaphore, #tpu.memory_space<semaphore_mem>>) src(%dma_wait3A_74 : memref<120x128xf32, #tpu.memory_space<vmem>>) dst(%dma_wait3A_71 : memref<120x128xf32, #tpu.memory_space<vmem_shared>>)
      tpu.yield
    }) : () -> ()
    %add3A_11 = arith.constant 240 : i32
    %add3A_12 = arith.addi %mul3A_7, %add3A_11 : i32
    "tpu.region"() ({
      %run_scoped3A = tpu.sem_alloc : memref<!tpu.dma_semaphore, #tpu.memory_space<semaphore_mem>>
      %dma_start3A_55 = arith.constant 0 : i32
      %dma_start3A_56 = arith.constant 0 : i32
      %dma_start3A_57 = tpu.memref_slice %arg9[%dma_start3A_55, %dma_start3A_56] : memref<120x128xf32, #tpu.memory_space<vmem>> -> memref<120x128xf32, #tpu.memory_space<vmem>>
      %dma_start3A_58 = arith.constant 0 : i32
      %dma_start3A_59 = tpu.memref_slice %arg5[%add3A_12, %dma_start3A_58] : memref<10112x128xf32, #tpu.memory_space<vmem_shared>> -> memref<120x128xf32, #tpu.memory_space<vmem_shared>>
      %dma_start3A_60 = arith.constant 0 : i32
      %dma_start3A_61 = tpu.memref_slice %arg5[%add3A_12, %dma_start3A_60] : memref<10112x128xf32, #tpu.memory_space<vmem_shared>> -> memref<120x128xf32, #tpu.memory_space<vmem_shared>>
      %dma_start3A_62 = arith.constant 0 : i32
      %dma_start3A_63 = arith.constant 0 : i32
      %dma_start3A_64 = tpu.memref_slice %arg9[%dma_start3A_62, %dma_start3A_63] : memref<120x128xf32, #tpu.memory_space<vmem>> -> memref<120x128xf32, #tpu.memory_space<vmem>>
      tpu.enqueue_dma source(%dma_start3A_64 : memref<120x128xf32, #tpu.memory_space<vmem>>) target(%dma_start3A_61 : memref<120x128xf32, #tpu.memory_space<vmem_shared>>) target_semaphore(%run_scoped3A : memref<!tpu.dma_semaphore, #tpu.memory_space<semaphore_mem>>)
      %dma_wait3A_65 = arith.constant 0 : i32
      %dma_wait3A_66 = arith.constant 0 : i32
      %dma_wait3A_67 = tpu.memref_slice %arg9[%dma_wait3A_65, %dma_wait3A_66] : memref<120x128xf32, #tpu.memory_space<vmem>> -> memref<120x128xf32, #tpu.memory_space<vmem>>
      %dma_wait3A_68 = arith.constant 0 : i32
      %dma_wait3A_69 = tpu.memref_slice %arg5[%add3A_12, %dma_wait3A_68] : memref<10112x128xf32, #tpu.memory_space<vmem_shared>> -> memref<120x128xf32, #tpu.memory_space<vmem_shared>>
      %dma_wait3A_70 = arith.constant 0 : i32
      %dma_wait3A_71 = tpu.memref_slice %arg5[%add3A_12, %dma_wait3A_70] : memref<10112x128xf32, #tpu.memory_space<vmem_shared>> -> memref<120x128xf32, #tpu.memory_space<vmem_shared>>
      %dma_wait3A_72 = arith.constant 0 : i32
      %dma_wait3A_73 = arith.constant 0 : i32
      %dma_wait3A_74 = tpu.memref_slice %arg9[%dma_wait3A_72, %dma_wait3A_73] : memref<120x128xf32, #tpu.memory_space<vmem>> -> memref<120x128xf32, #tpu.memory_space<vmem>>
      tpu.wait_dma2 semaphore(%run_scoped3A : memref<!tpu.dma_semaphore, #tpu.memory_space<semaphore_mem>>) src(%dma_wait3A_74 : memref<120x128xf32, #tpu.memory_space<vmem>>) dst(%dma_wait3A_71 : memref<120x128xf32, #tpu.memory_space<vmem_shared>>)
      tpu.yield
    }) : () -> ()
    %add3A_13 = arith.constant 360 : i32
    %add3A_14 = arith.addi %mul3A_7, %add3A_13 : i32
    "tpu.region"() ({
      %run_scoped3A = tpu.sem_alloc : memref<!tpu.dma_semaphore, #tpu.memory_space<semaphore_mem>>
      %dma_start3A_55 = arith.constant 0 : i32
      %dma_start3A_56 = arith.constant 0 : i32
      %dma_start3A_57 = tpu.memref_slice %arg9[%dma_start3A_55, %dma_start3A_56] : memref<120x128xf32, #tpu.memory_space<vmem>> -> memref<120x128xf32, #tpu.memory_space<vmem>>
      %dma_start3A_58 = arith.constant 0 : i32
      %dma_start3A_59 = tpu.memref_slice %arg5[%add3A_14, %dma_start3A_58] : memref<10112x128xf32, #tpu.memory_space<vmem_shared>> -> memref<120x128xf32, #tpu.memory_space<vmem_shared>>
      %dma_start3A_60 = arith.constant 0 : i32
      %dma_start3A_61 = tpu.memref_slice %arg5[%add3A_14, %dma_start3A_60] : memref<10112x128xf32, #tpu.memory_space<vmem_shared>> -> memref<120x128xf32, #tpu.memory_space<vmem_shared>>
      %dma_start3A_62 = arith.constant 0 : i32
      %dma_start3A_63 = arith.constant 0 : i32
      %dma_start3A_64 = tpu.memref_slice %arg9[%dma_start3A_62, %dma_start3A_63] : memref<120x128xf32, #tpu.memory_space<vmem>> -> memref<120x128xf32, #tpu.memory_space<vmem>>
      tpu.enqueue_dma source(%dma_start3A_64 : memref<120x128xf32, #tpu.memory_space<vmem>>) target(%dma_start3A_61 : memref<120x128xf32, #tpu.memory_space<vmem_shared>>) target_semaphore(%run_scoped3A : memref<!tpu.dma_semaphore, #tpu.memory_space<semaphore_mem>>)
      %dma_wait3A_65 = arith.constant 0 : i32
      %dma_wait3A_66 = arith.constant 0 : i32
      %dma_wait3A_67 = tpu.memref_slice %arg9[%dma_wait3A_65, %dma_wait3A_66] : memref<120x128xf32, #tpu.memory_space<vmem>> -> memref<120x128xf32, #tpu.memory_space<vmem>>
      %dma_wait3A_68 = arith.constant 0 : i32
      %dma_wait3A_69 = tpu.memref_slice %arg5[%add3A_14, %dma_wait3A_68] : memref<10112x128xf32, #tpu.memory_space<vmem_shared>> -> memref<120x128xf32, #tpu.memory_space<vmem_shared>>
      %dma_wait3A_70 = arith.constant 0 : i32
      %dma_wait3A_71 = tpu.memref_slice %arg5[%add3A_14, %dma_wait3A_70] : memref<10112x128xf32, #tpu.memory_space<vmem_shared>> -> memref<120x128xf32, #tpu.memory_space<vmem_shared>>
      %dma_wait3A_72 = arith.constant 0 : i32
      %dma_wait3A_73 = arith.constant 0 : i32
      %dma_wait3A_74 = tpu.memref_slice %arg9[%dma_wait3A_72, %dma_wait3A_73] : memref<120x128xf32, #tpu.memory_space<vmem>> -> memref<120x128xf32, #tpu.memory_space<vmem>>
      tpu.wait_dma2 semaphore(%run_scoped3A : memref<!tpu.dma_semaphore, #tpu.memory_space<semaphore_mem>>) src(%dma_wait3A_74 : memref<120x128xf32, #tpu.memory_space<vmem>>) dst(%dma_wait3A_71 : memref<120x128xf32, #tpu.memory_space<vmem_shared>>)
      tpu.yield
    }) : () -> ()
    %add3A_15 = arith.constant 480 : i32
    %add3A_16 = arith.addi %mul3A_7, %add3A_15 : i32
    "tpu.region"() ({
      %run_scoped3A = tpu.sem_alloc : memref<!tpu.dma_semaphore, #tpu.memory_space<semaphore_mem>>
      %dma_start3A_55 = arith.constant 0 : i32
      %dma_start3A_56 = arith.constant 0 : i32
      %dma_start3A_57 = tpu.memref_slice %arg9[%dma_start3A_55, %dma_start3A_56] : memref<120x128xf32, #tpu.memory_space<vmem>> -> memref<120x128xf32, #tpu.memory_space<vmem>>
      %dma_start3A_58 = arith.constant 0 : i32
      %dma_start3A_59 = tpu.memref_slice %arg5[%add3A_16, %dma_start3A_58] : memref<10112x128xf32, #tpu.memory_space<vmem_shared>> -> memref<120x128xf32, #tpu.memory_space<vmem_shared>>
      %dma_start3A_60 = arith.constant 0 : i32
      %dma_start3A_61 = tpu.memref_slice %arg5[%add3A_16, %dma_start3A_60] : memref<10112x128xf32, #tpu.memory_space<vmem_shared>> -> memref<120x128xf32, #tpu.memory_space<vmem_shared>>
      %dma_start3A_62 = arith.constant 0 : i32
      %dma_start3A_63 = arith.constant 0 : i32
      %dma_start3A_64 = tpu.memref_slice %arg9[%dma_start3A_62, %dma_start3A_63] : memref<120x128xf32, #tpu.memory_space<vmem>> -> memref<120x128xf32, #tpu.memory_space<vmem>>
      tpu.enqueue_dma source(%dma_start3A_64 : memref<120x128xf32, #tpu.memory_space<vmem>>) target(%dma_start3A_61 : memref<120x128xf32, #tpu.memory_space<vmem_shared>>) target_semaphore(%run_scoped3A : memref<!tpu.dma_semaphore, #tpu.memory_space<semaphore_mem>>)
      %dma_wait3A_65 = arith.constant 0 : i32
      %dma_wait3A_66 = arith.constant 0 : i32
      %dma_wait3A_67 = tpu.memref_slice %arg9[%dma_wait3A_65, %dma_wait3A_66] : memref<120x128xf32, #tpu.memory_space<vmem>> -> memref<120x128xf32, #tpu.memory_space<vmem>>
      %dma_wait3A_68 = arith.constant 0 : i32
      %dma_wait3A_69 = tpu.memref_slice %arg5[%add3A_16, %dma_wait3A_68] : memref<10112x128xf32, #tpu.memory_space<vmem_shared>> -> memref<120x128xf32, #tpu.memory_space<vmem_shared>>
      %dma_wait3A_70 = arith.constant 0 : i32
      %dma_wait3A_71 = tpu.memref_slice %arg5[%add3A_16, %dma_wait3A_70] : memref<10112x128xf32, #tpu.memory_space<vmem_shared>> -> memref<120x128xf32, #tpu.memory_space<vmem_shared>>
      %dma_wait3A_72 = arith.constant 0 : i32
      %dma_wait3A_73 = arith.constant 0 : i32
      %dma_wait3A_74 = tpu.memref_slice %arg9[%dma_wait3A_72, %dma_wait3A_73] : memref<120x128xf32, #tpu.memory_space<vmem>> -> memref<120x128xf32, #tpu.memory_space<vmem>>
      tpu.wait_dma2 semaphore(%run_scoped3A : memref<!tpu.dma_semaphore, #tpu.memory_space<semaphore_mem>>) src(%dma_wait3A_74 : memref<120x128xf32, #tpu.memory_space<vmem>>) dst(%dma_wait3A_71 : memref<120x128xf32, #tpu.memory_space<vmem_shared>>)
      tpu.yield
    }) : () -> ()
    %add3A_17 = arith.constant 600 : i32
    %add3A_18 = arith.addi %mul3A_7, %add3A_17 : i32
    "tpu.region"() ({
      %run_scoped3A = tpu.sem_alloc : memref<!tpu.dma_semaphore, #tpu.memory_space<semaphore_mem>>
      %dma_start3A_55 = arith.constant 0 : i32
      %dma_start3A_56 = arith.constant 0 : i32
      %dma_start3A_57 = tpu.memref_slice %arg9[%dma_start3A_55, %dma_start3A_56] : memref<120x128xf32, #tpu.memory_space<vmem>> -> memref<32x128xf32, #tpu.memory_space<vmem>>
      %dma_start3A_58 = arith.constant 0 : i32
      %dma_start3A_59 = tpu.memref_slice %arg5[%add3A_18, %dma_start3A_58] : memref<10112x128xf32, #tpu.memory_space<vmem_shared>> -> memref<32x128xf32, #tpu.memory_space<vmem_shared>>
      %dma_start3A_60 = arith.constant 0 : i32
      %dma_start3A_61 = tpu.memref_slice %arg5[%add3A_18, %dma_start3A_60] : memref<10112x128xf32, #tpu.memory_space<vmem_shared>> -> memref<32x128xf32, #tpu.memory_space<vmem_shared>>
      %dma_start3A_62 = arith.constant 0 : i32
      %dma_start3A_63 = arith.constant 0 : i32
      %dma_start3A_64 = tpu.memref_slice %arg9[%dma_start3A_62, %dma_start3A_63] : memref<120x128xf32, #tpu.memory_space<vmem>> -> memref<32x128xf32, #tpu.memory_space<vmem>>
      tpu.enqueue_dma source(%dma_start3A_64 : memref<32x128xf32, #tpu.memory_space<vmem>>) target(%dma_start3A_61 : memref<32x128xf32, #tpu.memory_space<vmem_shared>>) target_semaphore(%run_scoped3A : memref<!tpu.dma_semaphore, #tpu.memory_space<semaphore_mem>>)
      %dma_wait3A_65 = arith.constant 0 : i32
      %dma_wait3A_66 = arith.constant 0 : i32
      %dma_wait3A_67 = tpu.memref_slice %arg9[%dma_wait3A_65, %dma_wait3A_66] : memref<120x128xf32, #tpu.memory_space<vmem>> -> memref<32x128xf32, #tpu.memory_space<vmem>>
      %dma_wait3A_68 = arith.constant 0 : i32
      %dma_wait3A_69 = tpu.memref_slice %arg5[%add3A_18, %dma_wait3A_68] : memref<10112x128xf32, #tpu.memory_space<vmem_shared>> -> memref<32x128xf32, #tpu.memory_space<vmem_shared>>
      %dma_wait3A_70 = arith.constant 0 : i32
      %dma_wait3A_71 = tpu.memref_slice %arg5[%add3A_18, %dma_wait3A_70] : memref<10112x128xf32, #tpu.memory_space<vmem_shared>> -> memref<32x128xf32, #tpu.memory_space<vmem_shared>>
      %dma_wait3A_72 = arith.constant 0 : i32
      %dma_wait3A_73 = arith.constant 0 : i32
      %dma_wait3A_74 = tpu.memref_slice %arg9[%dma_wait3A_72, %dma_wait3A_73] : memref<120x128xf32, #tpu.memory_space<vmem>> -> memref<32x128xf32, #tpu.memory_space<vmem>>
      tpu.wait_dma2 semaphore(%run_scoped3A : memref<!tpu.dma_semaphore, #tpu.memory_space<semaphore_mem>>) src(%dma_wait3A_74 : memref<32x128xf32, #tpu.memory_space<vmem>>) dst(%dma_wait3A_71 : memref<32x128xf32, #tpu.memory_space<vmem_shared>>)
      tpu.yield
    }) : () -> ()
    %barrier3A = arith.constant 0 : index
    tpu.barrier barrier_id(%barrier3A)
    %mul3A_19 = arith.constant 16 : i32
    %mul3A_20 = arith.muli %arg0, %mul3A_19 : i32
    %add3A_21 = arith.addi %mul3A_20, %arg1 : i32
    %mul3A_22 = arith.constant 84 : i32
    %mul3A_23 = arith.muli %add3A_21, %mul3A_22 : i32
    %add3A_24 = arith.constant 0 : i32
    %add3A_25 = arith.addi %mul3A_23, %add3A_24 : i32
    "tpu.region"() ({
      %run_scoped3A = tpu.sem_alloc : memref<!tpu.dma_semaphore, #tpu.memory_space<semaphore_mem>>
      %dma_start3A_55 = arith.constant 0 : i32
      %dma_start3A_56 = arith.constant 0 : i32
      %dma_start3A_57 = tpu.memref_slice %arg3[%add3A_25, %dma_start3A_55, %dma_start3A_56] : memref<2688x2x120xi32, #tpu.memory_space<hbm>> -> memref<1x2x120xi32, #tpu.memory_space<hbm>>
      %dma_start3A_58 = tpu.memref_squeeze %dma_start3A_57 : memref<1x2x120xi32, #tpu.memory_space<hbm>> -> memref<2x120xi32, #tpu.memory_space<hbm>>
      %dma_start3A_59 = arith.constant 0 : i32
      %dma_start3A_60 = arith.constant 0 : i32
      %dma_start3A_61 = tpu.memref_slice %arg3[%add3A_25, %dma_start3A_59, %dma_start3A_60] : memref<2688x2x120xi32, #tpu.memory_space<hbm>> -> memref<1x2x120xi32, #tpu.memory_space<hbm>>
      %dma_start3A_62 = tpu.memref_squeeze %dma_start3A_61 : memref<1x2x120xi32, #tpu.memory_space<hbm>> -> memref<2x120xi32, #tpu.memory_space<hbm>>
      tpu.enqueue_dma source(%dma_start3A_62 : memref<2x120xi32, #tpu.memory_space<hbm>>) target(%arg6 : memref<2x120xi32, #tpu.memory_space<vmem>>) target_semaphore(%run_scoped3A : memref<!tpu.dma_semaphore, #tpu.memory_space<semaphore_mem>>)
      %dma_wait3A_63 = arith.constant 0 : i32
      %dma_wait3A_64 = arith.constant 0 : i32
      %dma_wait3A_65 = tpu.memref_slice %arg3[%add3A_25, %dma_wait3A_63, %dma_wait3A_64] : memref<2688x2x120xi32, #tpu.memory_space<hbm>> -> memref<1x2x120xi32, #tpu.memory_space<hbm>>
      %dma_wait3A_66 = tpu.memref_squeeze %dma_wait3A_65 : memref<1x2x120xi32, #tpu.memory_space<hbm>> -> memref<2x120xi32, #tpu.memory_space<hbm>>
      %dma_wait3A_67 = arith.constant 0 : i32
      %dma_wait3A_68 = arith.constant 0 : i32
      %dma_wait3A_69 = tpu.memref_slice %arg3[%add3A_25, %dma_wait3A_67, %dma_wait3A_68] : memref<2688x2x120xi32, #tpu.memory_space<hbm>> -> memref<1x2x120xi32, #tpu.memory_space<hbm>>
      %dma_wait3A_70 = tpu.memref_squeeze %dma_wait3A_69 : memref<1x2x120xi32, #tpu.memory_space<hbm>> -> memref<2x120xi32, #tpu.memory_space<hbm>>
      tpu.wait_dma2 semaphore(%run_scoped3A : memref<!tpu.dma_semaphore, #tpu.memory_space<semaphore_mem>>) src(%dma_wait3A_70 : memref<2x120xi32, #tpu.memory_space<hbm>>) dst(%arg6 : memref<2x120xi32, #tpu.memory_space<vmem>>)
      tpu.yield
    }) : () -> ()
    %dma_start3A = arith.constant 0 : i32
    %dma_start3A_26 = arith.constant 0 : i32
    %dma_start3A_27 = tpu.memref_slice %arg6[%dma_start3A, %dma_start3A_26] : memref<2x120xi32, #tpu.memory_space<vmem>> -> memref<1x120xi32, #tpu.memory_space<vmem>>
    %dma_start3A_28 = tpu.memref_squeeze %dma_start3A_27 : memref<1x120xi32, #tpu.memory_space<vmem>> -> memref<120xi32, #tpu.memory_space<vmem>>
    %dma_start3A_29 = arith.constant 0 : i32
    %dma_start3A_30 = arith.constant 0 : i32
    %dma_start3A_31 = tpu.memref_slice %arg2[%dma_start3A_29, %dma_start3A_30] : memref<10000x128xf32, #tpu.memory_space<hbm>> -> memref<10000x128xf32, #tpu.memory_space<hbm>>
    tpu.enqueue_indirect_dma source(%dma_start3A_31 : memref<10000x128xf32, #tpu.memory_space<hbm>>) target(%arg9 : memref<120x128xf32, #tpu.memory_space<vmem>>) offsets(%dma_start3A_28 : memref<120xi32, #tpu.memory_space<vmem>>) semaphore(%arg12 : memref<!tpu.dma_semaphore, #tpu.memory_space<semaphore_mem>>)
    %add3A_32 = arith.constant 1 : i32
    %add3A_33 = arith.addi %mul3A_23, %add3A_32 : i32
    "tpu.region"() ({
      %run_scoped3A = tpu.sem_alloc : memref<!tpu.dma_semaphore, #tpu.memory_space<semaphore_mem>>
      %dma_start3A_55 = arith.constant 0 : i32
      %dma_start3A_56 = arith.constant 0 : i32
      %dma_start3A_57 = tpu.memref_slice %arg3[%add3A_33, %dma_start3A_55, %dma_start3A_56] : memref<2688x2x120xi32, #tpu.memory_space<hbm>> -> memref<1x2x120xi32, #tpu.memory_space<hbm>>
      %dma_start3A_58 = tpu.memref_squeeze %dma_start3A_57 : memref<1x2x120xi32, #tpu.memory_space<hbm>> -> memref<2x120xi32, #tpu.memory_space<hbm>>
      %dma_start3A_59 = arith.constant 0 : i32
      %dma_start3A_60 = arith.constant 0 : i32
      %dma_start3A_61 = tpu.memref_slice %arg3[%add3A_33, %dma_start3A_59, %dma_start3A_60] : memref<2688x2x120xi32, #tpu.memory_space<hbm>> -> memref<1x2x120xi32, #tpu.memory_space<hbm>>
      %dma_start3A_62 = tpu.memref_squeeze %dma_start3A_61 : memref<1x2x120xi32, #tpu.memory_space<hbm>> -> memref<2x120xi32, #tpu.memory_space<hbm>>
      tpu.enqueue_dma source(%dma_start3A_62 : memref<2x120xi32, #tpu.memory_space<hbm>>) target(%arg7 : memref<2x120xi32, #tpu.memory_space<vmem>>) target_semaphore(%run_scoped3A : memref<!tpu.dma_semaphore, #tpu.memory_space<semaphore_mem>>)
      %dma_wait3A_63 = arith.constant 0 : i32
      %dma_wait3A_64 = arith.constant 0 : i32
      %dma_wait3A_65 = tpu.memref_slice %arg3[%add3A_33, %dma_wait3A_63, %dma_wait3A_64] : memref<2688x2x120xi32, #tpu.memory_space<hbm>> -> memref<1x2x120xi32, #tpu.memory_space<hbm>>
      %dma_wait3A_66 = tpu.memref_squeeze %dma_wait3A_65 : memref<1x2x120xi32, #tpu.memory_space<hbm>> -> memref<2x120xi32, #tpu.memory_space<hbm>>
      %dma_wait3A_67 = arith.constant 0 : i32
      %dma_wait3A_68 = arith.constant 0 : i32
      %dma_wait3A_69 = tpu.memref_slice %arg3[%add3A_33, %dma_wait3A_67, %dma_wait3A_68] : memref<2688x2x120xi32, #tpu.memory_space<hbm>> -> memref<1x2x120xi32, #tpu.memory_space<hbm>>
      %dma_wait3A_70 = tpu.memref_squeeze %dma_wait3A_69 : memref<1x2x120xi32, #tpu.memory_space<hbm>> -> memref<2x120xi32, #tpu.memory_space<hbm>>
      tpu.wait_dma2 semaphore(%run_scoped3A : memref<!tpu.dma_semaphore, #tpu.memory_space<semaphore_mem>>) src(%dma_wait3A_70 : memref<2x120xi32, #tpu.memory_space<hbm>>) dst(%arg7 : memref<2x120xi32, #tpu.memory_space<vmem>>)
      tpu.yield
    }) : () -> ()
    %dma_start3A_34 = arith.constant 0 : i32
    %dma_start3A_35 = arith.constant 0 : i32
    %dma_start3A_36 = tpu.memref_slice %arg7[%dma_start3A_34, %dma_start3A_35] : memref<2x120xi32, #tpu.memory_space<vmem>> -> memref<1x120xi32, #tpu.memory_space<vmem>>
    %dma_start3A_37 = tpu.memref_squeeze %dma_start3A_36 : memref<1x120xi32, #tpu.memory_space<vmem>> -> memref<120xi32, #tpu.memory_space<vmem>>
    %dma_start3A_38 = arith.constant 0 : i32
    %dma_start3A_39 = arith.constant 0 : i32
    %dma_start3A_40 = tpu.memref_slice %arg2[%dma_start3A_38, %dma_start3A_39] : memref<10000x128xf32, #tpu.memory_space<hbm>> -> memref<10000x128xf32, #tpu.memory_space<hbm>>
    tpu.enqueue_indirect_dma source(%dma_start3A_40 : memref<10000x128xf32, #tpu.memory_space<hbm>>) target(%arg10 : memref<120x128xf32, #tpu.memory_space<vmem>>) offsets(%dma_start3A_37 : memref<120xi32, #tpu.memory_space<vmem>>) semaphore(%arg13 : memref<!tpu.dma_semaphore, #tpu.memory_space<semaphore_mem>>)
    %scan3A_41 = arith.constant 0 : i32
    %scan3A_42 = arith.constant 0 : i32
    %scan3A_43 = arith.constant 28 : i32
    %scan3A_44 = arith.addi %scan3A_42, %scan3A_43 : i32
    %scan3A_45 = arith.constant 1 : i32
    %scan3A_46 = scf.for %scan3A_55 = %scan3A_42 to %scan3A_44 step %scan3A_45 iter_args(%scan3A_56 = %scan3A_41) -> (i32)  : i32 {
      %mul3A_57 = arith.constant 3 : i32
      %mul3A_58 = arith.muli %scan3A_55, %mul3A_57 : i32
      %add3A_59 = arith.constant 0 : i32
      %add3A_60 = arith.addi %mul3A_58, %add3A_59 : i32
      %dma_wait3A_61 = arith.constant 0 : i32
      %dma_wait3A_62 = arith.constant 0 : i32
      %dma_wait3A_63 = tpu.memref_slice %arg6[%dma_wait3A_61, %dma_wait3A_62] : memref<2x120xi32, #tpu.memory_space<vmem>> -> memref<1x120xi32, #tpu.memory_space<vmem>>
      %dma_wait3A_64 = tpu.memref_squeeze %dma_wait3A_63 : memref<1x120xi32, #tpu.memory_space<vmem>> -> memref<120xi32, #tpu.memory_space<vmem>>
      %dma_wait3A_65 = arith.constant 0 : i32
      %dma_wait3A_66 = arith.constant 0 : i32
      %dma_wait3A_67 = tpu.memref_slice %arg2[%dma_wait3A_65, %dma_wait3A_66] : memref<10000x128xf32, #tpu.memory_space<hbm>> -> memref<10000x128xf32, #tpu.memory_space<hbm>>
      tpu.wait_indirect_dma semaphore(%arg12 : memref<!tpu.dma_semaphore, #tpu.memory_space<semaphore_mem>>) src(%dma_wait3A_67 : memref<10000x128xf32, #tpu.memory_space<hbm>>) dst(%arg9 : memref<120x128xf32, #tpu.memory_space<vmem>>)
      %dma_start3A_68 = arith.constant 1 : i32
      %dma_start3A_69 = arith.constant 0 : i32
      %dma_start3A_70 = tpu.memref_slice %arg6[%dma_start3A_68, %dma_start3A_69] : memref<2x120xi32, #tpu.memory_space<vmem>> -> memref<1x120xi32, #tpu.memory_space<vmem>>
      %dma_start3A_71 = tpu.memref_squeeze %dma_start3A_70 : memref<1x120xi32, #tpu.memory_space<vmem>> -> memref<120xi32, #tpu.memory_space<vmem>>
      %dma_start3A_72 = arith.constant 0 : i32
      %dma_start3A_73 = arith.constant 0 : i32
      %dma_start3A_74 = tpu.memref_slice %arg5[%dma_start3A_72, %dma_start3A_73] : memref<10112x128xf32, #tpu.memory_space<vmem_shared>> -> memref<10112x128xf32, #tpu.memory_space<vmem_shared>>
      tpu.enqueue_indirect_dma source(%arg9 : memref<120x128xf32, #tpu.memory_space<vmem>>) target(%dma_start3A_74 : memref<10112x128xf32, #tpu.memory_space<vmem_shared>>) offsets(%dma_start3A_71 : memref<120xi32, #tpu.memory_space<vmem>>) semaphore(%arg15 : memref<!tpu.dma_semaphore, #tpu.memory_space<semaphore_mem>>) {add = true}
      %ge3A = arith.constant 1 : i32
      %ge3A_75 = arith.cmpi sge, %add3A_60, %ge3A : i32
      %convert_element_type3A = arith.extui %ge3A_75 : i1 to i32
      %cond3A = arith.constant 0 : i32
      %cond3A_76 = arith.cmpi ne, %convert_element_type3A, %cond3A : i32
      scf.if %cond3A_76 {
        %dma_wait3A_149 = arith.constant 0 : i32
        %dma_wait3A_150 = arith.constant 0 : i32
        %dma_wait3A_151 = tpu.memref_slice %arg8[%dma_wait3A_149, %dma_wait3A_150] : memref<2x120xi32, #tpu.memory_space<vmem>> -> memref<1x120xi32, #tpu.memory_space<vmem>>
        %dma_wait3A_152 = tpu.memref_squeeze %dma_wait3A_151 : memref<1x120xi32, #tpu.memory_space<vmem>> -> memref<120xi32, #tpu.memory_space<vmem>>
        %dma_wait3A_153 = arith.constant 0 : i32
        %dma_wait3A_154 = arith.constant 0 : i32
        %dma_wait3A_155 = tpu.memref_slice %arg2[%dma_wait3A_153, %dma_wait3A_154] : memref<10000x128xf32, #tpu.memory_space<hbm>> -> memref<10000x128xf32, #tpu.memory_space<hbm>>
        tpu.wait_indirect_dma semaphore(%arg17 : memref<!tpu.dma_semaphore, #tpu.memory_space<semaphore_mem>>) src(%dma_wait3A_155 : memref<10000x128xf32, #tpu.memory_space<hbm>>) dst(%arg11 : memref<120x128xf32, #tpu.memory_space<vmem>>)
      } else {
      }
      %add3A_77 = arith.constant 3 : i32
      %add3A_78 = arith.addi %add3A_60, %add3A_77 : i32
      %sub3A = arith.constant 1 : i32
      %sub3A_79 = arith.subi %add3A_78, %sub3A : i32
      %lt3A = arith.constant 84 : i32
      %lt3A_80 = arith.cmpi slt, %sub3A_79, %lt3A : i32
      %convert_element_type3A_81 = arith.extui %lt3A_80 : i1 to i32
      %cond3A_82 = arith.constant 0 : i32
      %cond3A_83 = arith.cmpi ne, %convert_element_type3A_81, %cond3A_82 : i32
      scf.if %cond3A_83 {
        %add3A_149 = arith.constant 3 : i32
        %add3A_150 = arith.addi %add3A_60, %add3A_149 : i32
        %sub3A_151 = arith.constant 1 : i32
        %sub3A_152 = arith.subi %add3A_150, %sub3A_151 : i32
        %add3A_153 = arith.addi %mul3A_23, %sub3A_152 : i32
        "tpu.region"() ({
          %run_scoped3A = tpu.sem_alloc : memref<!tpu.dma_semaphore, #tpu.memory_space<semaphore_mem>>
          %dma_start3A_161 = arith.constant 0 : i32
          %dma_start3A_162 = arith.constant 0 : i32
          %dma_start3A_163 = tpu.memref_slice %arg3[%add3A_153, %dma_start3A_161, %dma_start3A_162] : memref<2688x2x120xi32, #tpu.memory_space<hbm>> -> memref<1x2x120xi32, #tpu.memory_space<hbm>>
          %dma_start3A_164 = tpu.memref_squeeze %dma_start3A_163 : memref<1x2x120xi32, #tpu.memory_space<hbm>> -> memref<2x120xi32, #tpu.memory_space<hbm>>
          %dma_start3A_165 = arith.constant 0 : i32
          %dma_start3A_166 = arith.constant 0 : i32
          %dma_start3A_167 = tpu.memref_slice %arg3[%add3A_153, %dma_start3A_165, %dma_start3A_166] : memref<2688x2x120xi32, #tpu.memory_space<hbm>> -> memref<1x2x120xi32, #tpu.memory_space<hbm>>
          %dma_start3A_168 = tpu.memref_squeeze %dma_start3A_167 : memref<1x2x120xi32, #tpu.memory_space<hbm>> -> memref<2x120xi32, #tpu.memory_space<hbm>>
          tpu.enqueue_dma source(%dma_start3A_168 : memref<2x120xi32, #tpu.memory_space<hbm>>) target(%arg8 : memref<2x120xi32, #tpu.memory_space<vmem>>) target_semaphore(%run_scoped3A : memref<!tpu.dma_semaphore, #tpu.memory_space<semaphore_mem>>)
          %dma_wait3A_169 = arith.constant 0 : i32
          %dma_wait3A_170 = arith.constant 0 : i32
          %dma_wait3A_171 = tpu.memref_slice %arg3[%add3A_153, %dma_wait3A_169, %dma_wait3A_170] : memref<2688x2x120xi32, #tpu.memory_space<hbm>> -> memref<1x2x120xi32, #tpu.memory_space<hbm>>
          %dma_wait3A_172 = tpu.memref_squeeze %dma_wait3A_171 : memref<1x2x120xi32, #tpu.memory_space<hbm>> -> memref<2x120xi32, #tpu.memory_space<hbm>>
          %dma_wait3A_173 = arith.constant 0 : i32
          %dma_wait3A_174 = arith.constant 0 : i32
          %dma_wait3A_175 = tpu.memref_slice %arg3[%add3A_153, %dma_wait3A_173, %dma_wait3A_174] : memref<2688x2x120xi32, #tpu.memory_space<hbm>> -> memref<1x2x120xi32, #tpu.memory_space<hbm>>
          %dma_wait3A_176 = tpu.memref_squeeze %dma_wait3A_175 : memref<1x2x120xi32, #tpu.memory_space<hbm>> -> memref<2x120xi32, #tpu.memory_space<hbm>>
          tpu.wait_dma2 semaphore(%run_scoped3A : memref<!tpu.dma_semaphore, #tpu.memory_space<semaphore_mem>>) src(%dma_wait3A_176 : memref<2x120xi32, #tpu.memory_space<hbm>>) dst(%arg8 : memref<2x120xi32, #tpu.memory_space<vmem>>)
          tpu.yield
        }) : () -> ()
        %dma_start3A_154 = arith.constant 0 : i32
        %dma_start3A_155 = arith.constant 0 : i32
        %dma_start3A_156 = tpu.memref_slice %arg8[%dma_start3A_154, %dma_start3A_155] : memref<2x120xi32, #tpu.memory_space<vmem>> -> memref<1x120xi32, #tpu.memory_space<vmem>>
        %dma_start3A_157 = tpu.memref_squeeze %dma_start3A_156 : memref<1x120xi32, #tpu.memory_space<vmem>> -> memref<120xi32, #tpu.memory_space<vmem>>
        %dma_start3A_158 = arith.constant 0 : i32
        %dma_start3A_159 = arith.constant 0 : i32
        %dma_start3A_160 = tpu.memref_slice %arg2[%dma_start3A_158, %dma_start3A_159] : memref<10000x128xf32, #tpu.memory_space<hbm>> -> memref<10000x128xf32, #tpu.memory_space<hbm>>
        tpu.enqueue_indirect_dma source(%dma_start3A_160 : memref<10000x128xf32, #tpu.memory_space<hbm>>) target(%arg11 : memref<120x128xf32, #tpu.memory_space<vmem>>) offsets(%dma_start3A_157 : memref<120xi32, #tpu.memory_space<vmem>>) semaphore(%arg14 : memref<!tpu.dma_semaphore, #tpu.memory_space<semaphore_mem>>)
      } else {
      }
      %mul3A_84 = arith.constant 3 : i32
      %mul3A_85 = arith.muli %scan3A_55, %mul3A_84 : i32
      %add3A_86 = arith.constant 1 : i32
      %add3A_87 = arith.addi %mul3A_85, %add3A_86 : i32
      %dma_wait3A_88 = arith.constant 0 : i32
      %dma_wait3A_89 = arith.constant 0 : i32
      %dma_wait3A_90 = tpu.memref_slice %arg7[%dma_wait3A_88, %dma_wait3A_89] : memref<2x120xi32, #tpu.memory_space<vmem>> -> memref<1x120xi32, #tpu.memory_space<vmem>>
      %dma_wait3A_91 = tpu.memref_squeeze %dma_wait3A_90 : memref<1x120xi32, #tpu.memory_space<vmem>> -> memref<120xi32, #tpu.memory_space<vmem>>
      %dma_wait3A_92 = arith.constant 0 : i32
      %dma_wait3A_93 = arith.constant 0 : i32
      %dma_wait3A_94 = tpu.memref_slice %arg2[%dma_wait3A_92, %dma_wait3A_93] : memref<10000x128xf32, #tpu.memory_space<hbm>> -> memref<10000x128xf32, #tpu.memory_space<hbm>>
      tpu.wait_indirect_dma semaphore(%arg13 : memref<!tpu.dma_semaphore, #tpu.memory_space<semaphore_mem>>) src(%dma_wait3A_94 : memref<10000x128xf32, #tpu.memory_space<hbm>>) dst(%arg10 : memref<120x128xf32, #tpu.memory_space<vmem>>)
      %dma_start3A_95 = arith.constant 1 : i32
      %dma_start3A_96 = arith.constant 0 : i32
      %dma_start3A_97 = tpu.memref_slice %arg7[%dma_start3A_95, %dma_start3A_96] : memref<2x120xi32, #tpu.memory_space<vmem>> -> memref<1x120xi32, #tpu.memory_space<vmem>>
      %dma_start3A_98 = tpu.memref_squeeze %dma_start3A_97 : memref<1x120xi32, #tpu.memory_space<vmem>> -> memref<120xi32, #tpu.memory_space<vmem>>
      %dma_start3A_99 = arith.constant 0 : i32
      %dma_start3A_100 = arith.constant 0 : i32
      %dma_start3A_101 = tpu.memref_slice %arg5[%dma_start3A_99, %dma_start3A_100] : memref<10112x128xf32, #tpu.memory_space<vmem_shared>> -> memref<10112x128xf32, #tpu.memory_space<vmem_shared>>
      tpu.enqueue_indirect_dma source(%arg10 : memref<120x128xf32, #tpu.memory_space<vmem>>) target(%dma_start3A_101 : memref<10112x128xf32, #tpu.memory_space<vmem_shared>>) offsets(%dma_start3A_98 : memref<120xi32, #tpu.memory_space<vmem>>) semaphore(%arg16 : memref<!tpu.dma_semaphore, #tpu.memory_space<semaphore_mem>>) {add = true}
      %ge3A_102 = arith.constant 1 : i32
      %ge3A_103 = arith.cmpi sge, %add3A_87, %ge3A_102 : i32
      %convert_element_type3A_104 = arith.extui %ge3A_103 : i1 to i32
      %cond3A_105 = arith.constant 0 : i32
      %cond3A_106 = arith.cmpi ne, %convert_element_type3A_104, %cond3A_105 : i32
      scf.if %cond3A_106 {
        %dma_wait3A_149 = arith.constant 0 : i32
        %dma_wait3A_150 = arith.constant 0 : i32
        %dma_wait3A_151 = tpu.memref_slice %arg6[%dma_wait3A_149, %dma_wait3A_150] : memref<2x120xi32, #tpu.memory_space<vmem>> -> memref<1x120xi32, #tpu.memory_space<vmem>>
        %dma_wait3A_152 = tpu.memref_squeeze %dma_wait3A_151 : memref<1x120xi32, #tpu.memory_space<vmem>> -> memref<120xi32, #tpu.memory_space<vmem>>
        %dma_wait3A_153 = arith.constant 0 : i32
        %dma_wait3A_154 = arith.constant 0 : i32
        %dma_wait3A_155 = tpu.memref_slice %arg2[%dma_wait3A_153, %dma_wait3A_154] : memref<10000x128xf32, #tpu.memory_space<hbm>> -> memref<10000x128xf32, #tpu.memory_space<hbm>>
        tpu.wait_indirect_dma semaphore(%arg15 : memref<!tpu.dma_semaphore, #tpu.memory_space<semaphore_mem>>) src(%dma_wait3A_155 : memref<10000x128xf32, #tpu.memory_space<hbm>>) dst(%arg9 : memref<120x128xf32, #tpu.memory_space<vmem>>)
      } else {
      }
      %add3A_107 = arith.constant 3 : i32
      %add3A_108 = arith.addi %add3A_87, %add3A_107 : i32
      %sub3A_109 = arith.constant 1 : i32
      %sub3A_110 = arith.subi %add3A_108, %sub3A_109 : i32
      %lt3A_111 = arith.constant 84 : i32
      %lt3A_112 = arith.cmpi slt, %sub3A_110, %lt3A_111 : i32
      %convert_element_type3A_113 = arith.extui %lt3A_112 : i1 to i32
      %cond3A_114 = arith.constant 0 : i32
      %cond3A_115 = arith.cmpi ne, %convert_element_type3A_113, %cond3A_114 : i32
      scf.if %cond3A_115 {
        %add3A_149 = arith.constant 3 : i32
        %add3A_150 = arith.addi %add3A_87, %add3A_149 : i32
        %sub3A_151 = arith.constant 1 : i32
        %sub3A_152 = arith.subi %add3A_150, %sub3A_151 : i32
        %add3A_153 = arith.addi %mul3A_23, %sub3A_152 : i32
        "tpu.region"() ({
          %run_scoped3A = tpu.sem_alloc : memref<!tpu.dma_semaphore, #tpu.memory_space<semaphore_mem>>
          %dma_start3A_161 = arith.constant 0 : i32
          %dma_start3A_162 = arith.constant 0 : i32
          %dma_start3A_163 = tpu.memref_slice %arg3[%add3A_153, %dma_start3A_161, %dma_start3A_162] : memref<2688x2x120xi32, #tpu.memory_space<hbm>> -> memref<1x2x120xi32, #tpu.memory_space<hbm>>
          %dma_start3A_164 = tpu.memref_squeeze %dma_start3A_163 : memref<1x2x120xi32, #tpu.memory_space<hbm>> -> memref<2x120xi32, #tpu.memory_space<hbm>>
          %dma_start3A_165 = arith.constant 0 : i32
          %dma_start3A_166 = arith.constant 0 : i32
          %dma_start3A_167 = tpu.memref_slice %arg3[%add3A_153, %dma_start3A_165, %dma_start3A_166] : memref<2688x2x120xi32, #tpu.memory_space<hbm>> -> memref<1x2x120xi32, #tpu.memory_space<hbm>>
          %dma_start3A_168 = tpu.memref_squeeze %dma_start3A_167 : memref<1x2x120xi32, #tpu.memory_space<hbm>> -> memref<2x120xi32, #tpu.memory_space<hbm>>
          tpu.enqueue_dma source(%dma_start3A_168 : memref<2x120xi32, #tpu.memory_space<hbm>>) target(%arg6 : memref<2x120xi32, #tpu.memory_space<vmem>>) target_semaphore(%run_scoped3A : memref<!tpu.dma_semaphore, #tpu.memory_space<semaphore_mem>>)
          %dma_wait3A_169 = arith.constant 0 : i32
          %dma_wait3A_170 = arith.constant 0 : i32
          %dma_wait3A_171 = tpu.memref_slice %arg3[%add3A_153, %dma_wait3A_169, %dma_wait3A_170] : memref<2688x2x120xi32, #tpu.memory_space<hbm>> -> memref<1x2x120xi32, #tpu.memory_space<hbm>>
          %dma_wait3A_172 = tpu.memref_squeeze %dma_wait3A_171 : memref<1x2x120xi32, #tpu.memory_space<hbm>> -> memref<2x120xi32, #tpu.memory_space<hbm>>
          %dma_wait3A_173 = arith.constant 0 : i32
          %dma_wait3A_174 = arith.constant 0 : i32
          %dma_wait3A_175 = tpu.memref_slice %arg3[%add3A_153, %dma_wait3A_173, %dma_wait3A_174] : memref<2688x2x120xi32, #tpu.memory_space<hbm>> -> memref<1x2x120xi32, #tpu.memory_space<hbm>>
          %dma_wait3A_176 = tpu.memref_squeeze %dma_wait3A_175 : memref<1x2x120xi32, #tpu.memory_space<hbm>> -> memref<2x120xi32, #tpu.memory_space<hbm>>
          tpu.wait_dma2 semaphore(%run_scoped3A : memref<!tpu.dma_semaphore, #tpu.memory_space<semaphore_mem>>) src(%dma_wait3A_176 : memref<2x120xi32, #tpu.memory_space<hbm>>) dst(%arg6 : memref<2x120xi32, #tpu.memory_space<vmem>>)
          tpu.yield
        }) : () -> ()
        %dma_start3A_154 = arith.constant 0 : i32
        %dma_start3A_155 = arith.constant 0 : i32
        %dma_start3A_156 = tpu.memref_slice %arg6[%dma_start3A_154, %dma_start3A_155] : memref<2x120xi32, #tpu.memory_space<vmem>> -> memref<1x120xi32, #tpu.memory_space<vmem>>
        %dma_start3A_157 = tpu.memref_squeeze %dma_start3A_156 : memref<1x120xi32, #tpu.memory_space<vmem>> -> memref<120xi32, #tpu.memory_space<vmem>>
        %dma_start3A_158 = arith.constant 0 : i32
        %dma_start3A_159 = arith.constant 0 : i32
        %dma_start3A_160 = tpu.memref_slice %arg2[%dma_start3A_158, %dma_start3A_159] : memref<10000x128xf32, #tpu.memory_space<hbm>> -> memref<10000x128xf32, #tpu.memory_space<hbm>>
        tpu.enqueue_indirect_dma source(%dma_start3A_160 : memref<10000x128xf32, #tpu.memory_space<hbm>>) target(%arg9 : memref<120x128xf32, #tpu.memory_space<vmem>>) offsets(%dma_start3A_157 : memref<120xi32, #tpu.memory_space<vmem>>) semaphore(%arg12 : memref<!tpu.dma_semaphore, #tpu.memory_space<semaphore_mem>>)
      } else {
      }
      %mul3A_116 = arith.constant 3 : i32
      %mul3A_117 = arith.muli %scan3A_55, %mul3A_116 : i32
      %add3A_118 = arith.constant 2 : i32
      %add3A_119 = arith.addi %mul3A_117, %add3A_118 : i32
      %dma_wait3A_120 = arith.constant 0 : i32
      %dma_wait3A_121 = arith.constant 0 : i32
      %dma_wait3A_122 = tpu.memref_slice %arg8[%dma_wait3A_120, %dma_wait3A_121] : memref<2x120xi32, #tpu.memory_space<vmem>> -> memref<1x120xi32, #tpu.memory_space<vmem>>
      %dma_wait3A_123 = tpu.memref_squeeze %dma_wait3A_122 : memref<1x120xi32, #tpu.memory_space<vmem>> -> memref<120xi32, #tpu.memory_space<vmem>>
      %dma_wait3A_124 = arith.constant 0 : i32
      %dma_wait3A_125 = arith.constant 0 : i32
      %dma_wait3A_126 = tpu.memref_slice %arg2[%dma_wait3A_124, %dma_wait3A_125] : memref<10000x128xf32, #tpu.memory_space<hbm>> -> memref<10000x128xf32, #tpu.memory_space<hbm>>
      tpu.wait_indirect_dma semaphore(%arg14 : memref<!tpu.dma_semaphore, #tpu.memory_space<semaphore_mem>>) src(%dma_wait3A_126 : memref<10000x128xf32, #tpu.memory_space<hbm>>) dst(%arg11 : memref<120x128xf32, #tpu.memory_space<vmem>>)
      %dma_start3A_127 = arith.constant 1 : i32
      %dma_start3A_128 = arith.constant 0 : i32
      %dma_start3A_129 = tpu.memref_slice %arg8[%dma_start3A_127, %dma_start3A_128] : memref<2x120xi32, #tpu.memory_space<vmem>> -> memref<1x120xi32, #tpu.memory_space<vmem>>
      %dma_start3A_130 = tpu.memref_squeeze %dma_start3A_129 : memref<1x120xi32, #tpu.memory_space<vmem>> -> memref<120xi32, #tpu.memory_space<vmem>>
      %dma_start3A_131 = arith.constant 0 : i32
      %dma_start3A_132 = arith.constant 0 : i32
      %dma_start3A_133 = tpu.memref_slice %arg5[%dma_start3A_131, %dma_start3A_132] : memref<10112x128xf32, #tpu.memory_space<vmem_shared>> -> memref<10112x128xf32, #tpu.memory_space<vmem_shared>>
      tpu.enqueue_indirect_dma source(%arg11 : memref<120x128xf32, #tpu.memory_space<vmem>>) target(%dma_start3A_133 : memref<10112x128xf32, #tpu.memory_space<vmem_shared>>) offsets(%dma_start3A_130 : memref<120xi32, #tpu.memory_space<vmem>>) semaphore(%arg17 : memref<!tpu.dma_semaphore, #tpu.memory_space<semaphore_mem>>) {add = true}
      %ge3A_134 = arith.constant 1 : i32
      %ge3A_135 = arith.cmpi sge, %add3A_119, %ge3A_134 : i32
      %convert_element_type3A_136 = arith.extui %ge3A_135 : i1 to i32
      %cond3A_137 = arith.constant 0 : i32
      %cond3A_138 = arith.cmpi ne, %convert_element_type3A_136, %cond3A_137 : i32
      scf.if %cond3A_138 {
        %dma_wait3A_149 = arith.constant 0 : i32
        %dma_wait3A_150 = arith.constant 0 : i32
        %dma_wait3A_151 = tpu.memref_slice %arg7[%dma_wait3A_149, %dma_wait3A_150] : memref<2x120xi32, #tpu.memory_space<vmem>> -> memref<1x120xi32, #tpu.memory_space<vmem>>
        %dma_wait3A_152 = tpu.memref_squeeze %dma_wait3A_151 : memref<1x120xi32, #tpu.memory_space<vmem>> -> memref<120xi32, #tpu.memory_space<vmem>>
        %dma_wait3A_153 = arith.constant 0 : i32
        %dma_wait3A_154 = arith.constant 0 : i32
        %dma_wait3A_155 = tpu.memref_slice %arg2[%dma_wait3A_153, %dma_wait3A_154] : memref<10000x128xf32, #tpu.memory_space<hbm>> -> memref<10000x128xf32, #tpu.memory_space<hbm>>
        tpu.wait_indirect_dma semaphore(%arg16 : memref<!tpu.dma_semaphore, #tpu.memory_space<semaphore_mem>>) src(%dma_wait3A_155 : memref<10000x128xf32, #tpu.memory_space<hbm>>) dst(%arg10 : memref<120x128xf32, #tpu.memory_space<vmem>>)
      } else {
      }
      %add3A_139 = arith.constant 3 : i32
      %add3A_140 = arith.addi %add3A_119, %add3A_139 : i32
      %sub3A_141 = arith.constant 1 : i32
      %sub3A_142 = arith.subi %add3A_140, %sub3A_141 : i32
      %lt3A_143 = arith.constant 84 : i32
      %lt3A_144 = arith.cmpi slt, %sub3A_142, %lt3A_143 : i32
      %convert_element_type3A_145 = arith.extui %lt3A_144 : i1 to i32
      %cond3A_146 = arith.constant 0 : i32
      %cond3A_147 = arith.cmpi ne, %convert_element_type3A_145, %cond3A_146 : i32
      scf.if %cond3A_147 {
        %add3A_149 = arith.constant 3 : i32
        %add3A_150 = arith.addi %add3A_119, %add3A_149 : i32
        %sub3A_151 = arith.constant 1 : i32
        %sub3A_152 = arith.subi %add3A_150, %sub3A_151 : i32
        %add3A_153 = arith.addi %mul3A_23, %sub3A_152 : i32
        "tpu.region"() ({
          %run_scoped3A = tpu.sem_alloc : memref<!tpu.dma_semaphore, #tpu.memory_space<semaphore_mem>>
          %dma_start3A_161 = arith.constant 0 : i32
          %dma_start3A_162 = arith.constant 0 : i32
          %dma_start3A_163 = tpu.memref_slice %arg3[%add3A_153, %dma_start3A_161, %dma_start3A_162] : memref<2688x2x120xi32, #tpu.memory_space<hbm>> -> memref<1x2x120xi32, #tpu.memory_space<hbm>>
          %dma_start3A_164 = tpu.memref_squeeze %dma_start3A_163 : memref<1x2x120xi32, #tpu.memory_space<hbm>> -> memref<2x120xi32, #tpu.memory_space<hbm>>
          %dma_start3A_165 = arith.constant 0 : i32
          %dma_start3A_166 = arith.constant 0 : i32
          %dma_start3A_167 = tpu.memref_slice %arg3[%add3A_153, %dma_start3A_165, %dma_start3A_166] : memref<2688x2x120xi32, #tpu.memory_space<hbm>> -> memref<1x2x120xi32, #tpu.memory_space<hbm>>
          %dma_start3A_168 = tpu.memref_squeeze %dma_start3A_167 : memref<1x2x120xi32, #tpu.memory_space<hbm>> -> memref<2x120xi32, #tpu.memory_space<hbm>>
          tpu.enqueue_dma source(%dma_start3A_168 : memref<2x120xi32, #tpu.memory_space<hbm>>) target(%arg7 : memref<2x120xi32, #tpu.memory_space<vmem>>) target_semaphore(%run_scoped3A : memref<!tpu.dma_semaphore, #tpu.memory_space<semaphore_mem>>)
          %dma_wait3A_169 = arith.constant 0 : i32
          %dma_wait3A_170 = arith.constant 0 : i32
          %dma_wait3A_171 = tpu.memref_slice %arg3[%add3A_153, %dma_wait3A_169, %dma_wait3A_170] : memref<2688x2x120xi32, #tpu.memory_space<hbm>> -> memref<1x2x120xi32, #tpu.memory_space<hbm>>
          %dma_wait3A_172 = tpu.memref_squeeze %dma_wait3A_171 : memref<1x2x120xi32, #tpu.memory_space<hbm>> -> memref<2x120xi32, #tpu.memory_space<hbm>>
          %dma_wait3A_173 = arith.constant 0 : i32
          %dma_wait3A_174 = arith.constant 0 : i32
          %dma_wait3A_175 = tpu.memref_slice %arg3[%add3A_153, %dma_wait3A_173, %dma_wait3A_174] : memref<2688x2x120xi32, #tpu.memory_space<hbm>> -> memref<1x2x120xi32, #tpu.memory_space<hbm>>
          %dma_wait3A_176 = tpu.memref_squeeze %dma_wait3A_175 : memref<1x2x120xi32, #tpu.memory_space<hbm>> -> memref<2x120xi32, #tpu.memory_space<hbm>>
          tpu.wait_dma2 semaphore(%run_scoped3A : memref<!tpu.dma_semaphore, #tpu.memory_space<semaphore_mem>>) src(%dma_wait3A_176 : memref<2x120xi32, #tpu.memory_space<hbm>>) dst(%arg7 : memref<2x120xi32, #tpu.memory_space<vmem>>)
          tpu.yield
        }) : () -> ()
        %dma_start3A_154 = arith.constant 0 : i32
        %dma_start3A_155 = arith.constant 0 : i32
        %dma_start3A_156 = tpu.memref_slice %arg7[%dma_start3A_154, %dma_start3A_155] : memref<2x120xi32, #tpu.memory_space<vmem>> -> memref<1x120xi32, #tpu.memory_space<vmem>>
        %dma_start3A_157 = tpu.memref_squeeze %dma_start3A_156 : memref<1x120xi32, #tpu.memory_space<vmem>> -> memref<120xi32, #tpu.memory_space<vmem>>
        %dma_start3A_158 = arith.constant 0 : i32
        %dma_start3A_159 = arith.constant 0 : i32
        %dma_start3A_160 = tpu.memref_slice %arg2[%dma_start3A_158, %dma_start3A_159] : memref<10000x128xf32, #tpu.memory_space<hbm>> -> memref<10000x128xf32, #tpu.memory_space<hbm>>
        tpu.enqueue_indirect_dma source(%dma_start3A_160 : memref<10000x128xf32, #tpu.memory_space<hbm>>) target(%arg10 : memref<120x128xf32, #tpu.memory_space<vmem>>) offsets(%dma_start3A_157 : memref<120xi32, #tpu.memory_space<vmem>>) semaphore(%arg13 : memref<!tpu.dma_semaphore, #tpu.memory_space<semaphore_mem>>)
      } else {
      }
      %scan3A_148 = arith.constant 0 : i32
      scf.yield %scan3A_148 : i32
    }
    %scan3A_47 = arith.constant 28 : i32
    %dma_wait3A = arith.constant 0 : i32
    %dma_wait3A_48 = arith.constant 0 : i32
    %dma_wait3A_49 = tpu.memref_slice %arg8[%dma_wait3A, %dma_wait3A_48] : memref<2x120xi32, #tpu.memory_space<vmem>> -> memref<1x120xi32, #tpu.memory_space<vmem>>
    %dma_wait3A_50 = tpu.memref_squeeze %dma_wait3A_49 : memref<1x120xi32, #tpu.memory_space<vmem>> -> memref<120xi32, #tpu.memory_space<vmem>>
    %dma_wait3A_51 = arith.constant 0 : i32
    %dma_wait3A_52 = arith.constant 0 : i32
    %dma_wait3A_53 = tpu.memref_slice %arg2[%dma_wait3A_51, %dma_wait3A_52] : memref<10000x128xf32, #tpu.memory_space<hbm>> -> memref<10000x128xf32, #tpu.memory_space<hbm>>
    tpu.wait_indirect_dma semaphore(%arg17 : memref<!tpu.dma_semaphore, #tpu.memory_space<semaphore_mem>>) src(%dma_wait3A_53 : memref<10000x128xf32, #tpu.memory_space<hbm>>) dst(%arg11 : memref<120x128xf32, #tpu.memory_space<vmem>>)
    %barrier3A_54 = arith.constant 0 : index
    tpu.barrier barrier_id(%barrier3A_54)
    "tpu.region"() ({
      %run_scoped3A = tpu.sem_alloc : memref<!tpu.dma_semaphore, #tpu.memory_space<semaphore_mem>>
      %dma_start3A_55 = arith.constant 0 : i32
      %dma_start3A_56 = tpu.memref_slice %arg4[%arg0, %mul3A_7, %dma_start3A_55] : memref<2x10112x128xf32, #tpu.memory_space<hbm>> -> memref<1x632x128xf32, #tpu.memory_space<hbm>>
      %dma_start3A_57 = tpu.memref_squeeze %dma_start3A_56 : memref<1x632x128xf32, #tpu.memory_space<hbm>> -> memref<632x128xf32, #tpu.memory_space<hbm>>
      %dma_start3A_58 = arith.constant 0 : i32
      %dma_start3A_59 = tpu.memref_slice %arg5[%mul3A_7, %dma_start3A_58] : memref<10112x128xf32, #tpu.memory_space<vmem_shared>> -> memref<632x128xf32, #tpu.memory_space<vmem_shared>>
      tpu.enqueue_dma source(%dma_start3A_59 : memref<632x128xf32, #tpu.memory_space<vmem_shared>>) target(%dma_start3A_57 : memref<632x128xf32, #tpu.memory_space<hbm>>) target_semaphore(%run_scoped3A : memref<!tpu.dma_semaphore, #tpu.memory_space<semaphore_mem>>)
      %dma_wait3A_60 = arith.constant 0 : i32
      %dma_wait3A_61 = tpu.memref_slice %arg4[%arg0, %mul3A_7, %dma_wait3A_60] : memref<2x10112x128xf32, #tpu.memory_space<hbm>> -> memref<1x632x128xf32, #tpu.memory_space<hbm>>
      %dma_wait3A_62 = tpu.memref_squeeze %dma_wait3A_61 : memref<1x632x128xf32, #tpu.memory_space<hbm>> -> memref<632x128xf32, #tpu.memory_space<hbm>>
      %dma_wait3A_63 = arith.constant 0 : i32
      %dma_wait3A_64 = tpu.memref_slice %arg5[%mul3A_7, %dma_wait3A_63] : memref<10112x128xf32, #tpu.memory_space<vmem_shared>> -> memref<632x128xf32, #tpu.memory_space<vmem_shared>>
      tpu.wait_dma2 semaphore(%run_scoped3A : memref<!tpu.dma_semaphore, #tpu.memory_space<semaphore_mem>>) src(%dma_wait3A_64 : memref<632x128xf32, #tpu.memory_space<vmem_shared>>) dst(%dma_wait3A_62 : memref<632x128xf32, #tpu.memory_space<hbm>>)
      tpu.yield
    }) : () -> ()
    return
  }
}

#map = affine_map<(d0, d1) -> (0)>
#map1 = affine_map<(d0, d1) -> (0, 0)>
#map2 = affine_map<(d0, d1) -> (0, 0, 0)>
module attributes {stable_mosaic.version = 14 : i64} {
  func.func @deg_kernel(%arg0: i32, %arg1: i32, %arg2: memref<322560xi32, #tpu.memory_space<hbm>>, %arg3: memref<128x128xf32, #tpu.memory_space<hbm>>, %arg4: memref<2x10112x128xf32, #tpu.memory_space<hbm>>, %arg5: memref<10112x128xf32, #tpu.memory_space<vmem_shared>>, %arg6: memref<120xi32, #tpu.memory_space<vmem>>, %arg7: memref<120xi32, #tpu.memory_space<vmem>>, %arg8: memref<120x128xf32, #tpu.memory_space<vmem>>, %arg9: memref<!tpu.dma_semaphore, #tpu.memory_space<semaphore_mem>>, %arg10: memref<!tpu.dma_semaphore, #tpu.memory_space<semaphore_mem>>, %arg11: memref<!tpu.dma_semaphore, #tpu.memory_space<semaphore_mem>>, %arg12: memref<!tpu.dma_semaphore, #tpu.memory_space<semaphore_mem>>) attributes {dimension_semantics = [#tpu.dimension_semantics<core_parallel>, #tpu.dimension_semantics<subcore_parallel>], iteration_bounds = array<i64: 2, 16>, scalar_prefetch = 0 : i64, scratch_operands = 8 : i64, tpu.core_type = #tpu.core_type<sc_vector_subcore>, window_params = [{transform_indices = #map}, {transform_indices = #map1}, {transform_indices = #map2}]} {
    %broadcast_in_dim3A = arith.constant 1.000000e+00 : f32
    %broadcast_in_dim3A_0 = vector.broadcast %broadcast_in_dim3A : f32 to vector<16xf32>
    %scan3A = arith.constant 0 : i32
    %scan3A_1 = arith.constant 0 : i32
    %scan3A_2 = arith.constant 960 : i32
    %scan3A_3 = arith.addi %scan3A_1, %scan3A_2 : i32
    %scan3A_4 = arith.constant 1 : i32
    %scan3A_5 = scf.for %scan3A_35 = %scan3A_1 to %scan3A_3 step %scan3A_4 iter_args(%scan3A_36 = %scan3A) -> (i32)  : i32 {
      %jit3A = arith.constant 8 : i32
      %div3A = arith.divsi %scan3A_35, %jit3A : i32
      %sign3A = arith.constant 0 : i32
      %sign3A_37 = arith.cmpi sgt, %scan3A_35, %sign3A : i32
      %sign3A_38 = arith.extui %sign3A_37 : i1 to i32
      %sign3A_39 = arith.constant 0 : i32
      %sign3A_40 = arith.cmpi slt, %scan3A_35, %sign3A_39 : i32
      %sign3A_41 = arith.extui %sign3A_40 : i1 to i32
      %sign3A_42 = arith.subi %sign3A_38, %sign3A_41 : i32
      %sign3A_43 = arith.constant 0 : i32
      %sign3A_44 = arith.cmpi sgt, %jit3A, %sign3A_43 : i32
      %sign3A_45 = arith.extui %sign3A_44 : i1 to i32
      %sign3A_46 = arith.constant 0 : i32
      %sign3A_47 = arith.cmpi slt, %jit3A, %sign3A_46 : i32
      %sign3A_48 = arith.extui %sign3A_47 : i1 to i32
      %sign3A_49 = arith.subi %sign3A_45, %sign3A_48 : i32
      %ne3A = arith.cmpi ne, %sign3A_42, %sign3A_49 : i32
      %rem3A = arith.remsi %scan3A_35, %jit3A : i32
      %ne3A_50 = arith.constant 0 : i32
      %ne3A_51 = arith.cmpi ne, %rem3A, %ne3A_50 : i32
      %and3A = arith.andi %ne3A, %ne3A_51 : i1
      %sub3A = arith.constant 1 : i32
      %sub3A_52 = arith.subi %div3A, %sub3A : i32
      %select_n3A = arith.select %and3A, %sub3A_52, %div3A : i32
      %jit3A_53 = arith.constant 8 : i32
      %eq3A = arith.constant 0 : i32
      %eq3A_54 = arith.cmpi eq, %jit3A_53, %eq3A : i32
      %jit3A_55 = arith.constant 1 : i32
      %select_n3A_56 = arith.select %eq3A_54, %jit3A_55, %jit3A_53 : i32
      %rem3A_57 = arith.remsi %scan3A_35, %select_n3A_56 : i32
      %ne3A_58 = arith.constant 0 : i32
      %ne3A_59 = arith.cmpi ne, %rem3A_57, %ne3A_58 : i32
      %lt3A = arith.constant 0 : i32
      %lt3A_60 = arith.cmpi slt, %rem3A_57, %lt3A : i32
      %lt3A_61 = arith.constant 0 : i32
      %lt3A_62 = arith.cmpi slt, %select_n3A_56, %lt3A_61 : i32
      %ne3A_63 = arith.xori %lt3A_60, %lt3A_62 : i1
      %and3A_64 = arith.andi %ne3A_63, %ne3A_59 : i1
      %add3A_65 = arith.addi %rem3A_57, %select_n3A_56 : i32
      %select_n3A_66 = arith.select %and3A_64, %add3A_65, %rem3A_57 : i32
      %mul3A_67 = arith.constant 16 : i32
      %mul3A_68 = arith.muli %select_n3A_66, %mul3A_67 : i32
      %swap3A = arith.index_cast %select_n3A : i32 to index
      %swap3A_69 = arith.index_cast %mul3A_68 : i32 to index
      %swap3A_70 = tpu.vector_load %arg8[%swap3A, %swap3A_69] {strides = array<i32>} : memref<120x128xf32, #tpu.memory_space<vmem>>, vector<1x16xf32>,
      %swap3A_71 = vector.shape_cast %swap3A_70 : vector<1x16xf32> to vector<16xf32>
      %swap3A_72 = vector.shape_cast %broadcast_in_dim3A_0 : vector<16xf32> to vector<1x16xf32>
      tpu.vector_store %arg8[%swap3A, %swap3A_69], %swap3A_72 {strides = array<i32>} : memref<120x128xf32, #tpu.memory_space<vmem>>, vector<1x16xf32>,
      %scan3A_73 = arith.constant 0 : i32
      scf.yield %scan3A_73 : i32
    }
    %scan3A_6 = arith.constant 960 : i32
    %mul3A = arith.constant 632 : i32
    %mul3A_7 = arith.muli %arg1, %mul3A : i32
    %add3A = arith.constant 0 : i32
    %add3A_8 = arith.addi %mul3A_7, %add3A : i32
    "tpu.region"() ({
      %run_scoped3A = tpu.sem_alloc : memref<!tpu.dma_semaphore, #tpu.memory_space<semaphore_mem>>
      %dma_start3A_35 = arith.constant 0 : i32
      %dma_start3A_36 = tpu.memref_slice %arg5[%add3A_8, %dma_start3A_35] : memref<10112x128xf32, #tpu.memory_space<vmem_shared>> -> memref<128x128xf32, #tpu.memory_space<vmem_shared>>
      %dma_start3A_37 = arith.constant 0 : i32
      %dma_start3A_38 = arith.constant 0 : i32
      %dma_start3A_39 = tpu.memref_slice %arg3[%dma_start3A_37, %dma_start3A_38] : memref<128x128xf32, #tpu.memory_space<hbm>> -> memref<128x128xf32, #tpu.memory_space<hbm>>
      tpu.enqueue_dma source(%dma_start3A_39 : memref<128x128xf32, #tpu.memory_space<hbm>>) target(%dma_start3A_36 : memref<128x128xf32, #tpu.memory_space<vmem_shared>>) target_semaphore(%run_scoped3A : memref<!tpu.dma_semaphore, #tpu.memory_space<semaphore_mem>>)
      %dma_wait3A_40 = arith.constant 0 : i32
      %dma_wait3A_41 = tpu.memref_slice %arg5[%add3A_8, %dma_wait3A_40] : memref<10112x128xf32, #tpu.memory_space<vmem_shared>> -> memref<128x128xf32, #tpu.memory_space<vmem_shared>>
      %dma_wait3A_42 = arith.constant 0 : i32
      %dma_wait3A_43 = arith.constant 0 : i32
      %dma_wait3A_44 = tpu.memref_slice %arg3[%dma_wait3A_42, %dma_wait3A_43] : memref<128x128xf32, #tpu.memory_space<hbm>> -> memref<128x128xf32, #tpu.memory_space<hbm>>
      tpu.wait_dma2 semaphore(%run_scoped3A : memref<!tpu.dma_semaphore, #tpu.memory_space<semaphore_mem>>) src(%dma_wait3A_44 : memref<128x128xf32, #tpu.memory_space<hbm>>) dst(%dma_wait3A_41 : memref<128x128xf32, #tpu.memory_space<vmem_shared>>)
      tpu.yield
    }) : () -> ()
    %add3A_9 = arith.constant 128 : i32
    %add3A_10 = arith.addi %mul3A_7, %add3A_9 : i32
    "tpu.region"() ({
      %run_scoped3A = tpu.sem_alloc : memref<!tpu.dma_semaphore, #tpu.memory_space<semaphore_mem>>
      %dma_start3A_35 = arith.constant 0 : i32
      %dma_start3A_36 = tpu.memref_slice %arg5[%add3A_10, %dma_start3A_35] : memref<10112x128xf32, #tpu.memory_space<vmem_shared>> -> memref<128x128xf32, #tpu.memory_space<vmem_shared>>
      %dma_start3A_37 = arith.constant 0 : i32
      %dma_start3A_38 = arith.constant 0 : i32
      %dma_start3A_39 = tpu.memref_slice %arg3[%dma_start3A_37, %dma_start3A_38] : memref<128x128xf32, #tpu.memory_space<hbm>> -> memref<128x128xf32, #tpu.memory_space<hbm>>
      tpu.enqueue_dma source(%dma_start3A_39 : memref<128x128xf32, #tpu.memory_space<hbm>>) target(%dma_start3A_36 : memref<128x128xf32, #tpu.memory_space<vmem_shared>>) target_semaphore(%run_scoped3A : memref<!tpu.dma_semaphore, #tpu.memory_space<semaphore_mem>>)
      %dma_wait3A_40 = arith.constant 0 : i32
      %dma_wait3A_41 = tpu.memref_slice %arg5[%add3A_10, %dma_wait3A_40] : memref<10112x128xf32, #tpu.memory_space<vmem_shared>> -> memref<128x128xf32, #tpu.memory_space<vmem_shared>>
      %dma_wait3A_42 = arith.constant 0 : i32
      %dma_wait3A_43 = arith.constant 0 : i32
      %dma_wait3A_44 = tpu.memref_slice %arg3[%dma_wait3A_42, %dma_wait3A_43] : memref<128x128xf32, #tpu.memory_space<hbm>> -> memref<128x128xf32, #tpu.memory_space<hbm>>
      tpu.wait_dma2 semaphore(%run_scoped3A : memref<!tpu.dma_semaphore, #tpu.memory_space<semaphore_mem>>) src(%dma_wait3A_44 : memref<128x128xf32, #tpu.memory_space<hbm>>) dst(%dma_wait3A_41 : memref<128x128xf32, #tpu.memory_space<vmem_shared>>)
      tpu.yield
    }) : () -> ()
    %add3A_11 = arith.constant 256 : i32
    %add3A_12 = arith.addi %mul3A_7, %add3A_11 : i32
    "tpu.region"() ({
      %run_scoped3A = tpu.sem_alloc : memref<!tpu.dma_semaphore, #tpu.memory_space<semaphore_mem>>
      %dma_start3A_35 = arith.constant 0 : i32
      %dma_start3A_36 = tpu.memref_slice %arg5[%add3A_12, %dma_start3A_35] : memref<10112x128xf32, #tpu.memory_space<vmem_shared>> -> memref<128x128xf32, #tpu.memory_space<vmem_shared>>
      %dma_start3A_37 = arith.constant 0 : i32
      %dma_start3A_38 = arith.constant 0 : i32
      %dma_start3A_39 = tpu.memref_slice %arg3[%dma_start3A_37, %dma_start3A_38] : memref<128x128xf32, #tpu.memory_space<hbm>> -> memref<128x128xf32, #tpu.memory_space<hbm>>
      tpu.enqueue_dma source(%dma_start3A_39 : memref<128x128xf32, #tpu.memory_space<hbm>>) target(%dma_start3A_36 : memref<128x128xf32, #tpu.memory_space<vmem_shared>>) target_semaphore(%run_scoped3A : memref<!tpu.dma_semaphore, #tpu.memory_space<semaphore_mem>>)
      %dma_wait3A_40 = arith.constant 0 : i32
      %dma_wait3A_41 = tpu.memref_slice %arg5[%add3A_12, %dma_wait3A_40] : memref<10112x128xf32, #tpu.memory_space<vmem_shared>> -> memref<128x128xf32, #tpu.memory_space<vmem_shared>>
      %dma_wait3A_42 = arith.constant 0 : i32
      %dma_wait3A_43 = arith.constant 0 : i32
      %dma_wait3A_44 = tpu.memref_slice %arg3[%dma_wait3A_42, %dma_wait3A_43] : memref<128x128xf32, #tpu.memory_space<hbm>> -> memref<128x128xf32, #tpu.memory_space<hbm>>
      tpu.wait_dma2 semaphore(%run_scoped3A : memref<!tpu.dma_semaphore, #tpu.memory_space<semaphore_mem>>) src(%dma_wait3A_44 : memref<128x128xf32, #tpu.memory_space<hbm>>) dst(%dma_wait3A_41 : memref<128x128xf32, #tpu.memory_space<vmem_shared>>)
      tpu.yield
    }) : () -> ()
    %add3A_13 = arith.constant 384 : i32
    %add3A_14 = arith.addi %mul3A_7, %add3A_13 : i32
    "tpu.region"() ({
      %run_scoped3A = tpu.sem_alloc : memref<!tpu.dma_semaphore, #tpu.memory_space<semaphore_mem>>
      %dma_start3A_35 = arith.constant 0 : i32
      %dma_start3A_36 = tpu.memref_slice %arg5[%add3A_14, %dma_start3A_35] : memref<10112x128xf32, #tpu.memory_space<vmem_shared>> -> memref<128x128xf32, #tpu.memory_space<vmem_shared>>
      %dma_start3A_37 = arith.constant 0 : i32
      %dma_start3A_38 = arith.constant 0 : i32
      %dma_start3A_39 = tpu.memref_slice %arg3[%dma_start3A_37, %dma_start3A_38] : memref<128x128xf32, #tpu.memory_space<hbm>> -> memref<128x128xf32, #tpu.memory_space<hbm>>
      tpu.enqueue_dma source(%dma_start3A_39 : memref<128x128xf32, #tpu.memory_space<hbm>>) target(%dma_start3A_36 : memref<128x128xf32, #tpu.memory_space<vmem_shared>>) target_semaphore(%run_scoped3A : memref<!tpu.dma_semaphore, #tpu.memory_space<semaphore_mem>>)
      %dma_wait3A_40 = arith.constant 0 : i32
      %dma_wait3A_41 = tpu.memref_slice %arg5[%add3A_14, %dma_wait3A_40] : memref<10112x128xf32, #tpu.memory_space<vmem_shared>> -> memref<128x128xf32, #tpu.memory_space<vmem_shared>>
      %dma_wait3A_42 = arith.constant 0 : i32
      %dma_wait3A_43 = arith.constant 0 : i32
      %dma_wait3A_44 = tpu.memref_slice %arg3[%dma_wait3A_42, %dma_wait3A_43] : memref<128x128xf32, #tpu.memory_space<hbm>> -> memref<128x128xf32, #tpu.memory_space<hbm>>
      tpu.wait_dma2 semaphore(%run_scoped3A : memref<!tpu.dma_semaphore, #tpu.memory_space<semaphore_mem>>) src(%dma_wait3A_44 : memref<128x128xf32, #tpu.memory_space<hbm>>) dst(%dma_wait3A_41 : memref<128x128xf32, #tpu.memory_space<vmem_shared>>)
      tpu.yield
    }) : () -> ()
    %add3A_15 = arith.constant 512 : i32
    %add3A_16 = arith.addi %mul3A_7, %add3A_15 : i32
    "tpu.region"() ({
      %run_scoped3A = tpu.sem_alloc : memref<!tpu.dma_semaphore, #tpu.memory_space<semaphore_mem>>
      %dma_start3A_35 = arith.constant 0 : i32
      %dma_start3A_36 = tpu.memref_slice %arg5[%add3A_16, %dma_start3A_35] : memref<10112x128xf32, #tpu.memory_space<vmem_shared>> -> memref<120x128xf32, #tpu.memory_space<vmem_shared>>
      %dma_start3A_37 = arith.constant 0 : i32
      %dma_start3A_38 = arith.constant 0 : i32
      %dma_start3A_39 = tpu.memref_slice %arg3[%dma_start3A_37, %dma_start3A_38] : memref<128x128xf32, #tpu.memory_space<hbm>> -> memref<120x128xf32, #tpu.memory_space<hbm>>
      tpu.enqueue_dma source(%dma_start3A_39 : memref<120x128xf32, #tpu.memory_space<hbm>>) target(%dma_start3A_36 : memref<120x128xf32, #tpu.memory_space<vmem_shared>>) target_semaphore(%run_scoped3A : memref<!tpu.dma_semaphore, #tpu.memory_space<semaphore_mem>>)
      %dma_wait3A_40 = arith.constant 0 : i32
      %dma_wait3A_41 = tpu.memref_slice %arg5[%add3A_16, %dma_wait3A_40] : memref<10112x128xf32, #tpu.memory_space<vmem_shared>> -> memref<120x128xf32, #tpu.memory_space<vmem_shared>>
      %dma_wait3A_42 = arith.constant 0 : i32
      %dma_wait3A_43 = arith.constant 0 : i32
      %dma_wait3A_44 = tpu.memref_slice %arg3[%dma_wait3A_42, %dma_wait3A_43] : memref<128x128xf32, #tpu.memory_space<hbm>> -> memref<120x128xf32, #tpu.memory_space<hbm>>
      tpu.wait_dma2 semaphore(%run_scoped3A : memref<!tpu.dma_semaphore, #tpu.memory_space<semaphore_mem>>) src(%dma_wait3A_44 : memref<120x128xf32, #tpu.memory_space<hbm>>) dst(%dma_wait3A_41 : memref<120x128xf32, #tpu.memory_space<vmem_shared>>)
      tpu.yield
    }) : () -> ()
    %barrier3A = arith.constant 0 : index
    tpu.barrier barrier_id(%barrier3A)
    %mul3A_17 = arith.constant 16 : i32
    %mul3A_18 = arith.muli %arg0, %mul3A_17 : i32
    %add3A_19 = arith.addi %mul3A_18, %arg1 : i32
    %mul3A_20 = arith.constant 10080 : i32
    %mul3A_21 = arith.muli %add3A_19, %mul3A_20 : i32
    %add3A_22 = arith.constant 0 : i32
    %add3A_23 = arith.addi %mul3A_21, %add3A_22 : i32
    %dma_start3A = tpu.memref_slice %arg2[%add3A_23] : memref<322560xi32, #tpu.memory_space<hbm>> -> memref<120xi32, #tpu.memory_space<hbm>>
    %dma_start3A_24 = tpu.memref_slice %arg2[%add3A_23] : memref<322560xi32, #tpu.memory_space<hbm>> -> memref<120xi32, #tpu.memory_space<hbm>>
    tpu.enqueue_dma source(%dma_start3A_24 : memref<120xi32, #tpu.memory_space<hbm>>) target(%arg6 : memref<120xi32, #tpu.memory_space<vmem>>) target_semaphore(%arg9 : memref<!tpu.dma_semaphore, #tpu.memory_space<semaphore_mem>>)
    %scan3A_25 = arith.constant 0 : i32
    %scan3A_26 = arith.constant 0 : i32
    %scan3A_27 = arith.constant 42 : i32
    %scan3A_28 = arith.addi %scan3A_26, %scan3A_27 : i32
    %scan3A_29 = arith.constant 1 : i32
    %scan3A_30 = scf.for %scan3A_35 = %scan3A_26 to %scan3A_28 step %scan3A_29 iter_args(%scan3A_36 = %scan3A_25) -> (i32)  : i32 {
      %mul3A_37 = arith.constant 2 : i32
      %mul3A_38 = arith.muli %scan3A_35, %mul3A_37 : i32
      %add3A_39 = arith.constant 0 : i32
      %add3A_40 = arith.addi %mul3A_38, %add3A_39 : i32
      %dma_wait3A_41 = tpu.memref_slice %arg2[%mul3A_21] : memref<322560xi32, #tpu.memory_space<hbm>> -> memref<120xi32, #tpu.memory_space<hbm>>
      %dma_wait3A_42 = tpu.memref_slice %arg2[%mul3A_21] : memref<322560xi32, #tpu.memory_space<hbm>> -> memref<120xi32, #tpu.memory_space<hbm>>
      tpu.wait_dma2 semaphore(%arg9 : memref<!tpu.dma_semaphore, #tpu.memory_space<semaphore_mem>>) src(%dma_wait3A_42 : memref<120xi32, #tpu.memory_space<hbm>>) dst(%arg6 : memref<120xi32, #tpu.memory_space<vmem>>)
      %ge3A = arith.constant 1 : i32
      %ge3A_43 = arith.cmpi sge, %add3A_40, %ge3A : i32
      %convert_element_type3A = arith.extui %ge3A_43 : i1 to i32
      %cond3A = arith.constant 0 : i32
      %cond3A_44 = arith.cmpi ne, %convert_element_type3A, %cond3A : i32
      scf.if %cond3A_44 {
        %dma_wait3A_76 = arith.constant 0 : i32
        %dma_wait3A_77 = arith.constant 0 : i32
        %dma_wait3A_78 = tpu.memref_slice %arg5[%dma_wait3A_76, %dma_wait3A_77] : memref<10112x128xf32, #tpu.memory_space<vmem_shared>> -> memref<10112x128xf32, #tpu.memory_space<vmem_shared>>
        tpu.wait_indirect_dma semaphore(%arg12 : memref<!tpu.dma_semaphore, #tpu.memory_space<semaphore_mem>>) src(%arg8 : memref<120x128xf32, #tpu.memory_space<vmem>>) dst(%dma_wait3A_78 : memref<10112x128xf32, #tpu.memory_space<vmem_shared>>)
      } else {
      }
      %add3A_45 = arith.constant 1 : i32
      %add3A_46 = arith.addi %add3A_40, %add3A_45 : i32
      %lt3A = arith.constant 84 : i32
      %lt3A_47 = arith.cmpi slt, %add3A_46, %lt3A : i32
      %convert_element_type3A_48 = arith.extui %lt3A_47 : i1 to i32
      %cond3A_49 = arith.constant 0 : i32
      %cond3A_50 = arith.cmpi ne, %convert_element_type3A_48, %cond3A_49 : i32
      scf.if %cond3A_50 {
        %add3A_76 = arith.constant 1 : i32
        %add3A_77 = arith.addi %add3A_40, %add3A_76 : i32
        %mul3A_78 = arith.constant 120 : i32
        %mul3A_79 = arith.muli %add3A_77, %mul3A_78 : i32
        %add3A_80 = arith.addi %mul3A_21, %mul3A_79 : i32
        %dma_start3A_81 = tpu.memref_slice %arg2[%add3A_80] : memref<322560xi32, #tpu.memory_space<hbm>> -> memref<120xi32, #tpu.memory_space<hbm>>
        %dma_start3A_82 = tpu.memref_slice %arg2[%add3A_80] : memref<322560xi32, #tpu.memory_space<hbm>> -> memref<120xi32, #tpu.memory_space<hbm>>
        tpu.enqueue_dma source(%dma_start3A_82 : memref<120xi32, #tpu.memory_space<hbm>>) target(%arg7 : memref<120xi32, #tpu.memory_space<vmem>>) target_semaphore(%arg10 : memref<!tpu.dma_semaphore, #tpu.memory_space<semaphore_mem>>)
      } else {
      }
      %dma_start3A_51 = arith.constant 0 : i32
      %dma_start3A_52 = arith.constant 0 : i32
      %dma_start3A_53 = tpu.memref_slice %arg5[%dma_start3A_51, %dma_start3A_52] : memref<10112x128xf32, #tpu.memory_space<vmem_shared>> -> memref<10112x128xf32, #tpu.memory_space<vmem_shared>>
      tpu.enqueue_indirect_dma source(%arg8 : memref<120x128xf32, #tpu.memory_space<vmem>>) target(%dma_start3A_53 : memref<10112x128xf32, #tpu.memory_space<vmem_shared>>) offsets(%arg6 : memref<120xi32, #tpu.memory_space<vmem>>) semaphore(%arg11 : memref<!tpu.dma_semaphore, #tpu.memory_space<semaphore_mem>>) {add = true}
      %mul3A_54 = arith.constant 2 : i32
      %mul3A_55 = arith.muli %scan3A_35, %mul3A_54 : i32
      %add3A_56 = arith.constant 1 : i32
      %add3A_57 = arith.addi %mul3A_55, %add3A_56 : i32
      %dma_wait3A_58 = tpu.memref_slice %arg2[%mul3A_21] : memref<322560xi32, #tpu.memory_space<hbm>> -> memref<120xi32, #tpu.memory_space<hbm>>
      %dma_wait3A_59 = tpu.memref_slice %arg2[%mul3A_21] : memref<322560xi32, #tpu.memory_space<hbm>> -> memref<120xi32, #tpu.memory_space<hbm>>
      tpu.wait_dma2 semaphore(%arg10 : memref<!tpu.dma_semaphore, #tpu.memory_space<semaphore_mem>>) src(%dma_wait3A_59 : memref<120xi32, #tpu.memory_space<hbm>>) dst(%arg7 : memref<120xi32, #tpu.memory_space<vmem>>)
      %ge3A_60 = arith.constant 1 : i32
      %ge3A_61 = arith.cmpi sge, %add3A_57, %ge3A_60 : i32
      %convert_element_type3A_62 = arith.extui %ge3A_61 : i1 to i32
      %cond3A_63 = arith.constant 0 : i32
      %cond3A_64 = arith.cmpi ne, %convert_element_type3A_62, %cond3A_63 : i32
      scf.if %cond3A_64 {
        %dma_wait3A_76 = arith.constant 0 : i32
        %dma_wait3A_77 = arith.constant 0 : i32
        %dma_wait3A_78 = tpu.memref_slice %arg5[%dma_wait3A_76, %dma_wait3A_77] : memref<10112x128xf32, #tpu.memory_space<vmem_shared>> -> memref<10112x128xf32, #tpu.memory_space<vmem_shared>>
        tpu.wait_indirect_dma semaphore(%arg11 : memref<!tpu.dma_semaphore, #tpu.memory_space<semaphore_mem>>) src(%arg8 : memref<120x128xf32, #tpu.memory_space<vmem>>) dst(%dma_wait3A_78 : memref<10112x128xf32, #tpu.memory_space<vmem_shared>>)
      } else {
      }
      %add3A_65 = arith.constant 1 : i32
      %add3A_66 = arith.addi %add3A_57, %add3A_65 : i32
      %lt3A_67 = arith.constant 84 : i32
      %lt3A_68 = arith.cmpi slt, %add3A_66, %lt3A_67 : i32
      %convert_element_type3A_69 = arith.extui %lt3A_68 : i1 to i32
      %cond3A_70 = arith.constant 0 : i32
      %cond3A_71 = arith.cmpi ne, %convert_element_type3A_69, %cond3A_70 : i32
      scf.if %cond3A_71 {
        %add3A_76 = arith.constant 1 : i32
        %add3A_77 = arith.addi %add3A_57, %add3A_76 : i32
        %mul3A_78 = arith.constant 120 : i32
        %mul3A_79 = arith.muli %add3A_77, %mul3A_78 : i32
        %add3A_80 = arith.addi %mul3A_21, %mul3A_79 : i32
        %dma_start3A_81 = tpu.memref_slice %arg2[%add3A_80] : memref<322560xi32, #tpu.memory_space<hbm>> -> memref<120xi32, #tpu.memory_space<hbm>>
        %dma_start3A_82 = tpu.memref_slice %arg2[%add3A_80] : memref<322560xi32, #tpu.memory_space<hbm>> -> memref<120xi32, #tpu.memory_space<hbm>>
        tpu.enqueue_dma source(%dma_start3A_82 : memref<120xi32, #tpu.memory_space<hbm>>) target(%arg6 : memref<120xi32, #tpu.memory_space<vmem>>) target_semaphore(%arg9 : memref<!tpu.dma_semaphore, #tpu.memory_space<semaphore_mem>>)
      } else {
      }
      %dma_start3A_72 = arith.constant 0 : i32
      %dma_start3A_73 = arith.constant 0 : i32
      %dma_start3A_74 = tpu.memref_slice %arg5[%dma_start3A_72, %dma_start3A_73] : memref<10112x128xf32, #tpu.memory_space<vmem_shared>> -> memref<10112x128xf32, #tpu.memory_space<vmem_shared>>
      tpu.enqueue_indirect_dma source(%arg8 : memref<120x128xf32, #tpu.memory_space<vmem>>) target(%dma_start3A_74 : memref<10112x128xf32, #tpu.memory_space<vmem_shared>>) offsets(%arg7 : memref<120xi32, #tpu.memory_space<vmem>>) semaphore(%arg12 : memref<!tpu.dma_semaphore, #tpu.memory_space<semaphore_mem>>) {add = true}
      %scan3A_75 = arith.constant 0 : i32
      scf.yield %scan3A_75 : i32
    }
    %scan3A_31 = arith.constant 42 : i32
    %dma_wait3A = arith.constant 0 : i32
    %dma_wait3A_32 = arith.constant 0 : i32
    %dma_wait3A_33 = tpu.memref_slice %arg5[%dma_wait3A, %dma_wait3A_32] : memref<10112x128xf32, #tpu.memory_space<vmem_shared>> -> memref<10112x128xf32, #tpu.memory_space<vmem_shared>>
    tpu.wait_indirect_dma semaphore(%arg12 : memref<!tpu.dma_semaphore, #tpu.memory_space<semaphore_mem>>) src(%arg8 : memref<120x128xf32, #tpu.memory_space<vmem>>) dst(%dma_wait3A_33 : memref<10112x128xf32, #tpu.memory_space<vmem_shared>>)
    %barrier3A_34 = arith.constant 0 : index
    tpu.barrier barrier_id(%barrier3A_34)
    "tpu.region"() ({
      %run_scoped3A = tpu.sem_alloc : memref<!tpu.dma_semaphore, #tpu.memory_space<semaphore_mem>>
      %dma_start3A_35 = arith.constant 0 : i32
      %dma_start3A_36 = tpu.memref_slice %arg4[%arg0, %mul3A_7, %dma_start3A_35] : memref<2x10112x128xf32, #tpu.memory_space<hbm>> -> memref<1x632x128xf32, #tpu.memory_space<hbm>>
      %dma_start3A_37 = tpu.memref_squeeze %dma_start3A_36 : memref<1x632x128xf32, #tpu.memory_space<hbm>> -> memref<632x128xf32, #tpu.memory_space<hbm>>
      %dma_start3A_38 = arith.constant 0 : i32
      %dma_start3A_39 = tpu.memref_slice %arg5[%mul3A_7, %dma_start3A_38] : memref<10112x128xf32, #tpu.memory_space<vmem_shared>> -> memref<632x128xf32, #tpu.memory_space<vmem_shared>>
      tpu.enqueue_dma source(%dma_start3A_39 : memref<632x128xf32, #tpu.memory_space<vmem_shared>>) target(%dma_start3A_37 : memref<632x128xf32, #tpu.memory_space<hbm>>) target_semaphore(%run_scoped3A : memref<!tpu.dma_semaphore, #tpu.memory_space<semaphore_mem>>)
      %dma_wait3A_40 = arith.constant 0 : i32
      %dma_wait3A_41 = tpu.memref_slice %arg4[%arg0, %mul3A_7, %dma_wait3A_40] : memref<2x10112x128xf32, #tpu.memory_space<hbm>> -> memref<1x632x128xf32, #tpu.memory_space<hbm>>
      %dma_wait3A_42 = tpu.memref_squeeze %dma_wait3A_41 : memref<1x632x128xf32, #tpu.memory_space<hbm>> -> memref<632x128xf32, #tpu.memory_space<hbm>>
      %dma_wait3A_43 = arith.constant 0 : i32
      %dma_wait3A_44 = tpu.memref_slice %arg5[%mul3A_7, %dma_wait3A_43] : memref<10112x128xf32, #tpu.memory_space<vmem_shared>> -> memref<632x128xf32, #tpu.memory_space<vmem_shared>>
      tpu.wait_dma2 semaphore(%run_scoped3A : memref<!tpu.dma_semaphore, #tpu.memory_space<semaphore_mem>>) src(%dma_wait3A_44 : memref<632x128xf32, #tpu.memory_space<vmem_shared>>) dst(%dma_wait3A_42 : memref<632x128xf32, #tpu.memory_space<hbm>>)
      tpu.yield
    }) : () -> ()
    return
  }
}

#map = affine_map<(d0, d1) -> (0, 0)>
#map1 = affine_map<(d0, d1) -> (0, 0, 0)>
module attributes {stable_mosaic.version = 14 : i64} {
  func.func @agg_kernel(%arg0: i32, %arg1: i32, %arg2: memref<10000x128xf32, #tpu.memory_space<hbm>>, %arg3: memref<2688x2x120xi32, #tpu.memory_space<hbm>>, %arg4: memref<2x10112x128xf32, #tpu.memory_space<hbm>>, %arg5: memref<10112x128xf32, #tpu.memory_space<vmem_shared>>, %arg6: memref<2x120xi32, #tpu.memory_space<vmem>>, %arg7: memref<2x120xi32, #tpu.memory_space<vmem>>, %arg8: memref<2x120xi32, #tpu.memory_space<vmem>>, %arg9: memref<120x128xf32, #tpu.memory_space<vmem>>, %arg10: memref<120x128xf32, #tpu.memory_space<vmem>>, %arg11: memref<120x128xf32, #tpu.memory_space<vmem>>, %arg12: memref<!tpu.dma_semaphore, #tpu.memory_space<semaphore_mem>>, %arg13: memref<!tpu.dma_semaphore, #tpu.memory_space<semaphore_mem>>, %arg14: memref<!tpu.dma_semaphore, #tpu.memory_space<semaphore_mem>>, %arg15: memref<!tpu.dma_semaphore, #tpu.memory_space<semaphore_mem>>, %arg16: memref<!tpu.dma_semaphore, #tpu.memory_space<semaphore_mem>>, %arg17: memref<!tpu.dma_semaphore, #tpu.memory_space<semaphore_mem>>) attributes {dimension_semantics = [#tpu.dimension_semantics<core_parallel>, #tpu.dimension_semantics<subcore_parallel>], iteration_bounds = array<i64: 2, 16>, scalar_prefetch = 0 : i64, scratch_operands = 13 : i64, tpu.core_type = #tpu.core_type<sc_vector_subcore>, window_params = [{transform_indices = #map}, {transform_indices = #map1}, {transform_indices = #map1}]} {
    %broadcast_in_dim3A = arith.constant 0.000000e+00 : f32
    %broadcast_in_dim3A_0 = vector.broadcast %broadcast_in_dim3A : f32 to vector<16xf32>
    %scan3A = arith.constant 0 : i32
    %scan3A_1 = arith.constant 0 : i32
    %scan3A_2 = arith.constant 960 : i32
    %scan3A_3 = arith.addi %scan3A_1, %scan3A_2 : i32
    %scan3A_4 = arith.constant 1 : i32
    %scan3A_5 = scf.for %scan3A_55 = %scan3A_1 to %scan3A_3 step %scan3A_4 iter_args(%scan3A_56 = %scan3A) -> (i32)  : i32 {
      %jit3A = arith.constant 8 : i32
      %div3A = arith.divsi %scan3A_55, %jit3A : i32
      %sign3A = arith.constant 0 : i32
      %sign3A_57 = arith.cmpi sgt, %scan3A_55, %sign3A : i32
      %sign3A_58 = arith.extui %sign3A_57 : i1 to i32
      %sign3A_59 = arith.constant 0 : i32
      %sign3A_60 = arith.cmpi slt, %scan3A_55, %sign3A_59 : i32
      %sign3A_61 = arith.extui %sign3A_60 : i1 to i32
      %sign3A_62 = arith.subi %sign3A_58, %sign3A_61 : i32
      %sign3A_63 = arith.constant 0 : i32
      %sign3A_64 = arith.cmpi sgt, %jit3A, %sign3A_63 : i32
      %sign3A_65 = arith.extui %sign3A_64 : i1 to i32
      %sign3A_66 = arith.constant 0 : i32
      %sign3A_67 = arith.cmpi slt, %jit3A, %sign3A_66 : i32
      %sign3A_68 = arith.extui %sign3A_67 : i1 to i32
      %sign3A_69 = arith.subi %sign3A_65, %sign3A_68 : i32
      %ne3A = arith.cmpi ne, %sign3A_62, %sign3A_69 : i32
      %rem3A = arith.remsi %scan3A_55, %jit3A : i32
      %ne3A_70 = arith.constant 0 : i32
      %ne3A_71 = arith.cmpi ne, %rem3A, %ne3A_70 : i32
      %and3A = arith.andi %ne3A, %ne3A_71 : i1
      %sub3A = arith.constant 1 : i32
      %sub3A_72 = arith.subi %div3A, %sub3A : i32
      %select_n3A = arith.select %and3A, %sub3A_72, %div3A : i32
      %jit3A_73 = arith.constant 8 : i32
      %eq3A = arith.constant 0 : i32
      %eq3A_74 = arith.cmpi eq, %jit3A_73, %eq3A : i32
      %jit3A_75 = arith.constant 1 : i32
      %select_n3A_76 = arith.select %eq3A_74, %jit3A_75, %jit3A_73 : i32
      %rem3A_77 = arith.remsi %scan3A_55, %select_n3A_76 : i32
      %ne3A_78 = arith.constant 0 : i32
      %ne3A_79 = arith.cmpi ne, %rem3A_77, %ne3A_78 : i32
      %lt3A = arith.constant 0 : i32
      %lt3A_80 = arith.cmpi slt, %rem3A_77, %lt3A : i32
      %lt3A_81 = arith.constant 0 : i32
      %lt3A_82 = arith.cmpi slt, %select_n3A_76, %lt3A_81 : i32
      %ne3A_83 = arith.xori %lt3A_80, %lt3A_82 : i1
      %and3A_84 = arith.andi %ne3A_83, %ne3A_79 : i1
      %add3A_85 = arith.addi %rem3A_77, %select_n3A_76 : i32
      %select_n3A_86 = arith.select %and3A_84, %add3A_85, %rem3A_77 : i32
      %mul3A_87 = arith.constant 16 : i32
      %mul3A_88 = arith.muli %select_n3A_86, %mul3A_87 : i32
      %swap3A = arith.index_cast %select_n3A : i32 to index
      %swap3A_89 = arith.index_cast %mul3A_88 : i32 to index
      %swap3A_90 = tpu.vector_load %arg9[%swap3A, %swap3A_89] {strides = array<i32>} : memref<120x128xf32, #tpu.memory_space<vmem>>, vector<1x16xf32>,
      %swap3A_91 = vector.shape_cast %swap3A_90 : vector<1x16xf32> to vector<16xf32>
      %swap3A_92 = vector.shape_cast %broadcast_in_dim3A_0 : vector<16xf32> to vector<1x16xf32>
      tpu.vector_store %arg9[%swap3A, %swap3A_89], %swap3A_92 {strides = array<i32>} : memref<120x128xf32, #tpu.memory_space<vmem>>, vector<1x16xf32>,
      %scan3A_93 = arith.constant 0 : i32
      scf.yield %scan3A_93 : i32
    }
    %scan3A_6 = arith.constant 960 : i32
    %mul3A = arith.constant 632 : i32
    %mul3A_7 = arith.muli %arg1, %mul3A : i32
    %add3A = arith.constant 0 : i32
    %add3A_8 = arith.addi %mul3A_7, %add3A : i32
    "tpu.region"() ({
      %run_scoped3A = tpu.sem_alloc : memref<!tpu.dma_semaphore, #tpu.memory_space<semaphore_mem>>
      %dma_start3A_55 = arith.constant 0 : i32
      %dma_start3A_56 = arith.constant 0 : i32
      %dma_start3A_57 = tpu.memref_slice %arg9[%dma_start3A_55, %dma_start3A_56] : memref<120x128xf32, #tpu.memory_space<vmem>> -> memref<120x128xf32, #tpu.memory_space<vmem>>
      %dma_start3A_58 = arith.constant 0 : i32
      %dma_start3A_59 = tpu.memref_slice %arg5[%add3A_8, %dma_start3A_58] : memref<10112x128xf32, #tpu.memory_space<vmem_shared>> -> memref<120x128xf32, #tpu.memory_space<vmem_shared>>
      %dma_start3A_60 = arith.constant 0 : i32
      %dma_start3A_61 = tpu.memref_slice %arg5[%add3A_8, %dma_start3A_60] : memref<10112x128xf32, #tpu.memory_space<vmem_shared>> -> memref<120x128xf32, #tpu.memory_space<vmem_shared>>
      %dma_start3A_62 = arith.constant 0 : i32
      %dma_start3A_63 = arith.constant 0 : i32
      %dma_start3A_64 = tpu.memref_slice %arg9[%dma_start3A_62, %dma_start3A_63] : memref<120x128xf32, #tpu.memory_space<vmem>> -> memref<120x128xf32, #tpu.memory_space<vmem>>
      tpu.enqueue_dma source(%dma_start3A_64 : memref<120x128xf32, #tpu.memory_space<vmem>>) target(%dma_start3A_61 : memref<120x128xf32, #tpu.memory_space<vmem_shared>>) target_semaphore(%run_scoped3A : memref<!tpu.dma_semaphore, #tpu.memory_space<semaphore_mem>>)
      %dma_wait3A_65 = arith.constant 0 : i32
      %dma_wait3A_66 = arith.constant 0 : i32
      %dma_wait3A_67 = tpu.memref_slice %arg9[%dma_wait3A_65, %dma_wait3A_66] : memref<120x128xf32, #tpu.memory_space<vmem>> -> memref<120x128xf32, #tpu.memory_space<vmem>>
      %dma_wait3A_68 = arith.constant 0 : i32
      %dma_wait3A_69 = tpu.memref_slice %arg5[%add3A_8, %dma_wait3A_68] : memref<10112x128xf32, #tpu.memory_space<vmem_shared>> -> memref<120x128xf32, #tpu.memory_space<vmem_shared>>
      %dma_wait3A_70 = arith.constant 0 : i32
      %dma_wait3A_71 = tpu.memref_slice %arg5[%add3A_8, %dma_wait3A_70] : memref<10112x128xf32, #tpu.memory_space<vmem_shared>> -> memref<120x128xf32, #tpu.memory_space<vmem_shared>>
      %dma_wait3A_72 = arith.constant 0 : i32
      %dma_wait3A_73 = arith.constant 0 : i32
      %dma_wait3A_74 = tpu.memref_slice %arg9[%dma_wait3A_72, %dma_wait3A_73] : memref<120x128xf32, #tpu.memory_space<vmem>> -> memref<120x128xf32, #tpu.memory_space<vmem>>
      tpu.wait_dma2 semaphore(%run_scoped3A : memref<!tpu.dma_semaphore, #tpu.memory_space<semaphore_mem>>) src(%dma_wait3A_74 : memref<120x128xf32, #tpu.memory_space<vmem>>) dst(%dma_wait3A_71 : memref<120x128xf32, #tpu.memory_space<vmem_shared>>)
      tpu.yield
    }) : () -> ()
    %add3A_9 = arith.constant 120 : i32
    %add3A_10 = arith.addi %mul3A_7, %add3A_9 : i32
    "tpu.region"() ({
      %run_scoped3A = tpu.sem_alloc : memref<!tpu.dma_semaphore, #tpu.memory_space<semaphore_mem>>
      %dma_start3A_55 = arith.constant 0 : i32
      %dma_start3A_56 = arith.constant 0 : i32
      %dma_start3A_57 = tpu.memref_slice %arg9[%dma_start3A_55, %dma_start3A_56] : memref<120x128xf32, #tpu.memory_space<vmem>> -> memref<120x128xf32, #tpu.memory_space<vmem>>
      %dma_start3A_58 = arith.constant 0 : i32
      %dma_start3A_59 = tpu.memref_slice %arg5[%add3A_10, %dma_start3A_58] : memref<10112x128xf32, #tpu.memory_space<vmem_shared>> -> memref<120x128xf32, #tpu.memory_space<vmem_shared>>
      %dma_start3A_60 = arith.constant 0 : i32
      %dma_start3A_61 = tpu.memref_slice %arg5[%add3A_10, %dma_start3A_60] : memref<10112x128xf32, #tpu.memory_space<vmem_shared>> -> memref<120x128xf32, #tpu.memory_space<vmem_shared>>
      %dma_start3A_62 = arith.constant 0 : i32
      %dma_start3A_63 = arith.constant 0 : i32
      %dma_start3A_64 = tpu.memref_slice %arg9[%dma_start3A_62, %dma_start3A_63] : memref<120x128xf32, #tpu.memory_space<vmem>> -> memref<120x128xf32, #tpu.memory_space<vmem>>
      tpu.enqueue_dma source(%dma_start3A_64 : memref<120x128xf32, #tpu.memory_space<vmem>>) target(%dma_start3A_61 : memref<120x128xf32, #tpu.memory_space<vmem_shared>>) target_semaphore(%run_scoped3A : memref<!tpu.dma_semaphore, #tpu.memory_space<semaphore_mem>>)
      %dma_wait3A_65 = arith.constant 0 : i32
      %dma_wait3A_66 = arith.constant 0 : i32
      %dma_wait3A_67 = tpu.memref_slice %arg9[%dma_wait3A_65, %dma_wait3A_66] : memref<120x128xf32, #tpu.memory_space<vmem>> -> memref<120x128xf32, #tpu.memory_space<vmem>>
      %dma_wait3A_68 = arith.constant 0 : i32
      %dma_wait3A_69 = tpu.memref_slice %arg5[%add3A_10, %dma_wait3A_68] : memref<10112x128xf32, #tpu.memory_space<vmem_shared>> -> memref<120x128xf32, #tpu.memory_space<vmem_shared>>
      %dma_wait3A_70 = arith.constant 0 : i32
      %dma_wait3A_71 = tpu.memref_slice %arg5[%add3A_10, %dma_wait3A_70] : memref<10112x128xf32, #tpu.memory_space<vmem_shared>> -> memref<120x128xf32, #tpu.memory_space<vmem_shared>>
      %dma_wait3A_72 = arith.constant 0 : i32
      %dma_wait3A_73 = arith.constant 0 : i32
      %dma_wait3A_74 = tpu.memref_slice %arg9[%dma_wait3A_72, %dma_wait3A_73] : memref<120x128xf32, #tpu.memory_space<vmem>> -> memref<120x128xf32, #tpu.memory_space<vmem>>
      tpu.wait_dma2 semaphore(%run_scoped3A : memref<!tpu.dma_semaphore, #tpu.memory_space<semaphore_mem>>) src(%dma_wait3A_74 : memref<120x128xf32, #tpu.memory_space<vmem>>) dst(%dma_wait3A_71 : memref<120x128xf32, #tpu.memory_space<vmem_shared>>)
      tpu.yield
    }) : () -> ()
    %add3A_11 = arith.constant 240 : i32
    %add3A_12 = arith.addi %mul3A_7, %add3A_11 : i32
    "tpu.region"() ({
      %run_scoped3A = tpu.sem_alloc : memref<!tpu.dma_semaphore, #tpu.memory_space<semaphore_mem>>
      %dma_start3A_55 = arith.constant 0 : i32
      %dma_start3A_56 = arith.constant 0 : i32
      %dma_start3A_57 = tpu.memref_slice %arg9[%dma_start3A_55, %dma_start3A_56] : memref<120x128xf32, #tpu.memory_space<vmem>> -> memref<120x128xf32, #tpu.memory_space<vmem>>
      %dma_start3A_58 = arith.constant 0 : i32
      %dma_start3A_59 = tpu.memref_slice %arg5[%add3A_12, %dma_start3A_58] : memref<10112x128xf32, #tpu.memory_space<vmem_shared>> -> memref<120x128xf32, #tpu.memory_space<vmem_shared>>
      %dma_start3A_60 = arith.constant 0 : i32
      %dma_start3A_61 = tpu.memref_slice %arg5[%add3A_12, %dma_start3A_60] : memref<10112x128xf32, #tpu.memory_space<vmem_shared>> -> memref<120x128xf32, #tpu.memory_space<vmem_shared>>
      %dma_start3A_62 = arith.constant 0 : i32
      %dma_start3A_63 = arith.constant 0 : i32
      %dma_start3A_64 = tpu.memref_slice %arg9[%dma_start3A_62, %dma_start3A_63] : memref<120x128xf32, #tpu.memory_space<vmem>> -> memref<120x128xf32, #tpu.memory_space<vmem>>
      tpu.enqueue_dma source(%dma_start3A_64 : memref<120x128xf32, #tpu.memory_space<vmem>>) target(%dma_start3A_61 : memref<120x128xf32, #tpu.memory_space<vmem_shared>>) target_semaphore(%run_scoped3A : memref<!tpu.dma_semaphore, #tpu.memory_space<semaphore_mem>>)
      %dma_wait3A_65 = arith.constant 0 : i32
      %dma_wait3A_66 = arith.constant 0 : i32
      %dma_wait3A_67 = tpu.memref_slice %arg9[%dma_wait3A_65, %dma_wait3A_66] : memref<120x128xf32, #tpu.memory_space<vmem>> -> memref<120x128xf32, #tpu.memory_space<vmem>>
      %dma_wait3A_68 = arith.constant 0 : i32
      %dma_wait3A_69 = tpu.memref_slice %arg5[%add3A_12, %dma_wait3A_68] : memref<10112x128xf32, #tpu.memory_space<vmem_shared>> -> memref<120x128xf32, #tpu.memory_space<vmem_shared>>
      %dma_wait3A_70 = arith.constant 0 : i32
      %dma_wait3A_71 = tpu.memref_slice %arg5[%add3A_12, %dma_wait3A_70] : memref<10112x128xf32, #tpu.memory_space<vmem_shared>> -> memref<120x128xf32, #tpu.memory_space<vmem_shared>>
      %dma_wait3A_72 = arith.constant 0 : i32
      %dma_wait3A_73 = arith.constant 0 : i32
      %dma_wait3A_74 = tpu.memref_slice %arg9[%dma_wait3A_72, %dma_wait3A_73] : memref<120x128xf32, #tpu.memory_space<vmem>> -> memref<120x128xf32, #tpu.memory_space<vmem>>
      tpu.wait_dma2 semaphore(%run_scoped3A : memref<!tpu.dma_semaphore, #tpu.memory_space<semaphore_mem>>) src(%dma_wait3A_74 : memref<120x128xf32, #tpu.memory_space<vmem>>) dst(%dma_wait3A_71 : memref<120x128xf32, #tpu.memory_space<vmem_shared>>)
      tpu.yield
    }) : () -> ()
    %add3A_13 = arith.constant 360 : i32
    %add3A_14 = arith.addi %mul3A_7, %add3A_13 : i32
    "tpu.region"() ({
      %run_scoped3A = tpu.sem_alloc : memref<!tpu.dma_semaphore, #tpu.memory_space<semaphore_mem>>
      %dma_start3A_55 = arith.constant 0 : i32
      %dma_start3A_56 = arith.constant 0 : i32
      %dma_start3A_57 = tpu.memref_slice %arg9[%dma_start3A_55, %dma_start3A_56] : memref<120x128xf32, #tpu.memory_space<vmem>> -> memref<120x128xf32, #tpu.memory_space<vmem>>
      %dma_start3A_58 = arith.constant 0 : i32
      %dma_start3A_59 = tpu.memref_slice %arg5[%add3A_14, %dma_start3A_58] : memref<10112x128xf32, #tpu.memory_space<vmem_shared>> -> memref<120x128xf32, #tpu.memory_space<vmem_shared>>
      %dma_start3A_60 = arith.constant 0 : i32
      %dma_start3A_61 = tpu.memref_slice %arg5[%add3A_14, %dma_start3A_60] : memref<10112x128xf32, #tpu.memory_space<vmem_shared>> -> memref<120x128xf32, #tpu.memory_space<vmem_shared>>
      %dma_start3A_62 = arith.constant 0 : i32
      %dma_start3A_63 = arith.constant 0 : i32
      %dma_start3A_64 = tpu.memref_slice %arg9[%dma_start3A_62, %dma_start3A_63] : memref<120x128xf32, #tpu.memory_space<vmem>> -> memref<120x128xf32, #tpu.memory_space<vmem>>
      tpu.enqueue_dma source(%dma_start3A_64 : memref<120x128xf32, #tpu.memory_space<vmem>>) target(%dma_start3A_61 : memref<120x128xf32, #tpu.memory_space<vmem_shared>>) target_semaphore(%run_scoped3A : memref<!tpu.dma_semaphore, #tpu.memory_space<semaphore_mem>>)
      %dma_wait3A_65 = arith.constant 0 : i32
      %dma_wait3A_66 = arith.constant 0 : i32
      %dma_wait3A_67 = tpu.memref_slice %arg9[%dma_wait3A_65, %dma_wait3A_66] : memref<120x128xf32, #tpu.memory_space<vmem>> -> memref<120x128xf32, #tpu.memory_space<vmem>>
      %dma_wait3A_68 = arith.constant 0 : i32
      %dma_wait3A_69 = tpu.memref_slice %arg5[%add3A_14, %dma_wait3A_68] : memref<10112x128xf32, #tpu.memory_space<vmem_shared>> -> memref<120x128xf32, #tpu.memory_space<vmem_shared>>
      %dma_wait3A_70 = arith.constant 0 : i32
      %dma_wait3A_71 = tpu.memref_slice %arg5[%add3A_14, %dma_wait3A_70] : memref<10112x128xf32, #tpu.memory_space<vmem_shared>> -> memref<120x128xf32, #tpu.memory_space<vmem_shared>>
      %dma_wait3A_72 = arith.constant 0 : i32
      %dma_wait3A_73 = arith.constant 0 : i32
      %dma_wait3A_74 = tpu.memref_slice %arg9[%dma_wait3A_72, %dma_wait3A_73] : memref<120x128xf32, #tpu.memory_space<vmem>> -> memref<120x128xf32, #tpu.memory_space<vmem>>
      tpu.wait_dma2 semaphore(%run_scoped3A : memref<!tpu.dma_semaphore, #tpu.memory_space<semaphore_mem>>) src(%dma_wait3A_74 : memref<120x128xf32, #tpu.memory_space<vmem>>) dst(%dma_wait3A_71 : memref<120x128xf32, #tpu.memory_space<vmem_shared>>)
      tpu.yield
    }) : () -> ()
    %add3A_15 = arith.constant 480 : i32
    %add3A_16 = arith.addi %mul3A_7, %add3A_15 : i32
    "tpu.region"() ({
      %run_scoped3A = tpu.sem_alloc : memref<!tpu.dma_semaphore, #tpu.memory_space<semaphore_mem>>
      %dma_start3A_55 = arith.constant 0 : i32
      %dma_start3A_56 = arith.constant 0 : i32
      %dma_start3A_57 = tpu.memref_slice %arg9[%dma_start3A_55, %dma_start3A_56] : memref<120x128xf32, #tpu.memory_space<vmem>> -> memref<120x128xf32, #tpu.memory_space<vmem>>
      %dma_start3A_58 = arith.constant 0 : i32
      %dma_start3A_59 = tpu.memref_slice %arg5[%add3A_16, %dma_start3A_58] : memref<10112x128xf32, #tpu.memory_space<vmem_shared>> -> memref<120x128xf32, #tpu.memory_space<vmem_shared>>
      %dma_start3A_60 = arith.constant 0 : i32
      %dma_start3A_61 = tpu.memref_slice %arg5[%add3A_16, %dma_start3A_60] : memref<10112x128xf32, #tpu.memory_space<vmem_shared>> -> memref<120x128xf32, #tpu.memory_space<vmem_shared>>
      %dma_start3A_62 = arith.constant 0 : i32
      %dma_start3A_63 = arith.constant 0 : i32
      %dma_start3A_64 = tpu.memref_slice %arg9[%dma_start3A_62, %dma_start3A_63] : memref<120x128xf32, #tpu.memory_space<vmem>> -> memref<120x128xf32, #tpu.memory_space<vmem>>
      tpu.enqueue_dma source(%dma_start3A_64 : memref<120x128xf32, #tpu.memory_space<vmem>>) target(%dma_start3A_61 : memref<120x128xf32, #tpu.memory_space<vmem_shared>>) target_semaphore(%run_scoped3A : memref<!tpu.dma_semaphore, #tpu.memory_space<semaphore_mem>>)
      %dma_wait3A_65 = arith.constant 0 : i32
      %dma_wait3A_66 = arith.constant 0 : i32
      %dma_wait3A_67 = tpu.memref_slice %arg9[%dma_wait3A_65, %dma_wait3A_66] : memref<120x128xf32, #tpu.memory_space<vmem>> -> memref<120x128xf32, #tpu.memory_space<vmem>>
      %dma_wait3A_68 = arith.constant 0 : i32
      %dma_wait3A_69 = tpu.memref_slice %arg5[%add3A_16, %dma_wait3A_68] : memref<10112x128xf32, #tpu.memory_space<vmem_shared>> -> memref<120x128xf32, #tpu.memory_space<vmem_shared>>
      %dma_wait3A_70 = arith.constant 0 : i32
      %dma_wait3A_71 = tpu.memref_slice %arg5[%add3A_16, %dma_wait3A_70] : memref<10112x128xf32, #tpu.memory_space<vmem_shared>> -> memref<120x128xf32, #tpu.memory_space<vmem_shared>>
      %dma_wait3A_72 = arith.constant 0 : i32
      %dma_wait3A_73 = arith.constant 0 : i32
      %dma_wait3A_74 = tpu.memref_slice %arg9[%dma_wait3A_72, %dma_wait3A_73] : memref<120x128xf32, #tpu.memory_space<vmem>> -> memref<120x128xf32, #tpu.memory_space<vmem>>
      tpu.wait_dma2 semaphore(%run_scoped3A : memref<!tpu.dma_semaphore, #tpu.memory_space<semaphore_mem>>) src(%dma_wait3A_74 : memref<120x128xf32, #tpu.memory_space<vmem>>) dst(%dma_wait3A_71 : memref<120x128xf32, #tpu.memory_space<vmem_shared>>)
      tpu.yield
    }) : () -> ()
    %add3A_17 = arith.constant 600 : i32
    %add3A_18 = arith.addi %mul3A_7, %add3A_17 : i32
    "tpu.region"() ({
      %run_scoped3A = tpu.sem_alloc : memref<!tpu.dma_semaphore, #tpu.memory_space<semaphore_mem>>
      %dma_start3A_55 = arith.constant 0 : i32
      %dma_start3A_56 = arith.constant 0 : i32
      %dma_start3A_57 = tpu.memref_slice %arg9[%dma_start3A_55, %dma_start3A_56] : memref<120x128xf32, #tpu.memory_space<vmem>> -> memref<32x128xf32, #tpu.memory_space<vmem>>
      %dma_start3A_58 = arith.constant 0 : i32
      %dma_start3A_59 = tpu.memref_slice %arg5[%add3A_18, %dma_start3A_58] : memref<10112x128xf32, #tpu.memory_space<vmem_shared>> -> memref<32x128xf32, #tpu.memory_space<vmem_shared>>
      %dma_start3A_60 = arith.constant 0 : i32
      %dma_start3A_61 = tpu.memref_slice %arg5[%add3A_18, %dma_start3A_60] : memref<10112x128xf32, #tpu.memory_space<vmem_shared>> -> memref<32x128xf32, #tpu.memory_space<vmem_shared>>
      %dma_start3A_62 = arith.constant 0 : i32
      %dma_start3A_63 = arith.constant 0 : i32
      %dma_start3A_64 = tpu.memref_slice %arg9[%dma_start3A_62, %dma_start3A_63] : memref<120x128xf32, #tpu.memory_space<vmem>> -> memref<32x128xf32, #tpu.memory_space<vmem>>
      tpu.enqueue_dma source(%dma_start3A_64 : memref<32x128xf32, #tpu.memory_space<vmem>>) target(%dma_start3A_61 : memref<32x128xf32, #tpu.memory_space<vmem_shared>>) target_semaphore(%run_scoped3A : memref<!tpu.dma_semaphore, #tpu.memory_space<semaphore_mem>>)
      %dma_wait3A_65 = arith.constant 0 : i32
      %dma_wait3A_66 = arith.constant 0 : i32
      %dma_wait3A_67 = tpu.memref_slice %arg9[%dma_wait3A_65, %dma_wait3A_66] : memref<120x128xf32, #tpu.memory_space<vmem>> -> memref<32x128xf32, #tpu.memory_space<vmem>>
      %dma_wait3A_68 = arith.constant 0 : i32
      %dma_wait3A_69 = tpu.memref_slice %arg5[%add3A_18, %dma_wait3A_68] : memref<10112x128xf32, #tpu.memory_space<vmem_shared>> -> memref<32x128xf32, #tpu.memory_space<vmem_shared>>
      %dma_wait3A_70 = arith.constant 0 : i32
      %dma_wait3A_71 = tpu.memref_slice %arg5[%add3A_18, %dma_wait3A_70] : memref<10112x128xf32, #tpu.memory_space<vmem_shared>> -> memref<32x128xf32, #tpu.memory_space<vmem_shared>>
      %dma_wait3A_72 = arith.constant 0 : i32
      %dma_wait3A_73 = arith.constant 0 : i32
      %dma_wait3A_74 = tpu.memref_slice %arg9[%dma_wait3A_72, %dma_wait3A_73] : memref<120x128xf32, #tpu.memory_space<vmem>> -> memref<32x128xf32, #tpu.memory_space<vmem>>
      tpu.wait_dma2 semaphore(%run_scoped3A : memref<!tpu.dma_semaphore, #tpu.memory_space<semaphore_mem>>) src(%dma_wait3A_74 : memref<32x128xf32, #tpu.memory_space<vmem>>) dst(%dma_wait3A_71 : memref<32x128xf32, #tpu.memory_space<vmem_shared>>)
      tpu.yield
    }) : () -> ()
    %barrier3A = arith.constant 0 : index
    tpu.barrier barrier_id(%barrier3A)
    %mul3A_19 = arith.constant 16 : i32
    %mul3A_20 = arith.muli %arg0, %mul3A_19 : i32
    %add3A_21 = arith.addi %mul3A_20, %arg1 : i32
    %mul3A_22 = arith.constant 84 : i32
    %mul3A_23 = arith.muli %add3A_21, %mul3A_22 : i32
    %add3A_24 = arith.constant 0 : i32
    %add3A_25 = arith.addi %mul3A_23, %add3A_24 : i32
    "tpu.region"() ({
      %run_scoped3A = tpu.sem_alloc : memref<!tpu.dma_semaphore, #tpu.memory_space<semaphore_mem>>
      %dma_start3A_55 = arith.constant 0 : i32
      %dma_start3A_56 = arith.constant 0 : i32
      %dma_start3A_57 = tpu.memref_slice %arg3[%add3A_25, %dma_start3A_55, %dma_start3A_56] : memref<2688x2x120xi32, #tpu.memory_space<hbm>> -> memref<1x2x120xi32, #tpu.memory_space<hbm>>
      %dma_start3A_58 = tpu.memref_squeeze %dma_start3A_57 : memref<1x2x120xi32, #tpu.memory_space<hbm>> -> memref<2x120xi32, #tpu.memory_space<hbm>>
      %dma_start3A_59 = arith.constant 0 : i32
      %dma_start3A_60 = arith.constant 0 : i32
      %dma_start3A_61 = tpu.memref_slice %arg3[%add3A_25, %dma_start3A_59, %dma_start3A_60] : memref<2688x2x120xi32, #tpu.memory_space<hbm>> -> memref<1x2x120xi32, #tpu.memory_space<hbm>>
      %dma_start3A_62 = tpu.memref_squeeze %dma_start3A_61 : memref<1x2x120xi32, #tpu.memory_space<hbm>> -> memref<2x120xi32, #tpu.memory_space<hbm>>
      tpu.enqueue_dma source(%dma_start3A_62 : memref<2x120xi32, #tpu.memory_space<hbm>>) target(%arg6 : memref<2x120xi32, #tpu.memory_space<vmem>>) target_semaphore(%run_scoped3A : memref<!tpu.dma_semaphore, #tpu.memory_space<semaphore_mem>>)
      %dma_wait3A_63 = arith.constant 0 : i32
      %dma_wait3A_64 = arith.constant 0 : i32
      %dma_wait3A_65 = tpu.memref_slice %arg3[%add3A_25, %dma_wait3A_63, %dma_wait3A_64] : memref<2688x2x120xi32, #tpu.memory_space<hbm>> -> memref<1x2x120xi32, #tpu.memory_space<hbm>>
      %dma_wait3A_66 = tpu.memref_squeeze %dma_wait3A_65 : memref<1x2x120xi32, #tpu.memory_space<hbm>> -> memref<2x120xi32, #tpu.memory_space<hbm>>
      %dma_wait3A_67 = arith.constant 0 : i32
      %dma_wait3A_68 = arith.constant 0 : i32
      %dma_wait3A_69 = tpu.memref_slice %arg3[%add3A_25, %dma_wait3A_67, %dma_wait3A_68] : memref<2688x2x120xi32, #tpu.memory_space<hbm>> -> memref<1x2x120xi32, #tpu.memory_space<hbm>>
      %dma_wait3A_70 = tpu.memref_squeeze %dma_wait3A_69 : memref<1x2x120xi32, #tpu.memory_space<hbm>> -> memref<2x120xi32, #tpu.memory_space<hbm>>
      tpu.wait_dma2 semaphore(%run_scoped3A : memref<!tpu.dma_semaphore, #tpu.memory_space<semaphore_mem>>) src(%dma_wait3A_70 : memref<2x120xi32, #tpu.memory_space<hbm>>) dst(%arg6 : memref<2x120xi32, #tpu.memory_space<vmem>>)
      tpu.yield
    }) : () -> ()
    %dma_start3A = arith.constant 0 : i32
    %dma_start3A_26 = arith.constant 0 : i32
    %dma_start3A_27 = tpu.memref_slice %arg6[%dma_start3A, %dma_start3A_26] : memref<2x120xi32, #tpu.memory_space<vmem>> -> memref<1x120xi32, #tpu.memory_space<vmem>>
    %dma_start3A_28 = tpu.memref_squeeze %dma_start3A_27 : memref<1x120xi32, #tpu.memory_space<vmem>> -> memref<120xi32, #tpu.memory_space<vmem>>
    %dma_start3A_29 = arith.constant 0 : i32
    %dma_start3A_30 = arith.constant 0 : i32
    %dma_start3A_31 = tpu.memref_slice %arg2[%dma_start3A_29, %dma_start3A_30] : memref<10000x128xf32, #tpu.memory_space<hbm>> -> memref<10000x128xf32, #tpu.memory_space<hbm>>
    tpu.enqueue_indirect_dma source(%dma_start3A_31 : memref<10000x128xf32, #tpu.memory_space<hbm>>) target(%arg9 : memref<120x128xf32, #tpu.memory_space<vmem>>) offsets(%dma_start3A_28 : memref<120xi32, #tpu.memory_space<vmem>>) semaphore(%arg12 : memref<!tpu.dma_semaphore, #tpu.memory_space<semaphore_mem>>)
    %add3A_32 = arith.constant 1 : i32
    %add3A_33 = arith.addi %mul3A_23, %add3A_32 : i32
    "tpu.region"() ({
      %run_scoped3A = tpu.sem_alloc : memref<!tpu.dma_semaphore, #tpu.memory_space<semaphore_mem>>
      %dma_start3A_55 = arith.constant 0 : i32
      %dma_start3A_56 = arith.constant 0 : i32
      %dma_start3A_57 = tpu.memref_slice %arg3[%add3A_33, %dma_start3A_55, %dma_start3A_56] : memref<2688x2x120xi32, #tpu.memory_space<hbm>> -> memref<1x2x120xi32, #tpu.memory_space<hbm>>
      %dma_start3A_58 = tpu.memref_squeeze %dma_start3A_57 : memref<1x2x120xi32, #tpu.memory_space<hbm>> -> memref<2x120xi32, #tpu.memory_space<hbm>>
      %dma_start3A_59 = arith.constant 0 : i32
      %dma_start3A_60 = arith.constant 0 : i32
      %dma_start3A_61 = tpu.memref_slice %arg3[%add3A_33, %dma_start3A_59, %dma_start3A_60] : memref<2688x2x120xi32, #tpu.memory_space<hbm>> -> memref<1x2x120xi32, #tpu.memory_space<hbm>>
      %dma_start3A_62 = tpu.memref_squeeze %dma_start3A_61 : memref<1x2x120xi32, #tpu.memory_space<hbm>> -> memref<2x120xi32, #tpu.memory_space<hbm>>
      tpu.enqueue_dma source(%dma_start3A_62 : memref<2x120xi32, #tpu.memory_space<hbm>>) target(%arg7 : memref<2x120xi32, #tpu.memory_space<vmem>>) target_semaphore(%run_scoped3A : memref<!tpu.dma_semaphore, #tpu.memory_space<semaphore_mem>>)
      %dma_wait3A_63 = arith.constant 0 : i32
      %dma_wait3A_64 = arith.constant 0 : i32
      %dma_wait3A_65 = tpu.memref_slice %arg3[%add3A_33, %dma_wait3A_63, %dma_wait3A_64] : memref<2688x2x120xi32, #tpu.memory_space<hbm>> -> memref<1x2x120xi32, #tpu.memory_space<hbm>>
      %dma_wait3A_66 = tpu.memref_squeeze %dma_wait3A_65 : memref<1x2x120xi32, #tpu.memory_space<hbm>> -> memref<2x120xi32, #tpu.memory_space<hbm>>
      %dma_wait3A_67 = arith.constant 0 : i32
      %dma_wait3A_68 = arith.constant 0 : i32
      %dma_wait3A_69 = tpu.memref_slice %arg3[%add3A_33, %dma_wait3A_67, %dma_wait3A_68] : memref<2688x2x120xi32, #tpu.memory_space<hbm>> -> memref<1x2x120xi32, #tpu.memory_space<hbm>>
      %dma_wait3A_70 = tpu.memref_squeeze %dma_wait3A_69 : memref<1x2x120xi32, #tpu.memory_space<hbm>> -> memref<2x120xi32, #tpu.memory_space<hbm>>
      tpu.wait_dma2 semaphore(%run_scoped3A : memref<!tpu.dma_semaphore, #tpu.memory_space<semaphore_mem>>) src(%dma_wait3A_70 : memref<2x120xi32, #tpu.memory_space<hbm>>) dst(%arg7 : memref<2x120xi32, #tpu.memory_space<vmem>>)
      tpu.yield
    }) : () -> ()
    %dma_start3A_34 = arith.constant 0 : i32
    %dma_start3A_35 = arith.constant 0 : i32
    %dma_start3A_36 = tpu.memref_slice %arg7[%dma_start3A_34, %dma_start3A_35] : memref<2x120xi32, #tpu.memory_space<vmem>> -> memref<1x120xi32, #tpu.memory_space<vmem>>
    %dma_start3A_37 = tpu.memref_squeeze %dma_start3A_36 : memref<1x120xi32, #tpu.memory_space<vmem>> -> memref<120xi32, #tpu.memory_space<vmem>>
    %dma_start3A_38 = arith.constant 0 : i32
    %dma_start3A_39 = arith.constant 0 : i32
    %dma_start3A_40 = tpu.memref_slice %arg2[%dma_start3A_38, %dma_start3A_39] : memref<10000x128xf32, #tpu.memory_space<hbm>> -> memref<10000x128xf32, #tpu.memory_space<hbm>>
    tpu.enqueue_indirect_dma source(%dma_start3A_40 : memref<10000x128xf32, #tpu.memory_space<hbm>>) target(%arg10 : memref<120x128xf32, #tpu.memory_space<vmem>>) offsets(%dma_start3A_37 : memref<120xi32, #tpu.memory_space<vmem>>) semaphore(%arg13 : memref<!tpu.dma_semaphore, #tpu.memory_space<semaphore_mem>>)
    %scan3A_41 = arith.constant 0 : i32
    %scan3A_42 = arith.constant 0 : i32
    %scan3A_43 = arith.constant 28 : i32
    %scan3A_44 = arith.addi %scan3A_42, %scan3A_43 : i32
    %scan3A_45 = arith.constant 1 : i32
    %scan3A_46 = scf.for %scan3A_55 = %scan3A_42 to %scan3A_44 step %scan3A_45 iter_args(%scan3A_56 = %scan3A_41) -> (i32)  : i32 {
      %mul3A_57 = arith.constant 3 : i32
      %mul3A_58 = arith.muli %scan3A_55, %mul3A_57 : i32
      %add3A_59 = arith.constant 0 : i32
      %add3A_60 = arith.addi %mul3A_58, %add3A_59 : i32
      %dma_wait3A_61 = arith.constant 0 : i32
      %dma_wait3A_62 = arith.constant 0 : i32
      %dma_wait3A_63 = tpu.memref_slice %arg6[%dma_wait3A_61, %dma_wait3A_62] : memref<2x120xi32, #tpu.memory_space<vmem>> -> memref<1x120xi32, #tpu.memory_space<vmem>>
      %dma_wait3A_64 = tpu.memref_squeeze %dma_wait3A_63 : memref<1x120xi32, #tpu.memory_space<vmem>> -> memref<120xi32, #tpu.memory_space<vmem>>
      %dma_wait3A_65 = arith.constant 0 : i32
      %dma_wait3A_66 = arith.constant 0 : i32
      %dma_wait3A_67 = tpu.memref_slice %arg2[%dma_wait3A_65, %dma_wait3A_66] : memref<10000x128xf32, #tpu.memory_space<hbm>> -> memref<10000x128xf32, #tpu.memory_space<hbm>>
      tpu.wait_indirect_dma semaphore(%arg12 : memref<!tpu.dma_semaphore, #tpu.memory_space<semaphore_mem>>) src(%dma_wait3A_67 : memref<10000x128xf32, #tpu.memory_space<hbm>>) dst(%arg9 : memref<120x128xf32, #tpu.memory_space<vmem>>)
      %dma_start3A_68 = arith.constant 1 : i32
      %dma_start3A_69 = arith.constant 0 : i32
      %dma_start3A_70 = tpu.memref_slice %arg6[%dma_start3A_68, %dma_start3A_69] : memref<2x120xi32, #tpu.memory_space<vmem>> -> memref<1x120xi32, #tpu.memory_space<vmem>>
      %dma_start3A_71 = tpu.memref_squeeze %dma_start3A_70 : memref<1x120xi32, #tpu.memory_space<vmem>> -> memref<120xi32, #tpu.memory_space<vmem>>
      %dma_start3A_72 = arith.constant 0 : i32
      %dma_start3A_73 = arith.constant 0 : i32
      %dma_start3A_74 = tpu.memref_slice %arg5[%dma_start3A_72, %dma_start3A_73] : memref<10112x128xf32, #tpu.memory_space<vmem_shared>> -> memref<10112x128xf32, #tpu.memory_space<vmem_shared>>
      tpu.enqueue_indirect_dma source(%arg9 : memref<120x128xf32, #tpu.memory_space<vmem>>) target(%dma_start3A_74 : memref<10112x128xf32, #tpu.memory_space<vmem_shared>>) offsets(%dma_start3A_71 : memref<120xi32, #tpu.memory_space<vmem>>) semaphore(%arg15 : memref<!tpu.dma_semaphore, #tpu.memory_space<semaphore_mem>>) {add = true}
      %ge3A = arith.constant 1 : i32
      %ge3A_75 = arith.cmpi sge, %add3A_60, %ge3A : i32
      %convert_element_type3A = arith.extui %ge3A_75 : i1 to i32
      %cond3A = arith.constant 0 : i32
      %cond3A_76 = arith.cmpi ne, %convert_element_type3A, %cond3A : i32
      scf.if %cond3A_76 {
        %dma_wait3A_149 = arith.constant 0 : i32
        %dma_wait3A_150 = arith.constant 0 : i32
        %dma_wait3A_151 = tpu.memref_slice %arg8[%dma_wait3A_149, %dma_wait3A_150] : memref<2x120xi32, #tpu.memory_space<vmem>> -> memref<1x120xi32, #tpu.memory_space<vmem>>
        %dma_wait3A_152 = tpu.memref_squeeze %dma_wait3A_151 : memref<1x120xi32, #tpu.memory_space<vmem>> -> memref<120xi32, #tpu.memory_space<vmem>>
        %dma_wait3A_153 = arith.constant 0 : i32
        %dma_wait3A_154 = arith.constant 0 : i32
        %dma_wait3A_155 = tpu.memref_slice %arg2[%dma_wait3A_153, %dma_wait3A_154] : memref<10000x128xf32, #tpu.memory_space<hbm>> -> memref<10000x128xf32, #tpu.memory_space<hbm>>
        tpu.wait_indirect_dma semaphore(%arg17 : memref<!tpu.dma_semaphore, #tpu.memory_space<semaphore_mem>>) src(%dma_wait3A_155 : memref<10000x128xf32, #tpu.memory_space<hbm>>) dst(%arg11 : memref<120x128xf32, #tpu.memory_space<vmem>>)
      } else {
      }
      %add3A_77 = arith.constant 3 : i32
      %add3A_78 = arith.addi %add3A_60, %add3A_77 : i32
      %sub3A = arith.constant 1 : i32
      %sub3A_79 = arith.subi %add3A_78, %sub3A : i32
      %lt3A = arith.constant 84 : i32
      %lt3A_80 = arith.cmpi slt, %sub3A_79, %lt3A : i32
      %convert_element_type3A_81 = arith.extui %lt3A_80 : i1 to i32
      %cond3A_82 = arith.constant 0 : i32
      %cond3A_83 = arith.cmpi ne, %convert_element_type3A_81, %cond3A_82 : i32
      scf.if %cond3A_83 {
        %add3A_149 = arith.constant 3 : i32
        %add3A_150 = arith.addi %add3A_60, %add3A_149 : i32
        %sub3A_151 = arith.constant 1 : i32
        %sub3A_152 = arith.subi %add3A_150, %sub3A_151 : i32
        %add3A_153 = arith.addi %mul3A_23, %sub3A_152 : i32
        "tpu.region"() ({
          %run_scoped3A = tpu.sem_alloc : memref<!tpu.dma_semaphore, #tpu.memory_space<semaphore_mem>>
          %dma_start3A_161 = arith.constant 0 : i32
          %dma_start3A_162 = arith.constant 0 : i32
          %dma_start3A_163 = tpu.memref_slice %arg3[%add3A_153, %dma_start3A_161, %dma_start3A_162] : memref<2688x2x120xi32, #tpu.memory_space<hbm>> -> memref<1x2x120xi32, #tpu.memory_space<hbm>>
          %dma_start3A_164 = tpu.memref_squeeze %dma_start3A_163 : memref<1x2x120xi32, #tpu.memory_space<hbm>> -> memref<2x120xi32, #tpu.memory_space<hbm>>
          %dma_start3A_165 = arith.constant 0 : i32
          %dma_start3A_166 = arith.constant 0 : i32
          %dma_start3A_167 = tpu.memref_slice %arg3[%add3A_153, %dma_start3A_165, %dma_start3A_166] : memref<2688x2x120xi32, #tpu.memory_space<hbm>> -> memref<1x2x120xi32, #tpu.memory_space<hbm>>
          %dma_start3A_168 = tpu.memref_squeeze %dma_start3A_167 : memref<1x2x120xi32, #tpu.memory_space<hbm>> -> memref<2x120xi32, #tpu.memory_space<hbm>>
          tpu.enqueue_dma source(%dma_start3A_168 : memref<2x120xi32, #tpu.memory_space<hbm>>) target(%arg8 : memref<2x120xi32, #tpu.memory_space<vmem>>) target_semaphore(%run_scoped3A : memref<!tpu.dma_semaphore, #tpu.memory_space<semaphore_mem>>)
          %dma_wait3A_169 = arith.constant 0 : i32
          %dma_wait3A_170 = arith.constant 0 : i32
          %dma_wait3A_171 = tpu.memref_slice %arg3[%add3A_153, %dma_wait3A_169, %dma_wait3A_170] : memref<2688x2x120xi32, #tpu.memory_space<hbm>> -> memref<1x2x120xi32, #tpu.memory_space<hbm>>
          %dma_wait3A_172 = tpu.memref_squeeze %dma_wait3A_171 : memref<1x2x120xi32, #tpu.memory_space<hbm>> -> memref<2x120xi32, #tpu.memory_space<hbm>>
          %dma_wait3A_173 = arith.constant 0 : i32
          %dma_wait3A_174 = arith.constant 0 : i32
          %dma_wait3A_175 = tpu.memref_slice %arg3[%add3A_153, %dma_wait3A_173, %dma_wait3A_174] : memref<2688x2x120xi32, #tpu.memory_space<hbm>> -> memref<1x2x120xi32, #tpu.memory_space<hbm>>
          %dma_wait3A_176 = tpu.memref_squeeze %dma_wait3A_175 : memref<1x2x120xi32, #tpu.memory_space<hbm>> -> memref<2x120xi32, #tpu.memory_space<hbm>>
          tpu.wait_dma2 semaphore(%run_scoped3A : memref<!tpu.dma_semaphore, #tpu.memory_space<semaphore_mem>>) src(%dma_wait3A_176 : memref<2x120xi32, #tpu.memory_space<hbm>>) dst(%arg8 : memref<2x120xi32, #tpu.memory_space<vmem>>)
          tpu.yield
        }) : () -> ()
        %dma_start3A_154 = arith.constant 0 : i32
        %dma_start3A_155 = arith.constant 0 : i32
        %dma_start3A_156 = tpu.memref_slice %arg8[%dma_start3A_154, %dma_start3A_155] : memref<2x120xi32, #tpu.memory_space<vmem>> -> memref<1x120xi32, #tpu.memory_space<vmem>>
        %dma_start3A_157 = tpu.memref_squeeze %dma_start3A_156 : memref<1x120xi32, #tpu.memory_space<vmem>> -> memref<120xi32, #tpu.memory_space<vmem>>
        %dma_start3A_158 = arith.constant 0 : i32
        %dma_start3A_159 = arith.constant 0 : i32
        %dma_start3A_160 = tpu.memref_slice %arg2[%dma_start3A_158, %dma_start3A_159] : memref<10000x128xf32, #tpu.memory_space<hbm>> -> memref<10000x128xf32, #tpu.memory_space<hbm>>
        tpu.enqueue_indirect_dma source(%dma_start3A_160 : memref<10000x128xf32, #tpu.memory_space<hbm>>) target(%arg11 : memref<120x128xf32, #tpu.memory_space<vmem>>) offsets(%dma_start3A_157 : memref<120xi32, #tpu.memory_space<vmem>>) semaphore(%arg14 : memref<!tpu.dma_semaphore, #tpu.memory_space<semaphore_mem>>)
      } else {
      }
      %mul3A_84 = arith.constant 3 : i32
      %mul3A_85 = arith.muli %scan3A_55, %mul3A_84 : i32
      %add3A_86 = arith.constant 1 : i32
      %add3A_87 = arith.addi %mul3A_85, %add3A_86 : i32
      %dma_wait3A_88 = arith.constant 0 : i32
      %dma_wait3A_89 = arith.constant 0 : i32
      %dma_wait3A_90 = tpu.memref_slice %arg7[%dma_wait3A_88, %dma_wait3A_89] : memref<2x120xi32, #tpu.memory_space<vmem>> -> memref<1x120xi32, #tpu.memory_space<vmem>>
      %dma_wait3A_91 = tpu.memref_squeeze %dma_wait3A_90 : memref<1x120xi32, #tpu.memory_space<vmem>> -> memref<120xi32, #tpu.memory_space<vmem>>
      %dma_wait3A_92 = arith.constant 0 : i32
      %dma_wait3A_93 = arith.constant 0 : i32
      %dma_wait3A_94 = tpu.memref_slice %arg2[%dma_wait3A_92, %dma_wait3A_93] : memref<10000x128xf32, #tpu.memory_space<hbm>> -> memref<10000x128xf32, #tpu.memory_space<hbm>>
      tpu.wait_indirect_dma semaphore(%arg13 : memref<!tpu.dma_semaphore, #tpu.memory_space<semaphore_mem>>) src(%dma_wait3A_94 : memref<10000x128xf32, #tpu.memory_space<hbm>>) dst(%arg10 : memref<120x128xf32, #tpu.memory_space<vmem>>)
      %dma_start3A_95 = arith.constant 1 : i32
      %dma_start3A_96 = arith.constant 0 : i32
      %dma_start3A_97 = tpu.memref_slice %arg7[%dma_start3A_95, %dma_start3A_96] : memref<2x120xi32, #tpu.memory_space<vmem>> -> memref<1x120xi32, #tpu.memory_space<vmem>>
      %dma_start3A_98 = tpu.memref_squeeze %dma_start3A_97 : memref<1x120xi32, #tpu.memory_space<vmem>> -> memref<120xi32, #tpu.memory_space<vmem>>
      %dma_start3A_99 = arith.constant 0 : i32
      %dma_start3A_100 = arith.constant 0 : i32
      %dma_start3A_101 = tpu.memref_slice %arg5[%dma_start3A_99, %dma_start3A_100] : memref<10112x128xf32, #tpu.memory_space<vmem_shared>> -> memref<10112x128xf32, #tpu.memory_space<vmem_shared>>
      tpu.enqueue_indirect_dma source(%arg10 : memref<120x128xf32, #tpu.memory_space<vmem>>) target(%dma_start3A_101 : memref<10112x128xf32, #tpu.memory_space<vmem_shared>>) offsets(%dma_start3A_98 : memref<120xi32, #tpu.memory_space<vmem>>) semaphore(%arg16 : memref<!tpu.dma_semaphore, #tpu.memory_space<semaphore_mem>>) {add = true}
      %ge3A_102 = arith.constant 1 : i32
      %ge3A_103 = arith.cmpi sge, %add3A_87, %ge3A_102 : i32
      %convert_element_type3A_104 = arith.extui %ge3A_103 : i1 to i32
      %cond3A_105 = arith.constant 0 : i32
      %cond3A_106 = arith.cmpi ne, %convert_element_type3A_104, %cond3A_105 : i32
      scf.if %cond3A_106 {
        %dma_wait3A_149 = arith.constant 0 : i32
        %dma_wait3A_150 = arith.constant 0 : i32
        %dma_wait3A_151 = tpu.memref_slice %arg6[%dma_wait3A_149, %dma_wait3A_150] : memref<2x120xi32, #tpu.memory_space<vmem>> -> memref<1x120xi32, #tpu.memory_space<vmem>>
        %dma_wait3A_152 = tpu.memref_squeeze %dma_wait3A_151 : memref<1x120xi32, #tpu.memory_space<vmem>> -> memref<120xi32, #tpu.memory_space<vmem>>
        %dma_wait3A_153 = arith.constant 0 : i32
        %dma_wait3A_154 = arith.constant 0 : i32
        %dma_wait3A_155 = tpu.memref_slice %arg2[%dma_wait3A_153, %dma_wait3A_154] : memref<10000x128xf32, #tpu.memory_space<hbm>> -> memref<10000x128xf32, #tpu.memory_space<hbm>>
        tpu.wait_indirect_dma semaphore(%arg15 : memref<!tpu.dma_semaphore, #tpu.memory_space<semaphore_mem>>) src(%dma_wait3A_155 : memref<10000x128xf32, #tpu.memory_space<hbm>>) dst(%arg9 : memref<120x128xf32, #tpu.memory_space<vmem>>)
      } else {
      }
      %add3A_107 = arith.constant 3 : i32
      %add3A_108 = arith.addi %add3A_87, %add3A_107 : i32
      %sub3A_109 = arith.constant 1 : i32
      %sub3A_110 = arith.subi %add3A_108, %sub3A_109 : i32
      %lt3A_111 = arith.constant 84 : i32
      %lt3A_112 = arith.cmpi slt, %sub3A_110, %lt3A_111 : i32
      %convert_element_type3A_113 = arith.extui %lt3A_112 : i1 to i32
      %cond3A_114 = arith.constant 0 : i32
      %cond3A_115 = arith.cmpi ne, %convert_element_type3A_113, %cond3A_114 : i32
      scf.if %cond3A_115 {
        %add3A_149 = arith.constant 3 : i32
        %add3A_150 = arith.addi %add3A_87, %add3A_149 : i32
        %sub3A_151 = arith.constant 1 : i32
        %sub3A_152 = arith.subi %add3A_150, %sub3A_151 : i32
        %add3A_153 = arith.addi %mul3A_23, %sub3A_152 : i32
        "tpu.region"() ({
          %run_scoped3A = tpu.sem_alloc : memref<!tpu.dma_semaphore, #tpu.memory_space<semaphore_mem>>
          %dma_start3A_161 = arith.constant 0 : i32
          %dma_start3A_162 = arith.constant 0 : i32
          %dma_start3A_163 = tpu.memref_slice %arg3[%add3A_153, %dma_start3A_161, %dma_start3A_162] : memref<2688x2x120xi32, #tpu.memory_space<hbm>> -> memref<1x2x120xi32, #tpu.memory_space<hbm>>
          %dma_start3A_164 = tpu.memref_squeeze %dma_start3A_163 : memref<1x2x120xi32, #tpu.memory_space<hbm>> -> memref<2x120xi32, #tpu.memory_space<hbm>>
          %dma_start3A_165 = arith.constant 0 : i32
          %dma_start3A_166 = arith.constant 0 : i32
          %dma_start3A_167 = tpu.memref_slice %arg3[%add3A_153, %dma_start3A_165, %dma_start3A_166] : memref<2688x2x120xi32, #tpu.memory_space<hbm>> -> memref<1x2x120xi32, #tpu.memory_space<hbm>>
          %dma_start3A_168 = tpu.memref_squeeze %dma_start3A_167 : memref<1x2x120xi32, #tpu.memory_space<hbm>> -> memref<2x120xi32, #tpu.memory_space<hbm>>
          tpu.enqueue_dma source(%dma_start3A_168 : memref<2x120xi32, #tpu.memory_space<hbm>>) target(%arg6 : memref<2x120xi32, #tpu.memory_space<vmem>>) target_semaphore(%run_scoped3A : memref<!tpu.dma_semaphore, #tpu.memory_space<semaphore_mem>>)
          %dma_wait3A_169 = arith.constant 0 : i32
          %dma_wait3A_170 = arith.constant 0 : i32
          %dma_wait3A_171 = tpu.memref_slice %arg3[%add3A_153, %dma_wait3A_169, %dma_wait3A_170] : memref<2688x2x120xi32, #tpu.memory_space<hbm>> -> memref<1x2x120xi32, #tpu.memory_space<hbm>>
          %dma_wait3A_172 = tpu.memref_squeeze %dma_wait3A_171 : memref<1x2x120xi32, #tpu.memory_space<hbm>> -> memref<2x120xi32, #tpu.memory_space<hbm>>
          %dma_wait3A_173 = arith.constant 0 : i32
          %dma_wait3A_174 = arith.constant 0 : i32
          %dma_wait3A_175 = tpu.memref_slice %arg3[%add3A_153, %dma_wait3A_173, %dma_wait3A_174] : memref<2688x2x120xi32, #tpu.memory_space<hbm>> -> memref<1x2x120xi32, #tpu.memory_space<hbm>>
          %dma_wait3A_176 = tpu.memref_squeeze %dma_wait3A_175 : memref<1x2x120xi32, #tpu.memory_space<hbm>> -> memref<2x120xi32, #tpu.memory_space<hbm>>
          tpu.wait_dma2 semaphore(%run_scoped3A : memref<!tpu.dma_semaphore, #tpu.memory_space<semaphore_mem>>) src(%dma_wait3A_176 : memref<2x120xi32, #tpu.memory_space<hbm>>) dst(%arg6 : memref<2x120xi32, #tpu.memory_space<vmem>>)
          tpu.yield
        }) : () -> ()
        %dma_start3A_154 = arith.constant 0 : i32
        %dma_start3A_155 = arith.constant 0 : i32
        %dma_start3A_156 = tpu.memref_slice %arg6[%dma_start3A_154, %dma_start3A_155] : memref<2x120xi32, #tpu.memory_space<vmem>> -> memref<1x120xi32, #tpu.memory_space<vmem>>
        %dma_start3A_157 = tpu.memref_squeeze %dma_start3A_156 : memref<1x120xi32, #tpu.memory_space<vmem>> -> memref<120xi32, #tpu.memory_space<vmem>>
        %dma_start3A_158 = arith.constant 0 : i32
        %dma_start3A_159 = arith.constant 0 : i32
        %dma_start3A_160 = tpu.memref_slice %arg2[%dma_start3A_158, %dma_start3A_159] : memref<10000x128xf32, #tpu.memory_space<hbm>> -> memref<10000x128xf32, #tpu.memory_space<hbm>>
        tpu.enqueue_indirect_dma source(%dma_start3A_160 : memref<10000x128xf32, #tpu.memory_space<hbm>>) target(%arg9 : memref<120x128xf32, #tpu.memory_space<vmem>>) offsets(%dma_start3A_157 : memref<120xi32, #tpu.memory_space<vmem>>) semaphore(%arg12 : memref<!tpu.dma_semaphore, #tpu.memory_space<semaphore_mem>>)
      } else {
      }
      %mul3A_116 = arith.constant 3 : i32
      %mul3A_117 = arith.muli %scan3A_55, %mul3A_116 : i32
      %add3A_118 = arith.constant 2 : i32
      %add3A_119 = arith.addi %mul3A_117, %add3A_118 : i32
      %dma_wait3A_120 = arith.constant 0 : i32
      %dma_wait3A_121 = arith.constant 0 : i32
      %dma_wait3A_122 = tpu.memref_slice %arg8[%dma_wait3A_120, %dma_wait3A_121] : memref<2x120xi32, #tpu.memory_space<vmem>> -> memref<1x120xi32, #tpu.memory_space<vmem>>
      %dma_wait3A_123 = tpu.memref_squeeze %dma_wait3A_122 : memref<1x120xi32, #tpu.memory_space<vmem>> -> memref<120xi32, #tpu.memory_space<vmem>>
      %dma_wait3A_124 = arith.constant 0 : i32
      %dma_wait3A_125 = arith.constant 0 : i32
      %dma_wait3A_126 = tpu.memref_slice %arg2[%dma_wait3A_124, %dma_wait3A_125] : memref<10000x128xf32, #tpu.memory_space<hbm>> -> memref<10000x128xf32, #tpu.memory_space<hbm>>
      tpu.wait_indirect_dma semaphore(%arg14 : memref<!tpu.dma_semaphore, #tpu.memory_space<semaphore_mem>>) src(%dma_wait3A_126 : memref<10000x128xf32, #tpu.memory_space<hbm>>) dst(%arg11 : memref<120x128xf32, #tpu.memory_space<vmem>>)
      %dma_start3A_127 = arith.constant 1 : i32
      %dma_start3A_128 = arith.constant 0 : i32
      %dma_start3A_129 = tpu.memref_slice %arg8[%dma_start3A_127, %dma_start3A_128] : memref<2x120xi32, #tpu.memory_space<vmem>> -> memref<1x120xi32, #tpu.memory_space<vmem>>
      %dma_start3A_130 = tpu.memref_squeeze %dma_start3A_129 : memref<1x120xi32, #tpu.memory_space<vmem>> -> memref<120xi32, #tpu.memory_space<vmem>>
      %dma_start3A_131 = arith.constant 0 : i32
      %dma_start3A_132 = arith.constant 0 : i32
      %dma_start3A_133 = tpu.memref_slice %arg5[%dma_start3A_131, %dma_start3A_132] : memref<10112x128xf32, #tpu.memory_space<vmem_shared>> -> memref<10112x128xf32, #tpu.memory_space<vmem_shared>>
      tpu.enqueue_indirect_dma source(%arg11 : memref<120x128xf32, #tpu.memory_space<vmem>>) target(%dma_start3A_133 : memref<10112x128xf32, #tpu.memory_space<vmem_shared>>) offsets(%dma_start3A_130 : memref<120xi32, #tpu.memory_space<vmem>>) semaphore(%arg17 : memref<!tpu.dma_semaphore, #tpu.memory_space<semaphore_mem>>) {add = true}
      %ge3A_134 = arith.constant 1 : i32
      %ge3A_135 = arith.cmpi sge, %add3A_119, %ge3A_134 : i32
      %convert_element_type3A_136 = arith.extui %ge3A_135 : i1 to i32
      %cond3A_137 = arith.constant 0 : i32
      %cond3A_138 = arith.cmpi ne, %convert_element_type3A_136, %cond3A_137 : i32
      scf.if %cond3A_138 {
        %dma_wait3A_149 = arith.constant 0 : i32
        %dma_wait3A_150 = arith.constant 0 : i32
        %dma_wait3A_151 = tpu.memref_slice %arg7[%dma_wait3A_149, %dma_wait3A_150] : memref<2x120xi32, #tpu.memory_space<vmem>> -> memref<1x120xi32, #tpu.memory_space<vmem>>
        %dma_wait3A_152 = tpu.memref_squeeze %dma_wait3A_151 : memref<1x120xi32, #tpu.memory_space<vmem>> -> memref<120xi32, #tpu.memory_space<vmem>>
        %dma_wait3A_153 = arith.constant 0 : i32
        %dma_wait3A_154 = arith.constant 0 : i32
        %dma_wait3A_155 = tpu.memref_slice %arg2[%dma_wait3A_153, %dma_wait3A_154] : memref<10000x128xf32, #tpu.memory_space<hbm>> -> memref<10000x128xf32, #tpu.memory_space<hbm>>
        tpu.wait_indirect_dma semaphore(%arg16 : memref<!tpu.dma_semaphore, #tpu.memory_space<semaphore_mem>>) src(%dma_wait3A_155 : memref<10000x128xf32, #tpu.memory_space<hbm>>) dst(%arg10 : memref<120x128xf32, #tpu.memory_space<vmem>>)
      } else {
      }
      %add3A_139 = arith.constant 3 : i32
      %add3A_140 = arith.addi %add3A_119, %add3A_139 : i32
      %sub3A_141 = arith.constant 1 : i32
      %sub3A_142 = arith.subi %add3A_140, %sub3A_141 : i32
      %lt3A_143 = arith.constant 84 : i32
      %lt3A_144 = arith.cmpi slt, %sub3A_142, %lt3A_143 : i32
      %convert_element_type3A_145 = arith.extui %lt3A_144 : i1 to i32
      %cond3A_146 = arith.constant 0 : i32
      %cond3A_147 = arith.cmpi ne, %convert_element_type3A_145, %cond3A_146 : i32
      scf.if %cond3A_147 {
        %add3A_149 = arith.constant 3 : i32
        %add3A_150 = arith.addi %add3A_119, %add3A_149 : i32
        %sub3A_151 = arith.constant 1 : i32
        %sub3A_152 = arith.subi %add3A_150, %sub3A_151 : i32
        %add3A_153 = arith.addi %mul3A_23, %sub3A_152 : i32
        "tpu.region"() ({
          %run_scoped3A = tpu.sem_alloc : memref<!tpu.dma_semaphore, #tpu.memory_space<semaphore_mem>>
          %dma_start3A_161 = arith.constant 0 : i32
          %dma_start3A_162 = arith.constant 0 : i32
          %dma_start3A_163 = tpu.memref_slice %arg3[%add3A_153, %dma_start3A_161, %dma_start3A_162] : memref<2688x2x120xi32, #tpu.memory_space<hbm>> -> memref<1x2x120xi32, #tpu.memory_space<hbm>>
          %dma_start3A_164 = tpu.memref_squeeze %dma_start3A_163 : memref<1x2x120xi32, #tpu.memory_space<hbm>> -> memref<2x120xi32, #tpu.memory_space<hbm>>
          %dma_start3A_165 = arith.constant 0 : i32
          %dma_start3A_166 = arith.constant 0 : i32
          %dma_start3A_167 = tpu.memref_slice %arg3[%add3A_153, %dma_start3A_165, %dma_start3A_166] : memref<2688x2x120xi32, #tpu.memory_space<hbm>> -> memref<1x2x120xi32, #tpu.memory_space<hbm>>
          %dma_start3A_168 = tpu.memref_squeeze %dma_start3A_167 : memref<1x2x120xi32, #tpu.memory_space<hbm>> -> memref<2x120xi32, #tpu.memory_space<hbm>>
          tpu.enqueue_dma source(%dma_start3A_168 : memref<2x120xi32, #tpu.memory_space<hbm>>) target(%arg7 : memref<2x120xi32, #tpu.memory_space<vmem>>) target_semaphore(%run_scoped3A : memref<!tpu.dma_semaphore, #tpu.memory_space<semaphore_mem>>)
          %dma_wait3A_169 = arith.constant 0 : i32
          %dma_wait3A_170 = arith.constant 0 : i32
          %dma_wait3A_171 = tpu.memref_slice %arg3[%add3A_153, %dma_wait3A_169, %dma_wait3A_170] : memref<2688x2x120xi32, #tpu.memory_space<hbm>> -> memref<1x2x120xi32, #tpu.memory_space<hbm>>
          %dma_wait3A_172 = tpu.memref_squeeze %dma_wait3A_171 : memref<1x2x120xi32, #tpu.memory_space<hbm>> -> memref<2x120xi32, #tpu.memory_space<hbm>>
          %dma_wait3A_173 = arith.constant 0 : i32
          %dma_wait3A_174 = arith.constant 0 : i32
          %dma_wait3A_175 = tpu.memref_slice %arg3[%add3A_153, %dma_wait3A_173, %dma_wait3A_174] : memref<2688x2x120xi32, #tpu.memory_space<hbm>> -> memref<1x2x120xi32, #tpu.memory_space<hbm>>
          %dma_wait3A_176 = tpu.memref_squeeze %dma_wait3A_175 : memref<1x2x120xi32, #tpu.memory_space<hbm>> -> memref<2x120xi32, #tpu.memory_space<hbm>>
          tpu.wait_dma2 semaphore(%run_scoped3A : memref<!tpu.dma_semaphore, #tpu.memory_space<semaphore_mem>>) src(%dma_wait3A_176 : memref<2x120xi32, #tpu.memory_space<hbm>>) dst(%arg7 : memref<2x120xi32, #tpu.memory_space<vmem>>)
          tpu.yield
        }) : () -> ()
        %dma_start3A_154 = arith.constant 0 : i32
        %dma_start3A_155 = arith.constant 0 : i32
        %dma_start3A_156 = tpu.memref_slice %arg7[%dma_start3A_154, %dma_start3A_155] : memref<2x120xi32, #tpu.memory_space<vmem>> -> memref<1x120xi32, #tpu.memory_space<vmem>>
        %dma_start3A_157 = tpu.memref_squeeze %dma_start3A_156 : memref<1x120xi32, #tpu.memory_space<vmem>> -> memref<120xi32, #tpu.memory_space<vmem>>
        %dma_start3A_158 = arith.constant 0 : i32
        %dma_start3A_159 = arith.constant 0 : i32
        %dma_start3A_160 = tpu.memref_slice %arg2[%dma_start3A_158, %dma_start3A_159] : memref<10000x128xf32, #tpu.memory_space<hbm>> -> memref<10000x128xf32, #tpu.memory_space<hbm>>
        tpu.enqueue_indirect_dma source(%dma_start3A_160 : memref<10000x128xf32, #tpu.memory_space<hbm>>) target(%arg10 : memref<120x128xf32, #tpu.memory_space<vmem>>) offsets(%dma_start3A_157 : memref<120xi32, #tpu.memory_space<vmem>>) semaphore(%arg13 : memref<!tpu.dma_semaphore, #tpu.memory_space<semaphore_mem>>)
      } else {
      }
      %scan3A_148 = arith.constant 0 : i32
      scf.yield %scan3A_148 : i32
    }
    %scan3A_47 = arith.constant 28 : i32
    %dma_wait3A = arith.constant 0 : i32
    %dma_wait3A_48 = arith.constant 0 : i32
    %dma_wait3A_49 = tpu.memref_slice %arg8[%dma_wait3A, %dma_wait3A_48] : memref<2x120xi32, #tpu.memory_space<vmem>> -> memref<1x120xi32, #tpu.memory_space<vmem>>
    %dma_wait3A_50 = tpu.memref_squeeze %dma_wait3A_49 : memref<1x120xi32, #tpu.memory_space<vmem>> -> memref<120xi32, #tpu.memory_space<vmem>>
    %dma_wait3A_51 = arith.constant 0 : i32
    %dma_wait3A_52 = arith.constant 0 : i32
    %dma_wait3A_53 = tpu.memref_slice %arg2[%dma_wait3A_51, %dma_wait3A_52] : memref<10000x128xf32, #tpu.memory_space<hbm>> -> memref<10000x128xf32, #tpu.memory_space<hbm>>
    tpu.wait_indirect_dma semaphore(%arg17 : memref<!tpu.dma_semaphore, #tpu.memory_space<semaphore_mem>>) src(%dma_wait3A_53 : memref<10000x128xf32, #tpu.memory_space<hbm>>) dst(%arg11 : memref<120x128xf32, #tpu.memory_space<vmem>>)
    %barrier3A_54 = arith.constant 0 : index
    tpu.barrier barrier_id(%barrier3A_54)
    "tpu.region"() ({
      %run_scoped3A = tpu.sem_alloc : memref<!tpu.dma_semaphore, #tpu.memory_space<semaphore_mem>>
      %dma_start3A_55 = arith.constant 0 : i32
      %dma_start3A_56 = tpu.memref_slice %arg4[%arg0, %mul3A_7, %dma_start3A_55] : memref<2x10112x128xf32, #tpu.memory_space<hbm>> -> memref<1x632x128xf32, #tpu.memory_space<hbm>>
      %dma_start3A_57 = tpu.memref_squeeze %dma_start3A_56 : memref<1x632x128xf32, #tpu.memory_space<hbm>> -> memref<632x128xf32, #tpu.memory_space<hbm>>
      %dma_start3A_58 = arith.constant 0 : i32
      %dma_start3A_59 = tpu.memref_slice %arg5[%mul3A_7, %dma_start3A_58] : memref<10112x128xf32, #tpu.memory_space<vmem_shared>> -> memref<632x128xf32, #tpu.memory_space<vmem_shared>>
      tpu.enqueue_dma source(%dma_start3A_59 : memref<632x128xf32, #tpu.memory_space<vmem_shared>>) target(%dma_start3A_57 : memref<632x128xf32, #tpu.memory_space<hbm>>) target_semaphore(%run_scoped3A : memref<!tpu.dma_semaphore, #tpu.memory_space<semaphore_mem>>)
      %dma_wait3A_60 = arith.constant 0 : i32
      %dma_wait3A_61 = tpu.memref_slice %arg4[%arg0, %mul3A_7, %dma_wait3A_60] : memref<2x10112x128xf32, #tpu.memory_space<hbm>> -> memref<1x632x128xf32, #tpu.memory_space<hbm>>
      %dma_wait3A_62 = tpu.memref_squeeze %dma_wait3A_61 : memref<1x632x128xf32, #tpu.memory_space<hbm>> -> memref<632x128xf32, #tpu.memory_space<hbm>>
      %dma_wait3A_63 = arith.constant 0 : i32
      %dma_wait3A_64 = tpu.memref_slice %arg5[%mul3A_7, %dma_wait3A_63] : memref<10112x128xf32, #tpu.memory_space<vmem_shared>> -> memref<632x128xf32, #tpu.memory_space<vmem_shared>>
      tpu.wait_dma2 semaphore(%run_scoped3A : memref<!tpu.dma_semaphore, #tpu.memory_space<semaphore_mem>>) src(%dma_wait3A_64 : memref<632x128xf32, #tpu.memory_space<vmem_shared>>) dst(%dma_wait3A_62 : memref<632x128xf32, #tpu.memory_space<hbm>>)
      tpu.yield
    }) : () -> ()
    return
  }
}

module attributes {stable_mosaic.version = 14 : i64} {
  func.func @_proj_body(%arg0: i32, %arg1: memref<1000x128xf32, #tpu.memory_space<vmem>>, %arg2: memref<128x128xf32, #tpu.memory_space<vmem>>, %arg3: memref<128x128xf32, #tpu.memory_space<vmem>>, %arg4: memref<1x128xf32, #tpu.memory_space<vmem>>, %arg5: memref<1000x128xf32, #tpu.memory_space<vmem>>, %arg6: memref<1000x128xf32, #tpu.memory_space<vmem>>) attributes {dimension_semantics = [#tpu.dimension_semantics<arbitrary>], iteration_bounds = array<i64: 10>, scalar_prefetch = 0 : i64, scratch_operands = 0 : i64, tpu.core_type = #tpu.core_type<tc>, window_params = [{transform_indices = @transform_0, window_bounds = array<i64: 1000, 128>}, {pipeline_mode = #tpu.pipeline_mode<synchronous>, transform_indices = @transform_1, window_bounds = array<i64: 128, 128>}, {pipeline_mode = #tpu.pipeline_mode<synchronous>, transform_indices = @transform_2, window_bounds = array<i64: 128, 128>}, {pipeline_mode = #tpu.pipeline_mode<synchronous>, transform_indices = @transform_3, window_bounds = array<i64: 1, 128>}, {transform_indices = @transform_4, window_bounds = array<i64: 1000, 128>}, {transform_indices = @transform_5, window_bounds = array<i64: 1000, 128>}]} {
    %get3A = arith.constant 0 : index
    %get3A_0 = arith.constant 0 : index
    %get3A_1 = vector.load %arg1[%get3A, %get3A_0] : memref<1000x128xf32, #tpu.memory_space<vmem>>, vector<1000x128xf32>
    %get3A_2 = arith.constant 0 : index
    %get3A_3 = arith.constant 0 : index
    %get3A_4 = vector.load %arg2[%get3A_2, %get3A_3] : memref<128x128xf32, #tpu.memory_space<vmem>>, vector<128x128xf32>
    %dot_general3A = arith.constant dense<0.000000e+00> : vector<1000x128xf32>
    %dot_general3A_5 = tpu.matmul %get3A_1, %get3A_4, %dot_general3A {dimension_numbers = #tpu.dot_dimension_numbers<[1], [0], [0], [1], [0, 0, 1, 1], [], []>, transpose_lhs_hint = false} : vector<1000x128xf32>, vector<128x128xf32>, vector<1000x128xf32> -> vector<1000x128xf32>
    %swap3A = arith.constant 0 : index
    %swap3A_6 = arith.constant 0 : index
    %swap3A_7 = vector.load %arg5[%swap3A, %swap3A_6] : memref<1000x128xf32, #tpu.memory_space<vmem>>, vector<1000x128xf32>
    tpu.vector_store %arg5[%swap3A, %swap3A_6], %dot_general3A_5 {strides = array<i32>} : memref<1000x128xf32, #tpu.memory_space<vmem>>, vector<1000x128xf32>,
    %get3A_8 = arith.constant 0 : index
    %get3A_9 = arith.constant 0 : index
    %get3A_10 = vector.load %arg3[%get3A_8, %get3A_9] : memref<128x128xf32, #tpu.memory_space<vmem>>, vector<128x128xf32>
    %dot_general3A_11 = arith.constant dense<0.000000e+00> : vector<1000x128xf32>
    %dot_general3A_12 = tpu.matmul %get3A_1, %get3A_10, %dot_general3A_11 {dimension_numbers = #tpu.dot_dimension_numbers<[1], [0], [0], [1], [0, 0, 1, 1], [], []>, transpose_lhs_hint = false} : vector<1000x128xf32>, vector<128x128xf32>, vector<1000x128xf32> -> vector<1000x128xf32>
    %get3A_13 = arith.constant 0 : index
    %get3A_14 = arith.constant 0 : index
    %get3A_15 = vector.load %arg4[%get3A_13, %get3A_14] : memref<1x128xf32, #tpu.memory_space<vmem>>, vector<1x128xf32>
    %add3A = vector.broadcast %get3A_15 : vector<1x128xf32> to vector<1000x128xf32>
    %add3A_16 = arith.addf %dot_general3A_12, %add3A : vector<1000x128xf32>
    %swap3A_17 = arith.constant 0 : index
    %swap3A_18 = arith.constant 0 : index
    %swap3A_19 = vector.load %arg6[%swap3A_17, %swap3A_18] : memref<1000x128xf32, #tpu.memory_space<vmem>>, vector<1000x128xf32>
    tpu.vector_store %arg6[%swap3A_17, %swap3A_18], %add3A_16 {strides = array<i32>} : memref<1000x128xf32, #tpu.memory_space<vmem>>, vector<1000x128xf32>,
    return
  }
  func.func @transform_0(%arg0: i32) -> (i32, i32) {
    %c0_i32 = arith.constant 0 : i32
    %c0_i32_0 = arith.constant 0 : i32
    return %arg0, %c0_i32 : i32, i32
  }
  func.func @transform_1(%arg0: i32) -> (i32, i32) {
    %c0_i32 = arith.constant 0 : i32
    %c0_i32_0 = arith.constant 0 : i32
    %c0_i32_1 = arith.constant 0 : i32
    return %c0_i32, %c0_i32_0 : i32, i32
  }
  func.func @transform_2(%arg0: i32) -> (i32, i32) {
    %c0_i32 = arith.constant 0 : i32
    %c0_i32_0 = arith.constant 0 : i32
    %c0_i32_1 = arith.constant 0 : i32
    return %c0_i32, %c0_i32_0 : i32, i32
  }
  func.func @transform_3(%arg0: i32) -> (i32, i32) {
    %c0_i32 = arith.constant 0 : i32
    %c0_i32_0 = arith.constant 0 : i32
    %c0_i32_1 = arith.constant 0 : i32
    return %c0_i32, %c0_i32_0 : i32, i32
  }
  func.func @transform_4(%arg0: i32) -> (i32, i32) {
    %c0_i32 = arith.constant 0 : i32
    %c0_i32_0 = arith.constant 0 : i32
    return %arg0, %c0_i32 : i32, i32
  }
  func.func @transform_5(%arg0: i32) -> (i32, i32) {
    %c0_i32 = arith.constant 0 : i32
    %c0_i32_0 = arith.constant 0 : i32
    return %arg0, %c0_i32 : i32, i32
  }
}

module attributes {stable_mosaic.version = 14 : i64} {
  func.func @body(%arg0: i32, %arg1: memref<2x1000x128xf32, #tpu.memory_space<vmem>>, %arg2: memref<2x1000x128xf32, #tpu.memory_space<vmem>>, %arg3: memref<1000x128xf32, #tpu.memory_space<vmem>>, %arg4: memref<128x128xf32, #tpu.memory_space<vmem>>, %arg5: memref<128x128xf32, #tpu.memory_space<vmem>>, %arg6: memref<1x128xf32, #tpu.memory_space<vmem>>, %arg7: memref<1000x128xf32, #tpu.memory_space<vmem>>, %arg8: memref<1000x128xf32, #tpu.memory_space<vmem>>) attributes {dimension_semantics = [#tpu.dimension_semantics<arbitrary>], iteration_bounds = array<i64: 10>, scalar_prefetch = 0 : i64, scratch_operands = 0 : i64, tpu.core_type = #tpu.core_type<tc>, window_params = [{transform_indices = @transform_0, window_bounds = array<i64: 2, 1000, 128>}, {transform_indices = @transform_1, window_bounds = array<i64: 2, 1000, 128>}, {transform_indices = @transform_2, window_bounds = array<i64: 1000, 128>}, {pipeline_mode = #tpu.pipeline_mode<synchronous>, transform_indices = @transform_3, window_bounds = array<i64: 128, 128>}, {pipeline_mode = #tpu.pipeline_mode<synchronous>, transform_indices = @transform_4, window_bounds = array<i64: 128, 128>}, {pipeline_mode = #tpu.pipeline_mode<synchronous>, transform_indices = @transform_5, window_bounds = array<i64: 1, 128>}, {transform_indices = @transform_6, window_bounds = array<i64: 1000, 128>}, {transform_indices = @transform_7, window_bounds = array<i64: 1000, 128>}]} {
    %get3A = arith.constant 0 : index
    %get3A_0 = arith.constant 0 : index
    %get3A_1 = arith.constant 0 : index
    %get3A_2 = vector.load %arg1[%get3A, %get3A_0, %get3A_1] : memref<2x1000x128xf32, #tpu.memory_space<vmem>>, vector<1x1000x128xf32>
    %get3A_3 = vector.shape_cast %get3A_2 : vector<1x1000x128xf32> to vector<1000x128xf32>
    %get3A_4 = arith.constant 1 : index
    %get3A_5 = arith.constant 0 : index
    %get3A_6 = arith.constant 0 : index
    %get3A_7 = vector.load %arg1[%get3A_4, %get3A_5, %get3A_6] : memref<2x1000x128xf32, #tpu.memory_space<vmem>>, vector<1x1000x128xf32>
    %get3A_8 = vector.shape_cast %get3A_7 : vector<1x1000x128xf32> to vector<1000x128xf32>
    %add3A = arith.addf %get3A_3, %get3A_8 : vector<1000x128xf32>
    %get3A_9 = arith.constant 0 : index
    %get3A_10 = arith.constant 0 : index
    %get3A_11 = arith.constant 0 : index
    %get3A_12 = vector.load %arg2[%get3A_9, %get3A_10, %get3A_11] : memref<2x1000x128xf32, #tpu.memory_space<vmem>>, vector<1x1000x128xf32>
    %get3A_13 = vector.shape_cast %get3A_12 : vector<1x1000x128xf32> to vector<1000x128xf32>
    %get3A_14 = arith.constant 1 : index
    %get3A_15 = arith.constant 0 : index
    %get3A_16 = arith.constant 0 : index
    %get3A_17 = vector.load %arg2[%get3A_14, %get3A_15, %get3A_16] : memref<2x1000x128xf32, #tpu.memory_space<vmem>>, vector<1x1000x128xf32>
    %get3A_18 = vector.shape_cast %get3A_17 : vector<1x1000x128xf32> to vector<1000x128xf32>
    %add3A_19 = arith.addf %get3A_13, %get3A_18 : vector<1000x128xf32>
    %max3A = arith.constant 1.000000e+00 : f32
    %max3A_20 = vector.broadcast %max3A : f32 to vector<1000x128xf32>
    %max3A_21 = arith.maximumf %add3A_19, %max3A_20 : vector<1000x128xf32>
    %div3A = arith.constant 1.000000e+00 : f32
    %div3A_22 = vector.broadcast %div3A : f32 to vector<1000x128xf32>
    %div3A_23 = arith.divf %div3A_22, %max3A_21 : vector<1000x128xf32>
    %mul3A = arith.mulf %add3A, %div3A_23 : vector<1000x128xf32>
    %get3A_24 = arith.constant 0 : index
    %get3A_25 = arith.constant 0 : index
    %get3A_26 = vector.load %arg3[%get3A_24, %get3A_25] : memref<1000x128xf32, #tpu.memory_space<vmem>>, vector<1000x128xf32>
    %add3A_27 = arith.addf %mul3A, %get3A_26 : vector<1000x128xf32>
    %max3A_28 = arith.constant 0.000000e+00 : f32
    %max3A_29 = vector.broadcast %max3A_28 : f32 to vector<1000x128xf32>
    %max3A_30 = arith.maximumf %add3A_27, %max3A_29 : vector<1000x128xf32>
    %get3A_31 = arith.constant 0 : index
    %get3A_32 = arith.constant 0 : index
    %get3A_33 = vector.load %arg4[%get3A_31, %get3A_32] : memref<128x128xf32, #tpu.memory_space<vmem>>, vector<128x128xf32>
    %dot_general3A = arith.constant dense<0.000000e+00> : vector<1000x128xf32>
    %dot_general3A_34 = tpu.matmul %max3A_30, %get3A_33, %dot_general3A {dimension_numbers = #tpu.dot_dimension_numbers<[1], [0], [0], [1], [0, 0, 1, 1], [], []>, transpose_lhs_hint = false} : vector<1000x128xf32>, vector<128x128xf32>, vector<1000x128xf32> -> vector<1000x128xf32>
    %swap3A = arith.constant 0 : index
    %swap3A_35 = arith.constant 0 : index
    %swap3A_36 = vector.load %arg7[%swap3A, %swap3A_35] : memref<1000x128xf32, #tpu.memory_space<vmem>>, vector<1000x128xf32>
    tpu.vector_store %arg7[%swap3A, %swap3A_35], %dot_general3A_34 {strides = array<i32>} : memref<1000x128xf32, #tpu.memory_space<vmem>>, vector<1000x128xf32>,
    %get3A_37 = arith.constant 0 : index
    %get3A_38 = arith.constant 0 : index
    %get3A_39 = vector.load %arg5[%get3A_37, %get3A_38] : memref<128x128xf32, #tpu.memory_space<vmem>>, vector<128x128xf32>
    %dot_general3A_40 = arith.constant dense<0.000000e+00> : vector<1000x128xf32>
    %dot_general3A_41 = tpu.matmul %max3A_30, %get3A_39, %dot_general3A_40 {dimension_numbers = #tpu.dot_dimension_numbers<[1], [0], [0], [1], [0, 0, 1, 1], [], []>, transpose_lhs_hint = false} : vector<1000x128xf32>, vector<128x128xf32>, vector<1000x128xf32> -> vector<1000x128xf32>
    %get3A_42 = arith.constant 0 : index
    %get3A_43 = arith.constant 0 : index
    %get3A_44 = vector.load %arg6[%get3A_42, %get3A_43] : memref<1x128xf32, #tpu.memory_space<vmem>>, vector<1x128xf32>
    %add3A_45 = vector.broadcast %get3A_44 : vector<1x128xf32> to vector<1000x128xf32>
    %add3A_46 = arith.addf %dot_general3A_41, %add3A_45 : vector<1000x128xf32>
    %swap3A_47 = arith.constant 0 : index
    %swap3A_48 = arith.constant 0 : index
    %swap3A_49 = vector.load %arg8[%swap3A_47, %swap3A_48] : memref<1000x128xf32, #tpu.memory_space<vmem>>, vector<1000x128xf32>
    tpu.vector_store %arg8[%swap3A_47, %swap3A_48], %add3A_46 {strides = array<i32>} : memref<1000x128xf32, #tpu.memory_space<vmem>>, vector<1000x128xf32>,
    return
  }
  func.func @transform_0(%arg0: i32) -> (i32, i32, i32) {
    %c0_i32 = arith.constant 0 : i32
    %c0_i32_0 = arith.constant 0 : i32
    %c0_i32_1 = arith.constant 0 : i32
    return %c0_i32, %arg0, %c0_i32_0 : i32, i32, i32
  }
  func.func @transform_1(%arg0: i32) -> (i32, i32, i32) {
    %c0_i32 = arith.constant 0 : i32
    %c0_i32_0 = arith.constant 0 : i32
    %c0_i32_1 = arith.constant 0 : i32
    return %c0_i32, %arg0, %c0_i32_0 : i32, i32, i32
  }
  func.func @transform_2(%arg0: i32) -> (i32, i32) {
    %c0_i32 = arith.constant 0 : i32
    %c0_i32_0 = arith.constant 0 : i32
    return %arg0, %c0_i32 : i32, i32
  }
  func.func @transform_3(%arg0: i32) -> (i32, i32) {
    %c0_i32 = arith.constant 0 : i32
    %c0_i32_0 = arith.constant 0 : i32
    %c0_i32_1 = arith.constant 0 : i32
    return %c0_i32, %c0_i32_0 : i32, i32
  }
  func.func @transform_4(%arg0: i32) -> (i32, i32) {
    %c0_i32 = arith.constant 0 : i32
    %c0_i32_0 = arith.constant 0 : i32
    %c0_i32_1 = arith.constant 0 : i32
    return %c0_i32, %c0_i32_0 : i32, i32
  }
  func.func @transform_5(%arg0: i32) -> (i32, i32) {
    %c0_i32 = arith.constant 0 : i32
    %c0_i32_0 = arith.constant 0 : i32
    %c0_i32_1 = arith.constant 0 : i32
    return %c0_i32, %c0_i32_0 : i32, i32
  }
  func.func @transform_6(%arg0: i32) -> (i32, i32) {
    %c0_i32 = arith.constant 0 : i32
    %c0_i32_0 = arith.constant 0 : i32
    return %arg0, %c0_i32 : i32, i32
  }
  func.func @transform_7(%arg0: i32) -> (i32, i32) {
    %c0_i32 = arith.constant 0 : i32
    %c0_i32_0 = arith.constant 0 : i32
    return %arg0, %c0_i32 : i32, i32
  }
}

module attributes {stable_mosaic.version = 14 : i64} {
  func.func @body(%arg0: i32, %arg1: memref<2x1000x128xf32, #tpu.memory_space<vmem>>, %arg2: memref<2x1000x128xf32, #tpu.memory_space<vmem>>, %arg3: memref<1000x128xf32, #tpu.memory_space<vmem>>, %arg4: memref<128x128xf32, #tpu.memory_space<vmem>>, %arg5: memref<128x128xf32, #tpu.memory_space<vmem>>, %arg6: memref<1x128xf32, #tpu.memory_space<vmem>>, %arg7: memref<1000x128xf32, #tpu.memory_space<vmem>>, %arg8: memref<1000x128xf32, #tpu.memory_space<vmem>>, %arg9: memref<1000x128xf32, #tpu.memory_space<vmem>>, %arg10: memref<1000x128xf32, #tpu.memory_space<vmem>>) attributes {dimension_semantics = [#tpu.dimension_semantics<arbitrary>], iteration_bounds = array<i64: 10>, scalar_prefetch = 0 : i64, scratch_operands = 0 : i64, tpu.core_type = #tpu.core_type<tc>, window_params = [{transform_indices = @transform_0, window_bounds = array<i64: 2, 1000, 128>}, {transform_indices = @transform_1, window_bounds = array<i64: 2, 1000, 128>}, {transform_indices = @transform_2, window_bounds = array<i64: 1000, 128>}, {pipeline_mode = #tpu.pipeline_mode<synchronous>, transform_indices = @transform_3, window_bounds = array<i64: 128, 128>}, {pipeline_mode = #tpu.pipeline_mode<synchronous>, transform_indices = @transform_4, window_bounds = array<i64: 128, 128>}, {pipeline_mode = #tpu.pipeline_mode<synchronous>, transform_indices = @transform_5, window_bounds = array<i64: 1, 128>}, {transform_indices = @transform_6, window_bounds = array<i64: 1000, 128>}, {transform_indices = @transform_7, window_bounds = array<i64: 1000, 128>}, {transform_indices = @transform_8, window_bounds = array<i64: 1000, 128>}, {transform_indices = @transform_9, window_bounds = array<i64: 1000, 128>}]} {
    %get3A = arith.constant 0 : index
    %get3A_0 = arith.constant 0 : index
    %get3A_1 = arith.constant 0 : index
    %get3A_2 = vector.load %arg1[%get3A, %get3A_0, %get3A_1] : memref<2x1000x128xf32, #tpu.memory_space<vmem>>, vector<1x1000x128xf32>
    %get3A_3 = vector.shape_cast %get3A_2 : vector<1x1000x128xf32> to vector<1000x128xf32>
    %get3A_4 = arith.constant 1 : index
    %get3A_5 = arith.constant 0 : index
    %get3A_6 = arith.constant 0 : index
    %get3A_7 = vector.load %arg1[%get3A_4, %get3A_5, %get3A_6] : memref<2x1000x128xf32, #tpu.memory_space<vmem>>, vector<1x1000x128xf32>
    %get3A_8 = vector.shape_cast %get3A_7 : vector<1x1000x128xf32> to vector<1000x128xf32>
    %add3A = arith.addf %get3A_3, %get3A_8 : vector<1000x128xf32>
    %get3A_9 = arith.constant 0 : index
    %get3A_10 = arith.constant 0 : index
    %get3A_11 = arith.constant 0 : index
    %get3A_12 = vector.load %arg2[%get3A_9, %get3A_10, %get3A_11] : memref<2x1000x128xf32, #tpu.memory_space<vmem>>, vector<1x1000x128xf32>
    %get3A_13 = vector.shape_cast %get3A_12 : vector<1x1000x128xf32> to vector<1000x128xf32>
    %get3A_14 = arith.constant 1 : index
    %get3A_15 = arith.constant 0 : index
    %get3A_16 = arith.constant 0 : index
    %get3A_17 = vector.load %arg2[%get3A_14, %get3A_15, %get3A_16] : memref<2x1000x128xf32, #tpu.memory_space<vmem>>, vector<1x1000x128xf32>
    %get3A_18 = vector.shape_cast %get3A_17 : vector<1x1000x128xf32> to vector<1000x128xf32>
    %add3A_19 = arith.addf %get3A_13, %get3A_18 : vector<1000x128xf32>
    %max3A = arith.constant 1.000000e+00 : f32
    %max3A_20 = vector.broadcast %max3A : f32 to vector<1000x128xf32>
    %max3A_21 = arith.maximumf %add3A_19, %max3A_20 : vector<1000x128xf32>
    %div3A = arith.constant 1.000000e+00 : f32
    %div3A_22 = vector.broadcast %div3A : f32 to vector<1000x128xf32>
    %div3A_23 = arith.divf %div3A_22, %max3A_21 : vector<1000x128xf32>
    %mul3A = arith.mulf %add3A, %div3A_23 : vector<1000x128xf32>
    %get3A_24 = arith.constant 0 : index
    %get3A_25 = arith.constant 0 : index
    %get3A_26 = vector.load %arg3[%get3A_24, %get3A_25] : memref<1000x128xf32, #tpu.memory_space<vmem>>, vector<1000x128xf32>
    %add3A_27 = arith.addf %mul3A, %get3A_26 : vector<1000x128xf32>
    %max3A_28 = arith.constant 0.000000e+00 : f32
    %max3A_29 = vector.broadcast %max3A_28 : f32 to vector<1000x128xf32>
    %max3A_30 = arith.maximumf %add3A_27, %max3A_29 : vector<1000x128xf32>
    %swap3A = arith.constant 0 : index
    %swap3A_31 = arith.constant 0 : index
    %swap3A_32 = vector.load %arg7[%swap3A, %swap3A_31] : memref<1000x128xf32, #tpu.memory_space<vmem>>, vector<1000x128xf32>
    tpu.vector_store %arg7[%swap3A, %swap3A_31], %add3A_27 {strides = array<i32>} : memref<1000x128xf32, #tpu.memory_space<vmem>>, vector<1000x128xf32>,
    %swap3A_33 = arith.constant 0 : index
    %swap3A_34 = arith.constant 0 : index
    %swap3A_35 = vector.load %arg8[%swap3A_33, %swap3A_34] : memref<1000x128xf32, #tpu.memory_space<vmem>>, vector<1000x128xf32>
    tpu.vector_store %arg8[%swap3A_33, %swap3A_34], %max3A_30 {strides = array<i32>} : memref<1000x128xf32, #tpu.memory_space<vmem>>, vector<1000x128xf32>,
    %get3A_36 = arith.constant 0 : index
    %get3A_37 = arith.constant 0 : index
    %get3A_38 = vector.load %arg4[%get3A_36, %get3A_37] : memref<128x128xf32, #tpu.memory_space<vmem>>, vector<128x128xf32>
    %dot_general3A = arith.constant dense<0.000000e+00> : vector<1000x128xf32>
    %dot_general3A_39 = tpu.matmul %max3A_30, %get3A_38, %dot_general3A {dimension_numbers = #tpu.dot_dimension_numbers<[1], [0], [0], [1], [0, 0, 1, 1], [], []>, transpose_lhs_hint = false} : vector<1000x128xf32>, vector<128x128xf32>, vector<1000x128xf32> -> vector<1000x128xf32>
    %swap3A_40 = arith.constant 0 : index
    %swap3A_41 = arith.constant 0 : index
    %swap3A_42 = vector.load %arg9[%swap3A_40, %swap3A_41] : memref<1000x128xf32, #tpu.memory_space<vmem>>, vector<1000x128xf32>
    tpu.vector_store %arg9[%swap3A_40, %swap3A_41], %dot_general3A_39 {strides = array<i32>} : memref<1000x128xf32, #tpu.memory_space<vmem>>, vector<1000x128xf32>,
    %get3A_43 = arith.constant 0 : index
    %get3A_44 = arith.constant 0 : index
    %get3A_45 = vector.load %arg5[%get3A_43, %get3A_44] : memref<128x128xf32, #tpu.memory_space<vmem>>, vector<128x128xf32>
    %dot_general3A_46 = arith.constant dense<0.000000e+00> : vector<1000x128xf32>
    %dot_general3A_47 = tpu.matmul %max3A_30, %get3A_45, %dot_general3A_46 {dimension_numbers = #tpu.dot_dimension_numbers<[1], [0], [0], [1], [0, 0, 1, 1], [], []>, transpose_lhs_hint = false} : vector<1000x128xf32>, vector<128x128xf32>, vector<1000x128xf32> -> vector<1000x128xf32>
    %get3A_48 = arith.constant 0 : index
    %get3A_49 = arith.constant 0 : index
    %get3A_50 = vector.load %arg6[%get3A_48, %get3A_49] : memref<1x128xf32, #tpu.memory_space<vmem>>, vector<1x128xf32>
    %add3A_51 = vector.broadcast %get3A_50 : vector<1x128xf32> to vector<1000x128xf32>
    %add3A_52 = arith.addf %dot_general3A_47, %add3A_51 : vector<1000x128xf32>
    %swap3A_53 = arith.constant 0 : index
    %swap3A_54 = arith.constant 0 : index
    %swap3A_55 = vector.load %arg10[%swap3A_53, %swap3A_54] : memref<1000x128xf32, #tpu.memory_space<vmem>>, vector<1000x128xf32>
    tpu.vector_store %arg10[%swap3A_53, %swap3A_54], %add3A_52 {strides = array<i32>} : memref<1000x128xf32, #tpu.memory_space<vmem>>, vector<1000x128xf32>,
    return
  }
  func.func @transform_0(%arg0: i32) -> (i32, i32, i32) {
    %c0_i32 = arith.constant 0 : i32
    %c0_i32_0 = arith.constant 0 : i32
    %c0_i32_1 = arith.constant 0 : i32
    return %c0_i32, %arg0, %c0_i32_0 : i32, i32, i32
  }
  func.func @transform_1(%arg0: i32) -> (i32, i32, i32) {
    %c0_i32 = arith.constant 0 : i32
    %c0_i32_0 = arith.constant 0 : i32
    %c0_i32_1 = arith.constant 0 : i32
    return %c0_i32, %arg0, %c0_i32_0 : i32, i32, i32
  }
  func.func @transform_2(%arg0: i32) -> (i32, i32) {
    %c0_i32 = arith.constant 0 : i32
    %c0_i32_0 = arith.constant 0 : i32
    return %arg0, %c0_i32 : i32, i32
  }
  func.func @transform_3(%arg0: i32) -> (i32, i32) {
    %c0_i32 = arith.constant 0 : i32
    %c0_i32_0 = arith.constant 0 : i32
    %c0_i32_1 = arith.constant 0 : i32
    return %c0_i32, %c0_i32_0 : i32, i32
  }
  func.func @transform_4(%arg0: i32) -> (i32, i32) {
    %c0_i32 = arith.constant 0 : i32
    %c0_i32_0 = arith.constant 0 : i32
    %c0_i32_1 = arith.constant 0 : i32
    return %c0_i32, %c0_i32_0 : i32, i32
  }
  func.func @transform_5(%arg0: i32) -> (i32, i32) {
    %c0_i32 = arith.constant 0 : i32
    %c0_i32_0 = arith.constant 0 : i32
    %c0_i32_1 = arith.constant 0 : i32
    return %c0_i32, %c0_i32_0 : i32, i32
  }
  func.func @transform_6(%arg0: i32) -> (i32, i32) {
    %c0_i32 = arith.constant 0 : i32
    %c0_i32_0 = arith.constant 0 : i32
    return %arg0, %c0_i32 : i32, i32
  }
  func.func @transform_7(%arg0: i32) -> (i32, i32) {
    %c0_i32 = arith.constant 0 : i32
    %c0_i32_0 = arith.constant 0 : i32
    return %arg0, %c0_i32 : i32, i32
  }
  func.func @transform_8(%arg0: i32) -> (i32, i32) {
    %c0_i32 = arith.constant 0 : i32
    %c0_i32_0 = arith.constant 0 : i32
    return %arg0, %c0_i32 : i32, i32
  }
  func.func @transform_9(%arg0: i32) -> (i32, i32) {
    %c0_i32 = arith.constant 0 : i32
    %c0_i32_0 = arith.constant 0 : i32
    return %arg0, %c0_i32 : i32, i32
  }
}

module attributes {stable_mosaic.version = 14 : i64} {
  func.func @body(%arg0: i32, %arg1: memref<2x1000x128xf32, #tpu.memory_space<vmem>>, %arg2: memref<2x1000x128xf32, #tpu.memory_space<vmem>>, %arg3: memref<1000x128xf32, #tpu.memory_space<vmem>>, %arg4: memref<1000x128xf32, #tpu.memory_space<vmem>>) attributes {dimension_semantics = [#tpu.dimension_semantics<arbitrary>], iteration_bounds = array<i64: 10>, scalar_prefetch = 0 : i64, scratch_operands = 0 : i64, tpu.core_type = #tpu.core_type<tc>, window_params = [{transform_indices = @transform_0, window_bounds = array<i64: 2, 1000, 128>}, {transform_indices = @transform_1, window_bounds = array<i64: 2, 1000, 128>}, {transform_indices = @transform_2, window_bounds = array<i64: 1000, 128>}, {transform_indices = @transform_3, window_bounds = array<i64: 1000, 128>}]} {
    %get3A = arith.constant 0 : index
    %get3A_0 = arith.constant 0 : index
    %get3A_1 = arith.constant 0 : index
    %get3A_2 = vector.load %arg1[%get3A, %get3A_0, %get3A_1] : memref<2x1000x128xf32, #tpu.memory_space<vmem>>, vector<1x1000x128xf32>
    %get3A_3 = vector.shape_cast %get3A_2 : vector<1x1000x128xf32> to vector<1000x128xf32>
    %get3A_4 = arith.constant 1 : index
    %get3A_5 = arith.constant 0 : index
    %get3A_6 = arith.constant 0 : index
    %get3A_7 = vector.load %arg1[%get3A_4, %get3A_5, %get3A_6] : memref<2x1000x128xf32, #tpu.memory_space<vmem>>, vector<1x1000x128xf32>
    %get3A_8 = vector.shape_cast %get3A_7 : vector<1x1000x128xf32> to vector<1000x128xf32>
    %add3A = arith.addf %get3A_3, %get3A_8 : vector<1000x128xf32>
    %get3A_9 = arith.constant 0 : index
    %get3A_10 = arith.constant 0 : index
    %get3A_11 = arith.constant 0 : index
    %get3A_12 = vector.load %arg2[%get3A_9, %get3A_10, %get3A_11] : memref<2x1000x128xf32, #tpu.memory_space<vmem>>, vector<1x1000x128xf32>
    %get3A_13 = vector.shape_cast %get3A_12 : vector<1x1000x128xf32> to vector<1000x128xf32>
    %get3A_14 = arith.constant 1 : index
    %get3A_15 = arith.constant 0 : index
    %get3A_16 = arith.constant 0 : index
    %get3A_17 = vector.load %arg2[%get3A_14, %get3A_15, %get3A_16] : memref<2x1000x128xf32, #tpu.memory_space<vmem>>, vector<1x1000x128xf32>
    %get3A_18 = vector.shape_cast %get3A_17 : vector<1x1000x128xf32> to vector<1000x128xf32>
    %add3A_19 = arith.addf %get3A_13, %get3A_18 : vector<1000x128xf32>
    %max3A = arith.constant 1.000000e+00 : f32
    %max3A_20 = vector.broadcast %max3A : f32 to vector<1000x128xf32>
    %max3A_21 = arith.maximumf %add3A_19, %max3A_20 : vector<1000x128xf32>
    %div3A = arith.constant 1.000000e+00 : f32
    %div3A_22 = vector.broadcast %div3A : f32 to vector<1000x128xf32>
    %div3A_23 = arith.divf %div3A_22, %max3A_21 : vector<1000x128xf32>
    %mul3A = arith.mulf %add3A, %div3A_23 : vector<1000x128xf32>
    %get3A_24 = arith.constant 0 : index
    %get3A_25 = arith.constant 0 : index
    %get3A_26 = vector.load %arg3[%get3A_24, %get3A_25] : memref<1000x128xf32, #tpu.memory_space<vmem>>, vector<1000x128xf32>
    %add3A_27 = arith.addf %mul3A, %get3A_26 : vector<1000x128xf32>
    %swap3A = arith.constant 0 : index
    %swap3A_28 = arith.constant 0 : index
    %swap3A_29 = vector.load %arg4[%swap3A, %swap3A_28] : memref<1000x128xf32, #tpu.memory_space<vmem>>, vector<1000x128xf32>
    tpu.vector_store %arg4[%swap3A, %swap3A_28], %add3A_27 {strides = array<i32>} : memref<1000x128xf32, #tpu.memory_space<vmem>>, vector<1000x128xf32>,
    return
  }
  func.func @transform_0(%arg0: i32) -> (i32, i32, i32) {
    %c0_i32 = arith.constant 0 : i32
    %c0_i32_0 = arith.constant 0 : i32
    %c0_i32_1 = arith.constant 0 : i32
    return %c0_i32, %arg0, %c0_i32_0 : i32, i32, i32
  }
  func.func @transform_1(%arg0: i32) -> (i32, i32, i32) {
    %c0_i32 = arith.constant 0 : i32
    %c0_i32_0 = arith.constant 0 : i32
    %c0_i32_1 = arith.constant 0 : i32
    return %c0_i32, %arg0, %c0_i32_0 : i32, i32, i32
  }
  func.func @transform_2(%arg0: i32) -> (i32, i32) {
    %c0_i32 = arith.constant 0 : i32
    %c0_i32_0 = arith.constant 0 : i32
    return %arg0, %c0_i32 : i32, i32
  }
  func.func @transform_3(%arg0: i32) -> (i32, i32) {
    %c0_i32 = arith.constant 0 : i32
    %c0_i32_0 = arith.constant 0 : i32
    return %arg0, %c0_i32 : i32, i32
  }
}

</mosaic_0001>

<sc_bundles>
// kernel: kernel.10.cloned.1.call-start
scs
__scs_entry_jumppad:
0x0: {  	(pc) =	sbr.rel $0x88, $3  }
0x1: {  	(tag) =	ssettag $0x0;
	lr =	simm.s32 $0x1  }
0x2: {  	[smem:$0x3F96] =	sst lr;
	_ =	strace $0xD0000000  }
0x3: {  	_ = 	snop  }
0x4: {  	_ = 	snop  }
0x5: {  	_ = 	snop  }
0x6: {  	_ = 	snop  }
0x7: {  	_ = 	snop  }
__scs_overlays_trampoline_lowered:
0x8: {  	[smem:$0x3FA5] =	sst s0  }
0x9: {  	[smem:$0x3FA6] =	sst s1  }
0xa: {  	[smem:$0x3FA7] =	sst s2  }
0xb: {  	[smem:$0x3FA8] =	sst s3  }
0xc: {  	[smem:$0x3FA9] =	sst s4  }
0xd: {  	[smem:$0x3FAA] =	sst s5  }
0xe: {  	[smem:$0x3FAB] =	sst s6  }
0xf: {  	[smem:$0x3FAC] =	sst s7  }
0x10: {  	[smem:$0x3FAD] =	sst s8  }
0x11: {  	[smem:$0x3FAE] =	sst s9;
	s0 =	simm.s32 @!p0 $0x0  }
0x12: {  	s1 =	sld [smem:$0x3F94];
	s0 =	simm.s32 @p0 $0x1  }
0x13: {  	[smem:$0x3FAF] =	sst s0;
	s0 =	simm.s32 @!p1 $0x0  }
0x14: {  	s2 =	sld [smem:$0x3F93];
	s0 =	simm.s32 @p1 $0x1  }
0x15: {  	[smem:$0x3FB0] =	sst s0;
	s0 =	simm.s32 @!p2 $0x0  }
0x16: {  	s3 =	sld [smem:$0x3FDB];
	s0 =	simm.s32 @p2 $0x1  }
0x17: {  	s4 =	simm.s32 $0x1BF5;
	[smem:$0x3FB2] =	sst s0  }
0x18: {  	s0 =	sld [smem:$0x3F95];
	_ =	swait.ge [sflag:s4], $0x0  }
0x19: {  	s7 =	sld [smem:$0x3F96]  }
0x1a: {  	s8 =	sadd.s32 $0xFFFFE003, lr  }
0x1b: {  	s9 =	sadd.s32 $0xFFFFFEF7, lr;
	s5 =	simm.s32 $0xFFFFFFFF;
	p2 =	slt.u32 s8, $0xFFFFF086  }
0x1c: {  	p1 =	slt.u32 s9, $0xF7A;
	s5 =	simm.s32 @!p2 $0x0  }
0x1d: {  	s5 =	simm.s32 @p1 $0x1;
	p0 =	seq.s32 s7, s2  }
0x1e: {  	s7 =	smul.u32 @!p0 $0xF7A, s2;
	p2 =	seq.s32 @!p0 s5, $0x0  }
0x1f: {  	s9 =	smul.u32 $0xF7A, s1;
	s8 =	simm.s32 @!p0 $0x1BF5;
	p2 =	por !p2, p0  }
0x20: {  	[sflag:s8] =	ssyncset.s32 @!p0 $0xFFFFF086;
	s6 =	sadd.s32 @!p0 s3, s7;
	s7 =	simm.s32 @!p0 $0x108  }
0x21: {  	s3 =	sadd.s32 s3, s9;
	s6 =	sadd.s32 @!p0 $0x88, s6;
	s7 =	simm.s32 @p2 $0x1082  }
0x22: {  	[simem:s7], [sflag:s8] =	dma.local @!p0 [hbm:s6], $0xF7A  }
0x23: {  	s9 =	sor.u32 $0xD0000000, s2;
	s6 =	simm.s32 $0x108;
	_ =	swait.ge @!p0 [sflag:s8], $0x0  }
0x24: {  	s3 =	sadd.s32 $0x88, s3;
	s6 =	simm.s32 @!p1 $0x1082;
	[sflag:s4] =	ssyncset.s32 $0xFFFFF086  }
0x25: {  	[simem:s6], [sflag:s4] =	dma.local [hbm:s3], $0xF7A  }
0x26: {  	[smem:$0x3F96] =	sst s1;
	(tag) =	ssettag s2;
	_ =	strace s9  }
0x27: {  	s1 =	sld [smem:$0x3FA6]  }
0x28: {  	s2 =	sld [smem:$0x3FA7]  }
0x29: {  	s4 =	sld [smem:$0x3FA9]  }
0x2a: {  	p0 =	seq.s32 s5, $0x0;
	s5 =	sld [smem:$0x3FAA]  }
0x2b: {  	s6 =	sld [smem:$0x3FAB]  }
0x2c: {  	s7 =	sld [smem:$0x3FAC]  }
0x2d: {  	s3 =	simm.s32 $0x108;
	s8 =	sld [smem:$0x3FAD]  }
0x2e: {  	s3 =	simm.s32 @!p0 $0x1082;
	s9 =	sld [smem:$0x3FAE]  }
0x2f: {  	lr =	sadd.s32 s0, s3;
	s0 =	sld [smem:$0x3FA5]  }
0x30: {  	s3 =	sld [smem:$0x3FA8]  }
0x31: {  	[smem:$0x3FB1] =	sst s10  }
0x32: {  	s10 =	sld [smem:$0x3FAF];
	_ =	sdelay $0x3  }
0x33: {  	p0 =	seq.s32 s10, $0x1;
	s10 =	sld [smem:$0x3FB1];
	_ =	sdelay $0x3  }
0x34: {  	[smem:$0x3FB1] =	sst s10  }
0x35: {  	s10 =	sld [smem:$0x3FB0];
	_ =	sdelay $0x3  }
0x36: {  	p1 =	seq.s32 s10, $0x1;
	s10 =	sld [smem:$0x3FB1];
	_ =	sdelay $0x3  }
0x37: {  	[smem:$0x3FB1] =	sst s10  }
0x38: {  	s10 =	sld [smem:$0x3FB2]  }
0x39: {  	_ = 	snop;
	(pc) =	sbr.ind lr, $3  }
0x3a: {  	_ = 	snop  }
0x3b: {  	_ = 	snop  }
0x3c: {  	p2 =	seq.s32 s10, $0x1;
	s10 =	sld [smem:$0x3FB1]  }
0x3d: {  	_ =	shalt  }
0x3e: {  	_ =	shalt  }
0x3f: {  	_ =	shalt  }
0x40: {  	_ =	shalt  }
0x41: {  	_ =	shalt  }
0x42: {  	_ =	shalt  }
0x43: {  	_ =	shalt  }
0x44: {  	_ =	shalt  }
0x45: {  	_ =	shalt  }
0x46: {  	_ =	shalt  }
0x47: {  	_ =	shalt  }
0x48: {  	_ =	shalt  }
0x49: {  	_ =	shalt  }
0x4a: {  	_ =	shalt  }
0x4b: {  	_ =	shalt  }
0x4c: {  	_ =	shalt  }
0x4d: {  	_ =	shalt  }
0x4e: {  	_ =	shalt  }
0x4f: {  	_ =	shalt  }
0x50: {  	_ =	shalt  }
0x51: {  	_ =	shalt  }
0x52: {  	_ =	shalt  }
0x53: {  	_ =	shalt  }
0x54: {  	_ =	shalt  }
0x55: {  	_ =	shalt  }
0x56: {  	_ =	shalt  }
0x57: {  	_ =	shalt  }
0x58: {  	_ =	shalt  }
0x59: {  	_ =	shalt  }
0x5a: {  	_ =	shalt  }
0x5b: {  	_ =	shalt  }
0x5c: {  	_ =	shalt  }
0x5d: {  	_ =	shalt  }
0x5e: {  	_ =	shalt  }
0x5f: {  	_ =	shalt  }
0x60: {  	_ =	shalt  }
0x61: {  	_ =	shalt  }
0x62: {  	_ =	shalt  }
0x63: {  	_ =	shalt  }
0x64: {  	_ =	shalt  }
0x65: {  	_ =	shalt  }
0x66: {  	_ =	shalt  }
0x67: {  	_ =	shalt  }
0x68: {  	_ =	shalt  }
0x69: {  	_ =	shalt  }
0x6a: {  	_ =	shalt  }
0x6b: {  	_ =	shalt  }
0x6c: {  	_ =	shalt  }
0x6d: {  	_ =	shalt  }
0x6e: {  	_ =	shalt  }
0x6f: {  	_ =	shalt  }
0x70: {  	_ =	shalt  }
0x71: {  	_ =	shalt  }
0x72: {  	_ =	shalt  }
0x73: {  	_ =	shalt  }
0x74: {  	_ =	shalt  }
0x75: {  	_ =	shalt  }
0x76: {  	_ =	shalt  }
0x77: {  	_ =	shalt  }
0x78: {  	_ =	shalt  }
0x79: {  	_ =	shalt  }
0x7a: {  	_ =	shalt  }
0x7b: {  	_ =	shalt  }
0x7c: {  	_ =	shalt  }
0x7d: {  	_ =	shalt  }
0x7e: {  	_ =	shalt  }
0x7f: {  	_ =	shalt  }
0x80: {  	_ =	shalt  }
0x81: {  	_ =	shalt  }
0x82: {  	_ =	shalt  }
0x83: {  	_ =	shalt  }
0x84: {  	_ =	shalt  }
0x85: {  	_ =	shalt  }
0x86: {  	_ =	shalt  }
0x87: {  	_ =	shalt  }
.Lfunc_end0:
.L_simem_size_0:
called_computation_lowered:
.L_overlay_start_0:
0x88: {  	s2 =	sld [smem:$0x3FD9]  }
0x89: {  	s3 =	sld [smem:$0x3FFE];
	_ =	sdelay $0x1  }
0x8a: {  	s1 =	srdreg.scid  }
0x8b: {  	s0 =	sand.u32 $0x1, s1  }
0x8c: {  	s15 =	sshll.u32 s0, $0xA;
	s2 =	sadd.s32 s3, s2  }
0x8d: {  	s2 =	sadd.s32 s2, s15  }
0x8e: {  	[smem:$0x3FBD] =	sst s2  }
0x8f: {  	_ = 	snop  }
0x90: {  	s2 =	sld [smem:$0x3FD0];
	_ =	sdelay $0x2  }
0x91: {  	s16 =	simm.s32 $0xB;
	s4 =	simm.s32 $0x10  }
0x92: {  	[smem:s4], [sflag:s16] =	dma.local [hbm:s2], $0x1  }
0x93: {  	_ =	swait.eq [sflag:s16], $0x1  }
0x94: {  	[sflag:s16] =	ssyncset.done $0x0  }
0x95: {  	[sflag:s16] =	ssyncadd.s32 $0xFFFFFFFF  }
0x96: {  	s17 =	sld [smem:$0x11];
	(tm) =	ssettm $0x1  }
0x97: {  	s18 =	sld [smem:$0x3FFB];
	_ =	sdelay $0x3  }
0x98: {  	_ =	strace s18  }
0x99: {  	s2 =	sld [smem:$0x3FFC];
	_ =	sdelay $0x3  }
0x9a: {  	_ =	strace s2  }
0x9b: {  	s2 =	sld [smem:$0x3FFD];
	_ =	sdelay $0x3  }
0x9c: {  	_ =	strace s2  }
0x9d: {  	_ =	strace $0x8FFFFFFF  }
0x9e: {  	s19 =	sld [smem:$0x3FDB];
	_ =	sdelay $0x1  }
0x9f: {  	s20 =	simm.s32 $_scs_section_size  }
0xa0: {  	s5 =	simm.s32 $_size__tile_overlayer_lowered;
	s6 =	simm.s32 $_tile_overlayer_lowered  }
0xa1: {  	s7 =	simm.s32 $0x1BFF;
	s21 =	sshll.u32 s6, $0x1;
	s4 =	sadd.s32 s20, s19  }
0xa2: {  	s22 =	simm.s32 $0x0;
	s5 =	sshll.u32 s5, $0x1;
	s6 =	sadd.s32 s21, s4  }
0xa3: {  	[timem:s22], [sflag:s7] =	dma.local [hbm:s6], s5  }
0xa4: {  	_ =	swait.ge [sflag:s7], s5  }
0xa5: {  	s5 =	ssub.s32 $0x0, s5;
	[sflag:s7] =	ssyncset.done $0x0  }
0xa6: {  	[sflag:s7] =	ssyncadd.s32 s5;
	_ =	sdelay $0x1  }
0xa7: {  	s23 =	simm.s32 $0x1B8B  }
0xa8: {  	_ =	swait.ge [sflag:s23], $0x1  }
0xa9: {  	[sflag:s23] =	ssyncset.done $0x0  }
0xaa: {  	[sflag:s23] =	ssyncadd.s32 $0xFFFFFFFF  }
0xab: {  	s5 =	sld [smem:$0x0]  }
0xac: {  	s6 =	sand.u32 $0xFFFFFFFE, s1  }
0xad: {  	p0 =	sne.s32 s1, s6  }
0xae: {  	s6 =	sshll.u32 @p0 s6, $0xE  }
0xaf: {  	s6 =	sadd.s32 @p0 $0x11B8D, s6;
	s7 =	sshll.u32 @p0 s5, $0x11  }
0xb0: {  	s6 =	sor.u32 @p0 s7, s6  }
0xb1: {  	[sflag:s6] =	ssyncadd.remote.s32 @p0 $0x1;
	_ =	sdelay $0x1  }
0xb2: {  	s6 =	simm.s32 @p0 $0x1B8D  }
0xb3: {  	_ =	swait.eq @p0 [sflag:s6], $0x1  }
0xb4: {  	[sflag:s6] =	ssyncadd.s32 @p0 $0xFFFFFFFF  }
0xb5: {  	s7 =	sshll.u32 @!p0 s1, $0xE  }
0xb6: {  	s7 =	sor.u32 @!p0 $0x4000, s7;
	s6 =	simm.s32 @!p0 $0x1B8D  }
0xb7: {  	s5 =	sshll.u32 @!p0 s5, $0x11;
	s7 =	sadd.s32 @!p0 $0x11B8D, s7;
	_ =	swait.eq @!p0 [sflag:s6], $0x1  }
0xb8: {  	s5 =	sor.u32 @!p0 s5, s7;
	[sflag:s6] =	ssyncadd.s32 @!p0 $0xFFFFFFFF  }
0xb9: {  	s25 =	simm.s32 $0x1B8E;
	s24 =	sld [smem:$0x3FFE];
	[sflag:s5] =	ssyncadd.remote.s32 @!p0 $0x1  }
0xba: {  	s26 =	simm.s32 $execute0_lowered;
	[smem:$0x3FD2] =	sst s25  }
0xbb: {  	s6 =	sshll.u32 s26, $0x1;
	_ =	strace $0x80000049;
	[dreg:$0x1] =	wrdreg $0xFFFFFFFF  }
0xbc: {  	s28 =	simm.s32 $_size_execute0_lowered;
	s4 =	sadd.s32 s4, s6;
	[dreg:$0x0] =	wrdreg $0x0  }
0xbd: {  	s6 =	sshll.u32 s28, $0x1;
	[dreg:$0x2] =	wrdreg s4  }
0xbe: {  	[dreg:$0x3] =	wrdreg s6  }
0xbf: {  	[dreg:$0x4] =	wrdreg $0xC0  }
0xc0: {  	_ =	task [dreg:s22], $0x5FFFF  }
0xc1: {  	[dreg:$0x1] =	wrdreg $0xFFFFFFFF  }
0xc2: {  	[dreg:$0x0] =	wrdreg $0x60  }
0xc3: {  	[dreg:$0x2] =	wrdreg s17  }
0xc4: {  	[dreg:$0x3] =	wrdreg s24  }
0xc5: {  	[dreg:$0x4] =	wrdreg $0x0  }
0xc6: {  	[dreg:$0x5] =	wrdreg $0x9  }
0xc7: {  	_ =	task.clear_ibuf [dreg:s22], $0x6FFFF;
	_ =	strace $0x90000049  }
0xc8: {  	s29 =	simm.s32 $0x9;
	_ =	strace $0x8000004B  }
0xc9: {  	_ =	swait.ge [sflag:s29], $0x1  }
0xca: {  	[sflag:s29] =	ssyncadd.s32 $0xFFFFFFFF  }
0xcb: {  	_ =	strace $0x9000004B  }
0xcc: {  	_ =	sfence  }
0xcd: {  	s30 =	sld [smem:$0x0];
	_ =	sdelay $0x2  }
0xce: {  	s31 =	sshll.u32 s1, $0xD;
	s1 =	sshrl.u32 s1, $0x2  }
0xcf: {  	s4 =	sand.u32 $0x4000, s31;
	s1 =	sadd.s32 s1, s30  }
0xd0: {  	s0 =	sor.u32 s4, s0;
	s1 =	sshll.u32 s1, $0x11  }
0xd1: {  	s0 =	sor.u32 s1, s0  }
0xd2: {  	s0 =	sadd.s32 $0x8F2B, s0  }
0xd3: {  	[sflag:s0] =	ssyncadd.remote.s32 $0x1  }
0xd4: {  	_ =	sfence.sel $0xFFFF  }
0xd5: {  	[dreg:$0x0] =	wrdreg $0xFFFFFFFF;
	(pc) =	sbr.abs _section_cstart, $3  }
0xd6: {  	[dreg:$0x1] =	wrdreg $0xFFFFFFFF  }
0xd7: {  	_ =	task.clear_ibuf [dreg:s22], $0x2FFFF;
	_ =	strace $0x9FFFFFFF  }
0xd8: {  	(tm) =	ssettm $0x7FFFFFFF  }
0xd9: {  	_ =	shalt  }
tec
execute0_lowered:
.L_overlay_start_1:
0x0: {  	(tag) =	ssettag $0x1  }
0x1: {  	s12 =	rddreg [dreg:$0x0]  }
0x2: {  	s5 =	rddreg [dreg:$0x1]  }
0x3: {  	s1 =	rddreg [dreg:$0x2]  }
0x4: {  	s2 =	srdreg.scid;
	s3 =	simm.s32 $0x0;
	s19 =	simm.s32 $0x13C00  }
0x5: {  	s20 =	simm.s32 $0x1;
	s21 =	simm.s32 $0x13C80;
	s6 =	sand.u32 $0x1, s2  }
0x6: {  	s28 =	simm.s32 $0x0;
	s2 =	stileid.u32;
	s7 =	smul.u32 $0x13C000, s6  }
0x7: {  	[smem:$0x7FF] =	sst s3;
	s4 =	sadd.s32 $0x52000, s5;
	s8 =	smul.u32 $0x13C00, s2  }
0x8: {  	_ =	strace $0x8000004A;
	s22 =	ssub.s32 $0x2, s6;
	s10 =	smul.u32 $0x4F000, s2  }
0x9: {  	s23 =	sshll.u32 s6, $0x4;
	s25 =	sshll.u32 s2, $0x6;
	s29 =	smul.u32 $0x27600, s6  }
0xa: {  	s31 =	smul.u32 $0x2760, s2;
	s9 =	sshrl.u32 s22, $0x1;
	s11 =	sor.u32 s2, s23  }
0xb: {  	s23 =	simm.s32 $0x13D00;
	s7 =	sadd.s32 s8, s7;
	s8 =	ssub.s32 s22, s9  }
0xc: {  	s24 =	sshrl.u32 s10, $0x2;
	s26 =	smul.u32 $0x2760, s11;
	s10 =	sadd.s32 s31, s29  }
0xd: {  	s22 =	simm.s32 $0x78;
	s7 =	sshrl.u32 s7, $0x3;
	s13 =	sadd.s32 s24, s1  }
0xe: {  	s8 =	smax.u32 s8, $0x1;
	s11 =	sadd.s32 $0x1E0, s10;
	s10 =	sadd.s32 $0x168, s10  }
0xf: {  	s24 =	simm.s32 $0x2;
	s7 =	sadd.s32 s7, s5;
	s5 =	sor.u32 $0x1C05, s25  }
0x10: {  	s15 =	sadd.s32 $0x4000, s13;
	s16 =	sadd.s32 $0x8000, s13;
	s17 =	sadd.s32 $0xC000, s13  }
0x11: {  	s30 =	sshrl.u32 s26, $0x3;
	s18 =	sadd.s32 $0x10000, s13;
	s9 =	sadd.s32 $0x78, s26  }
0x12: {  	s11 =	sshrl.u32 s11, $0x3;
	s14 =	sshrl.u32 s10, $0x3;
	s13 =	sshrl.u32 s13, $0x3  }
.Ltmp0:
0x13: {  	s25 =	simm.s32 $0x3;
	s26 =	simm.s32 $0x4;
	(pc) =	sbr.rel .LBB2_1-.Ltmp0, $4  }
0x14: {  	s6 =	sadd.s32 s12, s30;
	s7 =	sadd.s32 $0x52800, s7;
	s9 =	sshrl.u32 s9, $0x3  }
0x15: {  	s11 =	sadd.s32 s11, s12;
	s15 =	sshrl.u32 s15, $0x3;
	s16 =	sshrl.u32 s16, $0x3  }
0x16: {  	s17 =	sshrl.u32 s17, $0x3;
	s18 =	sshrl.u32 s18, $0x3;
	s9 =	sadd.s32 s12, s9  }
0x17: {  	v0 =	vimm.f32 $1.000000000e+00;
	s10 =	sadd.s32 $0x1E, s6;
	s12 =	sadd.s32 s14, s12;
	s14 =	simm.s32 $0x5  }
.LBB2_6:
0x18: {  	[spmem:s1] =	stream.indirect.scatter.add.f32 [tilespmem:s23], [sflag:$0x4], $0x80, s21, s22, $0xb8;
	[tilespmem:$0x17900] =	vst v63  }
0x19: {  	_ =	swait.ge [sflag:s26], $0x3C00  }
0x1a: {  	s28 =	sadd.s32 $0x1, s28;
	[sflag:s26] =	ssyncset.done $0x0  }
0x1b: {  	p0 =	sne.s32 s28, s8;
	[sflag:s26] =	ssyncadd.s32 $0xFFFFC400  }
.Ltmp1:
0x1c: {  	[bflag:$0x0] =	sbarrier.arrive $0xFFFF;
	(pc) =	sbr.rel @!p0 .LBB2_7-.Ltmp1, $4  }
0x1d: {  	[hbm:s7], [sflag:s5] =	dma.local [spmem:s13], $0x2780  }
0x1e: {  	_ =	swait.ge [sflag:s14], $0x2780  }
0x1f: {  	[sflag:s14] =	ssyncset.done $0x0  }
0x20: {  	[sflag:s14] =	ssyncadd.s32 $0xFFFFD880  }
.LBB2_1:
0x21: {  	s29 =	sand.u32 $0xFE00, s3  }
0x22: {  	s30 =	sand.u32 $0x70, s3;
	s31 =	sshrl.u32 s29, $0x2  }
0x23: {  	s29 =	simm.s32 $0x40;
	s31 =	sor.u32 s30, s31;
	s30 =	simm.s32 $0x0  }
.LBB2_2:
0x24: {  	p0 =	sne.s32 s29, $0xEFC0  }
0x25: {  	[tilespmem:s31+$0x13D00] =	vst v0;
	s30 =	sadd.s32 $0x10, s30;
	s31 =	smov.u32 s29;
	s29 =	sadd.s32 $0x40, s29  }
.Ltmp2:
0x26: {  	(pc) =	sbr.rel @p0 .LBB2_2-.Ltmp2, $4  }
0x27: {  	_ = 	snop  }
0x28: {  	s31 =	sand.u32 $0xFE00, s31  }
0x29: {  	s0 =	sand.u32 $0x70, s30;
	s31 =	sshrl.u32 s31, $0x2  }
0x2a: {  	s31 =	sor.u32 s0, s31  }
0x2b: {  	[tilespmem:s31+$0x13D00] =	vst v0  }
0x2c: {  	[spmem:s13], [sflag:s5] =	dma.local [hbm:s4], $0x800  }
0x2d: {  	_ =	swait.ge [sflag:s14], $0x800  }
0x2e: {  	[sflag:s14] =	ssyncset.done $0x0  }
0x2f: {  	[sflag:s14] =	ssyncadd.s32 $0xFFFFF800  }
0x30: {  	[spmem:s15], [sflag:s5] =	dma.local [hbm:s4], $0x800  }
0x31: {  	_ =	swait.ge [sflag:s14], $0x800  }
0x32: {  	[sflag:s14] =	ssyncset.done $0x0  }
0x33: {  	[sflag:s14] =	ssyncadd.s32 $0xFFFFF800  }
0x34: {  	[spmem:s16], [sflag:s5] =	dma.local [hbm:s4], $0x800  }
0x35: {  	_ =	swait.ge [sflag:s14], $0x800  }
0x36: {  	[sflag:s14] =	ssyncset.done $0x0  }
0x37: {  	[sflag:s14] =	ssyncadd.s32 $0xFFFFF800  }
0x38: {  	[spmem:s17], [sflag:s5] =	dma.local [hbm:s4], $0x800  }
0x39: {  	_ =	swait.ge [sflag:s14], $0x800  }
0x3a: {  	[sflag:s14] =	ssyncset.done $0x0  }
0x3b: {  	[sflag:s14] =	ssyncadd.s32 $0xFFFFF800  }
0x3c: {  	[spmem:s18], [sflag:s5] =	dma.local [hbm:s4], $0x780  }
0x3d: {  	_ =	swait.ge [sflag:s14], $0x780  }
0x3e: {  	[sflag:s14] =	ssyncset.done $0x0  }
0x3f: {  	[sflag:s14] =	ssyncadd.s32 $0xFFFFF880  }
0x40: {  	s29 =	simm.s32 $0x0;
	[bflag:$0x0] =	sbarrier.arrive $0xFFFF  }
0x41: {  	[tilespmem:s19], [sflag:$0x1] =	stream.linear.gather [hbm4b:s6+s29], $0x78, $0x38;
	[tilespmem:$0x17900] =	vst v63  }
0x42: {  	_ =	swait.ge [sflag:s20], $0x78  }
0x43: {  	[sflag:s20] =	ssyncset.done $0x0  }
0x44: {  	[sflag:s20] =	ssyncadd.s32 $0xFFFFFF88  }
0x45: {  	[tilespmem:s21], [sflag:$0x2] =	stream.linear.gather [hbm4b:s9+s29], $0x78, $0x38;
	[tilespmem:$0x17900] =	vst v63  }
0x46: {  	_ = 	snop  }
0x47: {  	[spmem:s1] =	stream.indirect.scatter.add.f32 [tilespmem:s23], [sflag:$0x3], $0x80, s19, s22, $0xb8;
	[tilespmem:$0x17900] =	vst v63  }
0x48: {  	_ =	swait.ge [sflag:s24], $0x78  }
0x49: {  	[sflag:s24] =	ssyncset.done $0x0  }
0x4a: {  	[sflag:s24] =	ssyncadd.s32 $0xFFFFFF88  }
0x4b: {  	_ =	swait.ge [sflag:s25], $0x3C00  }
0x4c: {  	[sflag:s25] =	ssyncset.done $0x0  }
0x4d: {  	[sflag:s25] =	ssyncadd.s32 $0xFFFFC400  }
0x4e: {  	[tilespmem:s19], [sflag:$0x1] =	stream.linear.gather [hbm4b:s10+s29], $0x78, $0x38;
	[tilespmem:$0x17900] =	vst v63  }
0x4f: {  	_ = 	snop  }
0x50: {  	[spmem:s1] =	stream.indirect.scatter.add.f32 [tilespmem:s23], [sflag:$0x4], $0x80, s21, s22, $0xb8;
	[tilespmem:$0x17900] =	vst v63  }
.LBB2_4:
0x51: {  	_ =	swait.ge [sflag:s20], $0x78  }
0x52: {  	[sflag:s20] =	ssyncset.done $0x0  }
0x53: {  	[sflag:s20] =	ssyncadd.s32 $0xFFFFFF88  }
0x54: {  	_ =	swait.ge [sflag:s26], $0x3C00  }
0x55: {  	[sflag:s26] =	ssyncset.done $0x0  }
0x56: {  	s0 =	sadd.s32 s29, s12;
	[sflag:s26] =	ssyncadd.s32 $0xFFFFC400  }
0x57: {  	[tilespmem:s21], [sflag:$0x2] =	stream.linear.gather [hbm4b:s0+s3], $0x78, $0x38;
	[tilespmem:$0x17900] =	vst v63  }
0x58: {  	_ = 	snop  }
0x59: {  	[spmem:s1] =	stream.indirect.scatter.add.f32 [tilespmem:s23], [sflag:$0x3], $0x80, s19, s22, $0xb8;
	[tilespmem:$0x17900] =	vst v63  }
0x5a: {  	p0 =	seq.s32 s29, $0x4B0;
	_ =	swait.ge [sflag:s24], $0x78  }
.Ltmp3:
0x5b: {  	[sflag:s24] =	ssyncset.done $0x0;
	(pc) =	sbr.rel @p0 .LBB2_6-.Ltmp3, $4  }
0x5c: {  	[sflag:s24] =	ssyncadd.s32 $0xFFFFFF88  }
0x5d: {  	_ =	swait.ge [sflag:s25], $0x3C00  }
0x5e: {  	[sflag:s25] =	ssyncset.done $0x0  }
0x5f: {  	[sflag:s25] =	ssyncadd.s32 $0xFFFFC400  }
.Ltmp4:
0x60: {  	(pc) =	sbr.rel .LBB2_4-.Ltmp4, $4  }
0x61: {  	s0 =	sadd.s32 s29, s11  }
0x62: {  	[tilespmem:s19], [sflag:$0x1] =	stream.linear.gather [hbm4b:s0+s3], $0x78, $0x38;
	[tilespmem:$0x17900] =	vst v63  }
0x63: {  	s29 =	sadd.s32 $0x1E, s29  }
0x64: {  	[spmem:s1] =	stream.indirect.scatter.add.f32 [tilespmem:s23], [sflag:$0x4], $0x80, s21, s22, $0xb8;
	[tilespmem:$0x17900] =	vst v63  }
.LBB2_7:
0x65: {  	_ =	sfence.sel $0x180000  }
0x66: {  	[bflag:$0x0] =	sbarrier.arrive $0xFFFF  }
0x67: {  	_ =	strace $0x9000004A  }
0x68: {  	[bflag:$0x2] =	sbarrier.arrive $0xFFFF  }
0x69: {  	p0 =	sne.s32 s2, $0x0;
	s0 =	rddreg [dreg:$0x3]  }
0x6a: {  	s0 =	sadd.s32 @!p0 $0x100000, s0  }
0x6b: {  	[sflag:s0] =	ssyncadd.tile.s32 @!p0 $0x1;
	_ =	shalt  }
.Lfunc_end2:
_tile_overlayer_lowered:
.L_overlay_start_2:
0x6c: {  	(tag) =	ssettag $0x2  }
0x6d: {  	s0 =	rddreg [dreg:$0x0];
	s2 =	stileid.u32  }
0x6e: {  	s1 =	rddreg [dreg:$0x1];
	p0 =	sne.s32 s2, $0x0  }
0x6f: {  	s3 =	rddreg [dreg:$0x2];
	[bflag:$0x3] =	sbarrier.arrive $0xFFFF;
	s2 =	simm.s32 @!p0 $0x1C05  }
0x70: {  	[timem:s3], [sflag:s2] =	dma.local @!p0 [hbm:s0], s1  }
0x71: {  	s0 =	simm.s32 @!p0 $0x5  }
0x72: {  	_ =	swait.ge @!p0 [sflag:s0], s1  }
0x73: {  	s1 =	ssub.s32 @!p0 $0x0, s1;
	[sflag:s0] =	ssyncset.done @!p0 $0x0  }
0x74: {  	[sflag:s0] =	ssyncadd.s32 @!p0 s1  }
0x75: {  	[bflag:$0x3] =	sbarrier.arrive $0xFFFF  }
0x76: {  	_ =	shalt  }

// kernel: kernel.13.cloned.1.call-start
scs
__scs_entry_jumppad:
0x0: {  	(pc) =	sbr.rel $0x88, $3  }
0x1: {  	(tag) =	ssettag $0x0;
	lr =	simm.s32 $0x1  }
0x2: {  	[smem:$0x3F96] =	sst lr;
	_ =	strace $0xD0000000  }
0x3: {  	_ = 	snop  }
0x4: {  	_ = 	snop  }
0x5: {  	_ = 	snop  }
0x6: {  	_ = 	snop  }
0x7: {  	_ = 	snop  }
__scs_overlays_trampoline_lowered:
0x8: {  	[smem:$0x3FA5] =	sst s0  }
0x9: {  	[smem:$0x3FA6] =	sst s1  }
0xa: {  	[smem:$0x3FA7] =	sst s2  }
0xb: {  	[smem:$0x3FA8] =	sst s3  }
0xc: {  	[smem:$0x3FA9] =	sst s4  }
0xd: {  	[smem:$0x3FAA] =	sst s5  }
0xe: {  	[smem:$0x3FAB] =	sst s6  }
0xf: {  	[smem:$0x3FAC] =	sst s7  }
0x10: {  	[smem:$0x3FAD] =	sst s8  }
0x11: {  	[smem:$0x3FAE] =	sst s9;
	s0 =	simm.s32 @!p0 $0x0  }
0x12: {  	s1 =	sld [smem:$0x3F94];
	s0 =	simm.s32 @p0 $0x1  }
0x13: {  	[smem:$0x3FAF] =	sst s0;
	s0 =	simm.s32 @!p1 $0x0  }
0x14: {  	s2 =	sld [smem:$0x3F93];
	s0 =	simm.s32 @p1 $0x1  }
0x15: {  	[smem:$0x3FB0] =	sst s0;
	s0 =	simm.s32 @!p2 $0x0  }
0x16: {  	s3 =	sld [smem:$0x3FDB];
	s0 =	simm.s32 @p2 $0x1  }
0x17: {  	s4 =	simm.s32 $0x1BF5;
	[smem:$0x3FB2] =	sst s0  }
0x18: {  	s0 =	sld [smem:$0x3F95];
	_ =	swait.ge [sflag:s4], $0x0  }
0x19: {  	s7 =	sld [smem:$0x3F96]  }
0x1a: {  	s8 =	sadd.s32 $0xFFFFE003, lr  }
0x1b: {  	s9 =	sadd.s32 $0xFFFFFEF7, lr;
	s5 =	simm.s32 $0xFFFFFFFF;
	p2 =	slt.u32 s8, $0xFFFFF086  }
0x1c: {  	p1 =	slt.u32 s9, $0xF7A;
	s5 =	simm.s32 @!p2 $0x0  }
0x1d: {  	s5 =	simm.s32 @p1 $0x1;
	p0 =	seq.s32 s7, s2  }
0x1e: {  	s7 =	smul.u32 @!p0 $0xF7A, s2;
	p2 =	seq.s32 @!p0 s5, $0x0  }
0x1f: {  	s9 =	smul.u32 $0xF7A, s1;
	s8 =	simm.s32 @!p0 $0x1BF5;
	p2 =	por !p2, p0  }
0x20: {  	[sflag:s8] =	ssyncset.s32 @!p0 $0xFFFFF086;
	s6 =	sadd.s32 @!p0 s3, s7;
	s7 =	simm.s32 @!p0 $0x108  }
0x21: {  	s3 =	sadd.s32 s3, s9;
	s6 =	sadd.s32 @!p0 $0x88, s6;
	s7 =	simm.s32 @p2 $0x1082  }
0x22: {  	[simem:s7], [sflag:s8] =	dma.local @!p0 [hbm:s6], $0xF7A  }
0x23: {  	s9 =	sor.u32 $0xD0000000, s2;
	s6 =	simm.s32 $0x108;
	_ =	swait.ge @!p0 [sflag:s8], $0x0  }
0x24: {  	s3 =	sadd.s32 $0x88, s3;
	s6 =	simm.s32 @!p1 $0x1082;
	[sflag:s4] =	ssyncset.s32 $0xFFFFF086  }
0x25: {  	[simem:s6], [sflag:s4] =	dma.local [hbm:s3], $0xF7A  }
0x26: {  	[smem:$0x3F96] =	sst s1;
	(tag) =	ssettag s2;
	_ =	strace s9  }
0x27: {  	s1 =	sld [smem:$0x3FA6]  }
0x28: {  	s2 =	sld [smem:$0x3FA7]  }
0x29: {  	s4 =	sld [smem:$0x3FA9]  }
0x2a: {  	p0 =	seq.s32 s5, $0x0;
	s5 =	sld [smem:$0x3FAA]  }
0x2b: {  	s6 =	sld [smem:$0x3FAB]  }
0x2c: {  	s7 =	sld [smem:$0x3FAC]  }
0x2d: {  	s3 =	simm.s32 $0x108;
	s8 =	sld [smem:$0x3FAD]  }
0x2e: {  	s3 =	simm.s32 @!p0 $0x1082;
	s9 =	sld [smem:$0x3FAE]  }
0x2f: {  	lr =	sadd.s32 s0, s3;
	s0 =	sld [smem:$0x3FA5]  }
0x30: {  	s3 =	sld [smem:$0x3FA8]  }
0x31: {  	[smem:$0x3FB1] =	sst s10  }
0x32: {  	s10 =	sld [smem:$0x3FAF];
	_ =	sdelay $0x3  }
0x33: {  	p0 =	seq.s32 s10, $0x1;
	s10 =	sld [smem:$0x3FB1];
	_ =	sdelay $0x3  }
0x34: {  	[smem:$0x3FB1] =	sst s10  }
0x35: {  	s10 =	sld [smem:$0x3FB0];
	_ =	sdelay $0x3  }
0x36: {  	p1 =	seq.s32 s10, $0x1;
	s10 =	sld [smem:$0x3FB1];
	_ =	sdelay $0x3  }
0x37: {  	[smem:$0x3FB1] =	sst s10  }
0x38: {  	s10 =	sld [smem:$0x3FB2]  }
0x39: {  	_ = 	snop;
	(pc) =	sbr.ind lr, $3  }
0x3a: {  	_ = 	snop  }
0x3b: {  	_ = 	snop  }
0x3c: {  	p2 =	seq.s32 s10, $0x1;
	s10 =	sld [smem:$0x3FB1]  }
0x3d: {  	_ =	shalt  }
0x3e: {  	_ =	shalt  }
0x3f: {  	_ =	shalt  }
0x40: {  	_ =	shalt  }
0x41: {  	_ =	shalt  }
0x42: {  	_ =	shalt  }
0x43: {  	_ =	shalt  }
0x44: {  	_ =	shalt  }
0x45: {  	_ =	shalt  }
0x46: {  	_ =	shalt  }
0x47: {  	_ =	shalt  }
0x48: {  	_ =	shalt  }
0x49: {  	_ =	shalt  }
0x4a: {  	_ =	shalt  }
0x4b: {  	_ =	shalt  }
0x4c: {  	_ =	shalt  }
0x4d: {  	_ =	shalt  }
0x4e: {  	_ =	shalt  }
0x4f: {  	_ =	shalt  }
0x50: {  	_ =	shalt  }
0x51: {  	_ =	shalt  }
0x52: {  	_ =	shalt  }
0x53: {  	_ =	shalt  }
0x54: {  	_ =	shalt  }
0x55: {  	_ =	shalt  }
0x56: {  	_ =	shalt  }
0x57: {  	_ =	shalt  }
0x58: {  	_ =	shalt  }
0x59: {  	_ =	shalt  }
0x5a: {  	_ =	shalt  }
0x5b: {  	_ =	shalt  }
0x5c: {  	_ =	shalt  }
0x5d: {  	_ =	shalt  }
0x5e: {  	_ =	shalt  }
0x5f: {  	_ =	shalt  }
0x60: {  	_ =	shalt  }
0x61: {  	_ =	shalt  }
0x62: {  	_ =	shalt  }
0x63: {  	_ =	shalt  }
0x64: {  	_ =	shalt  }
0x65: {  	_ =	shalt  }
0x66: {  	_ =	shalt  }
0x67: {  	_ =	shalt  }
0x68: {  	_ =	shalt  }
0x69: {  	_ =	shalt  }
0x6a: {  	_ =	shalt  }
0x6b: {  	_ =	shalt  }
0x6c: {  	_ =	shalt  }
0x6d: {  	_ =	shalt  }
0x6e: {  	_ =	shalt  }
0x6f: {  	_ =	shalt  }
0x70: {  	_ =	shalt  }
0x71: {  	_ =	shalt  }
0x72: {  	_ =	shalt  }
0x73: {  	_ =	shalt  }
0x74: {  	_ =	shalt  }
0x75: {  	_ =	shalt  }
0x76: {  	_ =	shalt  }
0x77: {  	_ =	shalt  }
0x78: {  	_ =	shalt  }
0x79: {  	_ =	shalt  }
0x7a: {  	_ =	shalt  }
0x7b: {  	_ =	shalt  }
0x7c: {  	_ =	shalt  }
0x7d: {  	_ =	shalt  }
0x7e: {  	_ =	shalt  }
0x7f: {  	_ =	shalt  }
0x80: {  	_ =	shalt  }
0x81: {  	_ =	shalt  }
0x82: {  	_ =	shalt  }
0x83: {  	_ =	shalt  }
0x84: {  	_ =	shalt  }
0x85: {  	_ =	shalt  }
0x86: {  	_ =	shalt  }
0x87: {  	_ =	shalt  }
.Lfunc_end0:
.L_simem_size_0:
called_computation.1_lowered:
.L_overlay_start_0:
0x88: {  	s2 =	sld [smem:$0x3FD9]  }
0x89: {  	s3 =	sld [smem:$0x3FFE];
	_ =	sdelay $0x1  }
0x8a: {  	s1 =	srdreg.scid  }
0x8b: {  	s0 =	sand.u32 $0x1, s1  }
0x8c: {  	s14 =	sshll.u32 s0, $0xA;
	s2 =	sadd.s32 s3, s2  }
0x8d: {  	s2 =	sadd.s32 s2, s14  }
0x8e: {  	[smem:$0x3FBD] =	sst s2  }
0x8f: {  	_ = 	snop  }
0x90: {  	s2 =	sld [smem:$0x3FD0];
	_ =	sdelay $0x2  }
0x91: {  	s15 =	simm.s32 $0xB;
	s4 =	simm.s32 $0x10  }
0x92: {  	[smem:s4], [sflag:s15] =	dma.local [hbm:s2], $0x1  }
0x93: {  	_ =	swait.eq [sflag:s15], $0x1  }
0x94: {  	[sflag:s15] =	ssyncset.done $0x0  }
0x95: {  	s16 =	sld [smem:$0x10];
	[sflag:s15] =	ssyncadd.s32 $0xFFFFFFFF  }
0x96: {  	s17 =	sld [smem:$0x12];
	(tm) =	ssettm $0x1  }
0x97: {  	s18 =	sld [smem:$0x3FFB];
	_ =	sdelay $0x3  }
0x98: {  	_ =	strace s18  }
0x99: {  	s4 =	sld [smem:$0x3FFC];
	_ =	sdelay $0x3  }
0x9a: {  	_ =	strace s4  }
0x9b: {  	s4 =	sld [smem:$0x3FFD];
	_ =	sdelay $0x3  }
0x9c: {  	_ =	strace s4  }
0x9d: {  	_ =	strace $0x8FFFFFFF  }
0x9e: {  	s19 =	sld [smem:$0x3FDB];
	_ =	sdelay $0x1  }
0x9f: {  	s5 =	simm.s32 $_scs_section_size  }
0xa0: {  	s6 =	simm.s32 $_size__tile_overlayer_lowered;
	s7 =	simm.s32 $_tile_overlayer_lowered  }
0xa1: {  	s22 =	simm.s32 $0x1BFF;
	s21 =	sshll.u32 s7, $0x1;
	s4 =	sadd.s32 s5, s19  }
0xa2: {  	s8 =	simm.s32 $0x0;
	s20 =	sshll.u32 s6, $0x1;
	s6 =	sadd.s32 s21, s4  }
0xa3: {  	[timem:s8], [sflag:s22] =	dma.local [hbm:s6], s20  }
0xa4: {  	_ =	swait.ge [sflag:s22], s20  }
0xa5: {  	s5 =	ssub.s32 $0x0, s20;
	[sflag:s22] =	ssyncset.done $0x0  }
0xa6: {  	[sflag:s22] =	ssyncadd.s32 s5;
	_ =	sdelay $0x1  }
0xa7: {  	s23 =	simm.s32 $0x1B8B  }
0xa8: {  	_ =	swait.ge [sflag:s23], $0x1  }
0xa9: {  	[sflag:s23] =	ssyncset.done $0x0  }
0xaa: {  	s25 =	simm.s32 $0x1B8E;
	s24 =	sld [smem:$0x3FFE];
	[sflag:s23] =	ssyncadd.s32 $0xFFFFFFFF  }
0xab: {  	s26 =	simm.s32 $execute0_lowered;
	[smem:$0x3FD2] =	sst s25  }
0xac: {  	s6 =	sshll.u32 s26, $0x1;
	_ =	strace $0x80000046;
	[dreg:$0x1] =	wrdreg $0xFFFFFFFF  }
0xad: {  	s28 =	simm.s32 $_size_execute0_lowered;
	s4 =	sadd.s32 s4, s6;
	[dreg:$0x0] =	wrdreg $0x0  }
0xae: {  	s6 =	sshll.u32 s28, $0x1;
	[dreg:$0x2] =	wrdreg s4  }
0xaf: {  	[dreg:$0x3] =	wrdreg s6  }
0xb0: {  	[dreg:$0x4] =	wrdreg $0xC0  }
0xb1: {  	_ =	task [dreg:s8], $0x5FFFF  }
0xb2: {  	[dreg:$0x1] =	wrdreg $0xFFFFFFFF  }
0xb3: {  	[dreg:$0x0] =	wrdreg $0x60  }
0xb4: {  	[dreg:$0x2] =	wrdreg s17  }
0xb5: {  	[dreg:$0x3] =	wrdreg s16  }
0xb6: {  	[dreg:$0x4] =	wrdreg s24  }
0xb7: {  	[dreg:$0x5] =	wrdreg $0x0  }
0xb8: {  	[dreg:$0x6] =	wrdreg $0xA  }
0xb9: {  	_ =	task.clear_ibuf [dreg:s8], $0x7FFFF;
	_ =	strace $0x90000046  }
0xba: {  	s29 =	simm.s32 $0xA;
	_ =	strace $0x80000048  }
0xbb: {  	_ =	swait.ge [sflag:s29], $0x1  }
0xbc: {  	[sflag:s29] =	ssyncadd.s32 $0xFFFFFFFF  }
0xbd: {  	_ =	strace $0x90000048  }
0xbe: {  	_ =	sfence  }
0xbf: {  	s30 =	sld [smem:$0x0];
	_ =	sdelay $0x2  }
0xc0: {  	s31 =	sshll.u32 s1, $0xD;
	s1 =	sshrl.u32 s1, $0x2  }
0xc1: {  	s3 =	sand.u32 $0x4000, s31;
	s1 =	sadd.s32 s1, s30  }
0xc2: {  	s0 =	sor.u32 s3, s0;
	s1 =	sshll.u32 s1, $0x11  }
0xc3: {  	s0 =	sor.u32 s1, s0  }
0xc4: {  	s0 =	sadd.s32 $0x8F2B, s0  }
0xc5: {  	[sflag:s0] =	ssyncadd.remote.s32 $0x1  }
0xc6: {  	_ =	sfence.sel $0xFFFF  }
0xc7: {  	[dreg:$0x0] =	wrdreg $0xFFFFFFFF;
	(pc) =	sbr.abs _section_cstart, $3  }
0xc8: {  	[dreg:$0x1] =	wrdreg $0xFFFFFFFF  }
0xc9: {  	_ =	task.clear_ibuf [dreg:s8], $0x2FFFF;
	_ =	strace $0x9FFFFFFF  }
0xca: {  	(tm) =	ssettm $0x7FFFFFFF  }
0xcb: {  	_ =	shalt  }
tec
execute0_lowered:
.L_overlay_start_1:
0x0: {  	(tag) =	ssettag $0x1  }
0x1: {  	s0 =	rddreg [dreg:$0x0]  }
0x2: {  	s1 =	rddreg [dreg:$0x1]  }
0x3: {  	s2 =	srdreg.scid;
	s5 =	rddreg [dreg:$0x2]  }
0x4: {  	s11 =	stileid.u32;
	s3 =	rddreg [dreg:$0x3]  }
0x5: {  	s4 =	simm.s32 $0x0;
	s28 =	simm.s32 $0x13E00;
	s7 =	smul.u32 $0x13C00, s11  }
0x6: {  	s29 =	simm.s32 $0x1B700;
	s30 =	simm.s32 $0x2;
	s15 =	smul.u32 $0x4F000, s11  }
0x7: {  	s31 =	simm.s32 $0x13D80;
	s2 =	sand.u32 $0x1, s2;
	s20 =	smul.u32 $0x54, s11  }
0x8: {  	[smem:$0x7FF] =	sst s4;
	s6 =	smul.u32 $0x13C000, s2;
	s8 =	sshll.u32 s2, $0x4  }
0x9: {  	_ =	strace $0x80000047;
	s17 =	ssub.s32 $0x2, s2;
	s2 =	smul.u32 $0x540, s2  }
0xa: {  	s16 =	sor.u32 s11, s8;
	s10 =	sshrl.u32 s17, $0x1;
	s8 =	simm.s32 $0x6  }
0xb: {  	s6 =	sadd.s32 s7, s6;
	s7 =	sshrl.u32 s15, $0x2;
	s9 =	smul.u32 $0xA80, s16  }
0xc: {  	s18 =	ssub.s32 s17, s10;
	s2 =	sadd.s32 s20, s2;
	s20 =	simm.s32 $0x7  }
0xd: {  	s6 =	sshrl.u32 s6, $0x3;
	s2 =	sshll.u32 s2, $0x5;
	s26 =	smax.u32 s18, $0x1  }
0xe: {  	s6 =	sadd.s32 s6, s5;
	s5 =	sadd.s32 s7, s3;
	s11 =	sadd.s32 s1, s9  }
0xf: {  	[dreg:$0xc] =	wrdreg s26;
	s1 =	sadd.s32 s1, s2;
	s26 =	simm.s32 $0x13C80  }
0x10: {  	s2 =	simm.s32 $0x4;
	s7 =	simm.s32 $0x5;
	s19 =	sadd.s32 $0x3C00, s5  }
0x11: {  	s9 =	simm.s32 $0x0;
	s21 =	sadd.s32 $0x7800, s5;
	[dreg:$0x5] =	wrdreg s19  }
0x12: {  	s22 =	sadd.s32 $0xB400, s5;
	s23 =	sadd.s32 $0xF000, s5;
	[dreg:$0x6] =	wrdreg s21  }
0x13: {  	s24 =	sadd.s32 $0x12C00, s5;
	s25 =	sadd.s32 $0x20, s11;
	[dreg:$0x7] =	wrdreg s22  }
0x14: {  	s6 =	sadd.s32 $0x3000, s6;
	s15 =	sadd.s32 $0x40, s11;
	[dreg:$0x8] =	wrdreg s23  }
.Ltmp0:
0x15: {  	s16 =	sadd.s32 $0x60, s11;
	[dreg:$0x9] =	wrdreg s24;
	(pc) =	sbr.rel .LBB2_1-.Ltmp0, $4  }
0x16: {  	s17 =	sadd.s32 $0x80, s11;
	s18 =	sadd.s32 $0x80, s1;
	[dreg:$0xa] =	wrdreg s25  }
0x17: {  	s1 =	simm.s32 $0x3;
	[dreg:$0xb] =	wrdreg s6;
	s19 =	simm.s32 $0x13F00  }
0x18: {  	s21 =	simm.s32 $0x13C00;
	s22 =	simm.s32 $0x78;
	s23 =	simm.s32 $0x13D00  }
0x19: {  	v0 =	vimm.f32 $0.0e+00;
	s24 =	simm.s32 $0x17B00;
	s25 =	simm.s32 $0x1;
	s6 =	simm.s32 $0x13E80  }
.LBB2_6:
0x1a: {  	_ =	swait.ge [sflag:s1], $0x3C00  }
0x1b: {  	[sflag:s1] =	ssyncset.done $0x0  }
0x1c: {  	[sflag:s1] =	ssyncadd.s32 $0xFFFFC400  }
0x1d: {  	[spmem:s3] =	stream.indirect.scatter.add.f32 [tilespmem:s29], [sflag:$0x6], $0x80, s6, s22, $0xb8;
	[tilespmem:$0x1F300] =	vst v63  }
0x1e: {  	_ =	swait.ge [sflag:s7], $0x3C00  }
0x1f: {  	[sflag:s7] =	ssyncset.done $0x0  }
0x20: {  	[sflag:s7] =	ssyncadd.s32 $0xFFFFC400  }
0x21: {  	_ =	swait.ge [sflag:s8], $0x3C00  }
0x22: {  	[sflag:s8] =	ssyncset.done $0x0  }
0x23: {  	s10 =	stileid.u32;
	[sflag:s8] =	ssyncadd.s32 $0xFFFFC400  }
0x24: {  	s10 =	sshll.u32 s10, $0x6;
	[bflag:$0x0] =	sbarrier.arrive $0xFFFF  }
0x25: {  	s12 =	sshrl.u32 s5, $0x3;
	s10 =	sor.u32 $0x1C07, s10;
	s13 =	rddreg [dreg:$0xb]  }
0x26: {  	[hbm:s13], [sflag:s10] =	dma.local [spmem:s12], $0x2780  }
0x27: {  	_ =	swait.ge [sflag:s20], $0x2780  }
0x28: {  	s9 =	sadd.s32 $0x1, s9;
	s14 =	rddreg [dreg:$0xc]  }
0x29: {  	p0 =	sne.s32 s9, s14  }
.Ltmp1:
0x2a: {  	_ = 	snop;
	(pc) =	sbr.rel @!p0 .LBB2_7-.Ltmp1, $3  }
0x2b: {  	_ =	sdelay $0x1  }
0x2c: {  	[sflag:s20] =	ssyncset.done $0x0  }
0x2d: {  	[sflag:s20] =	ssyncadd.s32 $0xFFFFD880  }
.LBB2_1:
0x2e: {  	s10 =	sand.u32 $0xFE00, s4  }
0x2f: {  	s12 =	sand.u32 $0x70, s4;
	s13 =	sshrl.u32 s10, $0x2  }
0x30: {  	s10 =	simm.s32 $0x40;
	s13 =	sor.u32 s12, s13;
	s12 =	simm.s32 $0x0  }
.LBB2_2:
0x31: {  	p0 =	sne.s32 s10, $0xEFC0  }
0x32: {  	[tilespmem:s13+$0x13F00] =	vst v0;
	s12 =	sadd.s32 $0x10, s12;
	s13 =	smov.u32 s10;
	s10 =	sadd.s32 $0x40, s10  }
.Ltmp2:
0x33: {  	(pc) =	sbr.rel @p0 .LBB2_2-.Ltmp2, $4  }
0x34: {  	_ = 	snop  }
0x35: {  	s13 =	sand.u32 $0xFE00, s13  }
0x36: {  	s14 =	sand.u32 $0x70, s12;
	s13 =	sshrl.u32 s13, $0x2  }
0x37: {  	s13 =	sor.u32 s14, s13  }
0x38: {  	[tilespmem:s13+$0x13F00] =	vst v0  }
0x39: {  	[spmem:s5] =	stream.linear.scatter [tilespmem:s19], [sflag:$0x7], $0x3C00, $0x38;
	[tilespmem:$0x1F300] =	vst v63  }
0x3a: {  	_ =	swait.ge [sflag:s20], $0x3C00  }
0x3b: {  	[sflag:s20] =	ssyncset.done $0x0  }
0x3c: {  	s10 =	rddreg [dreg:$0x5];
	[sflag:s20] =	ssyncadd.s32 $0xFFFFC400  }
0x3d: {  	[spmem:s10] =	stream.linear.scatter [tilespmem:s19], [sflag:$0x7], $0x3C00, $0x38;
	[tilespmem:$0x1F300] =	vst v63  }
0x3e: {  	_ =	swait.ge [sflag:s20], $0x3C00  }
0x3f: {  	[sflag:s20] =	ssyncset.done $0x0  }
0x40: {  	s13 =	rddreg [dreg:$0x6];
	[sflag:s20] =	ssyncadd.s32 $0xFFFFC400  }
0x41: {  	[spmem:s13] =	stream.linear.scatter [tilespmem:s19], [sflag:$0x7], $0x3C00, $0x38;
	[tilespmem:$0x1F300] =	vst v63  }
0x42: {  	_ =	swait.ge [sflag:s20], $0x3C00  }
0x43: {  	[sflag:s20] =	ssyncset.done $0x0  }
0x44: {  	s14 =	rddreg [dreg:$0x7];
	[sflag:s20] =	ssyncadd.s32 $0xFFFFC400  }
0x45: {  	[spmem:s14] =	stream.linear.scatter [tilespmem:s19], [sflag:$0x7], $0x3C00, $0x38;
	[tilespmem:$0x1F300] =	vst v63  }
0x46: {  	_ =	swait.ge [sflag:s20], $0x3C00  }
0x47: {  	[sflag:s20] =	ssyncset.done $0x0  }
0x48: {  	s12 =	rddreg [dreg:$0x8];
	[sflag:s20] =	ssyncadd.s32 $0xFFFFC400  }
0x49: {  	[spmem:s12] =	stream.linear.scatter [tilespmem:s19], [sflag:$0x7], $0x3C00, $0x38;
	[tilespmem:$0x1F300] =	vst v63  }
0x4a: {  	_ =	swait.ge [sflag:s20], $0x3C00  }
0x4b: {  	[sflag:s20] =	ssyncset.done $0x0  }
0x4c: {  	s13 =	rddreg [dreg:$0x9];
	[sflag:s20] =	ssyncadd.s32 $0xFFFFC400  }
0x4d: {  	[spmem:s13] =	stream.linear.scatter [tilespmem:s19], [sflag:$0x7], $0x1000, $0x38;
	[tilespmem:$0x1F300] =	vst v63  }
0x4e: {  	_ =	swait.ge [sflag:s20], $0x1000  }
0x4f: {  	[sflag:s20] =	ssyncset.done $0x0  }
0x50: {  	[sflag:s20] =	ssyncadd.s32 $0xFFFFF000  }
0x51: {  	[bflag:$0x0] =	sbarrier.arrive $0xFFFF  }
0x52: {  	[tilespmem:s21], [sflag:$0x7] =	stream.linear.gather [hbm4b:s11+s4], $0x100, $0x38;
	[tilespmem:$0x1F300] =	vst v63  }
0x53: {  	_ =	swait.ge [sflag:s20], $0x100  }
0x54: {  	[sflag:s20] =	ssyncset.done $0x0  }
0x55: {  	[sflag:s20] =	ssyncadd.s32 $0xFFFFFF00  }
0x56: {  	[tilespmem:s19], [sflag:$0x1] =	stream.indirect.gather [hbm4b:s0+s22], $0x80, s21, s22, $0xb8;
	[tilespmem:$0x1F300] =	vst v63  }
0x57: {  	s14 =	rddreg [dreg:$0xa]  }
0x58: {  	[tilespmem:s23], [sflag:$0x7] =	stream.linear.gather [hbm4b:s14+s4], $0x100, $0x38;
	[tilespmem:$0x1F300] =	vst v63  }
0x59: {  	_ =	swait.ge [sflag:s20], $0x100  }
0x5a: {  	[sflag:s20] =	ssyncset.done $0x0  }
0x5b: {  	[sflag:s20] =	ssyncadd.s32 $0xFFFFFF00  }
0x5c: {  	[tilespmem:s24], [sflag:$0x2] =	stream.indirect.gather [hbm4b:s0+s22], $0x80, s23, s22, $0xb8;
	[tilespmem:$0x1F300] =	vst v63  }
0x5d: {  	_ =	swait.ge [sflag:s25], $0x3C00  }
0x5e: {  	[sflag:s25] =	ssyncset.done $0x0  }
0x5f: {  	[sflag:s25] =	ssyncadd.s32 $0xFFFFC400  }
0x60: {  	[spmem:s3] =	stream.indirect.scatter.add.f32 [tilespmem:s19], [sflag:$0x4], $0x80, s26, s22, $0xb8;
	[tilespmem:$0x1F300] =	vst v63  }
0x61: {  	_ = 	snop  }
0x62: {  	[tilespmem:s28], [sflag:$0x7] =	stream.linear.gather [hbm4b:s15+s4], $0x100, $0x38;
	[tilespmem:$0x1F300] =	vst v63  }
0x63: {  	_ =	swait.ge [sflag:s20], $0x100  }
0x64: {  	[sflag:s20] =	ssyncset.done $0x0  }
0x65: {  	[sflag:s20] =	ssyncadd.s32 $0xFFFFFF00  }
0x66: {  	[tilespmem:s29], [sflag:$0x3] =	stream.indirect.gather [hbm4b:s0+s22], $0x80, s28, s22, $0xb8;
	[tilespmem:$0x1F300] =	vst v63  }
0x67: {  	_ =	swait.ge [sflag:s30], $0x3C00  }
0x68: {  	[sflag:s30] =	ssyncset.done $0x0  }
0x69: {  	[sflag:s30] =	ssyncadd.s32 $0xFFFFC400  }
0x6a: {  	[spmem:s3] =	stream.indirect.scatter.add.f32 [tilespmem:s24], [sflag:$0x5], $0x80, s31, s22, $0xb8;
	[tilespmem:$0x1F300] =	vst v63  }
0x6b: {  	_ =	swait.ge [sflag:s2], $0x3C00  }
0x6c: {  	[sflag:s2] =	ssyncset.done $0x0  }
0x6d: {  	[sflag:s2] =	ssyncadd.s32 $0xFFFFC400  }
0x6e: {  	[tilespmem:s21], [sflag:$0x7] =	stream.linear.gather [hbm4b:s16+s4], $0x100, $0x38;
	[tilespmem:$0x1F300] =	vst v63  }
0x6f: {  	_ =	swait.ge [sflag:s20], $0x100  }
0x70: {  	[sflag:s20] =	ssyncset.done $0x0  }
0x71: {  	[sflag:s20] =	ssyncadd.s32 $0xFFFFFF00  }
0x72: {  	[tilespmem:s19], [sflag:$0x1] =	stream.indirect.gather [hbm4b:s0+s22], $0x80, s21, s22, $0xb8;
	[tilespmem:$0x1F300] =	vst v63  }
0x73: {  	_ =	swait.ge [sflag:s1], $0x3C00  }
0x74: {  	[sflag:s1] =	ssyncset.done $0x0  }
0x75: {  	[sflag:s1] =	ssyncadd.s32 $0xFFFFC400  }
0x76: {  	[spmem:s3] =	stream.indirect.scatter.add.f32 [tilespmem:s29], [sflag:$0x6], $0x80, s6, s22, $0xb8;
	[tilespmem:$0x1F300] =	vst v63  }
0x77: {  	_ =	swait.ge [sflag:s7], $0x3C00  }
0x78: {  	[sflag:s7] =	ssyncset.done $0x0  }
0x79: {  	[sflag:s7] =	ssyncadd.s32 $0xFFFFC400  }
0x7a: {  	[tilespmem:s23], [sflag:$0x7] =	stream.linear.gather [hbm4b:s17+s4], $0x100, $0x38;
	[tilespmem:$0x1F300] =	vst v63  }
0x7b: {  	_ =	swait.ge [sflag:s20], $0x100  }
0x7c: {  	[sflag:s20] =	ssyncset.done $0x0  }
0x7d: {  	s10 =	simm.s32 $0xFFFFF640;
	[sflag:s20] =	ssyncadd.s32 $0xFFFFFF00  }
0x7e: {  	[tilespmem:s24], [sflag:$0x2] =	stream.indirect.gather [hbm4b:s0+s22], $0x80, s23, s22, $0xb8;
	[tilespmem:$0x1F300] =	vst v63  }
.LBB2_4:
0x7f: {  	_ =	swait.ge [sflag:s25], $0x3C00  }
0x80: {  	[sflag:s25] =	ssyncset.done $0x0  }
0x81: {  	[sflag:s25] =	ssyncadd.s32 $0xFFFFC400  }
0x82: {  	[spmem:s3] =	stream.indirect.scatter.add.f32 [tilespmem:s19], [sflag:$0x4], $0x80, s26, s22, $0xb8;
	[tilespmem:$0x1F300] =	vst v63  }
0x83: {  	_ =	swait.ge [sflag:s8], $0x3C00  }
0x84: {  	s12 =	sadd.s32 s10, s18;
	[sflag:s8] =	ssyncset.done $0x0  }
0x85: {  	s13 =	sadd.s32 $0x9E0, s12;
	[sflag:s8] =	ssyncadd.s32 $0xFFFFC400  }
0x86: {  	[tilespmem:s28], [sflag:$0x7] =	stream.linear.gather [hbm4b:s13+s4], $0x100, $0x38;
	[tilespmem:$0x1F300] =	vst v63  }
0x87: {  	_ =	swait.ge [sflag:s20], $0x100  }
0x88: {  	[sflag:s20] =	ssyncset.done $0x0  }
0x89: {  	[sflag:s20] =	ssyncadd.s32 $0xFFFFFF00  }
0x8a: {  	[tilespmem:s29], [sflag:$0x3] =	stream.indirect.gather [hbm4b:s0+s22], $0x80, s28, s22, $0xb8;
	[tilespmem:$0x1F300] =	vst v63  }
0x8b: {  	_ =	swait.ge [sflag:s30], $0x3C00  }
0x8c: {  	p0 =	seq.s32 s10, $0x0;
	[sflag:s30] =	ssyncset.done $0x0  }
.Ltmp3:
0x8d: {  	[sflag:s30] =	ssyncadd.s32 $0xFFFFC400;
	(pc) =	sbr.rel @p0 .LBB2_6-.Ltmp3, $4  }
0x8e: {  	[spmem:s3] =	stream.indirect.scatter.add.f32 [tilespmem:s24], [sflag:$0x5], $0x80, s31, s22, $0xb8;
	[tilespmem:$0x1F300] =	vst v63  }
0x8f: {  	_ =	swait.ge [sflag:s2], $0x3C00  }
0x90: {  	[sflag:s2] =	ssyncset.done $0x0  }
0x91: {  	[sflag:s2] =	ssyncadd.s32 $0xFFFFC400  }
0x92: {  	s13 =	sadd.s32 $0xA00, s12  }
0x93: {  	[tilespmem:s21], [sflag:$0x7] =	stream.linear.gather [hbm4b:s13+s4], $0x100, $0x38;
	[tilespmem:$0x1F300] =	vst v63  }
0x94: {  	_ =	swait.ge [sflag:s20], $0x100  }
0x95: {  	[sflag:s20] =	ssyncset.done $0x0  }
0x96: {  	[sflag:s20] =	ssyncadd.s32 $0xFFFFFF00  }
0x97: {  	[tilespmem:s19], [sflag:$0x1] =	stream.indirect.gather [hbm4b:s0+s22], $0x80, s21, s22, $0xb8;
	[tilespmem:$0x1F300] =	vst v63  }
0x98: {  	_ =	swait.ge [sflag:s1], $0x3C00  }
0x99: {  	[sflag:s1] =	ssyncset.done $0x0  }
0x9a: {  	[sflag:s1] =	ssyncadd.s32 $0xFFFFC400  }
0x9b: {  	[spmem:s3] =	stream.indirect.scatter.add.f32 [tilespmem:s29], [sflag:$0x6], $0x80, s6, s22, $0xb8;
	[tilespmem:$0x1F300] =	vst v63  }
0x9c: {  	_ =	swait.ge [sflag:s7], $0x3C00  }
0x9d: {  	[sflag:s7] =	ssyncset.done $0x0  }
0x9e: {  	s14 =	sadd.s32 $0xA20, s12;
	[sflag:s7] =	ssyncadd.s32 $0xFFFFC400  }
0x9f: {  	[tilespmem:s23], [sflag:$0x7] =	stream.linear.gather [hbm4b:s14+s4], $0x100, $0x38;
	[tilespmem:$0x1F300] =	vst v63  }
.Ltmp4:
0xa0: {  	_ = 	snop;
	(pc) =	sbr.rel .LBB2_4-.Ltmp4, $4  }
0xa1: {  	_ =	swait.ge [sflag:s20], $0x100  }
0xa2: {  	[sflag:s20] =	ssyncset.done $0x0  }
0xa3: {  	s10 =	sadd.s32 $0x60, s10;
	[sflag:s20] =	ssyncadd.s32 $0xFFFFFF00  }
0xa4: {  	[tilespmem:s24], [sflag:$0x2] =	stream.indirect.gather [hbm4b:s0+s22], $0x80, s23, s22, $0xb8;
	[tilespmem:$0x1F300] =	vst v63  }
.LBB2_7:
0xa5: {  	_ =	sfence.sel $0x180000  }
0xa6: {  	[bflag:$0x0] =	sbarrier.arrive $0xFFFF  }
0xa7: {  	_ =	strace $0x90000047  }
0xa8: {  	s0 =	stileid.u32;
	[bflag:$0x2] =	sbarrier.arrive $0xFFFF  }
0xa9: {  	p0 =	sne.s32 s0, $0x0;
	s0 =	rddreg [dreg:$0x4]  }
0xaa: {  	s0 =	sadd.s32 @!p0 $0x100000, s0  }
0xab: {  	[sflag:s0] =	ssyncadd.tile.s32 @!p0 $0x1;
	_ =	shalt  }
.Lfunc_end2:
_tile_overlayer_lowered:
.L_overlay_start_2:
0xac: {  	(tag) =	ssettag $0x2  }
0xad: {  	s0 =	rddreg [dreg:$0x0];
	s2 =	stileid.u32  }
0xae: {  	s1 =	rddreg [dreg:$0x1];
	p0 =	sne.s32 s2, $0x0  }
0xaf: {  	s3 =	rddreg [dreg:$0x2];
	[bflag:$0x3] =	sbarrier.arrive $0xFFFF;
	s2 =	simm.s32 @!p0 $0x1C07  }
0xb0: {  	[timem:s3], [sflag:s2] =	dma.local @!p0 [hbm:s0], s1  }
0xb1: {  	s0 =	simm.s32 @!p0 $0x7  }
0xb2: {  	_ =	swait.ge @!p0 [sflag:s0], s1  }
0xb3: {  	s1 =	ssub.s32 @!p0 $0x0, s1;
	[sflag:s0] =	ssyncset.done @!p0 $0x0  }
0xb4: {  	[sflag:s0] =	ssyncadd.s32 @!p0 s1  }
0xb5: {  	[bflag:$0x3] =	sbarrier.arrive $0xFFFF  }
0xb6: {  	_ =	shalt  }

// kernel: kernel.16.cloned.1.call-start
scs
__scs_entry_jumppad:
0x0: {  	(pc) =	sbr.rel $0x88, $3  }
0x1: {  	(tag) =	ssettag $0x0;
	lr =	simm.s32 $0x1  }
0x2: {  	[smem:$0x3F96] =	sst lr;
	_ =	strace $0xD0000000  }
0x3: {  	_ = 	snop  }
0x4: {  	_ = 	snop  }
0x5: {  	_ = 	snop  }
0x6: {  	_ = 	snop  }
0x7: {  	_ = 	snop  }
__scs_overlays_trampoline_lowered:
0x8: {  	[smem:$0x3FA5] =	sst s0  }
0x9: {  	[smem:$0x3FA6] =	sst s1  }
0xa: {  	[smem:$0x3FA7] =	sst s2  }
0xb: {  	[smem:$0x3FA8] =	sst s3  }
0xc: {  	[smem:$0x3FA9] =	sst s4  }
0xd: {  	[smem:$0x3FAA] =	sst s5  }
0xe: {  	[smem:$0x3FAB] =	sst s6  }
0xf: {  	[smem:$0x3FAC] =	sst s7  }
0x10: {  	[smem:$0x3FAD] =	sst s8  }
0x11: {  	[smem:$0x3FAE] =	sst s9;
	s0 =	simm.s32 @!p0 $0x0  }
0x12: {  	s1 =	sld [smem:$0x3F94];
	s0 =	simm.s32 @p0 $0x1  }
0x13: {  	[smem:$0x3FAF] =	sst s0;
	s0 =	simm.s32 @!p1 $0x0  }
0x14: {  	s2 =	sld [smem:$0x3F93];
	s0 =	simm.s32 @p1 $0x1  }
0x15: {  	[smem:$0x3FB0] =	sst s0;
	s0 =	simm.s32 @!p2 $0x0  }
0x16: {  	s3 =	sld [smem:$0x3FDB];
	s0 =	simm.s32 @p2 $0x1  }
0x17: {  	s4 =	simm.s32 $0x1BF5;
	[smem:$0x3FB2] =	sst s0  }
0x18: {  	s0 =	sld [smem:$0x3F95];
	_ =	swait.ge [sflag:s4], $0x0  }
0x19: {  	s7 =	sld [smem:$0x3F96]  }
0x1a: {  	s8 =	sadd.s32 $0xFFFFE003, lr  }
0x1b: {  	s9 =	sadd.s32 $0xFFFFFEF7, lr;
	s5 =	simm.s32 $0xFFFFFFFF;
	p2 =	slt.u32 s8, $0xFFFFF086  }
0x1c: {  	p1 =	slt.u32 s9, $0xF7A;
	s5 =	simm.s32 @!p2 $0x0  }
0x1d: {  	s5 =	simm.s32 @p1 $0x1;
	p0 =	seq.s32 s7, s2  }
0x1e: {  	s7 =	smul.u32 @!p0 $0xF7A, s2;
	p2 =	seq.s32 @!p0 s5, $0x0  }
0x1f: {  	s9 =	smul.u32 $0xF7A, s1;
	s8 =	simm.s32 @!p0 $0x1BF5;
	p2 =	por !p2, p0  }
0x20: {  	[sflag:s8] =	ssyncset.s32 @!p0 $0xFFFFF086;
	s6 =	sadd.s32 @!p0 s3, s7;
	s7 =	simm.s32 @!p0 $0x108  }
0x21: {  	s3 =	sadd.s32 s3, s9;
	s6 =	sadd.s32 @!p0 $0x88, s6;
	s7 =	simm.s32 @p2 $0x1082  }
0x22: {  	[simem:s7], [sflag:s8] =	dma.local @!p0 [hbm:s6], $0xF7A  }
0x23: {  	s9 =	sor.u32 $0xD0000000, s2;
	s6 =	simm.s32 $0x108;
	_ =	swait.ge @!p0 [sflag:s8], $0x0  }
0x24: {  	s3 =	sadd.s32 $0x88, s3;
	s6 =	simm.s32 @!p1 $0x1082;
	[sflag:s4] =	ssyncset.s32 $0xFFFFF086  }
0x25: {  	[simem:s6], [sflag:s4] =	dma.local [hbm:s3], $0xF7A  }
0x26: {  	[smem:$0x3F96] =	sst s1;
	(tag) =	ssettag s2;
	_ =	strace s9  }
0x27: {  	s1 =	sld [smem:$0x3FA6]  }
0x28: {  	s2 =	sld [smem:$0x3FA7]  }
0x29: {  	s4 =	sld [smem:$0x3FA9]  }
0x2a: {  	p0 =	seq.s32 s5, $0x0;
	s5 =	sld [smem:$0x3FAA]  }
0x2b: {  	s6 =	sld [smem:$0x3FAB]  }
0x2c: {  	s7 =	sld [smem:$0x3FAC]  }
0x2d: {  	s3 =	simm.s32 $0x108;
	s8 =	sld [smem:$0x3FAD]  }
0x2e: {  	s3 =	simm.s32 @!p0 $0x1082;
	s9 =	sld [smem:$0x3FAE]  }
0x2f: {  	lr =	sadd.s32 s0, s3;
	s0 =	sld [smem:$0x3FA5]  }
0x30: {  	s3 =	sld [smem:$0x3FA8]  }
0x31: {  	[smem:$0x3FB1] =	sst s10  }
0x32: {  	s10 =	sld [smem:$0x3FAF];
	_ =	sdelay $0x3  }
0x33: {  	p0 =	seq.s32 s10, $0x1;
	s10 =	sld [smem:$0x3FB1];
	_ =	sdelay $0x3  }
0x34: {  	[smem:$0x3FB1] =	sst s10  }
0x35: {  	s10 =	sld [smem:$0x3FB0];
	_ =	sdelay $0x3  }
0x36: {  	p1 =	seq.s32 s10, $0x1;
	s10 =	sld [smem:$0x3FB1];
	_ =	sdelay $0x3  }
0x37: {  	[smem:$0x3FB1] =	sst s10  }
0x38: {  	s10 =	sld [smem:$0x3FB2]  }
0x39: {  	_ = 	snop;
	(pc) =	sbr.ind lr, $3  }
0x3a: {  	_ = 	snop  }
0x3b: {  	_ = 	snop  }
0x3c: {  	p2 =	seq.s32 s10, $0x1;
	s10 =	sld [smem:$0x3FB1]  }
0x3d: {  	_ =	shalt  }
0x3e: {  	_ =	shalt  }
0x3f: {  	_ =	shalt  }
0x40: {  	_ =	shalt  }
0x41: {  	_ =	shalt  }
0x42: {  	_ =	shalt  }
0x43: {  	_ =	shalt  }
0x44: {  	_ =	shalt  }
0x45: {  	_ =	shalt  }
0x46: {  	_ =	shalt  }
0x47: {  	_ =	shalt  }
0x48: {  	_ =	shalt  }
0x49: {  	_ =	shalt  }
0x4a: {  	_ =	shalt  }
0x4b: {  	_ =	shalt  }
0x4c: {  	_ =	shalt  }
0x4d: {  	_ =	shalt  }
0x4e: {  	_ =	shalt  }
0x4f: {  	_ =	shalt  }
0x50: {  	_ =	shalt  }
0x51: {  	_ =	shalt  }
0x52: {  	_ =	shalt  }
0x53: {  	_ =	shalt  }
0x54: {  	_ =	shalt  }
0x55: {  	_ =	shalt  }
0x56: {  	_ =	shalt  }
0x57: {  	_ =	shalt  }
0x58: {  	_ =	shalt  }
0x59: {  	_ =	shalt  }
0x5a: {  	_ =	shalt  }
0x5b: {  	_ =	shalt  }
0x5c: {  	_ =	shalt  }
0x5d: {  	_ =	shalt  }
0x5e: {  	_ =	shalt  }
0x5f: {  	_ =	shalt  }
0x60: {  	_ =	shalt  }
0x61: {  	_ =	shalt  }
0x62: {  	_ =	shalt  }
0x63: {  	_ =	shalt  }
0x64: {  	_ =	shalt  }
0x65: {  	_ =	shalt  }
0x66: {  	_ =	shalt  }
0x67: {  	_ =	shalt  }
0x68: {  	_ =	shalt  }
0x69: {  	_ =	shalt  }
0x6a: {  	_ =	shalt  }
0x6b: {  	_ =	shalt  }
0x6c: {  	_ =	shalt  }
0x6d: {  	_ =	shalt  }
0x6e: {  	_ =	shalt  }
0x6f: {  	_ =	shalt  }
0x70: {  	_ =	shalt  }
0x71: {  	_ =	shalt  }
0x72: {  	_ =	shalt  }
0x73: {  	_ =	shalt  }
0x74: {  	_ =	shalt  }
0x75: {  	_ =	shalt  }
0x76: {  	_ =	shalt  }
0x77: {  	_ =	shalt  }
0x78: {  	_ =	shalt  }
0x79: {  	_ =	shalt  }
0x7a: {  	_ =	shalt  }
0x7b: {  	_ =	shalt  }
0x7c: {  	_ =	shalt  }
0x7d: {  	_ =	shalt  }
0x7e: {  	_ =	shalt  }
0x7f: {  	_ =	shalt  }
0x80: {  	_ =	shalt  }
0x81: {  	_ =	shalt  }
0x82: {  	_ =	shalt  }
0x83: {  	_ =	shalt  }
0x84: {  	_ =	shalt  }
0x85: {  	_ =	shalt  }
0x86: {  	_ =	shalt  }
0x87: {  	_ =	shalt  }
.Lfunc_end0:
.L_simem_size_0:
called_computation.2_lowered:
.L_overlay_start_0:
0x88: {  	s2 =	sld [smem:$0x3FD9]  }
0x89: {  	s3 =	sld [smem:$0x3FFE];
	_ =	sdelay $0x1  }
0x8a: {  	s1 =	srdreg.scid  }
0x8b: {  	s0 =	sand.u32 $0x1, s1  }
0x8c: {  	s14 =	sshll.u32 s0, $0xA;
	s2 =	sadd.s32 s3, s2  }
0x8d: {  	s2 =	sadd.s32 s2, s14  }
0x8e: {  	[smem:$0x3FBD] =	sst s2  }
0x8f: {  	_ = 	snop  }
0x90: {  	s2 =	sld [smem:$0x3FD0];
	_ =	sdelay $0x2  }
0x91: {  	s15 =	simm.s32 $0xB;
	s4 =	simm.s32 $0x10  }
0x92: {  	[smem:s4], [sflag:s15] =	dma.local [hbm:s2], $0x1  }
0x93: {  	_ =	swait.eq [sflag:s15], $0x1  }
0x94: {  	[sflag:s15] =	ssyncset.done $0x0  }
0x95: {  	s16 =	sld [smem:$0x10];
	[sflag:s15] =	ssyncadd.s32 $0xFFFFFFFF  }
0x96: {  	s17 =	sld [smem:$0x12];
	(tm) =	ssettm $0x1  }
0x97: {  	s18 =	sld [smem:$0x3FFB];
	_ =	sdelay $0x3  }
0x98: {  	_ =	strace s18  }
0x99: {  	s4 =	sld [smem:$0x3FFC];
	_ =	sdelay $0x3  }
0x9a: {  	_ =	strace s4  }
0x9b: {  	s4 =	sld [smem:$0x3FFD];
	_ =	sdelay $0x3  }
0x9c: {  	_ =	strace s4  }
0x9d: {  	_ =	strace $0x8FFFFFFF  }
0x9e: {  	s19 =	sld [smem:$0x3FDB];
	_ =	sdelay $0x1  }
0x9f: {  	s5 =	simm.s32 $_scs_section_size  }
0xa0: {  	s6 =	simm.s32 $_size__tile_overlayer_lowered;
	s7 =	simm.s32 $_tile_overlayer_lowered  }
0xa1: {  	s22 =	simm.s32 $0x1BFF;
	s21 =	sshll.u32 s7, $0x1;
	s4 =	sadd.s32 s5, s19  }
0xa2: {  	s8 =	simm.s32 $0x0;
	s20 =	sshll.u32 s6, $0x1;
	s6 =	sadd.s32 s21, s4  }
0xa3: {  	[timem:s8], [sflag:s22] =	dma.local [hbm:s6], s20  }
0xa4: {  	_ =	swait.ge [sflag:s22], s20  }
0xa5: {  	s5 =	ssub.s32 $0x0, s20;
	[sflag:s22] =	ssyncset.done $0x0  }
0xa6: {  	[sflag:s22] =	ssyncadd.s32 s5;
	_ =	sdelay $0x1  }
0xa7: {  	s23 =	simm.s32 $0x1B8B  }
0xa8: {  	_ =	swait.ge [sflag:s23], $0x1  }
0xa9: {  	[sflag:s23] =	ssyncset.done $0x0  }
0xaa: {  	s25 =	simm.s32 $0x1B8E;
	s24 =	sld [smem:$0x3FFE];
	[sflag:s23] =	ssyncadd.s32 $0xFFFFFFFF  }
0xab: {  	s26 =	simm.s32 $execute0_lowered;
	[smem:$0x3FD2] =	sst s25  }
0xac: {  	s6 =	sshll.u32 s26, $0x1;
	_ =	strace $0x8000004C;
	[dreg:$0x1] =	wrdreg $0xFFFFFFFF  }
0xad: {  	s28 =	simm.s32 $_size_execute0_lowered;
	s4 =	sadd.s32 s4, s6;
	[dreg:$0x0] =	wrdreg $0x0  }
0xae: {  	s6 =	sshll.u32 s28, $0x1;
	[dreg:$0x2] =	wrdreg s4  }
0xaf: {  	[dreg:$0x3] =	wrdreg s6  }
0xb0: {  	[dreg:$0x4] =	wrdreg $0xC0  }
0xb1: {  	_ =	task [dreg:s8], $0x5FFFF  }
0xb2: {  	[dreg:$0x1] =	wrdreg $0xFFFFFFFF  }
0xb3: {  	[dreg:$0x0] =	wrdreg $0x60  }
0xb4: {  	[dreg:$0x2] =	wrdreg s17  }
0xb5: {  	[dreg:$0x3] =	wrdreg s16  }
0xb6: {  	[dreg:$0x4] =	wrdreg s24  }
0xb7: {  	[dreg:$0x5] =	wrdreg $0x0  }
0xb8: {  	[dreg:$0x6] =	wrdreg $0x9  }
0xb9: {  	_ =	task.clear_ibuf [dreg:s8], $0x7FFFF;
	_ =	strace $0x9000004C  }
0xba: {  	s29 =	simm.s32 $0x9;
	_ =	strace $0x8000004E  }
0xbb: {  	_ =	swait.ge [sflag:s29], $0x1  }
0xbc: {  	[sflag:s29] =	ssyncadd.s32 $0xFFFFFFFF  }
0xbd: {  	_ =	strace $0x9000004E  }
0xbe: {  	_ =	sfence  }
0xbf: {  	s30 =	sld [smem:$0x0];
	_ =	sdelay $0x2  }
0xc0: {  	s31 =	sshll.u32 s1, $0xD;
	s1 =	sshrl.u32 s1, $0x2  }
0xc1: {  	s3 =	sand.u32 $0x4000, s31;
	s1 =	sadd.s32 s1, s30  }
0xc2: {  	s0 =	sor.u32 s3, s0;
	s1 =	sshll.u32 s1, $0x11  }
0xc3: {  	s0 =	sor.u32 s1, s0  }
0xc4: {  	s0 =	sadd.s32 $0x8F2B, s0  }
0xc5: {  	[sflag:s0] =	ssyncadd.remote.s32 $0x1  }
0xc6: {  	_ =	sfence.sel $0xFFFF  }
0xc7: {  	[dreg:$0x0] =	wrdreg $0xFFFFFFFF;
	(pc) =	sbr.abs _section_cstart, $3  }
0xc8: {  	[dreg:$0x1] =	wrdreg $0xFFFFFFFF  }
0xc9: {  	_ =	task.clear_ibuf [dreg:s8], $0x2FFFF;
	_ =	strace $0x9FFFFFFF  }
0xca: {  	(tm) =	ssettm $0x7FFFFFFF  }
0xcb: {  	_ =	shalt  }
tec
execute0_lowered:
.L_overlay_start_1:
0x0: {  	(tag) =	ssettag $0x1  }
0x1: {  	s0 =	rddreg [dreg:$0x0]  }
0x2: {  	s1 =	rddreg [dreg:$0x1]  }
0x3: {  	s2 =	srdreg.scid;
	s5 =	rddreg [dreg:$0x2]  }
0x4: {  	s11 =	stileid.u32;
	s3 =	rddreg [dreg:$0x3]  }
0x5: {  	s4 =	simm.s32 $0x0;
	s28 =	simm.s32 $0x13E00;
	s7 =	smul.u32 $0x13C00, s11  }
0x6: {  	s29 =	simm.s32 $0x1B700;
	s30 =	simm.s32 $0x2;
	s15 =	smul.u32 $0x4F000, s11  }
0x7: {  	s31 =	simm.s32 $0x13D80;
	s2 =	sand.u32 $0x1, s2;
	s20 =	smul.u32 $0x54, s11  }
0x8: {  	[smem:$0x7FF] =	sst s4;
	s6 =	smul.u32 $0x13C000, s2;
	s8 =	sshll.u32 s2, $0x4  }
0x9: {  	_ =	strace $0x8000004D;
	s17 =	ssub.s32 $0x2, s2;
	s2 =	smul.u32 $0x540, s2  }
0xa: {  	s16 =	sor.u32 s11, s8;
	s10 =	sshrl.u32 s17, $0x1;
	s8 =	simm.s32 $0x6  }
0xb: {  	s6 =	sadd.s32 s7, s6;
	s7 =	sshrl.u32 s15, $0x2;
	s9 =	smul.u32 $0xA80, s16  }
0xc: {  	s18 =	ssub.s32 s17, s10;
	s2 =	sadd.s32 s20, s2;
	s20 =	simm.s32 $0x7  }
0xd: {  	s6 =	sshrl.u32 s6, $0x3;
	s2 =	sshll.u32 s2, $0x5;
	s26 =	smax.u32 s18, $0x1  }
0xe: {  	s6 =	sadd.s32 s6, s5;
	s5 =	sadd.s32 s7, s3;
	s11 =	sadd.s32 s1, s9  }
0xf: {  	[dreg:$0xc] =	wrdreg s26;
	s1 =	sadd.s32 s1, s2;
	s26 =	simm.s32 $0x13C80  }
0x10: {  	s2 =	simm.s32 $0x4;
	s7 =	simm.s32 $0x5;
	s19 =	sadd.s32 $0x3C00, s5  }
0x11: {  	s9 =	simm.s32 $0x0;
	s21 =	sadd.s32 $0x7800, s5;
	[dreg:$0x5] =	wrdreg s19  }
0x12: {  	s22 =	sadd.s32 $0xB400, s5;
	s23 =	sadd.s32 $0xF000, s5;
	[dreg:$0x6] =	wrdreg s21  }
0x13: {  	s24 =	sadd.s32 $0x12C00, s5;
	s25 =	sadd.s32 $0x20, s11;
	[dreg:$0x7] =	wrdreg s22  }
0x14: {  	s6 =	sadd.s32 $0x3000, s6;
	s15 =	sadd.s32 $0x40, s11;
	[dreg:$0x8] =	wrdreg s23  }
.Ltmp0:
0x15: {  	s16 =	sadd.s32 $0x60, s11;
	[dreg:$0x9] =	wrdreg s24;
	(pc) =	sbr.rel .LBB2_1-.Ltmp0, $4  }
0x16: {  	s17 =	sadd.s32 $0x80, s11;
	s18 =	sadd.s32 $0x80, s1;
	[dreg:$0xa] =	wrdreg s25  }
0x17: {  	s1 =	simm.s32 $0x3;
	[dreg:$0xb] =	wrdreg s6;
	s19 =	simm.s32 $0x13F00  }
0x18: {  	s21 =	simm.s32 $0x13C00;
	s22 =	simm.s32 $0x78;
	s23 =	simm.s32 $0x13D00  }
0x19: {  	v0 =	vimm.f32 $0.0e+00;
	s24 =	simm.s32 $0x17B00;
	s25 =	simm.s32 $0x1;
	s6 =	simm.s32 $0x13E80  }
.LBB2_6:
0x1a: {  	_ =	swait.ge [sflag:s1], $0x3C00  }
0x1b: {  	[sflag:s1] =	ssyncset.done $0x0  }
0x1c: {  	[sflag:s1] =	ssyncadd.s32 $0xFFFFC400  }
0x1d: {  	[spmem:s3] =	stream.indirect.scatter.add.f32 [tilespmem:s29], [sflag:$0x6], $0x80, s6, s22, $0xb8;
	[tilespmem:$0x1F300] =	vst v63  }
0x1e: {  	_ =	swait.ge [sflag:s7], $0x3C00  }
0x1f: {  	[sflag:s7] =	ssyncset.done $0x0  }
0x20: {  	[sflag:s7] =	ssyncadd.s32 $0xFFFFC400  }
0x21: {  	_ =	swait.ge [sflag:s8], $0x3C00  }
0x22: {  	[sflag:s8] =	ssyncset.done $0x0  }
0x23: {  	s10 =	stileid.u32;
	[sflag:s8] =	ssyncadd.s32 $0xFFFFC400  }
0x24: {  	s10 =	sshll.u32 s10, $0x6;
	[bflag:$0x0] =	sbarrier.arrive $0xFFFF  }
0x25: {  	s12 =	sshrl.u32 s5, $0x3;
	s10 =	sor.u32 $0x1C07, s10;
	s13 =	rddreg [dreg:$0xb]  }
0x26: {  	[hbm:s13], [sflag:s10] =	dma.local [spmem:s12], $0x2780  }
0x27: {  	_ =	swait.ge [sflag:s20], $0x2780  }
0x28: {  	s9 =	sadd.s32 $0x1, s9;
	s14 =	rddreg [dreg:$0xc]  }
0x29: {  	p0 =	sne.s32 s9, s14  }
.Ltmp1:
0x2a: {  	_ = 	snop;
	(pc) =	sbr.rel @!p0 .LBB2_7-.Ltmp1, $3  }
0x2b: {  	_ =	sdelay $0x1  }
0x2c: {  	[sflag:s20] =	ssyncset.done $0x0  }
0x2d: {  	[sflag:s20] =	ssyncadd.s32 $0xFFFFD880  }
.LBB2_1:
0x2e: {  	s10 =	sand.u32 $0xFE00, s4  }
0x2f: {  	s12 =	sand.u32 $0x70, s4;
	s13 =	sshrl.u32 s10, $0x2  }
0x30: {  	s10 =	simm.s32 $0x40;
	s13 =	sor.u32 s12, s13;
	s12 =	simm.s32 $0x0  }
.LBB2_2:
0x31: {  	p0 =	sne.s32 s10, $0xEFC0  }
0x32: {  	[tilespmem:s13+$0x13F00] =	vst v0;
	s12 =	sadd.s32 $0x10, s12;
	s13 =	smov.u32 s10;
	s10 =	sadd.s32 $0x40, s10  }
.Ltmp2:
0x33: {  	(pc) =	sbr.rel @p0 .LBB2_2-.Ltmp2, $4  }
0x34: {  	_ = 	snop  }
0x35: {  	s13 =	sand.u32 $0xFE00, s13  }
0x36: {  	s14 =	sand.u32 $0x70, s12;
	s13 =	sshrl.u32 s13, $0x2  }
0x37: {  	s13 =	sor.u32 s14, s13  }
0x38: {  	[tilespmem:s13+$0x13F00] =	vst v0  }
0x39: {  	[spmem:s5] =	stream.linear.scatter [tilespmem:s19], [sflag:$0x7], $0x3C00, $0x38;
	[tilespmem:$0x1F300] =	vst v63  }
0x3a: {  	_ =	swait.ge [sflag:s20], $0x3C00  }
0x3b: {  	[sflag:s20] =	ssyncset.done $0x0  }
0x3c: {  	s10 =	rddreg [dreg:$0x5];
	[sflag:s20] =	ssyncadd.s32 $0xFFFFC400  }
0x3d: {  	[spmem:s10] =	stream.linear.scatter [tilespmem:s19], [sflag:$0x7], $0x3C00, $0x38;
	[tilespmem:$0x1F300] =	vst v63  }
0x3e: {  	_ =	swait.ge [sflag:s20], $0x3C00  }
0x3f: {  	[sflag:s20] =	ssyncset.done $0x0  }
0x40: {  	s13 =	rddreg [dreg:$0x6];
	[sflag:s20] =	ssyncadd.s32 $0xFFFFC400  }
0x41: {  	[spmem:s13] =	stream.linear.scatter [tilespmem:s19], [sflag:$0x7], $0x3C00, $0x38;
	[tilespmem:$0x1F300] =	vst v63  }
0x42: {  	_ =	swait.ge [sflag:s20], $0x3C00  }
0x43: {  	[sflag:s20] =	ssyncset.done $0x0  }
0x44: {  	s14 =	rddreg [dreg:$0x7];
	[sflag:s20] =	ssyncadd.s32 $0xFFFFC400  }
0x45: {  	[spmem:s14] =	stream.linear.scatter [tilespmem:s19], [sflag:$0x7], $0x3C00, $0x38;
	[tilespmem:$0x1F300] =	vst v63  }
0x46: {  	_ =	swait.ge [sflag:s20], $0x3C00  }
0x47: {  	[sflag:s20] =	ssyncset.done $0x0  }
0x48: {  	s12 =	rddreg [dreg:$0x8];
	[sflag:s20] =	ssyncadd.s32 $0xFFFFC400  }
0x49: {  	[spmem:s12] =	stream.linear.scatter [tilespmem:s19], [sflag:$0x7], $0x3C00, $0x38;
	[tilespmem:$0x1F300] =	vst v63  }
0x4a: {  	_ =	swait.ge [sflag:s20], $0x3C00  }
0x4b: {  	[sflag:s20] =	ssyncset.done $0x0  }
0x4c: {  	s13 =	rddreg [dreg:$0x9];
	[sflag:s20] =	ssyncadd.s32 $0xFFFFC400  }
0x4d: {  	[spmem:s13] =	stream.linear.scatter [tilespmem:s19], [sflag:$0x7], $0x1000, $0x38;
	[tilespmem:$0x1F300] =	vst v63  }
0x4e: {  	_ =	swait.ge [sflag:s20], $0x1000  }
0x4f: {  	[sflag:s20] =	ssyncset.done $0x0  }
0x50: {  	[sflag:s20] =	ssyncadd.s32 $0xFFFFF000  }
0x51: {  	[bflag:$0x0] =	sbarrier.arrive $0xFFFF  }
0x52: {  	[tilespmem:s21], [sflag:$0x7] =	stream.linear.gather [hbm4b:s11+s4], $0x100, $0x38;
	[tilespmem:$0x1F300] =	vst v63  }
0x53: {  	_ =	swait.ge [sflag:s20], $0x100  }
0x54: {  	[sflag:s20] =	ssyncset.done $0x0  }
0x55: {  	[sflag:s20] =	ssyncadd.s32 $0xFFFFFF00  }
0x56: {  	[tilespmem:s19], [sflag:$0x1] =	stream.indirect.gather [hbm4b:s0+s22], $0x80, s21, s22, $0xb8;
	[tilespmem:$0x1F300] =	vst v63  }
0x57: {  	s14 =	rddreg [dreg:$0xa]  }
0x58: {  	[tilespmem:s23], [sflag:$0x7] =	stream.linear.gather [hbm4b:s14+s4], $0x100, $0x38;
	[tilespmem:$0x1F300] =	vst v63  }
0x59: {  	_ =	swait.ge [sflag:s20], $0x100  }
0x5a: {  	[sflag:s20] =	ssyncset.done $0x0  }
0x5b: {  	[sflag:s20] =	ssyncadd.s32 $0xFFFFFF00  }
0x5c: {  	[tilespmem:s24], [sflag:$0x2] =	stream.indirect.gather [hbm4b:s0+s22], $0x80, s23, s22, $0xb8;
	[tilespmem:$0x1F300] =	vst v63  }
0x5d: {  	_ =	swait.ge [sflag:s25], $0x3C00  }
0x5e: {  	[sflag:s25] =	ssyncset.done $0x0  }
0x5f: {  	[sflag:s25] =	ssyncadd.s32 $0xFFFFC400  }
0x60: {  	[spmem:s3] =	stream.indirect.scatter.add.f32 [tilespmem:s19], [sflag:$0x4], $0x80, s26, s22, $0xb8;
	[tilespmem:$0x1F300] =	vst v63  }
0x61: {  	_ = 	snop  }
0x62: {  	[tilespmem:s28], [sflag:$0x7] =	stream.linear.gather [hbm4b:s15+s4], $0x100, $0x38;
	[tilespmem:$0x1F300] =	vst v63  }
0x63: {  	_ =	swait.ge [sflag:s20], $0x100  }
0x64: {  	[sflag:s20] =	ssyncset.done $0x0  }
0x65: {  	[sflag:s20] =	ssyncadd.s32 $0xFFFFFF00  }
0x66: {  	[tilespmem:s29], [sflag:$0x3] =	stream.indirect.gather [hbm4b:s0+s22], $0x80, s28, s22, $0xb8;
	[tilespmem:$0x1F300] =	vst v63  }
0x67: {  	_ =	swait.ge [sflag:s30], $0x3C00  }
0x68: {  	[sflag:s30] =	ssyncset.done $0x0  }
0x69: {  	[sflag:s30] =	ssyncadd.s32 $0xFFFFC400  }
0x6a: {  	[spmem:s3] =	stream.indirect.scatter.add.f32 [tilespmem:s24], [sflag:$0x5], $0x80, s31, s22, $0xb8;
	[tilespmem:$0x1F300] =	vst v63  }
0x6b: {  	_ =	swait.ge [sflag:s2], $0x3C00  }
0x6c: {  	[sflag:s2] =	ssyncset.done $0x0  }
0x6d: {  	[sflag:s2] =	ssyncadd.s32 $0xFFFFC400  }
0x6e: {  	[tilespmem:s21], [sflag:$0x7] =	stream.linear.gather [hbm4b:s16+s4], $0x100, $0x38;
	[tilespmem:$0x1F300] =	vst v63  }
0x6f: {  	_ =	swait.ge [sflag:s20], $0x100  }
0x70: {  	[sflag:s20] =	ssyncset.done $0x0  }
0x71: {  	[sflag:s20] =	ssyncadd.s32 $0xFFFFFF00  }
0x72: {  	[tilespmem:s19], [sflag:$0x1] =	stream.indirect.gather [hbm4b:s0+s22], $0x80, s21, s22, $0xb8;
	[tilespmem:$0x1F300] =	vst v63  }
0x73: {  	_ =	swait.ge [sflag:s1], $0x3C00  }
0x74: {  	[sflag:s1] =	ssyncset.done $0x0  }
0x75: {  	[sflag:s1] =	ssyncadd.s32 $0xFFFFC400  }
0x76: {  	[spmem:s3] =	stream.indirect.scatter.add.f32 [tilespmem:s29], [sflag:$0x6], $0x80, s6, s22, $0xb8;
	[tilespmem:$0x1F300] =	vst v63  }
0x77: {  	_ =	swait.ge [sflag:s7], $0x3C00  }
0x78: {  	[sflag:s7] =	ssyncset.done $0x0  }
0x79: {  	[sflag:s7] =	ssyncadd.s32 $0xFFFFC400  }
0x7a: {  	[tilespmem:s23], [sflag:$0x7] =	stream.linear.gather [hbm4b:s17+s4], $0x100, $0x38;
	[tilespmem:$0x1F300] =	vst v63  }
0x7b: {  	_ =	swait.ge [sflag:s20], $0x100  }
0x7c: {  	[sflag:s20] =	ssyncset.done $0x0  }
0x7d: {  	s10 =	simm.s32 $0xFFFFF640;
	[sflag:s20] =	ssyncadd.s32 $0xFFFFFF00  }
0x7e: {  	[tilespmem:s24], [sflag:$0x2] =	stream.indirect.gather [hbm4b:s0+s22], $0x80, s23, s22, $0xb8;
	[tilespmem:$0x1F300] =	vst v63  }
.LBB2_4:
0x7f: {  	_ =	swait.ge [sflag:s25], $0x3C00  }
0x80: {  	[sflag:s25] =	ssyncset.done $0x0  }
0x81: {  	[sflag:s25] =	ssyncadd.s32 $0xFFFFC400  }
0x82: {  	[spmem:s3] =	stream.indirect.scatter.add.f32 [tilespmem:s19], [sflag:$0x4], $0x80, s26, s22, $0xb8;
	[tilespmem:$0x1F300] =	vst v63  }
0x83: {  	_ =	swait.ge [sflag:s8], $0x3C00  }
0x84: {  	s12 =	sadd.s32 s10, s18;
	[sflag:s8] =	ssyncset.done $0x0  }
0x85: {  	s13 =	sadd.s32 $0x9E0, s12;
	[sflag:s8] =	ssyncadd.s32 $0xFFFFC400  }
0x86: {  	[tilespmem:s28], [sflag:$0x7] =	stream.linear.gather [hbm4b:s13+s4], $0x100, $0x38;
	[tilespmem:$0x1F300] =	vst v63  }
0x87: {  	_ =	swait.ge [sflag:s20], $0x100  }
0x88: {  	[sflag:s20] =	ssyncset.done $0x0  }
0x89: {  	[sflag:s20] =	ssyncadd.s32 $0xFFFFFF00  }
0x8a: {  	[tilespmem:s29], [sflag:$0x3] =	stream.indirect.gather [hbm4b:s0+s22], $0x80, s28, s22, $0xb8;
	[tilespmem:$0x1F300] =	vst v63  }
0x8b: {  	_ =	swait.ge [sflag:s30], $0x3C00  }
0x8c: {  	p0 =	seq.s32 s10, $0x0;
	[sflag:s30] =	ssyncset.done $0x0  }
.Ltmp3:
0x8d: {  	[sflag:s30] =	ssyncadd.s32 $0xFFFFC400;
	(pc) =	sbr.rel @p0 .LBB2_6-.Ltmp3, $4  }
0x8e: {  	[spmem:s3] =	stream.indirect.scatter.add.f32 [tilespmem:s24], [sflag:$0x5], $0x80, s31, s22, $0xb8;
	[tilespmem:$0x1F300] =	vst v63  }
0x8f: {  	_ =	swait.ge [sflag:s2], $0x3C00  }
0x90: {  	[sflag:s2] =	ssyncset.done $0x0  }
0x91: {  	[sflag:s2] =	ssyncadd.s32 $0xFFFFC400  }
0x92: {  	s13 =	sadd.s32 $0xA00, s12  }
0x93: {  	[tilespmem:s21], [sflag:$0x7] =	stream.linear.gather [hbm4b:s13+s4], $0x100, $0x38;
	[tilespmem:$0x1F300] =	vst v63  }
0x94: {  	_ =	swait.ge [sflag:s20], $0x100  }
0x95: {  	[sflag:s20] =	ssyncset.done $0x0  }
0x96: {  	[sflag:s20] =	ssyncadd.s32 $0xFFFFFF00  }
0x97: {  	[tilespmem:s19], [sflag:$0x1] =	stream.indirect.gather [hbm4b:s0+s22], $0x80, s21, s22, $0xb8;
	[tilespmem:$0x1F300] =	vst v63  }
0x98: {  	_ =	swait.ge [sflag:s1], $0x3C00  }
0x99: {  	[sflag:s1] =	ssyncset.done $0x0  }
0x9a: {  	[sflag:s1] =	ssyncadd.s32 $0xFFFFC400  }
0x9b: {  	[spmem:s3] =	stream.indirect.scatter.add.f32 [tilespmem:s29], [sflag:$0x6], $0x80, s6, s22, $0xb8;
	[tilespmem:$0x1F300] =	vst v63  }
0x9c: {  	_ =	swait.ge [sflag:s7], $0x3C00  }
0x9d: {  	[sflag:s7] =	ssyncset.done $0x0  }
0x9e: {  	s14 =	sadd.s32 $0xA20, s12;
	[sflag:s7] =	ssyncadd.s32 $0xFFFFC400  }
0x9f: {  	[tilespmem:s23], [sflag:$0x7] =	stream.linear.gather [hbm4b:s14+s4], $0x100, $0x38;
	[tilespmem:$0x1F300] =	vst v63  }
.Ltmp4:
0xa0: {  	_ = 	snop;
	(pc) =	sbr.rel .LBB2_4-.Ltmp4, $4  }
0xa1: {  	_ =	swait.ge [sflag:s20], $0x100  }
0xa2: {  	[sflag:s20] =	ssyncset.done $0x0  }
0xa3: {  	s10 =	sadd.s32 $0x60, s10;
	[sflag:s20] =	ssyncadd.s32 $0xFFFFFF00  }
0xa4: {  	[tilespmem:s24], [sflag:$0x2] =	stream.indirect.gather [hbm4b:s0+s22], $0x80, s23, s22, $0xb8;
	[tilespmem:$0x1F300] =	vst v63  }
.LBB2_7:
0xa5: {  	_ =	sfence.sel $0x180000  }
0xa6: {  	[bflag:$0x0] =	sbarrier.arrive $0xFFFF  }
0xa7: {  	_ =	strace $0x9000004D  }
0xa8: {  	s0 =	stileid.u32;
	[bflag:$0x2] =	sbarrier.arrive $0xFFFF  }
0xa9: {  	p0 =	sne.s32 s0, $0x0;
	s0 =	rddreg [dreg:$0x4]  }
0xaa: {  	s0 =	sadd.s32 @!p0 $0x100000, s0  }
0xab: {  	[sflag:s0] =	ssyncadd.tile.s32 @!p0 $0x1;
	_ =	shalt  }
.Lfunc_end2:
_tile_overlayer_lowered:
.L_overlay_start_2:
0xac: {  	(tag) =	ssettag $0x2  }
0xad: {  	s0 =	rddreg [dreg:$0x0];
	s2 =	stileid.u32  }
0xae: {  	s1 =	rddreg [dreg:$0x1];
	p0 =	sne.s32 s2, $0x0  }
0xaf: {  	s3 =	rddreg [dreg:$0x2];
	[bflag:$0x3] =	sbarrier.arrive $0xFFFF;
	s2 =	simm.s32 @!p0 $0x1C07  }
0xb0: {  	[timem:s3], [sflag:s2] =	dma.local @!p0 [hbm:s0], s1  }
0xb1: {  	s0 =	simm.s32 @!p0 $0x7  }
0xb2: {  	_ =	swait.ge @!p0 [sflag:s0], s1  }
0xb3: {  	s1 =	ssub.s32 @!p0 $0x0, s1;
	[sflag:s0] =	ssyncset.done @!p0 $0x0  }
0xb4: {  	[sflag:s0] =	ssyncadd.s32 @!p0 s1  }
0xb5: {  	[bflag:$0x3] =	sbarrier.arrive $0xFFFF  }
0xb6: {  	_ =	shalt  }

// kernel: kernel.19.cloned.1.call-start
scs
__scs_entry_jumppad:
0x0: {  	(pc) =	sbr.rel $0x88, $3  }
0x1: {  	(tag) =	ssettag $0x0;
	lr =	simm.s32 $0x1  }
0x2: {  	[smem:$0x3F96] =	sst lr;
	_ =	strace $0xD0000000  }
0x3: {  	_ = 	snop  }
0x4: {  	_ = 	snop  }
0x5: {  	_ = 	snop  }
0x6: {  	_ = 	snop  }
0x7: {  	_ = 	snop  }
__scs_overlays_trampoline_lowered:
0x8: {  	[smem:$0x3FA5] =	sst s0  }
0x9: {  	[smem:$0x3FA6] =	sst s1  }
0xa: {  	[smem:$0x3FA7] =	sst s2  }
0xb: {  	[smem:$0x3FA8] =	sst s3  }
0xc: {  	[smem:$0x3FA9] =	sst s4  }
0xd: {  	[smem:$0x3FAA] =	sst s5  }
0xe: {  	[smem:$0x3FAB] =	sst s6  }
0xf: {  	[smem:$0x3FAC] =	sst s7  }
0x10: {  	[smem:$0x3FAD] =	sst s8  }
0x11: {  	[smem:$0x3FAE] =	sst s9;
	s0 =	simm.s32 @!p0 $0x0  }
0x12: {  	s1 =	sld [smem:$0x3F94];
	s0 =	simm.s32 @p0 $0x1  }
0x13: {  	[smem:$0x3FAF] =	sst s0;
	s0 =	simm.s32 @!p1 $0x0  }
0x14: {  	s2 =	sld [smem:$0x3F93];
	s0 =	simm.s32 @p1 $0x1  }
0x15: {  	[smem:$0x3FB0] =	sst s0;
	s0 =	simm.s32 @!p2 $0x0  }
0x16: {  	s3 =	sld [smem:$0x3FDB];
	s0 =	simm.s32 @p2 $0x1  }
0x17: {  	s4 =	simm.s32 $0x1BF5;
	[smem:$0x3FB2] =	sst s0  }
0x18: {  	s0 =	sld [smem:$0x3F95];
	_ =	swait.ge [sflag:s4], $0x0  }
0x19: {  	s7 =	sld [smem:$0x3F96]  }
0x1a: {  	s8 =	sadd.s32 $0xFFFFE003, lr  }
0x1b: {  	s9 =	sadd.s32 $0xFFFFFEF7, lr;
	s5 =	simm.s32 $0xFFFFFFFF;
	p2 =	slt.u32 s8, $0xFFFFF086  }
0x1c: {  	p1 =	slt.u32 s9, $0xF7A;
	s5 =	simm.s32 @!p2 $0x0  }
0x1d: {  	s5 =	simm.s32 @p1 $0x1;
	p0 =	seq.s32 s7, s2  }
0x1e: {  	s7 =	smul.u32 @!p0 $0xF7A, s2;
	p2 =	seq.s32 @!p0 s5, $0x0  }
0x1f: {  	s9 =	smul.u32 $0xF7A, s1;
	s8 =	simm.s32 @!p0 $0x1BF5;
	p2 =	por !p2, p0  }
0x20: {  	[sflag:s8] =	ssyncset.s32 @!p0 $0xFFFFF086;
	s6 =	sadd.s32 @!p0 s3, s7;
	s7 =	simm.s32 @!p0 $0x108  }
0x21: {  	s3 =	sadd.s32 s3, s9;
	s6 =	sadd.s32 @!p0 $0x88, s6;
	s7 =	simm.s32 @p2 $0x1082  }
0x22: {  	[simem:s7], [sflag:s8] =	dma.local @!p0 [hbm:s6], $0xF7A  }
0x23: {  	s9 =	sor.u32 $0xD0000000, s2;
	s6 =	simm.s32 $0x108;
	_ =	swait.ge @!p0 [sflag:s8], $0x0  }
0x24: {  	s3 =	sadd.s32 $0x88, s3;
	s6 =	simm.s32 @!p1 $0x1082;
	[sflag:s4] =	ssyncset.s32 $0xFFFFF086  }
0x25: {  	[simem:s6], [sflag:s4] =	dma.local [hbm:s3], $0xF7A  }
0x26: {  	[smem:$0x3F96] =	sst s1;
	(tag) =	ssettag s2;
	_ =	strace s9  }
0x27: {  	s1 =	sld [smem:$0x3FA6]  }
0x28: {  	s2 =	sld [smem:$0x3FA7]  }
0x29: {  	s4 =	sld [smem:$0x3FA9]  }
0x2a: {  	p0 =	seq.s32 s5, $0x0;
	s5 =	sld [smem:$0x3FAA]  }
0x2b: {  	s6 =	sld [smem:$0x3FAB]  }
0x2c: {  	s7 =	sld [smem:$0x3FAC]  }
0x2d: {  	s3 =	simm.s32 $0x108;
	s8 =	sld [smem:$0x3FAD]  }
0x2e: {  	s3 =	simm.s32 @!p0 $0x1082;
	s9 =	sld [smem:$0x3FAE]  }
0x2f: {  	lr =	sadd.s32 s0, s3;
	s0 =	sld [smem:$0x3FA5]  }
0x30: {  	s3 =	sld [smem:$0x3FA8]  }
0x31: {  	[smem:$0x3FB1] =	sst s10  }
0x32: {  	s10 =	sld [smem:$0x3FAF];
	_ =	sdelay $0x3  }
0x33: {  	p0 =	seq.s32 s10, $0x1;
	s10 =	sld [smem:$0x3FB1];
	_ =	sdelay $0x3  }
0x34: {  	[smem:$0x3FB1] =	sst s10  }
0x35: {  	s10 =	sld [smem:$0x3FB0];
	_ =	sdelay $0x3  }
0x36: {  	p1 =	seq.s32 s10, $0x1;
	s10 =	sld [smem:$0x3FB1];
	_ =	sdelay $0x3  }
0x37: {  	[smem:$0x3FB1] =	sst s10  }
0x38: {  	s10 =	sld [smem:$0x3FB2]  }
0x39: {  	_ = 	snop;
	(pc) =	sbr.ind lr, $3  }
0x3a: {  	_ = 	snop  }
0x3b: {  	_ = 	snop  }
0x3c: {  	p2 =	seq.s32 s10, $0x1;
	s10 =	sld [smem:$0x3FB1]  }
0x3d: {  	_ =	shalt  }
0x3e: {  	_ =	shalt  }
0x3f: {  	_ =	shalt  }
0x40: {  	_ =	shalt  }
0x41: {  	_ =	shalt  }
0x42: {  	_ =	shalt  }
0x43: {  	_ =	shalt  }
0x44: {  	_ =	shalt  }
0x45: {  	_ =	shalt  }
0x46: {  	_ =	shalt  }
0x47: {  	_ =	shalt  }
0x48: {  	_ =	shalt  }
0x49: {  	_ =	shalt  }
0x4a: {  	_ =	shalt  }
0x4b: {  	_ =	shalt  }
0x4c: {  	_ =	shalt  }
0x4d: {  	_ =	shalt  }
0x4e: {  	_ =	shalt  }
0x4f: {  	_ =	shalt  }
0x50: {  	_ =	shalt  }
0x51: {  	_ =	shalt  }
0x52: {  	_ =	shalt  }
0x53: {  	_ =	shalt  }
0x54: {  	_ =	shalt  }
0x55: {  	_ =	shalt  }
0x56: {  	_ =	shalt  }
0x57: {  	_ =	shalt  }
0x58: {  	_ =	shalt  }
0x59: {  	_ =	shalt  }
0x5a: {  	_ =	shalt  }
0x5b: {  	_ =	shalt  }
0x5c: {  	_ =	shalt  }
0x5d: {  	_ =	shalt  }
0x5e: {  	_ =	shalt  }
0x5f: {  	_ =	shalt  }
0x60: {  	_ =	shalt  }
0x61: {  	_ =	shalt  }
0x62: {  	_ =	shalt  }
0x63: {  	_ =	shalt  }
0x64: {  	_ =	shalt  }
0x65: {  	_ =	shalt  }
0x66: {  	_ =	shalt  }
0x67: {  	_ =	shalt  }
0x68: {  	_ =	shalt  }
0x69: {  	_ =	shalt  }
0x6a: {  	_ =	shalt  }
0x6b: {  	_ =	shalt  }
0x6c: {  	_ =	shalt  }
0x6d: {  	_ =	shalt  }
0x6e: {  	_ =	shalt  }
0x6f: {  	_ =	shalt  }
0x70: {  	_ =	shalt  }
0x71: {  	_ =	shalt  }
0x72: {  	_ =	shalt  }
0x73: {  	_ =	shalt  }
0x74: {  	_ =	shalt  }
0x75: {  	_ =	shalt  }
0x76: {  	_ =	shalt  }
0x77: {  	_ =	shalt  }
0x78: {  	_ =	shalt  }
0x79: {  	_ =	shalt  }
0x7a: {  	_ =	shalt  }
0x7b: {  	_ =	shalt  }
0x7c: {  	_ =	shalt  }
0x7d: {  	_ =	shalt  }
0x7e: {  	_ =	shalt  }
0x7f: {  	_ =	shalt  }
0x80: {  	_ =	shalt  }
0x81: {  	_ =	shalt  }
0x82: {  	_ =	shalt  }
0x83: {  	_ =	shalt  }
0x84: {  	_ =	shalt  }
0x85: {  	_ =	shalt  }
0x86: {  	_ =	shalt  }
0x87: {  	_ =	shalt  }
.Lfunc_end0:
.L_simem_size_0:
called_computation.3_lowered:
.L_overlay_start_0:
0x88: {  	s2 =	sld [smem:$0x3FD9]  }
0x89: {  	s3 =	sld [smem:$0x3FFE];
	_ =	sdelay $0x1  }
0x8a: {  	s1 =	srdreg.scid  }
0x8b: {  	s0 =	sand.u32 $0x1, s1  }
0x8c: {  	s14 =	sshll.u32 s0, $0xA;
	s2 =	sadd.s32 s3, s2  }
0x8d: {  	s2 =	sadd.s32 s2, s14  }
0x8e: {  	[smem:$0x3FBD] =	sst s2  }
0x8f: {  	_ = 	snop  }
0x90: {  	s2 =	sld [smem:$0x3FD0];
	_ =	sdelay $0x2  }
0x91: {  	s15 =	simm.s32 $0xB;
	s4 =	simm.s32 $0x10  }
0x92: {  	[smem:s4], [sflag:s15] =	dma.local [hbm:s2], $0x1  }
0x93: {  	_ =	swait.eq [sflag:s15], $0x1  }
0x94: {  	[sflag:s15] =	ssyncset.done $0x0  }
0x95: {  	[sflag:s15] =	ssyncadd.s32 $0xFFFFFFFF  }
0x96: {  	s16 =	sld [smem:$0x10];
	(tm) =	ssettm $0x1  }
0x97: {  	s17 =	sld [smem:$0x3FFB];
	_ =	sdelay $0x3  }
0x98: {  	_ =	strace s17  }
0x99: {  	s3 =	sld [smem:$0x3FFC];
	_ =	sdelay $0x3  }
0x9a: {  	_ =	strace s3  }
0x9b: {  	s3 =	sld [smem:$0x3FFD];
	_ =	sdelay $0x3  }
0x9c: {  	_ =	strace s3  }
0x9d: {  	_ =	strace $0x8FFFFFFF  }
0x9e: {  	s18 =	sld [smem:$0x3FDB];
	_ =	sdelay $0x1  }
0x9f: {  	s19 =	simm.s32 $_scs_section_size  }
0xa0: {  	s5 =	simm.s32 $_size__tile_overlayer_lowered;
	s6 =	simm.s32 $_tile_overlayer_lowered  }
0xa1: {  	s22 =	simm.s32 $0x1BFF;
	s21 =	sshll.u32 s6, $0x1;
	s3 =	sadd.s32 s19, s18  }
0xa2: {  	s7 =	simm.s32 $0x0;
	s20 =	sshll.u32 s5, $0x1;
	s5 =	sadd.s32 s21, s3  }
0xa3: {  	[timem:s7], [sflag:s22] =	dma.local [hbm:s5], s20  }
0xa4: {  	_ =	swait.ge [sflag:s22], s20  }
0xa5: {  	s4 =	ssub.s32 $0x0, s20;
	[sflag:s22] =	ssyncset.done $0x0  }
0xa6: {  	[sflag:s22] =	ssyncadd.s32 s4;
	_ =	sdelay $0x1  }
0xa7: {  	s23 =	simm.s32 $0x1B8B  }
0xa8: {  	_ =	swait.ge [sflag:s23], $0x1  }
0xa9: {  	[sflag:s23] =	ssyncset.done $0x0  }
0xaa: {  	s25 =	simm.s32 $0x1B8E;
	s24 =	sld [smem:$0x3FFE];
	[sflag:s23] =	ssyncadd.s32 $0xFFFFFFFF  }
0xab: {  	s26 =	simm.s32 $execute0_lowered;
	[smem:$0x3FD2] =	sst s25  }
0xac: {  	s5 =	sshll.u32 s26, $0x1;
	_ =	strace $0x8000004F;
	[dreg:$0x1] =	wrdreg $0xFFFFFFFF  }
0xad: {  	s28 =	simm.s32 $_size_execute0_lowered;
	s3 =	sadd.s32 s3, s5;
	[dreg:$0x0] =	wrdreg $0x0  }
0xae: {  	s5 =	sshll.u32 s28, $0x1;
	[dreg:$0x2] =	wrdreg s3  }
0xaf: {  	[dreg:$0x3] =	wrdreg s5  }
0xb0: {  	[dreg:$0x4] =	wrdreg $0xC0  }
0xb1: {  	_ =	task [dreg:s7], $0x5FFFF  }
0xb2: {  	[dreg:$0x1] =	wrdreg $0xFFFFFFFF  }
0xb3: {  	[dreg:$0x0] =	wrdreg $0x60  }
0xb4: {  	[dreg:$0x2] =	wrdreg s24  }
0xb5: {  	[dreg:$0x3] =	wrdreg s16  }
0xb6: {  	[dreg:$0x4] =	wrdreg $0x0  }
0xb7: {  	[dreg:$0x5] =	wrdreg $0x9  }
0xb8: {  	_ =	task.clear_ibuf [dreg:s7], $0x6FFFF;
	_ =	strace $0x9000004F  }
0xb9: {  	s29 =	simm.s32 $0x9;
	_ =	strace $0x80000051  }
0xba: {  	_ =	swait.ge [sflag:s29], $0x1  }
0xbb: {  	[sflag:s29] =	ssyncadd.s32 $0xFFFFFFFF  }
0xbc: {  	_ =	strace $0x90000051  }
0xbd: {  	_ =	sfence  }
0xbe: {  	s30 =	sld [smem:$0x0];
	_ =	sdelay $0x2  }
0xbf: {  	s31 =	sshll.u32 s1, $0xD;
	s1 =	sshrl.u32 s1, $0x2  }
0xc0: {  	s3 =	sand.u32 $0x4000, s31;
	s1 =	sadd.s32 s1, s30  }
0xc1: {  	s0 =	sor.u32 s3, s0;
	s1 =	sshll.u32 s1, $0x11  }
0xc2: {  	s0 =	sor.u32 s1, s0  }
0xc3: {  	s0 =	sadd.s32 $0x8F2B, s0  }
0xc4: {  	[sflag:s0] =	ssyncadd.remote.s32 $0x1  }
0xc5: {  	_ =	sfence.sel $0xFFFF  }
0xc6: {  	[dreg:$0x0] =	wrdreg $0xFFFFFFFF;
	(pc) =	sbr.abs _section_cstart, $3  }
0xc7: {  	[dreg:$0x1] =	wrdreg $0xFFFFFFFF  }
0xc8: {  	_ =	task.clear_ibuf [dreg:s7], $0x2FFFF;
	_ =	strace $0x9FFFFFFF  }
0xc9: {  	(tm) =	ssettm $0x7FFFFFFF  }
tec
execute0_lowered:
.L_overlay_start_1:
0x0: {  	(tag) =	ssettag $0x1  }
0x1: {  	s0 =	rddreg [dreg:$0x0]  }
0x2: {  	s1 =	rddreg [dreg:$0x1]  }
0x3: {  	s3 =	srdreg.scid;
	s11 =	stileid.u32  }
0x4: {  	s2 =	rddreg [dreg:$0x2];
	s5 =	smul.u32 $0x13C00, s11  }
0x5: {  	s28 =	simm.s32 $0x13E00;
	s29 =	simm.s32 $0x1B700;
	s7 =	smul.u32 $0x4F000, s11  }
0x6: {  	s30 =	simm.s32 $0x2;
	s6 =	sand.u32 $0x1, s3;
	s19 =	smul.u32 $0x54, s11  }
0x7: {  	s31 =	simm.s32 $0x13D80;
	s3 =	simm.s32 $0x0;
	s4 =	smul.u32 $0x13C000, s6  }
0x8: {  	[smem:$0x7FF] =	sst s3;
	s8 =	sshll.u32 s6, $0x4;
	s16 =	ssub.s32 $0x2, s6  }
0x9: {  	s6 =	smul.u32 $0x540, s6;
	_ =	strace $0x80000050;
	s15 =	sor.u32 s11, s8  }
0xa: {  	s7 =	sshrl.u32 s7, $0x2;
	s10 =	sshrl.u32 s16, $0x1;
	s8 =	simm.s32 $0x6  }
0xb: {  	s4 =	sadd.s32 s5, s4;
	s9 =	smul.u32 $0xA80, s15;
	s17 =	ssub.s32 s16, s10  }
0xc: {  	s6 =	sadd.s32 s19, s6;
	s19 =	simm.s32 $0x13F00;
	s5 =	sshrl.u32 s4, $0x3  }
0xd: {  	s4 =	sadd.s32 $0x3000, s0;
	s25 =	sshll.u32 s6, $0x5;
	s26 =	smax.u32 s17, $0x1  }
0xe: {  	s6 =	simm.s32 $0x13E80;
	s0 =	sadd.s32 s5, s0;
	s5 =	sadd.s32 s7, s2  }
0xf: {  	s11 =	sadd.s32 s1, s9;
	[dreg:$0xb] =	wrdreg s26;
	s18 =	sadd.s32 $0x3C00, s5  }
0x10: {  	s26 =	simm.s32 $0x13C80;
	s20 =	sadd.s32 $0x7800, s5;
	[dreg:$0x4] =	wrdreg s18  }
0x11: {  	s7 =	simm.s32 $0x5;
	s21 =	sadd.s32 $0xB400, s5;
	[dreg:$0x5] =	wrdreg s20  }
0x12: {  	s9 =	simm.s32 $0x0;
	s22 =	sadd.s32 $0xF000, s5;
	[dreg:$0x6] =	wrdreg s21  }
0x13: {  	s23 =	sadd.s32 $0x12C00, s5;
	s24 =	sadd.s32 $0x20, s11;
	[dreg:$0x7] =	wrdreg s22  }
0x14: {  	s0 =	sadd.s32 $0xA1800, s0;
	s15 =	sadd.s32 $0x40, s11;
	[dreg:$0x8] =	wrdreg s23  }
.Ltmp0:
0x15: {  	s16 =	sadd.s32 $0x60, s11;
	[dreg:$0x9] =	wrdreg s24;
	(pc) =	sbr.rel .LBB2_1-.Ltmp0, $4  }
0x16: {  	s17 =	sadd.s32 $0x80, s11;
	[dreg:$0xa] =	wrdreg s0;
	s0 =	sadd.s32 s1, s25  }
0x17: {  	s20 =	simm.s32 $0x7;
	s21 =	simm.s32 $0x13C00;
	s22 =	simm.s32 $0x78  }
0x18: {  	s23 =	simm.s32 $0x13D00;
	s24 =	simm.s32 $0x17B00;
	s25 =	simm.s32 $0x1  }
0x19: {  	v0 =	vimm.f32 $0.0e+00;
	s1 =	simm.s32 $0x3;
	s18 =	sadd.s32 $0x80, s0;
	s0 =	simm.s32 $0x4  }
.LBB2_6:
0x1a: {  	_ =	swait.ge [sflag:s1], $0x3C00  }
0x1b: {  	[sflag:s1] =	ssyncset.done $0x0  }
0x1c: {  	[sflag:s1] =	ssyncadd.s32 $0xFFFFC400  }
0x1d: {  	[spmem:s2] =	stream.indirect.scatter.add.f32 [tilespmem:s29], [sflag:$0x6], $0x80, s6, s22, $0xb8;
	[tilespmem:$0x1F300] =	vst v63  }
0x1e: {  	_ =	swait.ge [sflag:s7], $0x3C00  }
0x1f: {  	[sflag:s7] =	ssyncset.done $0x0  }
0x20: {  	[sflag:s7] =	ssyncadd.s32 $0xFFFFC400  }
0x21: {  	_ =	swait.ge [sflag:s8], $0x3C00  }
0x22: {  	[sflag:s8] =	ssyncset.done $0x0  }
0x23: {  	s10 =	stileid.u32;
	[sflag:s8] =	ssyncadd.s32 $0xFFFFC400  }
0x24: {  	s10 =	sshll.u32 s10, $0x6;
	[bflag:$0x0] =	sbarrier.arrive $0xFFFF  }
0x25: {  	s12 =	sshrl.u32 s5, $0x3;
	s10 =	sor.u32 $0x1C07, s10;
	s13 =	rddreg [dreg:$0xa]  }
0x26: {  	[hbm:s13], [sflag:s10] =	dma.local [spmem:s12], $0x2780  }
0x27: {  	_ =	swait.ge [sflag:s20], $0x2780  }
0x28: {  	s9 =	sadd.s32 $0x1, s9;
	s14 =	rddreg [dreg:$0xb]  }
0x29: {  	p0 =	sne.s32 s9, s14  }
.Ltmp1:
0x2a: {  	_ = 	snop;
	(pc) =	sbr.rel @!p0 .LBB2_7-.Ltmp1, $3  }
0x2b: {  	_ =	sdelay $0x1  }
0x2c: {  	[sflag:s20] =	ssyncset.done $0x0  }
0x2d: {  	[sflag:s20] =	ssyncadd.s32 $0xFFFFD880  }
.LBB2_1:
0x2e: {  	s10 =	sand.u32 $0xFE00, s3  }
0x2f: {  	s12 =	sand.u32 $0x70, s3;
	s13 =	sshrl.u32 s10, $0x2  }
0x30: {  	s10 =	simm.s32 $0x40;
	s13 =	sor.u32 s12, s13;
	s12 =	simm.s32 $0x0  }
.LBB2_2:
0x31: {  	p0 =	sne.s32 s10, $0xEFC0  }
0x32: {  	[tilespmem:s13+$0x13F00] =	vst v0;
	s12 =	sadd.s32 $0x10, s12;
	s13 =	smov.u32 s10;
	s10 =	sadd.s32 $0x40, s10  }
.Ltmp2:
0x33: {  	(pc) =	sbr.rel @p0 .LBB2_2-.Ltmp2, $4  }
0x34: {  	_ = 	snop  }
0x35: {  	s13 =	sand.u32 $0xFE00, s13  }
0x36: {  	s14 =	sand.u32 $0x70, s12;
	s13 =	sshrl.u32 s13, $0x2  }
0x37: {  	s13 =	sor.u32 s14, s13  }
0x38: {  	[tilespmem:s13+$0x13F00] =	vst v0  }
0x39: {  	[spmem:s5] =	stream.linear.scatter [tilespmem:s19], [sflag:$0x7], $0x3C00, $0x38;
	[tilespmem:$0x1F300] =	vst v63  }
0x3a: {  	_ =	swait.ge [sflag:s20], $0x3C00  }
0x3b: {  	[sflag:s20] =	ssyncset.done $0x0  }
0x3c: {  	s10 =	rddreg [dreg:$0x4];
	[sflag:s20] =	ssyncadd.s32 $0xFFFFC400  }
0x3d: {  	[spmem:s10] =	stream.linear.scatter [tilespmem:s19], [sflag:$0x7], $0x3C00, $0x38;
	[tilespmem:$0x1F300] =	vst v63  }
0x3e: {  	_ =	swait.ge [sflag:s20], $0x3C00  }
0x3f: {  	[sflag:s20] =	ssyncset.done $0x0  }
0x40: {  	s13 =	rddreg [dreg:$0x5];
	[sflag:s20] =	ssyncadd.s32 $0xFFFFC400  }
0x41: {  	[spmem:s13] =	stream.linear.scatter [tilespmem:s19], [sflag:$0x7], $0x3C00, $0x38;
	[tilespmem:$0x1F300] =	vst v63  }
0x42: {  	_ =	swait.ge [sflag:s20], $0x3C00  }
0x43: {  	[sflag:s20] =	ssyncset.done $0x0  }
0x44: {  	s14 =	rddreg [dreg:$0x6];
	[sflag:s20] =	ssyncadd.s32 $0xFFFFC400  }
0x45: {  	[spmem:s14] =	stream.linear.scatter [tilespmem:s19], [sflag:$0x7], $0x3C00, $0x38;
	[tilespmem:$0x1F300] =	vst v63  }
0x46: {  	_ =	swait.ge [sflag:s20], $0x3C00  }
0x47: {  	[sflag:s20] =	ssyncset.done $0x0  }
0x48: {  	s12 =	rddreg [dreg:$0x7];
	[sflag:s20] =	ssyncadd.s32 $0xFFFFC400  }
0x49: {  	[spmem:s12] =	stream.linear.scatter [tilespmem:s19], [sflag:$0x7], $0x3C00, $0x38;
	[tilespmem:$0x1F300] =	vst v63  }
0x4a: {  	_ =	swait.ge [sflag:s20], $0x3C00  }
0x4b: {  	[sflag:s20] =	ssyncset.done $0x0  }
0x4c: {  	s13 =	rddreg [dreg:$0x8];
	[sflag:s20] =	ssyncadd.s32 $0xFFFFC400  }
0x4d: {  	[spmem:s13] =	stream.linear.scatter [tilespmem:s19], [sflag:$0x7], $0x1000, $0x38;
	[tilespmem:$0x1F300] =	vst v63  }
0x4e: {  	_ =	swait.ge [sflag:s20], $0x1000  }
0x4f: {  	[sflag:s20] =	ssyncset.done $0x0  }
0x50: {  	[sflag:s20] =	ssyncadd.s32 $0xFFFFF000  }
0x51: {  	[bflag:$0x0] =	sbarrier.arrive $0xFFFF  }
0x52: {  	[tilespmem:s21], [sflag:$0x7] =	stream.linear.gather [hbm4b:s11+s3], $0x100, $0x38;
	[tilespmem:$0x1F300] =	vst v63  }
0x53: {  	_ =	swait.ge [sflag:s20], $0x100  }
0x54: {  	[sflag:s20] =	ssyncset.done $0x0  }
0x55: {  	[sflag:s20] =	ssyncadd.s32 $0xFFFFFF00  }
0x56: {  	[tilespmem:s19], [sflag:$0x1] =	stream.indirect.gather [hbm4b:s4+s22], $0x80, s21, s22, $0xb8;
	[tilespmem:$0x1F300] =	vst v63  }
0x57: {  	s14 =	rddreg [dreg:$0x9]  }
0x58: {  	[tilespmem:s23], [sflag:$0x7] =	stream.linear.gather [hbm4b:s14+s3], $0x100, $0x38;
	[tilespmem:$0x1F300] =	vst v63  }
0x59: {  	_ =	swait.ge [sflag:s20], $0x100  }
0x5a: {  	[sflag:s20] =	ssyncset.done $0x0  }
0x5b: {  	[sflag:s20] =	ssyncadd.s32 $0xFFFFFF00  }
0x5c: {  	[tilespmem:s24], [sflag:$0x2] =	stream.indirect.gather [hbm4b:s4+s22], $0x80, s23, s22, $0xb8;
	[tilespmem:$0x1F300] =	vst v63  }
0x5d: {  	_ =	swait.ge [sflag:s25], $0x3C00  }
0x5e: {  	[sflag:s25] =	ssyncset.done $0x0  }
0x5f: {  	[sflag:s25] =	ssyncadd.s32 $0xFFFFC400  }
0x60: {  	[spmem:s2] =	stream.indirect.scatter.add.f32 [tilespmem:s19], [sflag:$0x4], $0x80, s26, s22, $0xb8;
	[tilespmem:$0x1F300] =	vst v63  }
0x61: {  	_ = 	snop  }
0x62: {  	[tilespmem:s28], [sflag:$0x7] =	stream.linear.gather [hbm4b:s15+s3], $0x100, $0x38;
	[tilespmem:$0x1F300] =	vst v63  }
0x63: {  	_ =	swait.ge [sflag:s20], $0x100  }
0x64: {  	[sflag:s20] =	ssyncset.done $0x0  }
0x65: {  	[sflag:s20] =	ssyncadd.s32 $0xFFFFFF00  }
0x66: {  	[tilespmem:s29], [sflag:$0x3] =	stream.indirect.gather [hbm4b:s4+s22], $0x80, s28, s22, $0xb8;
	[tilespmem:$0x1F300] =	vst v63  }
0x67: {  	_ =	swait.ge [sflag:s30], $0x3C00  }
0x68: {  	[sflag:s30] =	ssyncset.done $0x0  }
0x69: {  	[sflag:s30] =	ssyncadd.s32 $0xFFFFC400  }
0x6a: {  	[spmem:s2] =	stream.indirect.scatter.add.f32 [tilespmem:s24], [sflag:$0x5], $0x80, s31, s22, $0xb8;
	[tilespmem:$0x1F300] =	vst v63  }
0x6b: {  	_ =	swait.ge [sflag:s0], $0x3C00  }
0x6c: {  	[sflag:s0] =	ssyncset.done $0x0  }
0x6d: {  	[sflag:s0] =	ssyncadd.s32 $0xFFFFC400  }
0x6e: {  	[tilespmem:s21], [sflag:$0x7] =	stream.linear.gather [hbm4b:s16+s3], $0x100, $0x38;
	[tilespmem:$0x1F300] =	vst v63  }
0x6f: {  	_ =	swait.ge [sflag:s20], $0x100  }
0x70: {  	[sflag:s20] =	ssyncset.done $0x0  }
0x71: {  	[sflag:s20] =	ssyncadd.s32 $0xFFFFFF00  }
0x72: {  	[tilespmem:s19], [sflag:$0x1] =	stream.indirect.gather [hbm4b:s4+s22], $0x80, s21, s22, $0xb8;
	[tilespmem:$0x1F300] =	vst v63  }
0x73: {  	_ =	swait.ge [sflag:s1], $0x3C00  }
0x74: {  	[sflag:s1] =	ssyncset.done $0x0  }
0x75: {  	[sflag:s1] =	ssyncadd.s32 $0xFFFFC400  }
0x76: {  	[spmem:s2] =	stream.indirect.scatter.add.f32 [tilespmem:s29], [sflag:$0x6], $0x80, s6, s22, $0xb8;
	[tilespmem:$0x1F300] =	vst v63  }
0x77: {  	_ =	swait.ge [sflag:s7], $0x3C00  }
0x78: {  	[sflag:s7] =	ssyncset.done $0x0  }
0x79: {  	[sflag:s7] =	ssyncadd.s32 $0xFFFFC400  }
0x7a: {  	[tilespmem:s23], [sflag:$0x7] =	stream.linear.gather [hbm4b:s17+s3], $0x100, $0x38;
	[tilespmem:$0x1F300] =	vst v63  }
0x7b: {  	_ =	swait.ge [sflag:s20], $0x100  }
0x7c: {  	[sflag:s20] =	ssyncset.done $0x0  }
0x7d: {  	s10 =	simm.s32 $0xFFFFF640;
	[sflag:s20] =	ssyncadd.s32 $0xFFFFFF00  }
0x7e: {  	[tilespmem:s24], [sflag:$0x2] =	stream.indirect.gather [hbm4b:s4+s22], $0x80, s23, s22, $0xb8;
	[tilespmem:$0x1F300] =	vst v63  }
.LBB2_4:
0x7f: {  	_ =	swait.ge [sflag:s25], $0x3C00  }
0x80: {  	[sflag:s25] =	ssyncset.done $0x0  }
0x81: {  	[sflag:s25] =	ssyncadd.s32 $0xFFFFC400  }
0x82: {  	[spmem:s2] =	stream.indirect.scatter.add.f32 [tilespmem:s19], [sflag:$0x4], $0x80, s26, s22, $0xb8;
	[tilespmem:$0x1F300] =	vst v63  }
0x83: {  	_ =	swait.ge [sflag:s8], $0x3C00  }
0x84: {  	s12 =	sadd.s32 s10, s18;
	[sflag:s8] =	ssyncset.done $0x0  }
0x85: {  	s13 =	sadd.s32 $0x9E0, s12;
	[sflag:s8] =	ssyncadd.s32 $0xFFFFC400  }
0x86: {  	[tilespmem:s28], [sflag:$0x7] =	stream.linear.gather [hbm4b:s13+s3], $0x100, $0x38;
	[tilespmem:$0x1F300] =	vst v63  }
0x87: {  	_ =	swait.ge [sflag:s20], $0x100  }
0x88: {  	[sflag:s20] =	ssyncset.done $0x0  }
0x89: {  	[sflag:s20] =	ssyncadd.s32 $0xFFFFFF00  }
0x8a: {  	[tilespmem:s29], [sflag:$0x3] =	stream.indirect.gather [hbm4b:s4+s22], $0x80, s28, s22, $0xb8;
	[tilespmem:$0x1F300] =	vst v63  }
0x8b: {  	_ =	swait.ge [sflag:s30], $0x3C00  }
0x8c: {  	p0 =	seq.s32 s10, $0x0;
	[sflag:s30] =	ssyncset.done $0x0  }
.Ltmp3:
0x8d: {  	[sflag:s30] =	ssyncadd.s32 $0xFFFFC400;
	(pc) =	sbr.rel @p0 .LBB2_6-.Ltmp3, $4  }
0x8e: {  	[spmem:s2] =	stream.indirect.scatter.add.f32 [tilespmem:s24], [sflag:$0x5], $0x80, s31, s22, $0xb8;
	[tilespmem:$0x1F300] =	vst v63  }
0x8f: {  	_ =	swait.ge [sflag:s0], $0x3C00  }
0x90: {  	[sflag:s0] =	ssyncset.done $0x0  }
0x91: {  	[sflag:s0] =	ssyncadd.s32 $0xFFFFC400  }
0x92: {  	s13 =	sadd.s32 $0xA00, s12  }
0x93: {  	[tilespmem:s21], [sflag:$0x7] =	stream.linear.gather [hbm4b:s13+s3], $0x100, $0x38;
	[tilespmem:$0x1F300] =	vst v63  }
0x94: {  	_ =	swait.ge [sflag:s20], $0x100  }
0x95: {  	[sflag:s20] =	ssyncset.done $0x0  }
0x96: {  	[sflag:s20] =	ssyncadd.s32 $0xFFFFFF00  }
0x97: {  	[tilespmem:s19], [sflag:$0x1] =	stream.indirect.gather [hbm4b:s4+s22], $0x80, s21, s22, $0xb8;
	[tilespmem:$0x1F300] =	vst v63  }
0x98: {  	_ =	swait.ge [sflag:s1], $0x3C00  }
0x99: {  	[sflag:s1] =	ssyncset.done $0x0  }
0x9a: {  	[sflag:s1] =	ssyncadd.s32 $0xFFFFC400  }
0x9b: {  	[spmem:s2] =	stream.indirect.scatter.add.f32 [tilespmem:s29], [sflag:$0x6], $0x80, s6, s22, $0xb8;
	[tilespmem:$0x1F300] =	vst v63  }
0x9c: {  	_ =	swait.ge [sflag:s7], $0x3C00  }
0x9d: {  	[sflag:s7] =	ssyncset.done $0x0  }
0x9e: {  	s14 =	sadd.s32 $0xA20, s12;
	[sflag:s7] =	ssyncadd.s32 $0xFFFFC400  }
0x9f: {  	[tilespmem:s23], [sflag:$0x7] =	stream.linear.gather [hbm4b:s14+s3], $0x100, $0x38;
	[tilespmem:$0x1F300] =	vst v63  }
.Ltmp4:
0xa0: {  	_ = 	snop;
	(pc) =	sbr.rel .LBB2_4-.Ltmp4, $4  }
0xa1: {  	_ =	swait.ge [sflag:s20], $0x100  }
0xa2: {  	[sflag:s20] =	ssyncset.done $0x0  }
0xa3: {  	s10 =	sadd.s32 $0x60, s10;
	[sflag:s20] =	ssyncadd.s32 $0xFFFFFF00  }
0xa4: {  	[tilespmem:s24], [sflag:$0x2] =	stream.indirect.gather [hbm4b:s4+s22], $0x80, s23, s22, $0xb8;
	[tilespmem:$0x1F300] =	vst v63  }
.LBB2_7:
0xa5: {  	_ =	sfence.sel $0x180000  }
0xa6: {  	[bflag:$0x0] =	sbarrier.arrive $0xFFFF  }
0xa7: {  	_ =	strace $0x90000050  }
0xa8: {  	s0 =	stileid.u32;
	[bflag:$0x2] =	sbarrier.arrive $0xFFFF  }
0xa9: {  	p0 =	sne.s32 s0, $0x0;
	s0 =	rddreg [dreg:$0x3]  }
0xaa: {  	s0 =	sadd.s32 @!p0 $0x100000, s0  }
0xab: {  	[sflag:s0] =	ssyncadd.tile.s32 @!p0 $0x1;
	_ =	shalt  }
.Lfunc_end2:
_tile_overlayer_lowered:
.L_overlay_start_2:
0xac: {  	(tag) =	ssettag $0x2  }
0xad: {  	s0 =	rddreg [dreg:$0x0];
	s2 =	stileid.u32  }
0xae: {  	s1 =	rddreg [dreg:$0x1];
	p0 =	sne.s32 s2, $0x0  }
0xaf: {  	s3 =	rddreg [dreg:$0x2];
	[bflag:$0x3] =	sbarrier.arrive $0xFFFF;
	s2 =	simm.s32 @!p0 $0x1C07  }
0xb0: {  	[timem:s3], [sflag:s2] =	dma.local @!p0 [hbm:s0], s1  }
0xb1: {  	s0 =	simm.s32 @!p0 $0x7  }
0xb2: {  	_ =	swait.ge @!p0 [sflag:s0], s1  }
0xb3: {  	s1 =	ssub.s32 @!p0 $0x0, s1;
	[sflag:s0] =	ssyncset.done @!p0 $0x0  }
0xb4: {  	[sflag:s0] =	ssyncadd.s32 @!p0 s1  }
0xb5: {  	[bflag:$0x3] =	sbarrier.arrive $0xFFFF  }
0xb6: {  	_ =	shalt  }

</sc_bundles>
